<compile_context>
chip_gen: v7x
topology: tpu7x:2x2x1
jax: 0.10.2.dev20260603
libtpu: 0.0.44.dev20260713+nightly
codegen_flags: <defaults>
</compile_context>

<pallas_src>
import functools

import jax
import jax.numpy as jnp
from jax import lax
from jax.experimental import pallas as pl
from jax.experimental.pallas import tpu as pltpu
from jax.experimental.pallas import tpu_sc as plsc

N, E, F, FE, H, L, G = 50000, 800000, 128, 16, 64, 3, 256
EPS = 1e-3

NC, NS = 2, 16
HH = H // 2
CH = 128
E_PAD = 802816
EH = E_PAD // 2
RPC = EH // NS
EPT_DEG = E_PAD // (NC * NS)
RPT = 3128
ACC_ROWS = NS * RPT
WPT_LAST = N - (NS - 1) * RPT


@functools.cache
def _mesh():
    return plsc.VectorSubcoreMesh(
        core_axis_name="c", subcore_axis_name="s",
        num_cores=NC, num_subcores=NS,
    )


def _bn_rows(x, bn):
    return bn[0:1] * (x - bn[2:3]) * lax.rsqrt(bn[3:4] + EPS) + bn[1:2]



BN_PRE = 2048


def _pre_body(nf, wpre, bpre, bnpre, wn0, bnb0, out):
    x = jax.nn.relu(jnp.dot(nf[...], wpre[...],
                            preferred_element_type=jnp.float32) + bpre[...])
    x = _bn_rows(x, bnpre[...])
    nh = jnp.dot(x, wn0[...], preferred_element_type=jnp.float32) + bnb0[...]
    out[0] = nh[:, :HH]
    out[1] = nh[:, HH:]


def _pre_call(nf, wpre, bpre, bnpre, wn0, bnb0):
    grid = (pl.cdiv(N, BN_PRE),)
    return pl.pallas_call(
        _pre_body,
        grid=grid,
        in_specs=[
            pl.BlockSpec((BN_PRE, F), lambda i: (i, 0)),
            pl.BlockSpec((F, H), lambda i: (0, 0)),
            pl.BlockSpec((1, H), lambda i: (0, 0)),
            pl.BlockSpec((4, H), lambda i: (0, 0)),
            pl.BlockSpec((H, H), lambda i: (0, 0)),
            pl.BlockSpec((1, H), lambda i: (0, 0)),
        ],
        out_specs=pl.BlockSpec((NC, BN_PRE, HH), lambda i: (0, i, 0)),
        out_shape=jax.ShapeDtypeStruct((NC, N, HH), jnp.float32),
    )(nf, wpre, bpre, bnpre, wn0, bnb0)


BE = 2048
N_COEFF_BLKS = EH // BE


def _coeff_body(ef2, wg2, bg2, wf2, bf2, out):
    i = pl.program_id(0)
    rows = i * BE + lax.broadcasted_iota(jnp.int32, (BE, 1), 0)
    valid = (rows < E // 2).astype(jnp.float32)
    e = ef2[...]
    for l in range(L):
        g = jax.nn.sigmoid(
            jnp.dot(e, wg2[l], preferred_element_type=jnp.float32)
            + bg2[l, 0:1])
        f = jnp.dot(e, wf2[l], preferred_element_type=jnp.float32) \
            + bf2[l, 0:1]
        out[l] = g * f * valid


def _coeff_call(ef2, wg2, bg2, wf2, bf2):
    return pl.pallas_call(
        _coeff_body,
        grid=(N_COEFF_BLKS,),
        in_specs=[
            pl.BlockSpec((BE, 2 * FE), lambda i: (i, 0)),
            pl.BlockSpec((L, 2 * FE, 128), lambda i: (0, 0, 0)),
            pl.BlockSpec((L, 1, 128), lambda i: (0, 0, 0)),
            pl.BlockSpec((L, 2 * FE, 128), lambda i: (0, 0, 0)),
            pl.BlockSpec((L, 1, 128), lambda i: (0, 0, 0)),
        ],
        out_specs=pl.BlockSpec((L, BE, 128), lambda i: (0, i, 0)),
        out_shape=jax.ShapeDtypeStruct((L, EH, 128), jnp.float32),
    )(ef2, wg2, bg2, wf2, bf2)


BN_UPD = 2048


def _update_body(last, nha, nhb, sa, sb, da, db, bnc, wn, bnb, out):
    deg = jnp.maximum(da[0, :, 0:1] + db[0, :, 0:1], 1.0)
    agg = jnp.concatenate([sa[0], sb[0]], axis=1) / deg
    x = jnp.concatenate([nha[0], nhb[0]], axis=1) + agg
    x = jax.nn.relu(_bn_rows(x, bnc[...]))
    if last:
        out[...] = x
    else:
        nh = jnp.dot(x, wn[...], preferred_element_type=jnp.float32) + bnb[...]
        out[0] = nh[:, :HH]
        out[1] = nh[:, HH:]


def _update_call(last, nhp, sums2, deg2, bnc, wn, bnb):
    grid = (pl.cdiv(N, BN_UPD),)
    if last:
        out_specs = pl.BlockSpec((BN_UPD, H), lambda i: (i, 0))
        out_shape = jax.ShapeDtypeStruct((N, H), jnp.float32)
    else:
        out_specs = pl.BlockSpec((NC, BN_UPD, HH), lambda i: (0, i, 0))
        out_shape = jax.ShapeDtypeStruct((NC, N, HH), jnp.float32)
    return pl.pallas_call(
        functools.partial(_update_body, last),
        grid=grid,
        in_specs=[
            pl.BlockSpec((1, BN_UPD, HH), lambda i: (0, i, 0)),
            pl.BlockSpec((1, BN_UPD, HH), lambda i: (1, i, 0)),
            pl.BlockSpec((1, BN_UPD, HH), lambda i: (0, i, 0)),
            pl.BlockSpec((1, BN_UPD, HH), lambda i: (1, i, 0)),
            pl.BlockSpec((1, BN_UPD, HH), lambda i: (0, i, 0)),
            pl.BlockSpec((1, BN_UPD, HH), lambda i: (1, i, 0)),
            pl.BlockSpec((4, H), lambda i: (0, 0)),
            pl.BlockSpec((H, H), lambda i: (0, 0)),
            pl.BlockSpec((1, H), lambda i: (0, 0)),
        ],
        out_specs=out_specs,
        out_shape=out_shape,
    )(nhp, nhp, sums2, sums2, deg2, deg2, bnc, wn, bnb)


BN_POOL = 2048
N_POOL_BLKS = 25


def _pool_body(x, gi, wpost, bpost, bnpost, wout, bout, out, acc):
    i = pl.program_id(0)

    @pl.when(i == 0)
    def _():
        acc[...] = jnp.zeros_like(acc)

    rows = i * BN_POOL + lax.broadcasted_iota(jnp.int32, (BN_POOL, 1), 0)
    valid = rows < N
    gidx = gi[0, 0, :].reshape(BN_POOL, 1)
    oh = jnp.where(
        valid & (gidx == lax.broadcasted_iota(jnp.int32, (BN_POOL, G), 1)),
        1.0, 0.0)
    xe = jnp.where(
        valid,
        jnp.concatenate([x[...], jnp.ones((BN_POOL, 1), jnp.float32)], axis=1),
        0.0)
    acc[...] += lax.dot_general(oh, xe, (((0,), (0,)), ((), ())),
                                preferred_element_type=jnp.float32)

    @pl.when(i == N_POOL_BLKS - 1)
    def _():
        a = acc[...]
        pooled = a[:, :H] / jnp.maximum(a[:, H:H + 1], 1.0)
        h = jax.nn.relu(
            jnp.dot(pooled, wpost[...], preferred_element_type=jnp.float32)
            + bpost[...])
        h = _bn_rows(h, bnpost[...])
        out[...] = jnp.dot(h, wout[...],
                           preferred_element_type=jnp.float32) + bout[...]


def _pool_call(x, gi3, wpost, bpost, bnpost, wout, bout):
    return pl.pallas_call(
        _pool_body,
        grid=(N_POOL_BLKS,),
        in_specs=[
            pl.BlockSpec((BN_POOL, H), lambda i: (i, 0)),
            pl.BlockSpec((1, 1, BN_POOL), lambda i: (i, 0, 0)),
            pl.BlockSpec((H, H), lambda i: (0, 0)),
            pl.BlockSpec((1, H), lambda i: (0, 0)),
            pl.BlockSpec((4, H), lambda i: (0, 0)),
            pl.BlockSpec((H, 1), lambda i: (0, 0)),
            pl.BlockSpec((1, 1), lambda i: (0, 0)),
        ],
        out_specs=pl.BlockSpec((G, 1), lambda i: (0, 0)),
        out_shape=jax.ShapeDtypeStruct((G, 1), jnp.float32),
        scratch_shapes=[pltpu.VMEM((G, H + 1), jnp.float32)],
    )(x, gi3, wpost, bpost, bnpost, wout, bout)




def _writeout(acc, out_h, c, s):
    w0 = s * RPT

    @pl.when(s < NS - 1)
    def _():
        pltpu.sync_copy(acc.at[pl.ds(w0, RPT), :],
                        out_h.at[pl.ds(c * N + w0, RPT), :])

    @pl.when(s == NS - 1)
    def _():
        pltpu.sync_copy(acc.at[pl.ds(w0, WPT_LAST), :],
                        out_h.at[pl.ds(c * N + w0, WPT_LAST), :])


CM = 64
HCM = CM // 2
EPT = E_PAD // NS
UPT = EPT // CM
NB = 16
BATCH = NB * CM


def _make_msg_kernel(li):
    @functools.partial(
        pl.kernel,
        out_type=jax.ShapeDtypeStruct((NC * N, HH), jnp.float32),
        mesh=_mesh(),
        compiler_params=pltpu.CompilerParams(use_tc_tiling_on_sc=False),
        scratch_types=[
            pltpu.VMEM((2 * BATCH,), jnp.int32),
            pltpu.VMEM((2 * BATCH,), jnp.int32),
            pltpu.VMEM((HCM, 128), jnp.float32),
            pltpu.VMEM((HCM, 128), jnp.float32),
            pltpu.VMEM((CM, HH), jnp.float32),
            pltpu.VMEM((CM, HH), jnp.float32),
            pltpu.VMEM((CM, HH), jnp.float32),
            pltpu.VMEM((CM, HH), jnp.float32),
            pltpu.VMEM_SHARED((ACC_ROWS, HH), jnp.float32),
            pltpu.SemaphoreType.DMA,
            pltpu.SemaphoreType.DMA,
            pltpu.SemaphoreType.DMA,
            pltpu.SemaphoreType.DMA,
        ],
    )
    def msg(dst_h, src_h, nhp_h, cf_h, zeros_h, out_h,
            dstB, srcB, cfA, cfB, valA, valB, msgA, msgB, acc,
            semA, semB, semSA, semSB):
        c = lax.axis_index("c")
        s = lax.axis_index("s")
        c32 = c * HH

        pltpu.sync_copy(zeros_h, acc.at[pl.ds(s * RPT, RPT), :])
        plsc.subcore_barrier()

        tile_e0 = s * EPT
        cf_base = li * EH + s * RPC

        def boffset(u):
            return lax.rem(u // NB, 2) * BATCH + lax.rem(u, NB) * CM

        nh_off = c * N

        def load_batch(u):
            off = lax.rem(u // NB, 2) * BATCH
            pltpu.sync_copy(dst_h.at[pl.ds(tile_e0 + u * CM, BATCH)],
                            dstB.at[pl.ds(off, BATCH)])
            pltpu.sync_copy(src_h.at[pl.ds(tile_e0 + u * CM, BATCH)],
                            srcB.at[pl.ds(off, BATCH)])

            def shift(g, carry):
                sl = pl.ds(off + g * 16, 16)
                dstB[sl] = dstB[sl] + nh_off
                return carry

            lax.fori_loop(0, BATCH // 16, shift, 0, unroll=4)

        def issue(u, cf_v, val_v, sem):
            pltpu.async_copy(cf_h.at[pl.ds(cf_base + u * HCM, HCM), :],
                             cf_v, sem)
            pltpu.async_copy(nhp_h.at[dstB.at[pl.ds(boffset(u), CM)]],
                             val_v, sem)

        def wait_unit(cf_v, val_v, sem):
            pltpu.make_async_copy(cf_h.at[pl.ds(cf_base, HCM), :],
                                  cf_v, sem).wait()
            pltpu.make_async_copy(nhp_h.at[pl.ds(0, CM), :],
                                  val_v, sem).wait()

        def process(u, cf_v, val_v, msg_v, semS):
            @pl.when(u >= 2)
            def _():
                pltpu.make_async_copy(
                    msg_v, acc.at[srcB.at[pl.ds(0, CM)]], semS).wait()

            def mul_q(q, carry):
                r0 = 2 * q
                r1 = r0 + 1
                msg_v[r0, 0:16] = (val_v[r0, 0:16]
                                   * cf_v[q, pl.ds(c32, 16)])
                msg_v[r0, 16:32] = (val_v[r0, 16:32]
                                    * cf_v[q, pl.ds(c32 + 16, 16)])
                msg_v[r1, 0:16] = (val_v[r1, 0:16]
                                   * cf_v[q, pl.ds(H + c32, 16)])
                msg_v[r1, 16:32] = (val_v[r1, 16:32]
                                    * cf_v[q, pl.ds(H + c32 + 16, 16)])
                return carry

            lax.fori_loop(0, HCM, mul_q, 0, unroll=4)
            pltpu.async_copy(msg_v, acc.at[srcB.at[pl.ds(boffset(u), CM)]],
                             semS, add=True)

        load_batch(0)
        issue(0, cfA, valA, semA)
        issue(1, cfB, valB, semB)

        def step(u2, carry):
            uA = 2 * u2
            uB = uA + 1
            wait_unit(cfA, valA, semA)
            process(uA, cfA, valA, msgA, semSA)
            nA = uA + 2

            @pl.when(nA < UPT)
            def _():
                @pl.when(lax.rem(nA, NB) == 0)
                def _():
                    load_batch(nA)

                issue(nA, cfA, valA, semA)

            wait_unit(cfB, valB, semB)
            process(uB, cfB, valB, msgB, semSB)
            nB2 = uB + 2

            @pl.when(nB2 < UPT)
            def _():
                issue(nB2, cfB, valB, semB)

            return carry

        lax.fori_loop(0, UPT // 2, step, 0)
        pltpu.make_async_copy(msgA, acc.at[srcB.at[pl.ds(0, CM)]],
                              semSA).wait()
        pltpu.make_async_copy(msgB, acc.at[srcB.at[pl.ds(0, CM)]],
                              semSB).wait()
        plsc.subcore_barrier()
        _writeout(acc, out_h, c, s)

    return msg


def _make_deg_kernel():
    @functools.partial(
        pl.kernel,
        out_type=jax.ShapeDtypeStruct((NC * N, HH), jnp.float32),
        mesh=_mesh(),
        compiler_params=pltpu.CompilerParams(use_tc_tiling_on_sc=False),
        scratch_types=[
            pltpu.VMEM((CH,), jnp.int32),
            pltpu.VMEM((CH, HH), jnp.float32),
            pltpu.VMEM_SHARED((ACC_ROWS, HH), jnp.float32),
            pltpu.SemaphoreType.DMA,
        ],
    )
    def deg(src_h, zeros_h, out_h, src_v, ones_v, acc, sem):
        c = lax.axis_index("c")
        s = lax.axis_index("s")

        pltpu.sync_copy(zeros_h, acc.at[pl.ds(s * RPT, RPT), :])

        def setones(r, carry):
            ones_v[r, 0:16] = jnp.full((16,), 1.0, jnp.float32)
            ones_v[r, 16:32] = jnp.full((16,), 1.0, jnp.float32)
            return carry

        lax.fori_loop(0, CH, setones, 0)
        plsc.subcore_barrier()

        tile_base = c * (E_PAD // NC) + s * EPT_DEG

        def chunk(ch, carry):
            pltpu.sync_copy(src_h.at[pl.ds(tile_base + ch * CH, CH)], src_v)
            pltpu.sync_copy(ones_v, acc.at[src_v], add=True)
            return carry

        lax.fori_loop(0, EPT_DEG // CH, chunk, 0)
        plsc.subcore_barrier()
        _writeout(acc, out_h, c, s)

    return deg




def kernel(node_features, edge_features, edge_indices, graph_indices,
           W_pre, b_pre, bn_pre, Wn, bn_b, Wg, bg, Wf, bf, bn_conv,
           W_post, b_post, bn_post, W_out, b_out):
    src = edge_indices[:, 0]
    dst = edge_indices[:, 1]
    src_p = jnp.concatenate([src, jnp.full((E_PAD - E,), N, jnp.int32)])
    dst_p = jnp.concatenate([dst, jnp.zeros((E_PAD - E,), jnp.int32)])

    zeros32 = jnp.zeros((RPT, HH), jnp.float32)

    nhp = _pre_call(node_features, W_pre, b_pre.reshape(1, H), bn_pre,
                    Wn[0], bn_b[0].reshape(1, H))
    ef2 = edge_features.reshape(E // 2, 2 * FE)
    z = jnp.zeros((L, FE, H), jnp.float32)
    wg2 = jnp.concatenate(
        [jnp.concatenate([Wg, z], axis=2),
         jnp.concatenate([z, Wg], axis=2)], axis=1)
    wf2 = jnp.concatenate(
        [jnp.concatenate([Wf, z], axis=2),
         jnp.concatenate([z, Wf], axis=2)], axis=1)
    bg2 = jnp.tile(bg.reshape(L, 1, H), (1, 1, 2))
    bf2 = jnp.tile(bf.reshape(L, 1, H), (1, 1, 2))
    coeff = _coeff_call(ef2, wg2, bg2, wf2, bf2)
    cf_flat = coeff.reshape(L * EH, 128)

    deg_flat = _make_deg_kernel()(src_p, zeros32)
    deg2 = deg_flat.reshape(NC, N, HH)

    x = None
    for i in range(L):
        nh_flat = nhp.reshape(NC * N, HH)
        sums_flat = _make_msg_kernel(i)(dst_p, src_p, nh_flat, cf_flat,
                                        zeros32)
        sums2 = sums_flat.reshape(NC, N, HH)
        last = i == L - 1
        wn_next = Wn[0] if last else Wn[i + 1]
        bnb_next = (bn_b[0] if last else bn_b[i + 1]).reshape(1, H)
        res = _update_call(last, nhp, sums2, deg2, bn_conv[i],
                           wn_next, bnb_next)
        if last:
            x = res
        else:
            nhp = res

    npad = N_POOL_BLKS * BN_POOL - N
    gi3 = jnp.concatenate(
        [graph_indices, jnp.full((npad,), G, jnp.int32)]).reshape(
            N_POOL_BLKS, 1, BN_POOL)

    return _pool_call(x, gi3, W_post, b_post.reshape(1, H), bn_post,
                      W_out, b_out.reshape(1, 1))

# --- scband reference (transcript-rebuilt; emitter-appended) ---
"""Pipeline reference for scband-cgcnn-47974784696374 (READ-ONLY COPY).

The authoritative reference and input builder live on the scoring server;
editing this copy changes nothing except your own understanding.
"""

import jax, jax.numpy as jnp
import numpy as np

N, E, F, FE, H, L, G = 50000, 800000, 128, 16, 64, 3, 256
EPS = 1e-3

def _bn(x, g, b, mm, mv):
    return g * (x - mm) * jax.lax.rsqrt(mv + EPS) + b

def _glorot(k, shape):
    fan_in, fan_out = shape[-2], shape[-1]
    lim = float(np.sqrt(6.0 / (fan_in + fan_out)))
    return jax.random.uniform(k, shape, jnp.float32, -lim, lim)

def setup_inputs(seed: int = 0):
    key = jax.random.key(seed)
    ks = jax.random.split(key, 12)
    bn_id = jnp.stack([jnp.ones(H, jnp.float32), jnp.zeros(H, jnp.float32), jnp.zeros(H, jnp.float32), jnp.ones(H, jnp.float32)])
    bn1 = jnp.stack([jnp.ones(1, jnp.float32) * 0, jnp.zeros(1, jnp.float32)])  # unused placeholder removed below
    inp = {
        "node_features": jax.random.normal(ks[0], (N, F), dtype=jnp.float32),
        "edge_features": jax.random.normal(ks[1], (E, FE), dtype=jnp.float32),
        "edge_indices": jax.random.randint(ks[2], (E, 2), 0, N, dtype=jnp.int32),
        "graph_indices": jnp.sort(jax.random.randint(ks[3], (N,), 0, G, dtype=jnp.int32)),
        "W_pre": _glorot(ks[4], (F, H)), "b_pre": jnp.zeros((H,), jnp.float32), "bn_pre": bn_id,
        "Wn": _glorot(ks[5], (L, H, H)), "bn_b": jnp.zeros((L, H), jnp.float32),
        "Wg": _glorot(ks[6], (L, FE, H)), "bg": jnp.zeros((L, H), jnp.float32),
        "Wf": _glorot(ks[7], (L, FE, H)), "bf": jnp.zeros((L, H), jnp.float32),
        "bn_conv": jnp.tile(bn_id[None], (L, 1, 1)),
        "W_post": _glorot(ks[8], (H, H)), "b_post": jnp.zeros((H,), jnp.float32), "bn_post": bn_id,
        "W_out": _glorot(ks[9], (H, 1)), "b_out": jnp.zeros((1,), jnp.float32),
    }
    return inp

def reference(node_features, edge_features, edge_indices, graph_indices, W_pre, b_pre, bn_pre, Wn, bn_b, Wg, bg, Wf, bf, bn_conv, W_post, b_post, bn_post, W_out, b_out):
    src = edge_indices[:, 0]
    dst = edge_indices[:, 1]
    n = node_features.shape[0]
    # pre layer: Dense(relu) -> BN (inference)
    x = jax.nn.relu(node_features @ W_pre + b_pre)
    x = _bn(x, bn_pre[0], bn_pre[1], bn_pre[2], bn_pre[3])
    # CGConv layers
    for i in range(L):
        node_hidden = x @ Wn[i] + bn_b[i]
        edge_hidden = jax.nn.sigmoid(edge_features @ Wg[i] + bg[i])
        edge_filter = edge_features @ Wf[i] + bf[i]
        neighbors = jnp.take(node_hidden, dst, axis=0)
        messages = edge_hidden * edge_filter * neighbors
        sums = jax.ops.segment_sum(messages, src, num_segments=n)
        cnt = jax.ops.segment_sum(jnp.ones((messages.shape[0],), x.dtype), src, num_segments=n)
        agg = sums / jnp.maximum(cnt, 1.0)[:, None]
        x = node_hidden + agg
        x = _bn(x, bn_conv[i, 0], bn_conv[i, 1], bn_conv[i, 2], bn_conv[i, 3])
        x = jax.nn.relu(x)
    # mean pooling over graphs (early pool order)
    gsum = jax.ops.segment_sum(x, graph_indices, num_segments=G)
    gcnt = jax.ops.segment_sum(jnp.ones((n,), x.dtype), graph_indices, num_segments=G)
    pooled = gsum / jnp.maximum(gcnt, 1.0)[:, None]
    # post layer: Dense(relu) -> BN
    h = jax.nn.relu(pooled @ W_post + b_post)
    h = _bn(h, bn_post[0], bn_post[1], bn_post[2], bn_post[3])
    return h @ W_out + b_out

if __name__ == "__main__":
    import jax
    _d = setup_inputs()
    print(jax.jit(kernel)(*tuple(_d.values())))

</pallas_src>

<mosaic_0001>
#map = affine_map<(d0, d1) -> (0)>
#map1 = affine_map<(d0, d1) -> (0, 0)>
module attributes {stable_mosaic.version = 14 : i64} {
  func.func @msg(%arg0: i32, %arg1: i32, %arg2: memref<802816xi32, #tpu.memory_space<hbm>>, %arg3: memref<802816xi32, #tpu.memory_space<hbm>>, %arg4: memref<100000x32xf32, #tpu.memory_space<hbm>>, %arg5: memref<1204224x128xf32, #tpu.memory_space<hbm>>, %arg6: memref<3128x32xf32, #tpu.memory_space<hbm>>, %arg7: memref<100000x32xf32, #tpu.memory_space<hbm>>, %arg8: memref<2048xi32, #tpu.memory_space<vmem>>, %arg9: memref<2048xi32, #tpu.memory_space<vmem>>, %arg10: memref<32x128xf32, #tpu.memory_space<vmem>>, %arg11: memref<32x128xf32, #tpu.memory_space<vmem>>, %arg12: memref<64x32xf32, #tpu.memory_space<vmem>>, %arg13: memref<64x32xf32, #tpu.memory_space<vmem>>, %arg14: memref<64x32xf32, #tpu.memory_space<vmem>>, %arg15: memref<64x32xf32, #tpu.memory_space<vmem>>, %arg16: memref<50048x32xf32, #tpu.memory_space<vmem_shared>>, %arg17: memref<!tpu.dma_semaphore, #tpu.memory_space<semaphore_mem>>, %arg18: memref<!tpu.dma_semaphore, #tpu.memory_space<semaphore_mem>>, %arg19: memref<!tpu.dma_semaphore, #tpu.memory_space<semaphore_mem>>, %arg20: memref<!tpu.dma_semaphore, #tpu.memory_space<semaphore_mem>>) attributes {dimension_semantics = [#tpu.dimension_semantics<core_parallel>, #tpu.dimension_semantics<subcore_parallel>], iteration_bounds = array<i64: 2, 16>, scalar_prefetch = 0 : i64, scratch_operands = 13 : i64, tpu.core_type = #tpu.core_type<sc_vector_subcore>, window_params = [{transform_indices = #map}, {transform_indices = #map}, {transform_indices = #map1}, {transform_indices = #map1}, {transform_indices = #map1}, {transform_indices = #map1}]} {
    %mul3A = arith.constant 32 : i32
    %mul3A_0 = arith.muli %arg0, %mul3A : i32
    %mul3A_1 = arith.constant 3128 : i32
    %mul3A_2 = arith.muli %arg1, %mul3A_1 : i32
    "tpu.region"() ({
      %run_scoped3A = tpu.sem_alloc : memref<!tpu.dma_semaphore, #tpu.memory_space<semaphore_mem>>
      %dma_start3A_88 = arith.constant 0 : i32
      %dma_start3A_89 = tpu.memref_slice %arg16[%mul3A_2, %dma_start3A_88] : memref<50048x32xf32, #tpu.memory_space<vmem_shared>> -> memref<3128x32xf32, #tpu.memory_space<vmem_shared>>
      tpu.enqueue_dma source(%arg6 : memref<3128x32xf32, #tpu.memory_space<hbm>>) target(%dma_start3A_89 : memref<3128x32xf32, #tpu.memory_space<vmem_shared>>) target_semaphore(%run_scoped3A : memref<!tpu.dma_semaphore, #tpu.memory_space<semaphore_mem>>)
      %dma_wait3A_90 = arith.constant 0 : i32
      %dma_wait3A_91 = tpu.memref_slice %arg16[%mul3A_2, %dma_wait3A_90] : memref<50048x32xf32, #tpu.memory_space<vmem_shared>> -> memref<3128x32xf32, #tpu.memory_space<vmem_shared>>
      tpu.wait_dma2 semaphore(%run_scoped3A : memref<!tpu.dma_semaphore, #tpu.memory_space<semaphore_mem>>) src(%arg6 : memref<3128x32xf32, #tpu.memory_space<hbm>>) dst(%dma_wait3A_91 : memref<3128x32xf32, #tpu.memory_space<vmem_shared>>)
      tpu.yield
    }) : () -> ()
    %barrier3A = arith.constant 0 : index
    tpu.barrier barrier_id(%barrier3A)
    %mul3A_3 = arith.constant 50176 : i32
    %mul3A_4 = arith.muli %arg1, %mul3A_3 : i32
    %mul3A_5 = arith.constant 25088 : i32
    %mul3A_6 = arith.muli %arg1, %mul3A_5 : i32
    %add3A = arith.constant 802816 : i32
    %add3A_7 = arith.addi %add3A, %mul3A_6 : i32
    %mul3A_8 = arith.constant 50000 : i32
    %mul3A_9 = arith.muli %arg0, %mul3A_8 : i32
    %rem3A = arith.constant 0 : i32
    %rem3A_10 = arith.constant 2 : i32
    %rem3A_11 = arith.remsi %rem3A, %rem3A_10 : i32
    %mul3A_12 = arith.constant 1024 : i32
    %mul3A_13 = arith.muli %rem3A_11, %mul3A_12 : i32
    %add3A_14 = arith.constant 0 : i32
    %add3A_15 = arith.addi %mul3A_4, %add3A_14 : i32
    "tpu.region"() ({
      %run_scoped3A = tpu.sem_alloc : memref<!tpu.dma_semaphore, #tpu.memory_space<semaphore_mem>>
      %dma_start3A_88 = tpu.memref_slice %arg8[%mul3A_13] : memref<2048xi32, #tpu.memory_space<vmem>> -> memref<1024xi32, #tpu.memory_space<vmem>>
      %dma_start3A_89 = tpu.memref_slice %arg2[%add3A_15] : memref<802816xi32, #tpu.memory_space<hbm>> -> memref<1024xi32, #tpu.memory_space<hbm>>
      %dma_start3A_90 = tpu.memref_slice %arg8[%mul3A_13] : memref<2048xi32, #tpu.memory_space<vmem>> -> memref<1024xi32, #tpu.memory_space<vmem>>
      %dma_start3A_91 = tpu.memref_slice %arg2[%add3A_15] : memref<802816xi32, #tpu.memory_space<hbm>> -> memref<1024xi32, #tpu.memory_space<hbm>>
      tpu.enqueue_dma source(%dma_start3A_91 : memref<1024xi32, #tpu.memory_space<hbm>>) target(%dma_start3A_90 : memref<1024xi32, #tpu.memory_space<vmem>>) target_semaphore(%run_scoped3A : memref<!tpu.dma_semaphore, #tpu.memory_space<semaphore_mem>>)
      %dma_wait3A_92 = tpu.memref_slice %arg8[%mul3A_13] : memref<2048xi32, #tpu.memory_space<vmem>> -> memref<1024xi32, #tpu.memory_space<vmem>>
      %dma_wait3A_93 = tpu.memref_slice %arg2[%add3A_15] : memref<802816xi32, #tpu.memory_space<hbm>> -> memref<1024xi32, #tpu.memory_space<hbm>>
      %dma_wait3A_94 = tpu.memref_slice %arg8[%mul3A_13] : memref<2048xi32, #tpu.memory_space<vmem>> -> memref<1024xi32, #tpu.memory_space<vmem>>
      %dma_wait3A_95 = tpu.memref_slice %arg2[%add3A_15] : memref<802816xi32, #tpu.memory_space<hbm>> -> memref<1024xi32, #tpu.memory_space<hbm>>
      tpu.wait_dma2 semaphore(%run_scoped3A : memref<!tpu.dma_semaphore, #tpu.memory_space<semaphore_mem>>) src(%dma_wait3A_95 : memref<1024xi32, #tpu.memory_space<hbm>>) dst(%dma_wait3A_94 : memref<1024xi32, #tpu.memory_space<vmem>>)
      tpu.yield
    }) : () -> ()
    %add3A_16 = arith.constant 0 : i32
    %add3A_17 = arith.addi %mul3A_4, %add3A_16 : i32
    "tpu.region"() ({
      %run_scoped3A = tpu.sem_alloc : memref<!tpu.dma_semaphore, #tpu.memory_space<semaphore_mem>>
      %dma_start3A_88 = tpu.memref_slice %arg9[%mul3A_13] : memref<2048xi32, #tpu.memory_space<vmem>> -> memref<1024xi32, #tpu.memory_space<vmem>>
      %dma_start3A_89 = tpu.memref_slice %arg3[%add3A_17] : memref<802816xi32, #tpu.memory_space<hbm>> -> memref<1024xi32, #tpu.memory_space<hbm>>
      %dma_start3A_90 = tpu.memref_slice %arg9[%mul3A_13] : memref<2048xi32, #tpu.memory_space<vmem>> -> memref<1024xi32, #tpu.memory_space<vmem>>
      %dma_start3A_91 = tpu.memref_slice %arg3[%add3A_17] : memref<802816xi32, #tpu.memory_space<hbm>> -> memref<1024xi32, #tpu.memory_space<hbm>>
      tpu.enqueue_dma source(%dma_start3A_91 : memref<1024xi32, #tpu.memory_space<hbm>>) target(%dma_start3A_90 : memref<1024xi32, #tpu.memory_space<vmem>>) target_semaphore(%run_scoped3A : memref<!tpu.dma_semaphore, #tpu.memory_space<semaphore_mem>>)
      %dma_wait3A_92 = tpu.memref_slice %arg9[%mul3A_13] : memref<2048xi32, #tpu.memory_space<vmem>> -> memref<1024xi32, #tpu.memory_space<vmem>>
      %dma_wait3A_93 = tpu.memref_slice %arg3[%add3A_17] : memref<802816xi32, #tpu.memory_space<hbm>> -> memref<1024xi32, #tpu.memory_space<hbm>>
      %dma_wait3A_94 = tpu.memref_slice %arg9[%mul3A_13] : memref<2048xi32, #tpu.memory_space<vmem>> -> memref<1024xi32, #tpu.memory_space<vmem>>
      %dma_wait3A_95 = tpu.memref_slice %arg3[%add3A_17] : memref<802816xi32, #tpu.memory_space<hbm>> -> memref<1024xi32, #tpu.memory_space<hbm>>
      tpu.wait_dma2 semaphore(%run_scoped3A : memref<!tpu.dma_semaphore, #tpu.memory_space<semaphore_mem>>) src(%dma_wait3A_95 : memref<1024xi32, #tpu.memory_space<hbm>>) dst(%dma_wait3A_94 : memref<1024xi32, #tpu.memory_space<vmem>>)
      tpu.yield
    }) : () -> ()
    %scan3A = arith.constant 0 : i32
    %scan3A_18 = arith.constant 0 : i32
    %scan3A_19 = arith.constant 64 : i32
    %scan3A_20 = arith.addi %scan3A_18, %scan3A_19 : i32
    %scan3A_21 = arith.constant 4 : i32
    scf.for %scan3A_88 = %scan3A_18 to %scan3A_20 step %scan3A_21  : i32 {
      %mul3A_89 = arith.constant 16 : i32
      %mul3A_90 = arith.muli %scan3A_88, %mul3A_89 : i32
      %add3A_91 = arith.addi %mul3A_13, %mul3A_90 : i32
      %get3A = arith.index_cast %add3A_91 : i32 to index
      %get3A_92 = tpu.vector_load %arg8[%get3A] {strides = array<i32>} : memref<2048xi32, #tpu.memory_space<vmem>>, vector<16xi32>,
      %get3A_93 = vector.shape_cast %get3A_92 : vector<16xi32> to vector<16xi32>
      %add3A_94 = vector.broadcast %mul3A_9 : i32 to vector<16xi32>
      %add3A_95 = arith.addi %get3A_93, %add3A_94 : vector<16xi32>
      %swap3A = arith.index_cast %add3A_91 : i32 to index
      %swap3A_96 = tpu.vector_load %arg8[%swap3A] {strides = array<i32>} : memref<2048xi32, #tpu.memory_space<vmem>>, vector<16xi32>,
      %swap3A_97 = vector.shape_cast %swap3A_96 : vector<16xi32> to vector<16xi32>
      %swap3A_98 = vector.shape_cast %add3A_95 : vector<16xi32> to vector<16xi32>
      tpu.vector_store %arg8[%swap3A], %swap3A_98 {strides = array<i32>} : memref<2048xi32, #tpu.memory_space<vmem>>, vector<16xi32>,
      %scan3A_99 = arith.constant 1 : i32
      %scan3A_100 = arith.addi %scan3A_88, %scan3A_99 : i32
      %mul3A_101 = arith.constant 16 : i32
      %mul3A_102 = arith.muli %scan3A_100, %mul3A_101 : i32
      %add3A_103 = arith.addi %mul3A_13, %mul3A_102 : i32
      %get3A_104 = arith.index_cast %add3A_103 : i32 to index
      %get3A_105 = tpu.vector_load %arg8[%get3A_104] {strides = array<i32>} : memref<2048xi32, #tpu.memory_space<vmem>>, vector<16xi32>,
      %get3A_106 = vector.shape_cast %get3A_105 : vector<16xi32> to vector<16xi32>
      %add3A_107 = vector.broadcast %mul3A_9 : i32 to vector<16xi32>
      %add3A_108 = arith.addi %get3A_106, %add3A_107 : vector<16xi32>
      %swap3A_109 = arith.index_cast %add3A_103 : i32 to index
      %swap3A_110 = tpu.vector_load %arg8[%swap3A_109] {strides = array<i32>} : memref<2048xi32, #tpu.memory_space<vmem>>, vector<16xi32>,
      %swap3A_111 = vector.shape_cast %swap3A_110 : vector<16xi32> to vector<16xi32>
      %swap3A_112 = vector.shape_cast %add3A_108 : vector<16xi32> to vector<16xi32>
      tpu.vector_store %arg8[%swap3A_109], %swap3A_112 {strides = array<i32>} : memref<2048xi32, #tpu.memory_space<vmem>>, vector<16xi32>,
      %scan3A_113 = arith.constant 2 : i32
      %scan3A_114 = arith.addi %scan3A_88, %scan3A_113 : i32
      %mul3A_115 = arith.constant 16 : i32
      %mul3A_116 = arith.muli %scan3A_114, %mul3A_115 : i32
      %add3A_117 = arith.addi %mul3A_13, %mul3A_116 : i32
      %get3A_118 = arith.index_cast %add3A_117 : i32 to index
      %get3A_119 = tpu.vector_load %arg8[%get3A_118] {strides = array<i32>} : memref<2048xi32, #tpu.memory_space<vmem>>, vector<16xi32>,
      %get3A_120 = vector.shape_cast %get3A_119 : vector<16xi32> to vector<16xi32>
      %add3A_121 = vector.broadcast %mul3A_9 : i32 to vector<16xi32>
      %add3A_122 = arith.addi %get3A_120, %add3A_121 : vector<16xi32>
      %swap3A_123 = arith.index_cast %add3A_117 : i32 to index
      %swap3A_124 = tpu.vector_load %arg8[%swap3A_123] {strides = array<i32>} : memref<2048xi32, #tpu.memory_space<vmem>>, vector<16xi32>,
      %swap3A_125 = vector.shape_cast %swap3A_124 : vector<16xi32> to vector<16xi32>
      %swap3A_126 = vector.shape_cast %add3A_122 : vector<16xi32> to vector<16xi32>
      tpu.vector_store %arg8[%swap3A_123], %swap3A_126 {strides = array<i32>} : memref<2048xi32, #tpu.memory_space<vmem>>, vector<16xi32>,
      %scan3A_127 = arith.constant 3 : i32
      %scan3A_128 = arith.addi %scan3A_88, %scan3A_127 : i32
      %mul3A_129 = arith.constant 16 : i32
      %mul3A_130 = arith.muli %scan3A_128, %mul3A_129 : i32
      %add3A_131 = arith.addi %mul3A_13, %mul3A_130 : i32
      %get3A_132 = arith.index_cast %add3A_131 : i32 to index
      %get3A_133 = tpu.vector_load %arg8[%get3A_132] {strides = array<i32>} : memref<2048xi32, #tpu.memory_space<vmem>>, vector<16xi32>,
      %get3A_134 = vector.shape_cast %get3A_133 : vector<16xi32> to vector<16xi32>
      %add3A_135 = vector.broadcast %mul3A_9 : i32 to vector<16xi32>
      %add3A_136 = arith.addi %get3A_134, %add3A_135 : vector<16xi32>
      %swap3A_137 = arith.index_cast %add3A_131 : i32 to index
      %swap3A_138 = tpu.vector_load %arg8[%swap3A_137] {strides = array<i32>} : memref<2048xi32, #tpu.memory_space<vmem>>, vector<16xi32>,
      %swap3A_139 = vector.shape_cast %swap3A_138 : vector<16xi32> to vector<16xi32>
      %swap3A_140 = vector.shape_cast %add3A_136 : vector<16xi32> to vector<16xi32>
      tpu.vector_store %arg8[%swap3A_137], %swap3A_140 {strides = array<i32>} : memref<2048xi32, #tpu.memory_space<vmem>>, vector<16xi32>,
    }
    %scan3A_22 = arith.constant 64 : i32
    %add3A_23 = arith.constant 0 : i32
    %add3A_24 = arith.addi %add3A_7, %add3A_23 : i32
    %dma_start3A = arith.constant 0 : i32
    %dma_start3A_25 = tpu.memref_slice %arg5[%add3A_24, %dma_start3A] : memref<1204224x128xf32, #tpu.memory_space<hbm>> -> memref<32x128xf32, #tpu.memory_space<hbm>>
    %dma_start3A_26 = arith.constant 0 : i32
    %dma_start3A_27 = tpu.memref_slice %arg5[%add3A_24, %dma_start3A_26] : memref<1204224x128xf32, #tpu.memory_space<hbm>> -> memref<32x128xf32, #tpu.memory_space<hbm>>
    tpu.enqueue_dma source(%dma_start3A_27 : memref<32x128xf32, #tpu.memory_space<hbm>>) target(%arg10 : memref<32x128xf32, #tpu.memory_space<vmem>>) target_semaphore(%arg17 : memref<!tpu.dma_semaphore, #tpu.memory_space<semaphore_mem>>)
    %rem3A_28 = arith.constant 0 : i32
    %rem3A_29 = arith.constant 2 : i32
    %rem3A_30 = arith.remsi %rem3A_28, %rem3A_29 : i32
    %mul3A_31 = arith.constant 1024 : i32
    %mul3A_32 = arith.muli %rem3A_30, %mul3A_31 : i32
    %rem3A_33 = arith.constant 0 : i32
    %rem3A_34 = arith.constant 16 : i32
    %rem3A_35 = arith.remsi %rem3A_33, %rem3A_34 : i32
    %mul3A_36 = arith.constant 64 : i32
    %mul3A_37 = arith.muli %rem3A_35, %mul3A_36 : i32
    %add3A_38 = arith.addi %mul3A_32, %mul3A_37 : i32
    %dma_start3A_39 = tpu.memref_slice %arg8[%add3A_38] : memref<2048xi32, #tpu.memory_space<vmem>> -> memref<64xi32, #tpu.memory_space<vmem>>
    %dma_start3A_40 = arith.constant 0 : i32
    %dma_start3A_41 = arith.constant 0 : i32
    %dma_start3A_42 = tpu.memref_slice %arg4[%dma_start3A_40, %dma_start3A_41] : memref<100000x32xf32, #tpu.memory_space<hbm>> -> memref<100000x32xf32, #tpu.memory_space<hbm>>
    tpu.enqueue_indirect_dma source(%dma_start3A_42 : memref<100000x32xf32, #tpu.memory_space<hbm>>) target(%arg12 : memref<64x32xf32, #tpu.memory_space<vmem>>) offsets(%dma_start3A_39 : memref<64xi32, #tpu.memory_space<vmem>>) semaphore(%arg17 : memref<!tpu.dma_semaphore, #tpu.memory_space<semaphore_mem>>)
    %add3A_43 = arith.constant 32 : i32
    %add3A_44 = arith.addi %add3A_7, %add3A_43 : i32
    %dma_start3A_45 = arith.constant 0 : i32
    %dma_start3A_46 = tpu.memref_slice %arg5[%add3A_44, %dma_start3A_45] : memref<1204224x128xf32, #tpu.memory_space<hbm>> -> memref<32x128xf32, #tpu.memory_space<hbm>>
    %dma_start3A_47 = arith.constant 0 : i32
    %dma_start3A_48 = tpu.memref_slice %arg5[%add3A_44, %dma_start3A_47] : memref<1204224x128xf32, #tpu.memory_space<hbm>> -> memref<32x128xf32, #tpu.memory_space<hbm>>
    tpu.enqueue_dma source(%dma_start3A_48 : memref<32x128xf32, #tpu.memory_space<hbm>>) target(%arg11 : memref<32x128xf32, #tpu.memory_space<vmem>>) target_semaphore(%arg18 : memref<!tpu.dma_semaphore, #tpu.memory_space<semaphore_mem>>)
    %rem3A_49 = arith.constant 0 : i32
    %rem3A_50 = arith.constant 2 : i32
    %rem3A_51 = arith.remsi %rem3A_49, %rem3A_50 : i32
    %mul3A_52 = arith.constant 1024 : i32
    %mul3A_53 = arith.muli %rem3A_51, %mul3A_52 : i32
    %rem3A_54 = arith.constant 1 : i32
    %rem3A_55 = arith.constant 16 : i32
    %rem3A_56 = arith.remsi %rem3A_54, %rem3A_55 : i32
    %mul3A_57 = arith.constant 64 : i32
    %mul3A_58 = arith.muli %rem3A_56, %mul3A_57 : i32
    %add3A_59 = arith.addi %mul3A_53, %mul3A_58 : i32
    %dma_start3A_60 = tpu.memref_slice %arg8[%add3A_59] : memref<2048xi32, #tpu.memory_space<vmem>> -> memref<64xi32, #tpu.memory_space<vmem>>
    %dma_start3A_61 = arith.constant 0 : i32
    %dma_start3A_62 = arith.constant 0 : i32
    %dma_start3A_63 = tpu.memref_slice %arg4[%dma_start3A_61, %dma_start3A_62] : memref<100000x32xf32, #tpu.memory_space<hbm>> -> memref<100000x32xf32, #tpu.memory_space<hbm>>
    tpu.enqueue_indirect_dma source(%dma_start3A_63 : memref<100000x32xf32, #tpu.memory_space<hbm>>) target(%arg13 : memref<64x32xf32, #tpu.memory_space<vmem>>) offsets(%dma_start3A_60 : memref<64xi32, #tpu.memory_space<vmem>>) semaphore(%arg18 : memref<!tpu.dma_semaphore, #tpu.memory_space<semaphore_mem>>)
    %scan3A_64 = arith.constant 0 : i32
    %scan3A_65 = arith.constant 0 : i32
    %scan3A_66 = arith.constant 392 : i32
    %scan3A_67 = arith.addi %scan3A_65, %scan3A_66 : i32
    %scan3A_68 = arith.constant 1 : i32
    scf.for %scan3A_88 = %scan3A_65 to %scan3A_67 step %scan3A_68  : i32 {
      %mul3A_89 = arith.constant 2 : i32
      %mul3A_90 = arith.muli %mul3A_89, %scan3A_88 : i32
      %add3A_91 = arith.constant 1 : i32
      %add3A_92 = arith.addi %mul3A_90, %add3A_91 : i32
      %dma_wait3A_93 = arith.constant 0 : i32
      %dma_wait3A_94 = tpu.memref_slice %arg5[%add3A_7, %dma_wait3A_93] : memref<1204224x128xf32, #tpu.memory_space<hbm>> -> memref<32x128xf32, #tpu.memory_space<hbm>>
      %dma_wait3A_95 = arith.constant 0 : i32
      %dma_wait3A_96 = tpu.memref_slice %arg5[%add3A_7, %dma_wait3A_95] : memref<1204224x128xf32, #tpu.memory_space<hbm>> -> memref<32x128xf32, #tpu.memory_space<hbm>>
      tpu.wait_dma2 semaphore(%arg17 : memref<!tpu.dma_semaphore, #tpu.memory_space<semaphore_mem>>) src(%dma_wait3A_96 : memref<32x128xf32, #tpu.memory_space<hbm>>) dst(%arg10 : memref<32x128xf32, #tpu.memory_space<vmem>>)
      %dma_wait3A_97 = arith.constant 0 : i32
      %dma_wait3A_98 = arith.constant 0 : i32
      %dma_wait3A_99 = tpu.memref_slice %arg4[%dma_wait3A_97, %dma_wait3A_98] : memref<100000x32xf32, #tpu.memory_space<hbm>> -> memref<64x32xf32, #tpu.memory_space<hbm>>
      %dma_wait3A_100 = arith.constant 0 : i32
      %dma_wait3A_101 = arith.constant 0 : i32
      %dma_wait3A_102 = tpu.memref_slice %arg4[%dma_wait3A_100, %dma_wait3A_101] : memref<100000x32xf32, #tpu.memory_space<hbm>> -> memref<64x32xf32, #tpu.memory_space<hbm>>
      tpu.wait_dma2 semaphore(%arg17 : memref<!tpu.dma_semaphore, #tpu.memory_space<semaphore_mem>>) src(%dma_wait3A_102 : memref<64x32xf32, #tpu.memory_space<hbm>>) dst(%arg12 : memref<64x32xf32, #tpu.memory_space<vmem>>)
      %ge3A = arith.constant 2 : i32
      %ge3A_103 = arith.cmpi sge, %mul3A_90, %ge3A : i32
      %convert_element_type3A_104 = arith.extui %ge3A_103 : i1 to i32
      %cond3A_105 = arith.constant 0 : i32
      %cond3A_106 = arith.cmpi ne, %convert_element_type3A_104, %cond3A_105 : i32
      scf.if %cond3A_106 {
        %dma_wait3A_215 = arith.constant 0 : i32
        %dma_wait3A_216 = tpu.memref_slice %arg9[%dma_wait3A_215] : memref<2048xi32, #tpu.memory_space<vmem>> -> memref<64xi32, #tpu.memory_space<vmem>>
        %dma_wait3A_217 = arith.constant 0 : i32
        %dma_wait3A_218 = arith.constant 0 : i32
        %dma_wait3A_219 = tpu.memref_slice %arg16[%dma_wait3A_217, %dma_wait3A_218] : memref<50048x32xf32, #tpu.memory_space<vmem_shared>> -> memref<50048x32xf32, #tpu.memory_space<vmem_shared>>
        tpu.wait_indirect_dma semaphore(%arg19 : memref<!tpu.dma_semaphore, #tpu.memory_space<semaphore_mem>>) src(%arg14 : memref<64x32xf32, #tpu.memory_space<vmem>>) dst(%dma_wait3A_219 : memref<50048x32xf32, #tpu.memory_space<vmem_shared>>)
      } else {
      }
      %scan3A_107 = arith.constant 0 : i32
      %scan3A_108 = arith.constant 0 : i32
      %scan3A_109 = arith.constant 32 : i32
      %scan3A_110 = arith.addi %scan3A_108, %scan3A_109 : i32
      %scan3A_111 = arith.constant 4 : i32
      scf.for %scan3A_215 = %scan3A_108 to %scan3A_110 step %scan3A_111  : i32 {
        %mul3A_216 = arith.constant 2 : i32
        %mul3A_217 = arith.muli %mul3A_216, %scan3A_215 : i32
        %add3A_218 = arith.constant 1 : i32
        %add3A_219 = arith.addi %mul3A_217, %add3A_218 : i32
        %get3A = arith.index_cast %mul3A_217 : i32 to index
        %get3A_220 = arith.constant 0 : index
        %get3A_221 = tpu.vector_load %arg12[%get3A, %get3A_220] {strides = array<i32>} : memref<64x32xf32, #tpu.memory_space<vmem>>, vector<1x16xf32>,
        %get3A_222 = vector.shape_cast %get3A_221 : vector<1x16xf32> to vector<16xf32>
        %get3A_223 = arith.index_cast %scan3A_215 : i32 to index
        %get3A_224 = arith.index_cast %mul3A_0 : i32 to index
        %get3A_225 = tpu.vector_load %arg10[%get3A_223, %get3A_224] {strides = array<i32>} : memref<32x128xf32, #tpu.memory_space<vmem>>, vector<1x16xf32>,
        %get3A_226 = vector.shape_cast %get3A_225 : vector<1x16xf32> to vector<16xf32>
        %mul3A_227 = arith.mulf %get3A_222, %get3A_226 : vector<16xf32>
        %swap3A = arith.index_cast %mul3A_217 : i32 to index
        %swap3A_228 = arith.constant 0 : index
        %swap3A_229 = tpu.vector_load %arg14[%swap3A, %swap3A_228] {strides = array<i32>} : memref<64x32xf32, #tpu.memory_space<vmem>>, vector<1x16xf32>,
        %swap3A_230 = vector.shape_cast %swap3A_229 : vector<1x16xf32> to vector<16xf32>
        %swap3A_231 = vector.shape_cast %mul3A_227 : vector<16xf32> to vector<1x16xf32>
        tpu.vector_store %arg14[%swap3A, %swap3A_228], %swap3A_231 {strides = array<i32>} : memref<64x32xf32, #tpu.memory_space<vmem>>, vector<1x16xf32>,
        %get3A_232 = arith.index_cast %mul3A_217 : i32 to index
        %get3A_233 = arith.constant 16 : index
        %get3A_234 = tpu.vector_load %arg12[%get3A_232, %get3A_233] {strides = array<i32>} : memref<64x32xf32, #tpu.memory_space<vmem>>, vector<1x16xf32>,
        %get3A_235 = vector.shape_cast %get3A_234 : vector<1x16xf32> to vector<16xf32>
        %add3A_236 = arith.constant 16 : i32
        %add3A_237 = arith.addi %mul3A_0, %add3A_236 : i32
        %get3A_238 = arith.index_cast %scan3A_215 : i32 to index
        %get3A_239 = arith.index_cast %add3A_237 : i32 to index
        %get3A_240 = tpu.vector_load %arg10[%get3A_238, %get3A_239] {strides = array<i32>} : memref<32x128xf32, #tpu.memory_space<vmem>>, vector<1x16xf32>,
        %get3A_241 = vector.shape_cast %get3A_240 : vector<1x16xf32> to vector<16xf32>
        %mul3A_242 = arith.mulf %get3A_235, %get3A_241 : vector<16xf32>
        %swap3A_243 = arith.index_cast %mul3A_217 : i32 to index
        %swap3A_244 = arith.constant 16 : index
        %swap3A_245 = tpu.vector_load %arg14[%swap3A_243, %swap3A_244] {strides = array<i32>} : memref<64x32xf32, #tpu.memory_space<vmem>>, vector<1x16xf32>,
        %swap3A_246 = vector.shape_cast %swap3A_245 : vector<1x16xf32> to vector<16xf32>
        %swap3A_247 = vector.shape_cast %mul3A_242 : vector<16xf32> to vector<1x16xf32>
        tpu.vector_store %arg14[%swap3A_243, %swap3A_244], %swap3A_247 {strides = array<i32>} : memref<64x32xf32, #tpu.memory_space<vmem>>, vector<1x16xf32>,
        %get3A_248 = arith.index_cast %add3A_219 : i32 to index
        %get3A_249 = arith.constant 0 : index
        %get3A_250 = tpu.vector_load %arg12[%get3A_248, %get3A_249] {strides = array<i32>} : memref<64x32xf32, #tpu.memory_space<vmem>>, vector<1x16xf32>,
        %get3A_251 = vector.shape_cast %get3A_250 : vector<1x16xf32> to vector<16xf32>
        %add3A_252 = arith.constant 64 : i32
        %add3A_253 = arith.addi %add3A_252, %mul3A_0 : i32
        %get3A_254 = arith.index_cast %scan3A_215 : i32 to index
        %get3A_255 = arith.index_cast %add3A_253 : i32 to index
        %get3A_256 = tpu.vector_load %arg10[%get3A_254, %get3A_255] {strides = array<i32>} : memref<32x128xf32, #tpu.memory_space<vmem>>, vector<1x16xf32>,
        %get3A_257 = vector.shape_cast %get3A_256 : vector<1x16xf32> to vector<16xf32>
        %mul3A_258 = arith.mulf %get3A_251, %get3A_257 : vector<16xf32>
        %swap3A_259 = arith.index_cast %add3A_219 : i32 to index
        %swap3A_260 = arith.constant 0 : index
        %swap3A_261 = tpu.vector_load %arg14[%swap3A_259, %swap3A_260] {strides = array<i32>} : memref<64x32xf32, #tpu.memory_space<vmem>>, vector<1x16xf32>,
        %swap3A_262 = vector.shape_cast %swap3A_261 : vector<1x16xf32> to vector<16xf32>
        %swap3A_263 = vector.shape_cast %mul3A_258 : vector<16xf32> to vector<1x16xf32>
        tpu.vector_store %arg14[%swap3A_259, %swap3A_260], %swap3A_263 {strides = array<i32>} : memref<64x32xf32, #tpu.memory_space<vmem>>, vector<1x16xf32>,
        %get3A_264 = arith.index_cast %add3A_219 : i32 to index
        %get3A_265 = arith.constant 16 : index
        %get3A_266 = tpu.vector_load %arg12[%get3A_264, %get3A_265] {strides = array<i32>} : memref<64x32xf32, #tpu.memory_space<vmem>>, vector<1x16xf32>,
        %get3A_267 = vector.shape_cast %get3A_266 : vector<1x16xf32> to vector<16xf32>
        %add3A_268 = arith.constant 64 : i32
        %add3A_269 = arith.addi %add3A_268, %mul3A_0 : i32
        %add3A_270 = arith.constant 16 : i32
        %add3A_271 = arith.addi %add3A_269, %add3A_270 : i32
        %get3A_272 = arith.index_cast %scan3A_215 : i32 to index
        %get3A_273 = arith.index_cast %add3A_271 : i32 to index
        %get3A_274 = tpu.vector_load %arg10[%get3A_272, %get3A_273] {strides = array<i32>} : memref<32x128xf32, #tpu.memory_space<vmem>>, vector<1x16xf32>,
        %get3A_275 = vector.shape_cast %get3A_274 : vector<1x16xf32> to vector<16xf32>
        %mul3A_276 = arith.mulf %get3A_267, %get3A_275 : vector<16xf32>
        %swap3A_277 = arith.index_cast %add3A_219 : i32 to index
        %swap3A_278 = arith.constant 16 : index
        %swap3A_279 = tpu.vector_load %arg14[%swap3A_277, %swap3A_278] {strides = array<i32>} : memref<64x32xf32, #tpu.memory_space<vmem>>, vector<1x16xf32>,
        %swap3A_280 = vector.shape_cast %swap3A_279 : vector<1x16xf32> to vector<16xf32>
        %swap3A_281 = vector.shape_cast %mul3A_276 : vector<16xf32> to vector<1x16xf32>
        tpu.vector_store %arg14[%swap3A_277, %swap3A_278], %swap3A_281 {strides = array<i32>} : memref<64x32xf32, #tpu.memory_space<vmem>>, vector<1x16xf32>,
        %scan3A_282 = arith.constant 1 : i32
        %scan3A_283 = arith.addi %scan3A_215, %scan3A_282 : i32
        %mul3A_284 = arith.constant 2 : i32
        %mul3A_285 = arith.muli %mul3A_284, %scan3A_283 : i32
        %add3A_286 = arith.constant 1 : i32
        %add3A_287 = arith.addi %mul3A_285, %add3A_286 : i32
        %get3A_288 = arith.index_cast %mul3A_285 : i32 to index
        %get3A_289 = arith.constant 0 : index
        %get3A_290 = tpu.vector_load %arg12[%get3A_288, %get3A_289] {strides = array<i32>} : memref<64x32xf32, #tpu.memory_space<vmem>>, vector<1x16xf32>,
        %get3A_291 = vector.shape_cast %get3A_290 : vector<1x16xf32> to vector<16xf32>
        %get3A_292 = arith.index_cast %scan3A_283 : i32 to index
        %get3A_293 = arith.index_cast %mul3A_0 : i32 to index
        %get3A_294 = tpu.vector_load %arg10[%get3A_292, %get3A_293] {strides = array<i32>} : memref<32x128xf32, #tpu.memory_space<vmem>>, vector<1x16xf32>,
        %get3A_295 = vector.shape_cast %get3A_294 : vector<1x16xf32> to vector<16xf32>
        %mul3A_296 = arith.mulf %get3A_291, %get3A_295 : vector<16xf32>
        %swap3A_297 = arith.index_cast %mul3A_285 : i32 to index
        %swap3A_298 = arith.constant 0 : index
        %swap3A_299 = tpu.vector_load %arg14[%swap3A_297, %swap3A_298] {strides = array<i32>} : memref<64x32xf32, #tpu.memory_space<vmem>>, vector<1x16xf32>,
        %swap3A_300 = vector.shape_cast %swap3A_299 : vector<1x16xf32> to vector<16xf32>
        %swap3A_301 = vector.shape_cast %mul3A_296 : vector<16xf32> to vector<1x16xf32>
        tpu.vector_store %arg14[%swap3A_297, %swap3A_298], %swap3A_301 {strides = array<i32>} : memref<64x32xf32, #tpu.memory_space<vmem>>, vector<1x16xf32>,
        %get3A_302 = arith.index_cast %mul3A_285 : i32 to index
        %get3A_303 = arith.constant 16 : index
        %get3A_304 = tpu.vector_load %arg12[%get3A_302, %get3A_303] {strides = array<i32>} : memref<64x32xf32, #tpu.memory_space<vmem>>, vector<1x16xf32>,
        %get3A_305 = vector.shape_cast %get3A_304 : vector<1x16xf32> to vector<16xf32>
        %add3A_306 = arith.constant 16 : i32
        %add3A_307 = arith.addi %mul3A_0, %add3A_306 : i32
        %get3A_308 = arith.index_cast %scan3A_283 : i32 to index
        %get3A_309 = arith.index_cast %add3A_307 : i32 to index
        %get3A_310 = tpu.vector_load %arg10[%get3A_308, %get3A_309] {strides = array<i32>} : memref<32x128xf32, #tpu.memory_space<vmem>>, vector<1x16xf32>,
        %get3A_311 = vector.shape_cast %get3A_310 : vector<1x16xf32> to vector<16xf32>
        %mul3A_312 = arith.mulf %get3A_305, %get3A_311 : vector<16xf32>
        %swap3A_313 = arith.index_cast %mul3A_285 : i32 to index
        %swap3A_314 = arith.constant 16 : index
        %swap3A_315 = tpu.vector_load %arg14[%swap3A_313, %swap3A_314] {strides = array<i32>} : memref<64x32xf32, #tpu.memory_space<vmem>>, vector<1x16xf32>,
        %swap3A_316 = vector.shape_cast %swap3A_315 : vector<1x16xf32> to vector<16xf32>
        %swap3A_317 = vector.shape_cast %mul3A_312 : vector<16xf32> to vector<1x16xf32>
        tpu.vector_store %arg14[%swap3A_313, %swap3A_314], %swap3A_317 {strides = array<i32>} : memref<64x32xf32, #tpu.memory_space<vmem>>, vector<1x16xf32>,
        %get3A_318 = arith.index_cast %add3A_287 : i32 to index
        %get3A_319 = arith.constant 0 : index
        %get3A_320 = tpu.vector_load %arg12[%get3A_318, %get3A_319] {strides = array<i32>} : memref<64x32xf32, #tpu.memory_space<vmem>>, vector<1x16xf32>,
        %get3A_321 = vector.shape_cast %get3A_320 : vector<1x16xf32> to vector<16xf32>
        %add3A_322 = arith.constant 64 : i32
        %add3A_323 = arith.addi %add3A_322, %mul3A_0 : i32
        %get3A_324 = arith.index_cast %scan3A_283 : i32 to index
        %get3A_325 = arith.index_cast %add3A_323 : i32 to index
        %get3A_326 = tpu.vector_load %arg10[%get3A_324, %get3A_325] {strides = array<i32>} : memref<32x128xf32, #tpu.memory_space<vmem>>, vector<1x16xf32>,
        %get3A_327 = vector.shape_cast %get3A_326 : vector<1x16xf32> to vector<16xf32>
        %mul3A_328 = arith.mulf %get3A_321, %get3A_327 : vector<16xf32>
        %swap3A_329 = arith.index_cast %add3A_287 : i32 to index
        %swap3A_330 = arith.constant 0 : index
        %swap3A_331 = tpu.vector_load %arg14[%swap3A_329, %swap3A_330] {strides = array<i32>} : memref<64x32xf32, #tpu.memory_space<vmem>>, vector<1x16xf32>,
        %swap3A_332 = vector.shape_cast %swap3A_331 : vector<1x16xf32> to vector<16xf32>
        %swap3A_333 = vector.shape_cast %mul3A_328 : vector<16xf32> to vector<1x16xf32>
        tpu.vector_store %arg14[%swap3A_329, %swap3A_330], %swap3A_333 {strides = array<i32>} : memref<64x32xf32, #tpu.memory_space<vmem>>, vector<1x16xf32>,
        %get3A_334 = arith.index_cast %add3A_287 : i32 to index
        %get3A_335 = arith.constant 16 : index
        %get3A_336 = tpu.vector_load %arg12[%get3A_334, %get3A_335] {strides = array<i32>} : memref<64x32xf32, #tpu.memory_space<vmem>>, vector<1x16xf32>,
        %get3A_337 = vector.shape_cast %get3A_336 : vector<1x16xf32> to vector<16xf32>
        %add3A_338 = arith.constant 64 : i32
        %add3A_339 = arith.addi %add3A_338, %mul3A_0 : i32
        %add3A_340 = arith.constant 16 : i32
        %add3A_341 = arith.addi %add3A_339, %add3A_340 : i32
        %get3A_342 = arith.index_cast %scan3A_283 : i32 to index
        %get3A_343 = arith.index_cast %add3A_341 : i32 to index
        %get3A_344 = tpu.vector_load %arg10[%get3A_342, %get3A_343] {strides = array<i32>} : memref<32x128xf32, #tpu.memory_space<vmem>>, vector<1x16xf32>,
        %get3A_345 = vector.shape_cast %get3A_344 : vector<1x16xf32> to vector<16xf32>
        %mul3A_346 = arith.mulf %get3A_337, %get3A_345 : vector<16xf32>
        %swap3A_347 = arith.index_cast %add3A_287 : i32 to index
        %swap3A_348 = arith.constant 16 : index
        %swap3A_349 = tpu.vector_load %arg14[%swap3A_347, %swap3A_348] {strides = array<i32>} : memref<64x32xf32, #tpu.memory_space<vmem>>, vector<1x16xf32>,
        %swap3A_350 = vector.shape_cast %swap3A_349 : vector<1x16xf32> to vector<16xf32>
        %swap3A_351 = vector.shape_cast %mul3A_346 : vector<16xf32> to vector<1x16xf32>
        tpu.vector_store %arg14[%swap3A_347, %swap3A_348], %swap3A_351 {strides = array<i32>} : memref<64x32xf32, #tpu.memory_space<vmem>>, vector<1x16xf32>,
        %scan3A_352 = arith.constant 2 : i32
        %scan3A_353 = arith.addi %scan3A_215, %scan3A_352 : i32
        %mul3A_354 = arith.constant 2 : i32
        %mul3A_355 = arith.muli %mul3A_354, %scan3A_353 : i32
        %add3A_356 = arith.constant 1 : i32
        %add3A_357 = arith.addi %mul3A_355, %add3A_356 : i32
        %get3A_358 = arith.index_cast %mul3A_355 : i32 to index
        %get3A_359 = arith.constant 0 : index
        %get3A_360 = tpu.vector_load %arg12[%get3A_358, %get3A_359] {strides = array<i32>} : memref<64x32xf32, #tpu.memory_space<vmem>>, vector<1x16xf32>,
        %get3A_361 = vector.shape_cast %get3A_360 : vector<1x16xf32> to vector<16xf32>
        %get3A_362 = arith.index_cast %scan3A_353 : i32 to index
        %get3A_363 = arith.index_cast %mul3A_0 : i32 to index
        %get3A_364 = tpu.vector_load %arg10[%get3A_362, %get3A_363] {strides = array<i32>} : memref<32x128xf32, #tpu.memory_space<vmem>>, vector<1x16xf32>,
        %get3A_365 = vector.shape_cast %get3A_364 : vector<1x16xf32> to vector<16xf32>
        %mul3A_366 = arith.mulf %get3A_361, %get3A_365 : vector<16xf32>
        %swap3A_367 = arith.index_cast %mul3A_355 : i32 to index
        %swap3A_368 = arith.constant 0 : index
        %swap3A_369 = tpu.vector_load %arg14[%swap3A_367, %swap3A_368] {strides = array<i32>} : memref<64x32xf32, #tpu.memory_space<vmem>>, vector<1x16xf32>,
        %swap3A_370 = vector.shape_cast %swap3A_369 : vector<1x16xf32> to vector<16xf32>
        %swap3A_371 = vector.shape_cast %mul3A_366 : vector<16xf32> to vector<1x16xf32>
        tpu.vector_store %arg14[%swap3A_367, %swap3A_368], %swap3A_371 {strides = array<i32>} : memref<64x32xf32, #tpu.memory_space<vmem>>, vector<1x16xf32>,
        %get3A_372 = arith.index_cast %mul3A_355 : i32 to index
        %get3A_373 = arith.constant 16 : index
        %get3A_374 = tpu.vector_load %arg12[%get3A_372, %get3A_373] {strides = array<i32>} : memref<64x32xf32, #tpu.memory_space<vmem>>, vector<1x16xf32>,
        %get3A_375 = vector.shape_cast %get3A_374 : vector<1x16xf32> to vector<16xf32>
        %add3A_376 = arith.constant 16 : i32
        %add3A_377 = arith.addi %mul3A_0, %add3A_376 : i32
        %get3A_378 = arith.index_cast %scan3A_353 : i32 to index
        %get3A_379 = arith.index_cast %add3A_377 : i32 to index
        %get3A_380 = tpu.vector_load %arg10[%get3A_378, %get3A_379] {strides = array<i32>} : memref<32x128xf32, #tpu.memory_space<vmem>>, vector<1x16xf32>,
        %get3A_381 = vector.shape_cast %get3A_380 : vector<1x16xf32> to vector<16xf32>
        %mul3A_382 = arith.mulf %get3A_375, %get3A_381 : vector<16xf32>
        %swap3A_383 = arith.index_cast %mul3A_355 : i32 to index
        %swap3A_384 = arith.constant 16 : index
        %swap3A_385 = tpu.vector_load %arg14[%swap3A_383, %swap3A_384] {strides = array<i32>} : memref<64x32xf32, #tpu.memory_space<vmem>>, vector<1x16xf32>,
        %swap3A_386 = vector.shape_cast %swap3A_385 : vector<1x16xf32> to vector<16xf32>
        %swap3A_387 = vector.shape_cast %mul3A_382 : vector<16xf32> to vector<1x16xf32>
        tpu.vector_store %arg14[%swap3A_383, %swap3A_384], %swap3A_387 {strides = array<i32>} : memref<64x32xf32, #tpu.memory_space<vmem>>, vector<1x16xf32>,
        %get3A_388 = arith.index_cast %add3A_357 : i32 to index
        %get3A_389 = arith.constant 0 : index
        %get3A_390 = tpu.vector_load %arg12[%get3A_388, %get3A_389] {strides = array<i32>} : memref<64x32xf32, #tpu.memory_space<vmem>>, vector<1x16xf32>,
        %get3A_391 = vector.shape_cast %get3A_390 : vector<1x16xf32> to vector<16xf32>
        %add3A_392 = arith.constant 64 : i32
        %add3A_393 = arith.addi %add3A_392, %mul3A_0 : i32
        %get3A_394 = arith.index_cast %scan3A_353 : i32 to index
        %get3A_395 = arith.index_cast %add3A_393 : i32 to index
        %get3A_396 = tpu.vector_load %arg10[%get3A_394, %get3A_395] {strides = array<i32>} : memref<32x128xf32, #tpu.memory_space<vmem>>, vector<1x16xf32>,
        %get3A_397 = vector.shape_cast %get3A_396 : vector<1x16xf32> to vector<16xf32>
        %mul3A_398 = arith.mulf %get3A_391, %get3A_397 : vector<16xf32>
        %swap3A_399 = arith.index_cast %add3A_357 : i32 to index
        %swap3A_400 = arith.constant 0 : index
        %swap3A_401 = tpu.vector_load %arg14[%swap3A_399, %swap3A_400] {strides = array<i32>} : memref<64x32xf32, #tpu.memory_space<vmem>>, vector<1x16xf32>,
        %swap3A_402 = vector.shape_cast %swap3A_401 : vector<1x16xf32> to vector<16xf32>
        %swap3A_403 = vector.shape_cast %mul3A_398 : vector<16xf32> to vector<1x16xf32>
        tpu.vector_store %arg14[%swap3A_399, %swap3A_400], %swap3A_403 {strides = array<i32>} : memref<64x32xf32, #tpu.memory_space<vmem>>, vector<1x16xf32>,
        %get3A_404 = arith.index_cast %add3A_357 : i32 to index
        %get3A_405 = arith.constant 16 : index
        %get3A_406 = tpu.vector_load %arg12[%get3A_404, %get3A_405] {strides = array<i32>} : memref<64x32xf32, #tpu.memory_space<vmem>>, vector<1x16xf32>,
        %get3A_407 = vector.shape_cast %get3A_406 : vector<1x16xf32> to vector<16xf32>
        %add3A_408 = arith.constant 64 : i32
        %add3A_409 = arith.addi %add3A_408, %mul3A_0 : i32
        %add3A_410 = arith.constant 16 : i32
        %add3A_411 = arith.addi %add3A_409, %add3A_410 : i32
        %get3A_412 = arith.index_cast %scan3A_353 : i32 to index
        %get3A_413 = arith.index_cast %add3A_411 : i32 to index
        %get3A_414 = tpu.vector_load %arg10[%get3A_412, %get3A_413] {strides = array<i32>} : memref<32x128xf32, #tpu.memory_space<vmem>>, vector<1x16xf32>,
        %get3A_415 = vector.shape_cast %get3A_414 : vector<1x16xf32> to vector<16xf32>
        %mul3A_416 = arith.mulf %get3A_407, %get3A_415 : vector<16xf32>
        %swap3A_417 = arith.index_cast %add3A_357 : i32 to index
        %swap3A_418 = arith.constant 16 : index
        %swap3A_419 = tpu.vector_load %arg14[%swap3A_417, %swap3A_418] {strides = array<i32>} : memref<64x32xf32, #tpu.memory_space<vmem>>, vector<1x16xf32>,
        %swap3A_420 = vector.shape_cast %swap3A_419 : vector<1x16xf32> to vector<16xf32>
        %swap3A_421 = vector.shape_cast %mul3A_416 : vector<16xf32> to vector<1x16xf32>
        tpu.vector_store %arg14[%swap3A_417, %swap3A_418], %swap3A_421 {strides = array<i32>} : memref<64x32xf32, #tpu.memory_space<vmem>>, vector<1x16xf32>,
        %scan3A_422 = arith.constant 3 : i32
        %scan3A_423 = arith.addi %scan3A_215, %scan3A_422 : i32
        %mul3A_424 = arith.constant 2 : i32
        %mul3A_425 = arith.muli %mul3A_424, %scan3A_423 : i32
        %add3A_426 = arith.constant 1 : i32
        %add3A_427 = arith.addi %mul3A_425, %add3A_426 : i32
        %get3A_428 = arith.index_cast %mul3A_425 : i32 to index
        %get3A_429 = arith.constant 0 : index
        %get3A_430 = tpu.vector_load %arg12[%get3A_428, %get3A_429] {strides = array<i32>} : memref<64x32xf32, #tpu.memory_space<vmem>>, vector<1x16xf32>,
        %get3A_431 = vector.shape_cast %get3A_430 : vector<1x16xf32> to vector<16xf32>
        %get3A_432 = arith.index_cast %scan3A_423 : i32 to index
        %get3A_433 = arith.index_cast %mul3A_0 : i32 to index
        %get3A_434 = tpu.vector_load %arg10[%get3A_432, %get3A_433] {strides = array<i32>} : memref<32x128xf32, #tpu.memory_space<vmem>>, vector<1x16xf32>,
        %get3A_435 = vector.shape_cast %get3A_434 : vector<1x16xf32> to vector<16xf32>
        %mul3A_436 = arith.mulf %get3A_431, %get3A_435 : vector<16xf32>
        %swap3A_437 = arith.index_cast %mul3A_425 : i32 to index
        %swap3A_438 = arith.constant 0 : index
        %swap3A_439 = tpu.vector_load %arg14[%swap3A_437, %swap3A_438] {strides = array<i32>} : memref<64x32xf32, #tpu.memory_space<vmem>>, vector<1x16xf32>,
        %swap3A_440 = vector.shape_cast %swap3A_439 : vector<1x16xf32> to vector<16xf32>
        %swap3A_441 = vector.shape_cast %mul3A_436 : vector<16xf32> to vector<1x16xf32>
        tpu.vector_store %arg14[%swap3A_437, %swap3A_438], %swap3A_441 {strides = array<i32>} : memref<64x32xf32, #tpu.memory_space<vmem>>, vector<1x16xf32>,
        %get3A_442 = arith.index_cast %mul3A_425 : i32 to index
        %get3A_443 = arith.constant 16 : index
        %get3A_444 = tpu.vector_load %arg12[%get3A_442, %get3A_443] {strides = array<i32>} : memref<64x32xf32, #tpu.memory_space<vmem>>, vector<1x16xf32>,
        %get3A_445 = vector.shape_cast %get3A_444 : vector<1x16xf32> to vector<16xf32>
        %add3A_446 = arith.constant 16 : i32
        %add3A_447 = arith.addi %mul3A_0, %add3A_446 : i32
        %get3A_448 = arith.index_cast %scan3A_423 : i32 to index
        %get3A_449 = arith.index_cast %add3A_447 : i32 to index
        %get3A_450 = tpu.vector_load %arg10[%get3A_448, %get3A_449] {strides = array<i32>} : memref<32x128xf32, #tpu.memory_space<vmem>>, vector<1x16xf32>,
        %get3A_451 = vector.shape_cast %get3A_450 : vector<1x16xf32> to vector<16xf32>
        %mul3A_452 = arith.mulf %get3A_445, %get3A_451 : vector<16xf32>
        %swap3A_453 = arith.index_cast %mul3A_425 : i32 to index
        %swap3A_454 = arith.constant 16 : index
        %swap3A_455 = tpu.vector_load %arg14[%swap3A_453, %swap3A_454] {strides = array<i32>} : memref<64x32xf32, #tpu.memory_space<vmem>>, vector<1x16xf32>,
        %swap3A_456 = vector.shape_cast %swap3A_455 : vector<1x16xf32> to vector<16xf32>
        %swap3A_457 = vector.shape_cast %mul3A_452 : vector<16xf32> to vector<1x16xf32>
        tpu.vector_store %arg14[%swap3A_453, %swap3A_454], %swap3A_457 {strides = array<i32>} : memref<64x32xf32, #tpu.memory_space<vmem>>, vector<1x16xf32>,
        %get3A_458 = arith.index_cast %add3A_427 : i32 to index
        %get3A_459 = arith.constant 0 : index
        %get3A_460 = tpu.vector_load %arg12[%get3A_458, %get3A_459] {strides = array<i32>} : memref<64x32xf32, #tpu.memory_space<vmem>>, vector<1x16xf32>,
        %get3A_461 = vector.shape_cast %get3A_460 : vector<1x16xf32> to vector<16xf32>
        %add3A_462 = arith.constant 64 : i32
        %add3A_463 = arith.addi %add3A_462, %mul3A_0 : i32
        %get3A_464 = arith.index_cast %scan3A_423 : i32 to index
        %get3A_465 = arith.index_cast %add3A_463 : i32 to index
        %get3A_466 = tpu.vector_load %arg10[%get3A_464, %get3A_465] {strides = array<i32>} : memref<32x128xf32, #tpu.memory_space<vmem>>, vector<1x16xf32>,
        %get3A_467 = vector.shape_cast %get3A_466 : vector<1x16xf32> to vector<16xf32>
        %mul3A_468 = arith.mulf %get3A_461, %get3A_467 : vector<16xf32>
        %swap3A_469 = arith.index_cast %add3A_427 : i32 to index
        %swap3A_470 = arith.constant 0 : index
        %swap3A_471 = tpu.vector_load %arg14[%swap3A_469, %swap3A_470] {strides = array<i32>} : memref<64x32xf32, #tpu.memory_space<vmem>>, vector<1x16xf32>,
        %swap3A_472 = vector.shape_cast %swap3A_471 : vector<1x16xf32> to vector<16xf32>
        %swap3A_473 = vector.shape_cast %mul3A_468 : vector<16xf32> to vector<1x16xf32>
        tpu.vector_store %arg14[%swap3A_469, %swap3A_470], %swap3A_473 {strides = array<i32>} : memref<64x32xf32, #tpu.memory_space<vmem>>, vector<1x16xf32>,
        %get3A_474 = arith.index_cast %add3A_427 : i32 to index
        %get3A_475 = arith.constant 16 : index
        %get3A_476 = tpu.vector_load %arg12[%get3A_474, %get3A_475] {strides = array<i32>} : memref<64x32xf32, #tpu.memory_space<vmem>>, vector<1x16xf32>,
        %get3A_477 = vector.shape_cast %get3A_476 : vector<1x16xf32> to vector<16xf32>
        %add3A_478 = arith.constant 64 : i32
        %add3A_479 = arith.addi %add3A_478, %mul3A_0 : i32
        %add3A_480 = arith.constant 16 : i32
        %add3A_481 = arith.addi %add3A_479, %add3A_480 : i32
        %get3A_482 = arith.index_cast %scan3A_423 : i32 to index
        %get3A_483 = arith.index_cast %add3A_481 : i32 to index
        %get3A_484 = tpu.vector_load %arg10[%get3A_482, %get3A_483] {strides = array<i32>} : memref<32x128xf32, #tpu.memory_space<vmem>>, vector<1x16xf32>,
        %get3A_485 = vector.shape_cast %get3A_484 : vector<1x16xf32> to vector<16xf32>
        %mul3A_486 = arith.mulf %get3A_477, %get3A_485 : vector<16xf32>
        %swap3A_487 = arith.index_cast %add3A_427 : i32 to index
        %swap3A_488 = arith.constant 16 : index
        %swap3A_489 = tpu.vector_load %arg14[%swap3A_487, %swap3A_488] {strides = array<i32>} : memref<64x32xf32, #tpu.memory_space<vmem>>, vector<1x16xf32>,
        %swap3A_490 = vector.shape_cast %swap3A_489 : vector<1x16xf32> to vector<16xf32>
        %swap3A_491 = vector.shape_cast %mul3A_486 : vector<16xf32> to vector<1x16xf32>
        tpu.vector_store %arg14[%swap3A_487, %swap3A_488], %swap3A_491 {strides = array<i32>} : memref<64x32xf32, #tpu.memory_space<vmem>>, vector<1x16xf32>,
      }
      %scan3A_112 = arith.constant 32 : i32
      %jit3A = arith.constant 16 : i32
      %div3A = arith.divsi %mul3A_90, %jit3A : i32
      %sign3A = arith.constant 0 : i32
      %sign3A_113 = arith.cmpi sgt, %mul3A_90, %sign3A : i32
      %sign3A_114 = arith.extui %sign3A_113 : i1 to i32
      %sign3A_115 = arith.constant 0 : i32
      %sign3A_116 = arith.cmpi slt, %mul3A_90, %sign3A_115 : i32
      %sign3A_117 = arith.extui %sign3A_116 : i1 to i32
      %sign3A_118 = arith.subi %sign3A_114, %sign3A_117 : i32
      %sign3A_119 = arith.constant 0 : i32
      %sign3A_120 = arith.cmpi sgt, %jit3A, %sign3A_119 : i32
      %sign3A_121 = arith.extui %sign3A_120 : i1 to i32
      %sign3A_122 = arith.constant 0 : i32
      %sign3A_123 = arith.cmpi slt, %jit3A, %sign3A_122 : i32
      %sign3A_124 = arith.extui %sign3A_123 : i1 to i32
      %sign3A_125 = arith.subi %sign3A_121, %sign3A_124 : i32
      %ne3A = arith.cmpi ne, %sign3A_118, %sign3A_125 : i32
      %rem3A_126 = arith.remsi %mul3A_90, %jit3A : i32
      %ne3A_127 = arith.constant 0 : i32
      %ne3A_128 = arith.cmpi ne, %rem3A_126, %ne3A_127 : i32
      %and3A = arith.andi %ne3A, %ne3A_128 : i1
      %sub3A = arith.constant 1 : i32
      %sub3A_129 = arith.subi %div3A, %sub3A : i32
      %select_n3A = arith.select %and3A, %sub3A_129, %div3A : i32
      %rem3A_130 = arith.constant 2 : i32
      %rem3A_131 = arith.remsi %select_n3A, %rem3A_130 : i32
      %mul3A_132 = arith.constant 1024 : i32
      %mul3A_133 = arith.muli %rem3A_131, %mul3A_132 : i32
      %rem3A_134 = arith.constant 16 : i32
      %rem3A_135 = arith.remsi %mul3A_90, %rem3A_134 : i32
      %mul3A_136 = arith.constant 64 : i32
      %mul3A_137 = arith.muli %rem3A_135, %mul3A_136 : i32
      %add3A_138 = arith.addi %mul3A_133, %mul3A_137 : i32
      %dma_start3A_139 = tpu.memref_slice %arg9[%add3A_138] : memref<2048xi32, #tpu.memory_space<vmem>> -> memref<64xi32, #tpu.memory_space<vmem>>
      %dma_start3A_140 = arith.constant 0 : i32
      %dma_start3A_141 = arith.constant 0 : i32
      %dma_start3A_142 = tpu.memref_slice %arg16[%dma_start3A_140, %dma_start3A_141] : memref<50048x32xf32, #tpu.memory_space<vmem_shared>> -> memref<50048x32xf32, #tpu.memory_space<vmem_shared>>
      tpu.enqueue_indirect_dma source(%arg14 : memref<64x32xf32, #tpu.memory_space<vmem>>) target(%dma_start3A_142 : memref<50048x32xf32, #tpu.memory_space<vmem_shared>>) offsets(%dma_start3A_139 : memref<64xi32, #tpu.memory_space<vmem>>) semaphore(%arg19 : memref<!tpu.dma_semaphore, #tpu.memory_space<semaphore_mem>>) {add = true}
      %add3A_143 = arith.constant 2 : i32
      %add3A_144 = arith.addi %mul3A_90, %add3A_143 : i32
      %lt3A_145 = arith.constant 784 : i32
      %lt3A_146 = arith.cmpi slt, %add3A_144, %lt3A_145 : i32
      %convert_element_type3A_147 = arith.extui %lt3A_146 : i1 to i32
      %cond3A_148 = arith.constant 0 : i32
      %cond3A_149 = arith.cmpi ne, %convert_element_type3A_147, %cond3A_148 : i32
      scf.if %cond3A_149 {
        %rem3A_215 = arith.constant 16 : i32
        %rem3A_216 = arith.remsi %add3A_144, %rem3A_215 : i32
        %eq3A_217 = arith.constant 0 : i32
        %eq3A_218 = arith.cmpi eq, %rem3A_216, %eq3A_217 : i32
        %convert_element_type3A_219 = arith.extui %eq3A_218 : i1 to i32
        %cond3A_220 = arith.constant 0 : i32
        %cond3A_221 = arith.cmpi ne, %convert_element_type3A_219, %cond3A_220 : i32
        scf.if %cond3A_221 {
          %jit3A_266 = arith.constant 16 : i32
          %div3A_267 = arith.divsi %add3A_144, %jit3A_266 : i32
          %sign3A_268 = arith.constant 0 : i32
          %sign3A_269 = arith.cmpi sgt, %add3A_144, %sign3A_268 : i32
          %sign3A_270 = arith.extui %sign3A_269 : i1 to i32
          %sign3A_271 = arith.constant 0 : i32
          %sign3A_272 = arith.cmpi slt, %add3A_144, %sign3A_271 : i32
          %sign3A_273 = arith.extui %sign3A_272 : i1 to i32
          %sign3A_274 = arith.subi %sign3A_270, %sign3A_273 : i32
          %sign3A_275 = arith.constant 0 : i32
          %sign3A_276 = arith.cmpi sgt, %jit3A_266, %sign3A_275 : i32
          %sign3A_277 = arith.extui %sign3A_276 : i1 to i32
          %sign3A_278 = arith.constant 0 : i32
          %sign3A_279 = arith.cmpi slt, %jit3A_266, %sign3A_278 : i32
          %sign3A_280 = arith.extui %sign3A_279 : i1 to i32
          %sign3A_281 = arith.subi %sign3A_277, %sign3A_280 : i32
          %ne3A_282 = arith.cmpi ne, %sign3A_274, %sign3A_281 : i32
          %rem3A_283 = arith.remsi %add3A_144, %jit3A_266 : i32
          %ne3A_284 = arith.constant 0 : i32
          %ne3A_285 = arith.cmpi ne, %rem3A_283, %ne3A_284 : i32
          %and3A_286 = arith.andi %ne3A_282, %ne3A_285 : i1
          %sub3A_287 = arith.constant 1 : i32
          %sub3A_288 = arith.subi %div3A_267, %sub3A_287 : i32
          %select_n3A_289 = arith.select %and3A_286, %sub3A_288, %div3A_267 : i32
          %rem3A_290 = arith.constant 2 : i32
          %rem3A_291 = arith.remsi %select_n3A_289, %rem3A_290 : i32
          %mul3A_292 = arith.constant 1024 : i32
          %mul3A_293 = arith.muli %rem3A_291, %mul3A_292 : i32
          %mul3A_294 = arith.constant 64 : i32
          %mul3A_295 = arith.muli %add3A_144, %mul3A_294 : i32
          %add3A_296 = arith.addi %mul3A_4, %mul3A_295 : i32
          "tpu.region"() ({
            %run_scoped3A = tpu.sem_alloc : memref<!tpu.dma_semaphore, #tpu.memory_space<semaphore_mem>>
            %dma_start3A_306 = tpu.memref_slice %arg8[%mul3A_293] : memref<2048xi32, #tpu.memory_space<vmem>> -> memref<1024xi32, #tpu.memory_space<vmem>>
            %dma_start3A_307 = tpu.memref_slice %arg2[%add3A_296] : memref<802816xi32, #tpu.memory_space<hbm>> -> memref<1024xi32, #tpu.memory_space<hbm>>
            %dma_start3A_308 = tpu.memref_slice %arg8[%mul3A_293] : memref<2048xi32, #tpu.memory_space<vmem>> -> memref<1024xi32, #tpu.memory_space<vmem>>
            %dma_start3A_309 = tpu.memref_slice %arg2[%add3A_296] : memref<802816xi32, #tpu.memory_space<hbm>> -> memref<1024xi32, #tpu.memory_space<hbm>>
            tpu.enqueue_dma source(%dma_start3A_309 : memref<1024xi32, #tpu.memory_space<hbm>>) target(%dma_start3A_308 : memref<1024xi32, #tpu.memory_space<vmem>>) target_semaphore(%run_scoped3A : memref<!tpu.dma_semaphore, #tpu.memory_space<semaphore_mem>>)
            %dma_wait3A_310 = tpu.memref_slice %arg8[%mul3A_293] : memref<2048xi32, #tpu.memory_space<vmem>> -> memref<1024xi32, #tpu.memory_space<vmem>>
            %dma_wait3A_311 = tpu.memref_slice %arg2[%add3A_296] : memref<802816xi32, #tpu.memory_space<hbm>> -> memref<1024xi32, #tpu.memory_space<hbm>>
            %dma_wait3A_312 = tpu.memref_slice %arg8[%mul3A_293] : memref<2048xi32, #tpu.memory_space<vmem>> -> memref<1024xi32, #tpu.memory_space<vmem>>
            %dma_wait3A_313 = tpu.memref_slice %arg2[%add3A_296] : memref<802816xi32, #tpu.memory_space<hbm>> -> memref<1024xi32, #tpu.memory_space<hbm>>
            tpu.wait_dma2 semaphore(%run_scoped3A : memref<!tpu.dma_semaphore, #tpu.memory_space<semaphore_mem>>) src(%dma_wait3A_313 : memref<1024xi32, #tpu.memory_space<hbm>>) dst(%dma_wait3A_312 : memref<1024xi32, #tpu.memory_space<vmem>>)
            tpu.yield
          }) : () -> ()
          %mul3A_297 = arith.constant 64 : i32
          %mul3A_298 = arith.muli %add3A_144, %mul3A_297 : i32
          %add3A_299 = arith.addi %mul3A_4, %mul3A_298 : i32
          "tpu.region"() ({
            %run_scoped3A = tpu.sem_alloc : memref<!tpu.dma_semaphore, #tpu.memory_space<semaphore_mem>>
            %dma_start3A_306 = tpu.memref_slice %arg9[%mul3A_293] : memref<2048xi32, #tpu.memory_space<vmem>> -> memref<1024xi32, #tpu.memory_space<vmem>>
            %dma_start3A_307 = tpu.memref_slice %arg3[%add3A_299] : memref<802816xi32, #tpu.memory_space<hbm>> -> memref<1024xi32, #tpu.memory_space<hbm>>
            %dma_start3A_308 = tpu.memref_slice %arg9[%mul3A_293] : memref<2048xi32, #tpu.memory_space<vmem>> -> memref<1024xi32, #tpu.memory_space<vmem>>
            %dma_start3A_309 = tpu.memref_slice %arg3[%add3A_299] : memref<802816xi32, #tpu.memory_space<hbm>> -> memref<1024xi32, #tpu.memory_space<hbm>>
            tpu.enqueue_dma source(%dma_start3A_309 : memref<1024xi32, #tpu.memory_space<hbm>>) target(%dma_start3A_308 : memref<1024xi32, #tpu.memory_space<vmem>>) target_semaphore(%run_scoped3A : memref<!tpu.dma_semaphore, #tpu.memory_space<semaphore_mem>>)
            %dma_wait3A_310 = tpu.memref_slice %arg9[%mul3A_293] : memref<2048xi32, #tpu.memory_space<vmem>> -> memref<1024xi32, #tpu.memory_space<vmem>>
            %dma_wait3A_311 = tpu.memref_slice %arg3[%add3A_299] : memref<802816xi32, #tpu.memory_space<hbm>> -> memref<1024xi32, #tpu.memory_space<hbm>>
            %dma_wait3A_312 = tpu.memref_slice %arg9[%mul3A_293] : memref<2048xi32, #tpu.memory_space<vmem>> -> memref<1024xi32, #tpu.memory_space<vmem>>
            %dma_wait3A_313 = tpu.memref_slice %arg3[%add3A_299] : memref<802816xi32, #tpu.memory_space<hbm>> -> memref<1024xi32, #tpu.memory_space<hbm>>
            tpu.wait_dma2 semaphore(%run_scoped3A : memref<!tpu.dma_semaphore, #tpu.memory_space<semaphore_mem>>) src(%dma_wait3A_313 : memref<1024xi32, #tpu.memory_space<hbm>>) dst(%dma_wait3A_312 : memref<1024xi32, #tpu.memory_space<vmem>>)
            tpu.yield
          }) : () -> ()
          %scan3A_300 = arith.constant 0 : i32
          %scan3A_301 = arith.constant 0 : i32
          %scan3A_302 = arith.constant 64 : i32
          %scan3A_303 = arith.addi %scan3A_301, %scan3A_302 : i32
          %scan3A_304 = arith.constant 4 : i32
          scf.for %scan3A_306 = %scan3A_301 to %scan3A_303 step %scan3A_304  : i32 {
            %mul3A_307 = arith.constant 16 : i32
            %mul3A_308 = arith.muli %scan3A_306, %mul3A_307 : i32
            %add3A_309 = arith.addi %mul3A_293, %mul3A_308 : i32
            %get3A = arith.index_cast %add3A_309 : i32 to index
            %get3A_310 = tpu.vector_load %arg8[%get3A] {strides = array<i32>} : memref<2048xi32, #tpu.memory_space<vmem>>, vector<16xi32>,
            %get3A_311 = vector.shape_cast %get3A_310 : vector<16xi32> to vector<16xi32>
            %add3A_312 = vector.broadcast %mul3A_9 : i32 to vector<16xi32>
            %add3A_313 = arith.addi %get3A_311, %add3A_312 : vector<16xi32>
            %swap3A = arith.index_cast %add3A_309 : i32 to index
            %swap3A_314 = tpu.vector_load %arg8[%swap3A] {strides = array<i32>} : memref<2048xi32, #tpu.memory_space<vmem>>, vector<16xi32>,
            %swap3A_315 = vector.shape_cast %swap3A_314 : vector<16xi32> to vector<16xi32>
            %swap3A_316 = vector.shape_cast %add3A_313 : vector<16xi32> to vector<16xi32>
            tpu.vector_store %arg8[%swap3A], %swap3A_316 {strides = array<i32>} : memref<2048xi32, #tpu.memory_space<vmem>>, vector<16xi32>,
            %scan3A_317 = arith.constant 1 : i32
            %scan3A_318 = arith.addi %scan3A_306, %scan3A_317 : i32
            %mul3A_319 = arith.constant 16 : i32
            %mul3A_320 = arith.muli %scan3A_318, %mul3A_319 : i32
            %add3A_321 = arith.addi %mul3A_293, %mul3A_320 : i32
            %get3A_322 = arith.index_cast %add3A_321 : i32 to index
            %get3A_323 = tpu.vector_load %arg8[%get3A_322] {strides = array<i32>} : memref<2048xi32, #tpu.memory_space<vmem>>, vector<16xi32>,
            %get3A_324 = vector.shape_cast %get3A_323 : vector<16xi32> to vector<16xi32>
            %add3A_325 = vector.broadcast %mul3A_9 : i32 to vector<16xi32>
            %add3A_326 = arith.addi %get3A_324, %add3A_325 : vector<16xi32>
            %swap3A_327 = arith.index_cast %add3A_321 : i32 to index
            %swap3A_328 = tpu.vector_load %arg8[%swap3A_327] {strides = array<i32>} : memref<2048xi32, #tpu.memory_space<vmem>>, vector<16xi32>,
            %swap3A_329 = vector.shape_cast %swap3A_328 : vector<16xi32> to vector<16xi32>
            %swap3A_330 = vector.shape_cast %add3A_326 : vector<16xi32> to vector<16xi32>
            tpu.vector_store %arg8[%swap3A_327], %swap3A_330 {strides = array<i32>} : memref<2048xi32, #tpu.memory_space<vmem>>, vector<16xi32>,
            %scan3A_331 = arith.constant 2 : i32
            %scan3A_332 = arith.addi %scan3A_306, %scan3A_331 : i32
            %mul3A_333 = arith.constant 16 : i32
            %mul3A_334 = arith.muli %scan3A_332, %mul3A_333 : i32
            %add3A_335 = arith.addi %mul3A_293, %mul3A_334 : i32
            %get3A_336 = arith.index_cast %add3A_335 : i32 to index
            %get3A_337 = tpu.vector_load %arg8[%get3A_336] {strides = array<i32>} : memref<2048xi32, #tpu.memory_space<vmem>>, vector<16xi32>,
            %get3A_338 = vector.shape_cast %get3A_337 : vector<16xi32> to vector<16xi32>
            %add3A_339 = vector.broadcast %mul3A_9 : i32 to vector<16xi32>
            %add3A_340 = arith.addi %get3A_338, %add3A_339 : vector<16xi32>
            %swap3A_341 = arith.index_cast %add3A_335 : i32 to index
            %swap3A_342 = tpu.vector_load %arg8[%swap3A_341] {strides = array<i32>} : memref<2048xi32, #tpu.memory_space<vmem>>, vector<16xi32>,
            %swap3A_343 = vector.shape_cast %swap3A_342 : vector<16xi32> to vector<16xi32>
            %swap3A_344 = vector.shape_cast %add3A_340 : vector<16xi32> to vector<16xi32>
            tpu.vector_store %arg8[%swap3A_341], %swap3A_344 {strides = array<i32>} : memref<2048xi32, #tpu.memory_space<vmem>>, vector<16xi32>,
            %scan3A_345 = arith.constant 3 : i32
            %scan3A_346 = arith.addi %scan3A_306, %scan3A_345 : i32
            %mul3A_347 = arith.constant 16 : i32
            %mul3A_348 = arith.muli %scan3A_346, %mul3A_347 : i32
            %add3A_349 = arith.addi %mul3A_293, %mul3A_348 : i32
            %get3A_350 = arith.index_cast %add3A_349 : i32 to index
            %get3A_351 = tpu.vector_load %arg8[%get3A_350] {strides = array<i32>} : memref<2048xi32, #tpu.memory_space<vmem>>, vector<16xi32>,
            %get3A_352 = vector.shape_cast %get3A_351 : vector<16xi32> to vector<16xi32>
            %add3A_353 = vector.broadcast %mul3A_9 : i32 to vector<16xi32>
            %add3A_354 = arith.addi %get3A_352, %add3A_353 : vector<16xi32>
            %swap3A_355 = arith.index_cast %add3A_349 : i32 to index
            %swap3A_356 = tpu.vector_load %arg8[%swap3A_355] {strides = array<i32>} : memref<2048xi32, #tpu.memory_space<vmem>>, vector<16xi32>,
            %swap3A_357 = vector.shape_cast %swap3A_356 : vector<16xi32> to vector<16xi32>
            %swap3A_358 = vector.shape_cast %add3A_354 : vector<16xi32> to vector<16xi32>
            tpu.vector_store %arg8[%swap3A_355], %swap3A_358 {strides = array<i32>} : memref<2048xi32, #tpu.memory_space<vmem>>, vector<16xi32>,
          }
          %scan3A_305 = arith.constant 64 : i32
        } else {
        }
        %mul3A_222 = arith.constant 32 : i32
        %mul3A_223 = arith.muli %add3A_144, %mul3A_222 : i32
        %add3A_224 = arith.addi %add3A_7, %mul3A_223 : i32
        %dma_start3A_225 = arith.constant 0 : i32
        %dma_start3A_226 = tpu.memref_slice %arg5[%add3A_224, %dma_start3A_225] : memref<1204224x128xf32, #tpu.memory_space<hbm>> -> memref<32x128xf32, #tpu.memory_space<hbm>>
        %dma_start3A_227 = arith.constant 0 : i32
        %dma_start3A_228 = tpu.memref_slice %arg5[%add3A_224, %dma_start3A_227] : memref<1204224x128xf32, #tpu.memory_space<hbm>> -> memref<32x128xf32, #tpu.memory_space<hbm>>
        tpu.enqueue_dma source(%dma_start3A_228 : memref<32x128xf32, #tpu.memory_space<hbm>>) target(%arg10 : memref<32x128xf32, #tpu.memory_space<vmem>>) target_semaphore(%arg17 : memref<!tpu.dma_semaphore, #tpu.memory_space<semaphore_mem>>)
        %jit3A_229 = arith.constant 16 : i32
        %div3A_230 = arith.divsi %add3A_144, %jit3A_229 : i32
        %sign3A_231 = arith.constant 0 : i32
        %sign3A_232 = arith.cmpi sgt, %add3A_144, %sign3A_231 : i32
        %sign3A_233 = arith.extui %sign3A_232 : i1 to i32
        %sign3A_234 = arith.constant 0 : i32
        %sign3A_235 = arith.cmpi slt, %add3A_144, %sign3A_234 : i32
        %sign3A_236 = arith.extui %sign3A_235 : i1 to i32
        %sign3A_237 = arith.subi %sign3A_233, %sign3A_236 : i32
        %sign3A_238 = arith.constant 0 : i32
        %sign3A_239 = arith.cmpi sgt, %jit3A_229, %sign3A_238 : i32
        %sign3A_240 = arith.extui %sign3A_239 : i1 to i32
        %sign3A_241 = arith.constant 0 : i32
        %sign3A_242 = arith.cmpi slt, %jit3A_229, %sign3A_241 : i32
        %sign3A_243 = arith.extui %sign3A_242 : i1 to i32
        %sign3A_244 = arith.subi %sign3A_240, %sign3A_243 : i32
        %ne3A_245 = arith.cmpi ne, %sign3A_237, %sign3A_244 : i32
        %rem3A_246 = arith.remsi %add3A_144, %jit3A_229 : i32
        %ne3A_247 = arith.constant 0 : i32
        %ne3A_248 = arith.cmpi ne, %rem3A_246, %ne3A_247 : i32
        %and3A_249 = arith.andi %ne3A_245, %ne3A_248 : i1
        %sub3A_250 = arith.constant 1 : i32
        %sub3A_251 = arith.subi %div3A_230, %sub3A_250 : i32
        %select_n3A_252 = arith.select %and3A_249, %sub3A_251, %div3A_230 : i32
        %rem3A_253 = arith.constant 2 : i32
        %rem3A_254 = arith.remsi %select_n3A_252, %rem3A_253 : i32
        %mul3A_255 = arith.constant 1024 : i32
        %mul3A_256 = arith.muli %rem3A_254, %mul3A_255 : i32
        %rem3A_257 = arith.constant 16 : i32
        %rem3A_258 = arith.remsi %add3A_144, %rem3A_257 : i32
        %mul3A_259 = arith.constant 64 : i32
        %mul3A_260 = arith.muli %rem3A_258, %mul3A_259 : i32
        %add3A_261 = arith.addi %mul3A_256, %mul3A_260 : i32
        %dma_start3A_262 = tpu.memref_slice %arg8[%add3A_261] : memref<2048xi32, #tpu.memory_space<vmem>> -> memref<64xi32, #tpu.memory_space<vmem>>
        %dma_start3A_263 = arith.constant 0 : i32
        %dma_start3A_264 = arith.constant 0 : i32
        %dma_start3A_265 = tpu.memref_slice %arg4[%dma_start3A_263, %dma_start3A_264] : memref<100000x32xf32, #tpu.memory_space<hbm>> -> memref<100000x32xf32, #tpu.memory_space<hbm>>
        tpu.enqueue_indirect_dma source(%dma_start3A_265 : memref<100000x32xf32, #tpu.memory_space<hbm>>) target(%arg12 : memref<64x32xf32, #tpu.memory_space<vmem>>) offsets(%dma_start3A_262 : memref<64xi32, #tpu.memory_space<vmem>>) semaphore(%arg17 : memref<!tpu.dma_semaphore, #tpu.memory_space<semaphore_mem>>)
      } else {
      }
      %dma_wait3A_150 = arith.constant 0 : i32
      %dma_wait3A_151 = tpu.memref_slice %arg5[%add3A_7, %dma_wait3A_150] : memref<1204224x128xf32, #tpu.memory_space<hbm>> -> memref<32x128xf32, #tpu.memory_space<hbm>>
      %dma_wait3A_152 = arith.constant 0 : i32
      %dma_wait3A_153 = tpu.memref_slice %arg5[%add3A_7, %dma_wait3A_152] : memref<1204224x128xf32, #tpu.memory_space<hbm>> -> memref<32x128xf32, #tpu.memory_space<hbm>>
      tpu.wait_dma2 semaphore(%arg18 : memref<!tpu.dma_semaphore, #tpu.memory_space<semaphore_mem>>) src(%dma_wait3A_153 : memref<32x128xf32, #tpu.memory_space<hbm>>) dst(%arg11 : memref<32x128xf32, #tpu.memory_space<vmem>>)
      %dma_wait3A_154 = arith.constant 0 : i32
      %dma_wait3A_155 = arith.constant 0 : i32
      %dma_wait3A_156 = tpu.memref_slice %arg4[%dma_wait3A_154, %dma_wait3A_155] : memref<100000x32xf32, #tpu.memory_space<hbm>> -> memref<64x32xf32, #tpu.memory_space<hbm>>
      %dma_wait3A_157 = arith.constant 0 : i32
      %dma_wait3A_158 = arith.constant 0 : i32
      %dma_wait3A_159 = tpu.memref_slice %arg4[%dma_wait3A_157, %dma_wait3A_158] : memref<100000x32xf32, #tpu.memory_space<hbm>> -> memref<64x32xf32, #tpu.memory_space<hbm>>
      tpu.wait_dma2 semaphore(%arg18 : memref<!tpu.dma_semaphore, #tpu.memory_space<semaphore_mem>>) src(%dma_wait3A_159 : memref<64x32xf32, #tpu.memory_space<hbm>>) dst(%arg13 : memref<64x32xf32, #tpu.memory_space<vmem>>)
      %ge3A_160 = arith.constant 2 : i32
      %ge3A_161 = arith.cmpi sge, %add3A_92, %ge3A_160 : i32
      %convert_element_type3A_162 = arith.extui %ge3A_161 : i1 to i32
      %cond3A_163 = arith.constant 0 : i32
      %cond3A_164 = arith.cmpi ne, %convert_element_type3A_162, %cond3A_163 : i32
      scf.if %cond3A_164 {
        %dma_wait3A_215 = arith.constant 0 : i32
        %dma_wait3A_216 = tpu.memref_slice %arg9[%dma_wait3A_215] : memref<2048xi32, #tpu.memory_space<vmem>> -> memref<64xi32, #tpu.memory_space<vmem>>
        %dma_wait3A_217 = arith.constant 0 : i32
        %dma_wait3A_218 = arith.constant 0 : i32
        %dma_wait3A_219 = tpu.memref_slice %arg16[%dma_wait3A_217, %dma_wait3A_218] : memref<50048x32xf32, #tpu.memory_space<vmem_shared>> -> memref<50048x32xf32, #tpu.memory_space<vmem_shared>>
        tpu.wait_indirect_dma semaphore(%arg20 : memref<!tpu.dma_semaphore, #tpu.memory_space<semaphore_mem>>) src(%arg15 : memref<64x32xf32, #tpu.memory_space<vmem>>) dst(%dma_wait3A_219 : memref<50048x32xf32, #tpu.memory_space<vmem_shared>>)
      } else {
      }
      %scan3A_165 = arith.constant 0 : i32
      %scan3A_166 = arith.constant 0 : i32
      %scan3A_167 = arith.constant 32 : i32
      %scan3A_168 = arith.addi %scan3A_166, %scan3A_167 : i32
      %scan3A_169 = arith.constant 4 : i32
      scf.for %scan3A_215 = %scan3A_166 to %scan3A_168 step %scan3A_169  : i32 {
        %mul3A_216 = arith.constant 2 : i32
        %mul3A_217 = arith.muli %mul3A_216, %scan3A_215 : i32
        %add3A_218 = arith.constant 1 : i32
        %add3A_219 = arith.addi %mul3A_217, %add3A_218 : i32
        %get3A = arith.index_cast %mul3A_217 : i32 to index
        %get3A_220 = arith.constant 0 : index
        %get3A_221 = tpu.vector_load %arg13[%get3A, %get3A_220] {strides = array<i32>} : memref<64x32xf32, #tpu.memory_space<vmem>>, vector<1x16xf32>,
        %get3A_222 = vector.shape_cast %get3A_221 : vector<1x16xf32> to vector<16xf32>
        %get3A_223 = arith.index_cast %scan3A_215 : i32 to index
        %get3A_224 = arith.index_cast %mul3A_0 : i32 to index
        %get3A_225 = tpu.vector_load %arg11[%get3A_223, %get3A_224] {strides = array<i32>} : memref<32x128xf32, #tpu.memory_space<vmem>>, vector<1x16xf32>,
        %get3A_226 = vector.shape_cast %get3A_225 : vector<1x16xf32> to vector<16xf32>
        %mul3A_227 = arith.mulf %get3A_222, %get3A_226 : vector<16xf32>
        %swap3A = arith.index_cast %mul3A_217 : i32 to index
        %swap3A_228 = arith.constant 0 : index
        %swap3A_229 = tpu.vector_load %arg15[%swap3A, %swap3A_228] {strides = array<i32>} : memref<64x32xf32, #tpu.memory_space<vmem>>, vector<1x16xf32>,
        %swap3A_230 = vector.shape_cast %swap3A_229 : vector<1x16xf32> to vector<16xf32>
        %swap3A_231 = vector.shape_cast %mul3A_227 : vector<16xf32> to vector<1x16xf32>
        tpu.vector_store %arg15[%swap3A, %swap3A_228], %swap3A_231 {strides = array<i32>} : memref<64x32xf32, #tpu.memory_space<vmem>>, vector<1x16xf32>,
        %get3A_232 = arith.index_cast %mul3A_217 : i32 to index
        %get3A_233 = arith.constant 16 : index
        %get3A_234 = tpu.vector_load %arg13[%get3A_232, %get3A_233] {strides = array<i32>} : memref<64x32xf32, #tpu.memory_space<vmem>>, vector<1x16xf32>,
        %get3A_235 = vector.shape_cast %get3A_234 : vector<1x16xf32> to vector<16xf32>
        %add3A_236 = arith.constant 16 : i32
        %add3A_237 = arith.addi %mul3A_0, %add3A_236 : i32
        %get3A_238 = arith.index_cast %scan3A_215 : i32 to index
        %get3A_239 = arith.index_cast %add3A_237 : i32 to index
        %get3A_240 = tpu.vector_load %arg11[%get3A_238, %get3A_239] {strides = array<i32>} : memref<32x128xf32, #tpu.memory_space<vmem>>, vector<1x16xf32>,
        %get3A_241 = vector.shape_cast %get3A_240 : vector<1x16xf32> to vector<16xf32>
        %mul3A_242 = arith.mulf %get3A_235, %get3A_241 : vector<16xf32>
        %swap3A_243 = arith.index_cast %mul3A_217 : i32 to index
        %swap3A_244 = arith.constant 16 : index
        %swap3A_245 = tpu.vector_load %arg15[%swap3A_243, %swap3A_244] {strides = array<i32>} : memref<64x32xf32, #tpu.memory_space<vmem>>, vector<1x16xf32>,
        %swap3A_246 = vector.shape_cast %swap3A_245 : vector<1x16xf32> to vector<16xf32>
        %swap3A_247 = vector.shape_cast %mul3A_242 : vector<16xf32> to vector<1x16xf32>
        tpu.vector_store %arg15[%swap3A_243, %swap3A_244], %swap3A_247 {strides = array<i32>} : memref<64x32xf32, #tpu.memory_space<vmem>>, vector<1x16xf32>,
        %get3A_248 = arith.index_cast %add3A_219 : i32 to index
        %get3A_249 = arith.constant 0 : index
        %get3A_250 = tpu.vector_load %arg13[%get3A_248, %get3A_249] {strides = array<i32>} : memref<64x32xf32, #tpu.memory_space<vmem>>, vector<1x16xf32>,
        %get3A_251 = vector.shape_cast %get3A_250 : vector<1x16xf32> to vector<16xf32>
        %add3A_252 = arith.constant 64 : i32
        %add3A_253 = arith.addi %add3A_252, %mul3A_0 : i32
        %get3A_254 = arith.index_cast %scan3A_215 : i32 to index
        %get3A_255 = arith.index_cast %add3A_253 : i32 to index
        %get3A_256 = tpu.vector_load %arg11[%get3A_254, %get3A_255] {strides = array<i32>} : memref<32x128xf32, #tpu.memory_space<vmem>>, vector<1x16xf32>,
        %get3A_257 = vector.shape_cast %get3A_256 : vector<1x16xf32> to vector<16xf32>
        %mul3A_258 = arith.mulf %get3A_251, %get3A_257 : vector<16xf32>
        %swap3A_259 = arith.index_cast %add3A_219 : i32 to index
        %swap3A_260 = arith.constant 0 : index
        %swap3A_261 = tpu.vector_load %arg15[%swap3A_259, %swap3A_260] {strides = array<i32>} : memref<64x32xf32, #tpu.memory_space<vmem>>, vector<1x16xf32>,
        %swap3A_262 = vector.shape_cast %swap3A_261 : vector<1x16xf32> to vector<16xf32>
        %swap3A_263 = vector.shape_cast %mul3A_258 : vector<16xf32> to vector<1x16xf32>
        tpu.vector_store %arg15[%swap3A_259, %swap3A_260], %swap3A_263 {strides = array<i32>} : memref<64x32xf32, #tpu.memory_space<vmem>>, vector<1x16xf32>,
        %get3A_264 = arith.index_cast %add3A_219 : i32 to index
        %get3A_265 = arith.constant 16 : index
        %get3A_266 = tpu.vector_load %arg13[%get3A_264, %get3A_265] {strides = array<i32>} : memref<64x32xf32, #tpu.memory_space<vmem>>, vector<1x16xf32>,
        %get3A_267 = vector.shape_cast %get3A_266 : vector<1x16xf32> to vector<16xf32>
        %add3A_268 = arith.constant 64 : i32
        %add3A_269 = arith.addi %add3A_268, %mul3A_0 : i32
        %add3A_270 = arith.constant 16 : i32
        %add3A_271 = arith.addi %add3A_269, %add3A_270 : i32
        %get3A_272 = arith.index_cast %scan3A_215 : i32 to index
        %get3A_273 = arith.index_cast %add3A_271 : i32 to index
        %get3A_274 = tpu.vector_load %arg11[%get3A_272, %get3A_273] {strides = array<i32>} : memref<32x128xf32, #tpu.memory_space<vmem>>, vector<1x16xf32>,
        %get3A_275 = vector.shape_cast %get3A_274 : vector<1x16xf32> to vector<16xf32>
        %mul3A_276 = arith.mulf %get3A_267, %get3A_275 : vector<16xf32>
        %swap3A_277 = arith.index_cast %add3A_219 : i32 to index
        %swap3A_278 = arith.constant 16 : index
        %swap3A_279 = tpu.vector_load %arg15[%swap3A_277, %swap3A_278] {strides = array<i32>} : memref<64x32xf32, #tpu.memory_space<vmem>>, vector<1x16xf32>,
        %swap3A_280 = vector.shape_cast %swap3A_279 : vector<1x16xf32> to vector<16xf32>
        %swap3A_281 = vector.shape_cast %mul3A_276 : vector<16xf32> to vector<1x16xf32>
        tpu.vector_store %arg15[%swap3A_277, %swap3A_278], %swap3A_281 {strides = array<i32>} : memref<64x32xf32, #tpu.memory_space<vmem>>, vector<1x16xf32>,
        %scan3A_282 = arith.constant 1 : i32
        %scan3A_283 = arith.addi %scan3A_215, %scan3A_282 : i32
        %mul3A_284 = arith.constant 2 : i32
        %mul3A_285 = arith.muli %mul3A_284, %scan3A_283 : i32
        %add3A_286 = arith.constant 1 : i32
        %add3A_287 = arith.addi %mul3A_285, %add3A_286 : i32
        %get3A_288 = arith.index_cast %mul3A_285 : i32 to index
        %get3A_289 = arith.constant 0 : index
        %get3A_290 = tpu.vector_load %arg13[%get3A_288, %get3A_289] {strides = array<i32>} : memref<64x32xf32, #tpu.memory_space<vmem>>, vector<1x16xf32>,
        %get3A_291 = vector.shape_cast %get3A_290 : vector<1x16xf32> to vector<16xf32>
        %get3A_292 = arith.index_cast %scan3A_283 : i32 to index
        %get3A_293 = arith.index_cast %mul3A_0 : i32 to index
        %get3A_294 = tpu.vector_load %arg11[%get3A_292, %get3A_293] {strides = array<i32>} : memref<32x128xf32, #tpu.memory_space<vmem>>, vector<1x16xf32>,
        %get3A_295 = vector.shape_cast %get3A_294 : vector<1x16xf32> to vector<16xf32>
        %mul3A_296 = arith.mulf %get3A_291, %get3A_295 : vector<16xf32>
        %swap3A_297 = arith.index_cast %mul3A_285 : i32 to index
        %swap3A_298 = arith.constant 0 : index
        %swap3A_299 = tpu.vector_load %arg15[%swap3A_297, %swap3A_298] {strides = array<i32>} : memref<64x32xf32, #tpu.memory_space<vmem>>, vector<1x16xf32>,
        %swap3A_300 = vector.shape_cast %swap3A_299 : vector<1x16xf32> to vector<16xf32>
        %swap3A_301 = vector.shape_cast %mul3A_296 : vector<16xf32> to vector<1x16xf32>
        tpu.vector_store %arg15[%swap3A_297, %swap3A_298], %swap3A_301 {strides = array<i32>} : memref<64x32xf32, #tpu.memory_space<vmem>>, vector<1x16xf32>,
        %get3A_302 = arith.index_cast %mul3A_285 : i32 to index
        %get3A_303 = arith.constant 16 : index
        %get3A_304 = tpu.vector_load %arg13[%get3A_302, %get3A_303] {strides = array<i32>} : memref<64x32xf32, #tpu.memory_space<vmem>>, vector<1x16xf32>,
        %get3A_305 = vector.shape_cast %get3A_304 : vector<1x16xf32> to vector<16xf32>
        %add3A_306 = arith.constant 16 : i32
        %add3A_307 = arith.addi %mul3A_0, %add3A_306 : i32
        %get3A_308 = arith.index_cast %scan3A_283 : i32 to index
        %get3A_309 = arith.index_cast %add3A_307 : i32 to index
        %get3A_310 = tpu.vector_load %arg11[%get3A_308, %get3A_309] {strides = array<i32>} : memref<32x128xf32, #tpu.memory_space<vmem>>, vector<1x16xf32>,
        %get3A_311 = vector.shape_cast %get3A_310 : vector<1x16xf32> to vector<16xf32>
        %mul3A_312 = arith.mulf %get3A_305, %get3A_311 : vector<16xf32>
        %swap3A_313 = arith.index_cast %mul3A_285 : i32 to index
        %swap3A_314 = arith.constant 16 : index
        %swap3A_315 = tpu.vector_load %arg15[%swap3A_313, %swap3A_314] {strides = array<i32>} : memref<64x32xf32, #tpu.memory_space<vmem>>, vector<1x16xf32>,
        %swap3A_316 = vector.shape_cast %swap3A_315 : vector<1x16xf32> to vector<16xf32>
        %swap3A_317 = vector.shape_cast %mul3A_312 : vector<16xf32> to vector<1x16xf32>
        tpu.vector_store %arg15[%swap3A_313, %swap3A_314], %swap3A_317 {strides = array<i32>} : memref<64x32xf32, #tpu.memory_space<vmem>>, vector<1x16xf32>,
        %get3A_318 = arith.index_cast %add3A_287 : i32 to index
        %get3A_319 = arith.constant 0 : index
        %get3A_320 = tpu.vector_load %arg13[%get3A_318, %get3A_319] {strides = array<i32>} : memref<64x32xf32, #tpu.memory_space<vmem>>, vector<1x16xf32>,
        %get3A_321 = vector.shape_cast %get3A_320 : vector<1x16xf32> to vector<16xf32>
        %add3A_322 = arith.constant 64 : i32
        %add3A_323 = arith.addi %add3A_322, %mul3A_0 : i32
        %get3A_324 = arith.index_cast %scan3A_283 : i32 to index
        %get3A_325 = arith.index_cast %add3A_323 : i32 to index
        %get3A_326 = tpu.vector_load %arg11[%get3A_324, %get3A_325] {strides = array<i32>} : memref<32x128xf32, #tpu.memory_space<vmem>>, vector<1x16xf32>,
        %get3A_327 = vector.shape_cast %get3A_326 : vector<1x16xf32> to vector<16xf32>
        %mul3A_328 = arith.mulf %get3A_321, %get3A_327 : vector<16xf32>
        %swap3A_329 = arith.index_cast %add3A_287 : i32 to index
        %swap3A_330 = arith.constant 0 : index
        %swap3A_331 = tpu.vector_load %arg15[%swap3A_329, %swap3A_330] {strides = array<i32>} : memref<64x32xf32, #tpu.memory_space<vmem>>, vector<1x16xf32>,
        %swap3A_332 = vector.shape_cast %swap3A_331 : vector<1x16xf32> to vector<16xf32>
        %swap3A_333 = vector.shape_cast %mul3A_328 : vector<16xf32> to vector<1x16xf32>
        tpu.vector_store %arg15[%swap3A_329, %swap3A_330], %swap3A_333 {strides = array<i32>} : memref<64x32xf32, #tpu.memory_space<vmem>>, vector<1x16xf32>,
        %get3A_334 = arith.index_cast %add3A_287 : i32 to index
        %get3A_335 = arith.constant 16 : index
        %get3A_336 = tpu.vector_load %arg13[%get3A_334, %get3A_335] {strides = array<i32>} : memref<64x32xf32, #tpu.memory_space<vmem>>, vector<1x16xf32>,
        %get3A_337 = vector.shape_cast %get3A_336 : vector<1x16xf32> to vector<16xf32>
        %add3A_338 = arith.constant 64 : i32
        %add3A_339 = arith.addi %add3A_338, %mul3A_0 : i32
        %add3A_340 = arith.constant 16 : i32
        %add3A_341 = arith.addi %add3A_339, %add3A_340 : i32
        %get3A_342 = arith.index_cast %scan3A_283 : i32 to index
        %get3A_343 = arith.index_cast %add3A_341 : i32 to index
        %get3A_344 = tpu.vector_load %arg11[%get3A_342, %get3A_343] {strides = array<i32>} : memref<32x128xf32, #tpu.memory_space<vmem>>, vector<1x16xf32>,
        %get3A_345 = vector.shape_cast %get3A_344 : vector<1x16xf32> to vector<16xf32>
        %mul3A_346 = arith.mulf %get3A_337, %get3A_345 : vector<16xf32>
        %swap3A_347 = arith.index_cast %add3A_287 : i32 to index
        %swap3A_348 = arith.constant 16 : index
        %swap3A_349 = tpu.vector_load %arg15[%swap3A_347, %swap3A_348] {strides = array<i32>} : memref<64x32xf32, #tpu.memory_space<vmem>>, vector<1x16xf32>,
        %swap3A_350 = vector.shape_cast %swap3A_349 : vector<1x16xf32> to vector<16xf32>
        %swap3A_351 = vector.shape_cast %mul3A_346 : vector<16xf32> to vector<1x16xf32>
        tpu.vector_store %arg15[%swap3A_347, %swap3A_348], %swap3A_351 {strides = array<i32>} : memref<64x32xf32, #tpu.memory_space<vmem>>, vector<1x16xf32>,
        %scan3A_352 = arith.constant 2 : i32
        %scan3A_353 = arith.addi %scan3A_215, %scan3A_352 : i32
        %mul3A_354 = arith.constant 2 : i32
        %mul3A_355 = arith.muli %mul3A_354, %scan3A_353 : i32
        %add3A_356 = arith.constant 1 : i32
        %add3A_357 = arith.addi %mul3A_355, %add3A_356 : i32
        %get3A_358 = arith.index_cast %mul3A_355 : i32 to index
        %get3A_359 = arith.constant 0 : index
        %get3A_360 = tpu.vector_load %arg13[%get3A_358, %get3A_359] {strides = array<i32>} : memref<64x32xf32, #tpu.memory_space<vmem>>, vector<1x16xf32>,
        %get3A_361 = vector.shape_cast %get3A_360 : vector<1x16xf32> to vector<16xf32>
        %get3A_362 = arith.index_cast %scan3A_353 : i32 to index
        %get3A_363 = arith.index_cast %mul3A_0 : i32 to index
        %get3A_364 = tpu.vector_load %arg11[%get3A_362, %get3A_363] {strides = array<i32>} : memref<32x128xf32, #tpu.memory_space<vmem>>, vector<1x16xf32>,
        %get3A_365 = vector.shape_cast %get3A_364 : vector<1x16xf32> to vector<16xf32>
        %mul3A_366 = arith.mulf %get3A_361, %get3A_365 : vector<16xf32>
        %swap3A_367 = arith.index_cast %mul3A_355 : i32 to index
        %swap3A_368 = arith.constant 0 : index
        %swap3A_369 = tpu.vector_load %arg15[%swap3A_367, %swap3A_368] {strides = array<i32>} : memref<64x32xf32, #tpu.memory_space<vmem>>, vector<1x16xf32>,
        %swap3A_370 = vector.shape_cast %swap3A_369 : vector<1x16xf32> to vector<16xf32>
        %swap3A_371 = vector.shape_cast %mul3A_366 : vector<16xf32> to vector<1x16xf32>
        tpu.vector_store %arg15[%swap3A_367, %swap3A_368], %swap3A_371 {strides = array<i32>} : memref<64x32xf32, #tpu.memory_space<vmem>>, vector<1x16xf32>,
        %get3A_372 = arith.index_cast %mul3A_355 : i32 to index
        %get3A_373 = arith.constant 16 : index
        %get3A_374 = tpu.vector_load %arg13[%get3A_372, %get3A_373] {strides = array<i32>} : memref<64x32xf32, #tpu.memory_space<vmem>>, vector<1x16xf32>,
        %get3A_375 = vector.shape_cast %get3A_374 : vector<1x16xf32> to vector<16xf32>
        %add3A_376 = arith.constant 16 : i32
        %add3A_377 = arith.addi %mul3A_0, %add3A_376 : i32
        %get3A_378 = arith.index_cast %scan3A_353 : i32 to index
        %get3A_379 = arith.index_cast %add3A_377 : i32 to index
        %get3A_380 = tpu.vector_load %arg11[%get3A_378, %get3A_379] {strides = array<i32>} : memref<32x128xf32, #tpu.memory_space<vmem>>, vector<1x16xf32>,
        %get3A_381 = vector.shape_cast %get3A_380 : vector<1x16xf32> to vector<16xf32>
        %mul3A_382 = arith.mulf %get3A_375, %get3A_381 : vector<16xf32>
        %swap3A_383 = arith.index_cast %mul3A_355 : i32 to index
        %swap3A_384 = arith.constant 16 : index
        %swap3A_385 = tpu.vector_load %arg15[%swap3A_383, %swap3A_384] {strides = array<i32>} : memref<64x32xf32, #tpu.memory_space<vmem>>, vector<1x16xf32>,
        %swap3A_386 = vector.shape_cast %swap3A_385 : vector<1x16xf32> to vector<16xf32>
        %swap3A_387 = vector.shape_cast %mul3A_382 : vector<16xf32> to vector<1x16xf32>
        tpu.vector_store %arg15[%swap3A_383, %swap3A_384], %swap3A_387 {strides = array<i32>} : memref<64x32xf32, #tpu.memory_space<vmem>>, vector<1x16xf32>,
        %get3A_388 = arith.index_cast %add3A_357 : i32 to index
        %get3A_389 = arith.constant 0 : index
        %get3A_390 = tpu.vector_load %arg13[%get3A_388, %get3A_389] {strides = array<i32>} : memref<64x32xf32, #tpu.memory_space<vmem>>, vector<1x16xf32>,
        %get3A_391 = vector.shape_cast %get3A_390 : vector<1x16xf32> to vector<16xf32>
        %add3A_392 = arith.constant 64 : i32
        %add3A_393 = arith.addi %add3A_392, %mul3A_0 : i32
        %get3A_394 = arith.index_cast %scan3A_353 : i32 to index
        %get3A_395 = arith.index_cast %add3A_393 : i32 to index
        %get3A_396 = tpu.vector_load %arg11[%get3A_394, %get3A_395] {strides = array<i32>} : memref<32x128xf32, #tpu.memory_space<vmem>>, vector<1x16xf32>,
        %get3A_397 = vector.shape_cast %get3A_396 : vector<1x16xf32> to vector<16xf32>
        %mul3A_398 = arith.mulf %get3A_391, %get3A_397 : vector<16xf32>
        %swap3A_399 = arith.index_cast %add3A_357 : i32 to index
        %swap3A_400 = arith.constant 0 : index
        %swap3A_401 = tpu.vector_load %arg15[%swap3A_399, %swap3A_400] {strides = array<i32>} : memref<64x32xf32, #tpu.memory_space<vmem>>, vector<1x16xf32>,
        %swap3A_402 = vector.shape_cast %swap3A_401 : vector<1x16xf32> to vector<16xf32>
        %swap3A_403 = vector.shape_cast %mul3A_398 : vector<16xf32> to vector<1x16xf32>
        tpu.vector_store %arg15[%swap3A_399, %swap3A_400], %swap3A_403 {strides = array<i32>} : memref<64x32xf32, #tpu.memory_space<vmem>>, vector<1x16xf32>,
        %get3A_404 = arith.index_cast %add3A_357 : i32 to index
        %get3A_405 = arith.constant 16 : index
        %get3A_406 = tpu.vector_load %arg13[%get3A_404, %get3A_405] {strides = array<i32>} : memref<64x32xf32, #tpu.memory_space<vmem>>, vector<1x16xf32>,
        %get3A_407 = vector.shape_cast %get3A_406 : vector<1x16xf32> to vector<16xf32>
        %add3A_408 = arith.constant 64 : i32
        %add3A_409 = arith.addi %add3A_408, %mul3A_0 : i32
        %add3A_410 = arith.constant 16 : i32
        %add3A_411 = arith.addi %add3A_409, %add3A_410 : i32
        %get3A_412 = arith.index_cast %scan3A_353 : i32 to index
        %get3A_413 = arith.index_cast %add3A_411 : i32 to index
        %get3A_414 = tpu.vector_load %arg11[%get3A_412, %get3A_413] {strides = array<i32>} : memref<32x128xf32, #tpu.memory_space<vmem>>, vector<1x16xf32>,
        %get3A_415 = vector.shape_cast %get3A_414 : vector<1x16xf32> to vector<16xf32>
        %mul3A_416 = arith.mulf %get3A_407, %get3A_415 : vector<16xf32>
        %swap3A_417 = arith.index_cast %add3A_357 : i32 to index
        %swap3A_418 = arith.constant 16 : index
        %swap3A_419 = tpu.vector_load %arg15[%swap3A_417, %swap3A_418] {strides = array<i32>} : memref<64x32xf32, #tpu.memory_space<vmem>>, vector<1x16xf32>,
        %swap3A_420 = vector.shape_cast %swap3A_419 : vector<1x16xf32> to vector<16xf32>
        %swap3A_421 = vector.shape_cast %mul3A_416 : vector<16xf32> to vector<1x16xf32>
        tpu.vector_store %arg15[%swap3A_417, %swap3A_418], %swap3A_421 {strides = array<i32>} : memref<64x32xf32, #tpu.memory_space<vmem>>, vector<1x16xf32>,
        %scan3A_422 = arith.constant 3 : i32
        %scan3A_423 = arith.addi %scan3A_215, %scan3A_422 : i32
        %mul3A_424 = arith.constant 2 : i32
        %mul3A_425 = arith.muli %mul3A_424, %scan3A_423 : i32
        %add3A_426 = arith.constant 1 : i32
        %add3A_427 = arith.addi %mul3A_425, %add3A_426 : i32
        %get3A_428 = arith.index_cast %mul3A_425 : i32 to index
        %get3A_429 = arith.constant 0 : index
        %get3A_430 = tpu.vector_load %arg13[%get3A_428, %get3A_429] {strides = array<i32>} : memref<64x32xf32, #tpu.memory_space<vmem>>, vector<1x16xf32>,
        %get3A_431 = vector.shape_cast %get3A_430 : vector<1x16xf32> to vector<16xf32>
        %get3A_432 = arith.index_cast %scan3A_423 : i32 to index
        %get3A_433 = arith.index_cast %mul3A_0 : i32 to index
        %get3A_434 = tpu.vector_load %arg11[%get3A_432, %get3A_433] {strides = array<i32>} : memref<32x128xf32, #tpu.memory_space<vmem>>, vector<1x16xf32>,
        %get3A_435 = vector.shape_cast %get3A_434 : vector<1x16xf32> to vector<16xf32>
        %mul3A_436 = arith.mulf %get3A_431, %get3A_435 : vector<16xf32>
        %swap3A_437 = arith.index_cast %mul3A_425 : i32 to index
        %swap3A_438 = arith.constant 0 : index
        %swap3A_439 = tpu.vector_load %arg15[%swap3A_437, %swap3A_438] {strides = array<i32>} : memref<64x32xf32, #tpu.memory_space<vmem>>, vector<1x16xf32>,
        %swap3A_440 = vector.shape_cast %swap3A_439 : vector<1x16xf32> to vector<16xf32>
        %swap3A_441 = vector.shape_cast %mul3A_436 : vector<16xf32> to vector<1x16xf32>
        tpu.vector_store %arg15[%swap3A_437, %swap3A_438], %swap3A_441 {strides = array<i32>} : memref<64x32xf32, #tpu.memory_space<vmem>>, vector<1x16xf32>,
        %get3A_442 = arith.index_cast %mul3A_425 : i32 to index
        %get3A_443 = arith.constant 16 : index
        %get3A_444 = tpu.vector_load %arg13[%get3A_442, %get3A_443] {strides = array<i32>} : memref<64x32xf32, #tpu.memory_space<vmem>>, vector<1x16xf32>,
        %get3A_445 = vector.shape_cast %get3A_444 : vector<1x16xf32> to vector<16xf32>
        %add3A_446 = arith.constant 16 : i32
        %add3A_447 = arith.addi %mul3A_0, %add3A_446 : i32
        %get3A_448 = arith.index_cast %scan3A_423 : i32 to index
        %get3A_449 = arith.index_cast %add3A_447 : i32 to index
        %get3A_450 = tpu.vector_load %arg11[%get3A_448, %get3A_449] {strides = array<i32>} : memref<32x128xf32, #tpu.memory_space<vmem>>, vector<1x16xf32>,
        %get3A_451 = vector.shape_cast %get3A_450 : vector<1x16xf32> to vector<16xf32>
        %mul3A_452 = arith.mulf %get3A_445, %get3A_451 : vector<16xf32>
        %swap3A_453 = arith.index_cast %mul3A_425 : i32 to index
        %swap3A_454 = arith.constant 16 : index
        %swap3A_455 = tpu.vector_load %arg15[%swap3A_453, %swap3A_454] {strides = array<i32>} : memref<64x32xf32, #tpu.memory_space<vmem>>, vector<1x16xf32>,
        %swap3A_456 = vector.shape_cast %swap3A_455 : vector<1x16xf32> to vector<16xf32>
        %swap3A_457 = vector.shape_cast %mul3A_452 : vector<16xf32> to vector<1x16xf32>
        tpu.vector_store %arg15[%swap3A_453, %swap3A_454], %swap3A_457 {strides = array<i32>} : memref<64x32xf32, #tpu.memory_space<vmem>>, vector<1x16xf32>,
        %get3A_458 = arith.index_cast %add3A_427 : i32 to index
        %get3A_459 = arith.constant 0 : index
        %get3A_460 = tpu.vector_load %arg13[%get3A_458, %get3A_459] {strides = array<i32>} : memref<64x32xf32, #tpu.memory_space<vmem>>, vector<1x16xf32>,
        %get3A_461 = vector.shape_cast %get3A_460 : vector<1x16xf32> to vector<16xf32>
        %add3A_462 = arith.constant 64 : i32
        %add3A_463 = arith.addi %add3A_462, %mul3A_0 : i32
        %get3A_464 = arith.index_cast %scan3A_423 : i32 to index
        %get3A_465 = arith.index_cast %add3A_463 : i32 to index
        %get3A_466 = tpu.vector_load %arg11[%get3A_464, %get3A_465] {strides = array<i32>} : memref<32x128xf32, #tpu.memory_space<vmem>>, vector<1x16xf32>,
        %get3A_467 = vector.shape_cast %get3A_466 : vector<1x16xf32> to vector<16xf32>
        %mul3A_468 = arith.mulf %get3A_461, %get3A_467 : vector<16xf32>
        %swap3A_469 = arith.index_cast %add3A_427 : i32 to index
        %swap3A_470 = arith.constant 0 : index
        %swap3A_471 = tpu.vector_load %arg15[%swap3A_469, %swap3A_470] {strides = array<i32>} : memref<64x32xf32, #tpu.memory_space<vmem>>, vector<1x16xf32>,
        %swap3A_472 = vector.shape_cast %swap3A_471 : vector<1x16xf32> to vector<16xf32>
        %swap3A_473 = vector.shape_cast %mul3A_468 : vector<16xf32> to vector<1x16xf32>
        tpu.vector_store %arg15[%swap3A_469, %swap3A_470], %swap3A_473 {strides = array<i32>} : memref<64x32xf32, #tpu.memory_space<vmem>>, vector<1x16xf32>,
        %get3A_474 = arith.index_cast %add3A_427 : i32 to index
        %get3A_475 = arith.constant 16 : index
        %get3A_476 = tpu.vector_load %arg13[%get3A_474, %get3A_475] {strides = array<i32>} : memref<64x32xf32, #tpu.memory_space<vmem>>, vector<1x16xf32>,
        %get3A_477 = vector.shape_cast %get3A_476 : vector<1x16xf32> to vector<16xf32>
        %add3A_478 = arith.constant 64 : i32
        %add3A_479 = arith.addi %add3A_478, %mul3A_0 : i32
        %add3A_480 = arith.constant 16 : i32
        %add3A_481 = arith.addi %add3A_479, %add3A_480 : i32
        %get3A_482 = arith.index_cast %scan3A_423 : i32 to index
        %get3A_483 = arith.index_cast %add3A_481 : i32 to index
        %get3A_484 = tpu.vector_load %arg11[%get3A_482, %get3A_483] {strides = array<i32>} : memref<32x128xf32, #tpu.memory_space<vmem>>, vector<1x16xf32>,
        %get3A_485 = vector.shape_cast %get3A_484 : vector<1x16xf32> to vector<16xf32>
        %mul3A_486 = arith.mulf %get3A_477, %get3A_485 : vector<16xf32>
        %swap3A_487 = arith.index_cast %add3A_427 : i32 to index
        %swap3A_488 = arith.constant 16 : index
        %swap3A_489 = tpu.vector_load %arg15[%swap3A_487, %swap3A_488] {strides = array<i32>} : memref<64x32xf32, #tpu.memory_space<vmem>>, vector<1x16xf32>,
        %swap3A_490 = vector.shape_cast %swap3A_489 : vector<1x16xf32> to vector<16xf32>
        %swap3A_491 = vector.shape_cast %mul3A_486 : vector<16xf32> to vector<1x16xf32>
        tpu.vector_store %arg15[%swap3A_487, %swap3A_488], %swap3A_491 {strides = array<i32>} : memref<64x32xf32, #tpu.memory_space<vmem>>, vector<1x16xf32>,
      }
      %scan3A_170 = arith.constant 32 : i32
      %jit3A_171 = arith.constant 16 : i32
      %div3A_172 = arith.divsi %add3A_92, %jit3A_171 : i32
      %sign3A_173 = arith.constant 0 : i32
      %sign3A_174 = arith.cmpi sgt, %add3A_92, %sign3A_173 : i32
      %sign3A_175 = arith.extui %sign3A_174 : i1 to i32
      %sign3A_176 = arith.constant 0 : i32
      %sign3A_177 = arith.cmpi slt, %add3A_92, %sign3A_176 : i32
      %sign3A_178 = arith.extui %sign3A_177 : i1 to i32
      %sign3A_179 = arith.subi %sign3A_175, %sign3A_178 : i32
      %sign3A_180 = arith.constant 0 : i32
      %sign3A_181 = arith.cmpi sgt, %jit3A_171, %sign3A_180 : i32
      %sign3A_182 = arith.extui %sign3A_181 : i1 to i32
      %sign3A_183 = arith.constant 0 : i32
      %sign3A_184 = arith.cmpi slt, %jit3A_171, %sign3A_183 : i32
      %sign3A_185 = arith.extui %sign3A_184 : i1 to i32
      %sign3A_186 = arith.subi %sign3A_182, %sign3A_185 : i32
      %ne3A_187 = arith.cmpi ne, %sign3A_179, %sign3A_186 : i32
      %rem3A_188 = arith.remsi %add3A_92, %jit3A_171 : i32
      %ne3A_189 = arith.constant 0 : i32
      %ne3A_190 = arith.cmpi ne, %rem3A_188, %ne3A_189 : i32
      %and3A_191 = arith.andi %ne3A_187, %ne3A_190 : i1
      %sub3A_192 = arith.constant 1 : i32
      %sub3A_193 = arith.subi %div3A_172, %sub3A_192 : i32
      %select_n3A_194 = arith.select %and3A_191, %sub3A_193, %div3A_172 : i32
      %rem3A_195 = arith.constant 2 : i32
      %rem3A_196 = arith.remsi %select_n3A_194, %rem3A_195 : i32
      %mul3A_197 = arith.constant 1024 : i32
      %mul3A_198 = arith.muli %rem3A_196, %mul3A_197 : i32
      %rem3A_199 = arith.constant 16 : i32
      %rem3A_200 = arith.remsi %add3A_92, %rem3A_199 : i32
      %mul3A_201 = arith.constant 64 : i32
      %mul3A_202 = arith.muli %rem3A_200, %mul3A_201 : i32
      %add3A_203 = arith.addi %mul3A_198, %mul3A_202 : i32
      %dma_start3A_204 = tpu.memref_slice %arg9[%add3A_203] : memref<2048xi32, #tpu.memory_space<vmem>> -> memref<64xi32, #tpu.memory_space<vmem>>
      %dma_start3A_205 = arith.constant 0 : i32
      %dma_start3A_206 = arith.constant 0 : i32
      %dma_start3A_207 = tpu.memref_slice %arg16[%dma_start3A_205, %dma_start3A_206] : memref<50048x32xf32, #tpu.memory_space<vmem_shared>> -> memref<50048x32xf32, #tpu.memory_space<vmem_shared>>
      tpu.enqueue_indirect_dma source(%arg15 : memref<64x32xf32, #tpu.memory_space<vmem>>) target(%dma_start3A_207 : memref<50048x32xf32, #tpu.memory_space<vmem_shared>>) offsets(%dma_start3A_204 : memref<64xi32, #tpu.memory_space<vmem>>) semaphore(%arg20 : memref<!tpu.dma_semaphore, #tpu.memory_space<semaphore_mem>>) {add = true}
      %add3A_208 = arith.constant 2 : i32
      %add3A_209 = arith.addi %add3A_92, %add3A_208 : i32
      %lt3A_210 = arith.constant 784 : i32
      %lt3A_211 = arith.cmpi slt, %add3A_209, %lt3A_210 : i32
      %convert_element_type3A_212 = arith.extui %lt3A_211 : i1 to i32
      %cond3A_213 = arith.constant 0 : i32
      %cond3A_214 = arith.cmpi ne, %convert_element_type3A_212, %cond3A_213 : i32
      scf.if %cond3A_214 {
        %mul3A_215 = arith.constant 32 : i32
        %mul3A_216 = arith.muli %add3A_209, %mul3A_215 : i32
        %add3A_217 = arith.addi %add3A_7, %mul3A_216 : i32
        %dma_start3A_218 = arith.constant 0 : i32
        %dma_start3A_219 = tpu.memref_slice %arg5[%add3A_217, %dma_start3A_218] : memref<1204224x128xf32, #tpu.memory_space<hbm>> -> memref<32x128xf32, #tpu.memory_space<hbm>>
        %dma_start3A_220 = arith.constant 0 : i32
        %dma_start3A_221 = tpu.memref_slice %arg5[%add3A_217, %dma_start3A_220] : memref<1204224x128xf32, #tpu.memory_space<hbm>> -> memref<32x128xf32, #tpu.memory_space<hbm>>
        tpu.enqueue_dma source(%dma_start3A_221 : memref<32x128xf32, #tpu.memory_space<hbm>>) target(%arg11 : memref<32x128xf32, #tpu.memory_space<vmem>>) target_semaphore(%arg18 : memref<!tpu.dma_semaphore, #tpu.memory_space<semaphore_mem>>)
        %jit3A_222 = arith.constant 16 : i32
        %div3A_223 = arith.divsi %add3A_209, %jit3A_222 : i32
        %sign3A_224 = arith.constant 0 : i32
        %sign3A_225 = arith.cmpi sgt, %add3A_209, %sign3A_224 : i32
        %sign3A_226 = arith.extui %sign3A_225 : i1 to i32
        %sign3A_227 = arith.constant 0 : i32
        %sign3A_228 = arith.cmpi slt, %add3A_209, %sign3A_227 : i32
        %sign3A_229 = arith.extui %sign3A_228 : i1 to i32
        %sign3A_230 = arith.subi %sign3A_226, %sign3A_229 : i32
        %sign3A_231 = arith.constant 0 : i32
        %sign3A_232 = arith.cmpi sgt, %jit3A_222, %sign3A_231 : i32
        %sign3A_233 = arith.extui %sign3A_232 : i1 to i32
        %sign3A_234 = arith.constant 0 : i32
        %sign3A_235 = arith.cmpi slt, %jit3A_222, %sign3A_234 : i32
        %sign3A_236 = arith.extui %sign3A_235 : i1 to i32
        %sign3A_237 = arith.subi %sign3A_233, %sign3A_236 : i32
        %ne3A_238 = arith.cmpi ne, %sign3A_230, %sign3A_237 : i32
        %rem3A_239 = arith.remsi %add3A_209, %jit3A_222 : i32
        %ne3A_240 = arith.constant 0 : i32
        %ne3A_241 = arith.cmpi ne, %rem3A_239, %ne3A_240 : i32
        %and3A_242 = arith.andi %ne3A_238, %ne3A_241 : i1
        %sub3A_243 = arith.constant 1 : i32
        %sub3A_244 = arith.subi %div3A_223, %sub3A_243 : i32
        %select_n3A_245 = arith.select %and3A_242, %sub3A_244, %div3A_223 : i32
        %rem3A_246 = arith.constant 2 : i32
        %rem3A_247 = arith.remsi %select_n3A_245, %rem3A_246 : i32
        %mul3A_248 = arith.constant 1024 : i32
        %mul3A_249 = arith.muli %rem3A_247, %mul3A_248 : i32
        %rem3A_250 = arith.constant 16 : i32
        %rem3A_251 = arith.remsi %add3A_209, %rem3A_250 : i32
        %mul3A_252 = arith.constant 64 : i32
        %mul3A_253 = arith.muli %rem3A_251, %mul3A_252 : i32
        %add3A_254 = arith.addi %mul3A_249, %mul3A_253 : i32
        %dma_start3A_255 = tpu.memref_slice %arg8[%add3A_254] : memref<2048xi32, #tpu.memory_space<vmem>> -> memref<64xi32, #tpu.memory_space<vmem>>
        %dma_start3A_256 = arith.constant 0 : i32
        %dma_start3A_257 = arith.constant 0 : i32
        %dma_start3A_258 = tpu.memref_slice %arg4[%dma_start3A_256, %dma_start3A_257] : memref<100000x32xf32, #tpu.memory_space<hbm>> -> memref<100000x32xf32, #tpu.memory_space<hbm>>
        tpu.enqueue_indirect_dma source(%dma_start3A_258 : memref<100000x32xf32, #tpu.memory_space<hbm>>) target(%arg13 : memref<64x32xf32, #tpu.memory_space<vmem>>) offsets(%dma_start3A_255 : memref<64xi32, #tpu.memory_space<vmem>>) semaphore(%arg18 : memref<!tpu.dma_semaphore, #tpu.memory_space<semaphore_mem>>)
      } else {
      }
    }
    %scan3A_69 = arith.constant 392 : i32
    %dma_wait3A = arith.constant 0 : i32
    %dma_wait3A_70 = tpu.memref_slice %arg9[%dma_wait3A] : memref<2048xi32, #tpu.memory_space<vmem>> -> memref<64xi32, #tpu.memory_space<vmem>>
    %dma_wait3A_71 = arith.constant 0 : i32
    %dma_wait3A_72 = arith.constant 0 : i32
    %dma_wait3A_73 = tpu.memref_slice %arg16[%dma_wait3A_71, %dma_wait3A_72] : memref<50048x32xf32, #tpu.memory_space<vmem_shared>> -> memref<50048x32xf32, #tpu.memory_space<vmem_shared>>
    tpu.wait_indirect_dma semaphore(%arg19 : memref<!tpu.dma_semaphore, #tpu.memory_space<semaphore_mem>>) src(%arg14 : memref<64x32xf32, #tpu.memory_space<vmem>>) dst(%dma_wait3A_73 : memref<50048x32xf32, #tpu.memory_space<vmem_shared>>)
    %dma_wait3A_74 = arith.constant 0 : i32
    %dma_wait3A_75 = tpu.memref_slice %arg9[%dma_wait3A_74] : memref<2048xi32, #tpu.memory_space<vmem>> -> memref<64xi32, #tpu.memory_space<vmem>>
    %dma_wait3A_76 = arith.constant 0 : i32
    %dma_wait3A_77 = arith.constant 0 : i32
    %dma_wait3A_78 = tpu.memref_slice %arg16[%dma_wait3A_76, %dma_wait3A_77] : memref<50048x32xf32, #tpu.memory_space<vmem_shared>> -> memref<50048x32xf32, #tpu.memory_space<vmem_shared>>
    tpu.wait_indirect_dma semaphore(%arg20 : memref<!tpu.dma_semaphore, #tpu.memory_space<semaphore_mem>>) src(%arg15 : memref<64x32xf32, #tpu.memory_space<vmem>>) dst(%dma_wait3A_78 : memref<50048x32xf32, #tpu.memory_space<vmem_shared>>)
    %barrier3A_79 = arith.constant 0 : index
    tpu.barrier barrier_id(%barrier3A_79)
    %mul3A_80 = arith.constant 3128 : i32
    %mul3A_81 = arith.muli %arg1, %mul3A_80 : i32
    %lt3A = arith.constant 15 : i32
    %lt3A_82 = arith.cmpi slt, %arg1, %lt3A : i32
    %convert_element_type3A = arith.extui %lt3A_82 : i1 to i32
    %cond3A = arith.constant 0 : i32
    %cond3A_83 = arith.cmpi ne, %convert_element_type3A, %cond3A : i32
    scf.if %cond3A_83 {
      %mul3A_88 = arith.constant 50000 : i32
      %mul3A_89 = arith.muli %arg0, %mul3A_88 : i32
      %add3A_90 = arith.addi %mul3A_89, %mul3A_81 : i32
      "tpu.region"() ({
        %run_scoped3A = tpu.sem_alloc : memref<!tpu.dma_semaphore, #tpu.memory_space<semaphore_mem>>
        %dma_start3A_91 = arith.constant 0 : i32
        %dma_start3A_92 = tpu.memref_slice %arg7[%add3A_90, %dma_start3A_91] : memref<100000x32xf32, #tpu.memory_space<hbm>> -> memref<3128x32xf32, #tpu.memory_space<hbm>>
        %dma_start3A_93 = arith.constant 0 : i32
        %dma_start3A_94 = tpu.memref_slice %arg16[%mul3A_81, %dma_start3A_93] : memref<50048x32xf32, #tpu.memory_space<vmem_shared>> -> memref<3128x32xf32, #tpu.memory_space<vmem_shared>>
        tpu.enqueue_dma source(%dma_start3A_94 : memref<3128x32xf32, #tpu.memory_space<vmem_shared>>) target(%dma_start3A_92 : memref<3128x32xf32, #tpu.memory_space<hbm>>) target_semaphore(%run_scoped3A : memref<!tpu.dma_semaphore, #tpu.memory_space<semaphore_mem>>)
        %dma_wait3A_95 = arith.constant 0 : i32
        %dma_wait3A_96 = tpu.memref_slice %arg7[%add3A_90, %dma_wait3A_95] : memref<100000x32xf32, #tpu.memory_space<hbm>> -> memref<3128x32xf32, #tpu.memory_space<hbm>>
        %dma_wait3A_97 = arith.constant 0 : i32
        %dma_wait3A_98 = tpu.memref_slice %arg16[%mul3A_81, %dma_wait3A_97] : memref<50048x32xf32, #tpu.memory_space<vmem_shared>> -> memref<3128x32xf32, #tpu.memory_space<vmem_shared>>
        tpu.wait_dma2 semaphore(%run_scoped3A : memref<!tpu.dma_semaphore, #tpu.memory_space<semaphore_mem>>) src(%dma_wait3A_98 : memref<3128x32xf32, #tpu.memory_space<vmem_shared>>) dst(%dma_wait3A_96 : memref<3128x32xf32, #tpu.memory_space<hbm>>)
        tpu.yield
      }) : () -> ()
    } else {
    }
    %eq3A = arith.constant 15 : i32
    %eq3A_84 = arith.cmpi eq, %arg1, %eq3A : i32
    %convert_element_type3A_85 = arith.extui %eq3A_84 : i1 to i32
    %cond3A_86 = arith.constant 0 : i32
    %cond3A_87 = arith.cmpi ne, %convert_element_type3A_85, %cond3A_86 : i32
    scf.if %cond3A_87 {
      %mul3A_88 = arith.constant 50000 : i32
      %mul3A_89 = arith.muli %arg0, %mul3A_88 : i32
      %add3A_90 = arith.addi %mul3A_89, %mul3A_81 : i32
      "tpu.region"() ({
        %run_scoped3A = tpu.sem_alloc : memref<!tpu.dma_semaphore, #tpu.memory_space<semaphore_mem>>
        %dma_start3A_91 = arith.constant 0 : i32
        %dma_start3A_92 = tpu.memref_slice %arg7[%add3A_90, %dma_start3A_91] : memref<100000x32xf32, #tpu.memory_space<hbm>> -> memref<3080x32xf32, #tpu.memory_space<hbm>>
        %dma_start3A_93 = arith.constant 0 : i32
        %dma_start3A_94 = tpu.memref_slice %arg16[%mul3A_81, %dma_start3A_93] : memref<50048x32xf32, #tpu.memory_space<vmem_shared>> -> memref<3080x32xf32, #tpu.memory_space<vmem_shared>>
        tpu.enqueue_dma source(%dma_start3A_94 : memref<3080x32xf32, #tpu.memory_space<vmem_shared>>) target(%dma_start3A_92 : memref<3080x32xf32, #tpu.memory_space<hbm>>) target_semaphore(%run_scoped3A : memref<!tpu.dma_semaphore, #tpu.memory_space<semaphore_mem>>)
        %dma_wait3A_95 = arith.constant 0 : i32
        %dma_wait3A_96 = tpu.memref_slice %arg7[%add3A_90, %dma_wait3A_95] : memref<100000x32xf32, #tpu.memory_space<hbm>> -> memref<3080x32xf32, #tpu.memory_space<hbm>>
        %dma_wait3A_97 = arith.constant 0 : i32
        %dma_wait3A_98 = tpu.memref_slice %arg16[%mul3A_81, %dma_wait3A_97] : memref<50048x32xf32, #tpu.memory_space<vmem_shared>> -> memref<3080x32xf32, #tpu.memory_space<vmem_shared>>
        tpu.wait_dma2 semaphore(%run_scoped3A : memref<!tpu.dma_semaphore, #tpu.memory_space<semaphore_mem>>) src(%dma_wait3A_98 : memref<3080x32xf32, #tpu.memory_space<vmem_shared>>) dst(%dma_wait3A_96 : memref<3080x32xf32, #tpu.memory_space<hbm>>)
        tpu.yield
      }) : () -> ()
    } else {
    }
    return
  }
}

#map = affine_map<(d0, d1) -> (0)>
#map1 = affine_map<(d0, d1) -> (0, 0)>
module attributes {stable_mosaic.version = 14 : i64} {
  func.func @msg(%arg0: i32, %arg1: i32, %arg2: memref<802816xi32, #tpu.memory_space<hbm>>, %arg3: memref<802816xi32, #tpu.memory_space<hbm>>, %arg4: memref<100000x32xf32, #tpu.memory_space<hbm>>, %arg5: memref<1204224x128xf32, #tpu.memory_space<hbm>>, %arg6: memref<3128x32xf32, #tpu.memory_space<hbm>>, %arg7: memref<100000x32xf32, #tpu.memory_space<hbm>>, %arg8: memref<2048xi32, #tpu.memory_space<vmem>>, %arg9: memref<2048xi32, #tpu.memory_space<vmem>>, %arg10: memref<32x128xf32, #tpu.memory_space<vmem>>, %arg11: memref<32x128xf32, #tpu.memory_space<vmem>>, %arg12: memref<64x32xf32, #tpu.memory_space<vmem>>, %arg13: memref<64x32xf32, #tpu.memory_space<vmem>>, %arg14: memref<64x32xf32, #tpu.memory_space<vmem>>, %arg15: memref<64x32xf32, #tpu.memory_space<vmem>>, %arg16: memref<50048x32xf32, #tpu.memory_space<vmem_shared>>, %arg17: memref<!tpu.dma_semaphore, #tpu.memory_space<semaphore_mem>>, %arg18: memref<!tpu.dma_semaphore, #tpu.memory_space<semaphore_mem>>, %arg19: memref<!tpu.dma_semaphore, #tpu.memory_space<semaphore_mem>>, %arg20: memref<!tpu.dma_semaphore, #tpu.memory_space<semaphore_mem>>) attributes {dimension_semantics = [#tpu.dimension_semantics<core_parallel>, #tpu.dimension_semantics<subcore_parallel>], iteration_bounds = array<i64: 2, 16>, scalar_prefetch = 0 : i64, scratch_operands = 13 : i64, tpu.core_type = #tpu.core_type<sc_vector_subcore>, window_params = [{transform_indices = #map}, {transform_indices = #map}, {transform_indices = #map1}, {transform_indices = #map1}, {transform_indices = #map1}, {transform_indices = #map1}]} {
    %mul3A = arith.constant 32 : i32
    %mul3A_0 = arith.muli %arg0, %mul3A : i32
    %mul3A_1 = arith.constant 3128 : i32
    %mul3A_2 = arith.muli %arg1, %mul3A_1 : i32
    "tpu.region"() ({
      %run_scoped3A = tpu.sem_alloc : memref<!tpu.dma_semaphore, #tpu.memory_space<semaphore_mem>>
      %dma_start3A_88 = arith.constant 0 : i32
      %dma_start3A_89 = tpu.memref_slice %arg16[%mul3A_2, %dma_start3A_88] : memref<50048x32xf32, #tpu.memory_space<vmem_shared>> -> memref<3128x32xf32, #tpu.memory_space<vmem_shared>>
      tpu.enqueue_dma source(%arg6 : memref<3128x32xf32, #tpu.memory_space<hbm>>) target(%dma_start3A_89 : memref<3128x32xf32, #tpu.memory_space<vmem_shared>>) target_semaphore(%run_scoped3A : memref<!tpu.dma_semaphore, #tpu.memory_space<semaphore_mem>>)
      %dma_wait3A_90 = arith.constant 0 : i32
      %dma_wait3A_91 = tpu.memref_slice %arg16[%mul3A_2, %dma_wait3A_90] : memref<50048x32xf32, #tpu.memory_space<vmem_shared>> -> memref<3128x32xf32, #tpu.memory_space<vmem_shared>>
      tpu.wait_dma2 semaphore(%run_scoped3A : memref<!tpu.dma_semaphore, #tpu.memory_space<semaphore_mem>>) src(%arg6 : memref<3128x32xf32, #tpu.memory_space<hbm>>) dst(%dma_wait3A_91 : memref<3128x32xf32, #tpu.memory_space<vmem_shared>>)
      tpu.yield
    }) : () -> ()
    %barrier3A = arith.constant 0 : index
    tpu.barrier barrier_id(%barrier3A)
    %mul3A_3 = arith.constant 50176 : i32
    %mul3A_4 = arith.muli %arg1, %mul3A_3 : i32
    %mul3A_5 = arith.constant 25088 : i32
    %mul3A_6 = arith.muli %arg1, %mul3A_5 : i32
    %add3A = arith.constant 401408 : i32
    %add3A_7 = arith.addi %add3A, %mul3A_6 : i32
    %mul3A_8 = arith.constant 50000 : i32
    %mul3A_9 = arith.muli %arg0, %mul3A_8 : i32
    %rem3A = arith.constant 0 : i32
    %rem3A_10 = arith.constant 2 : i32
    %rem3A_11 = arith.remsi %rem3A, %rem3A_10 : i32
    %mul3A_12 = arith.constant 1024 : i32
    %mul3A_13 = arith.muli %rem3A_11, %mul3A_12 : i32
    %add3A_14 = arith.constant 0 : i32
    %add3A_15 = arith.addi %mul3A_4, %add3A_14 : i32
    "tpu.region"() ({
      %run_scoped3A = tpu.sem_alloc : memref<!tpu.dma_semaphore, #tpu.memory_space<semaphore_mem>>
      %dma_start3A_88 = tpu.memref_slice %arg8[%mul3A_13] : memref<2048xi32, #tpu.memory_space<vmem>> -> memref<1024xi32, #tpu.memory_space<vmem>>
      %dma_start3A_89 = tpu.memref_slice %arg2[%add3A_15] : memref<802816xi32, #tpu.memory_space<hbm>> -> memref<1024xi32, #tpu.memory_space<hbm>>
      %dma_start3A_90 = tpu.memref_slice %arg8[%mul3A_13] : memref<2048xi32, #tpu.memory_space<vmem>> -> memref<1024xi32, #tpu.memory_space<vmem>>
      %dma_start3A_91 = tpu.memref_slice %arg2[%add3A_15] : memref<802816xi32, #tpu.memory_space<hbm>> -> memref<1024xi32, #tpu.memory_space<hbm>>
      tpu.enqueue_dma source(%dma_start3A_91 : memref<1024xi32, #tpu.memory_space<hbm>>) target(%dma_start3A_90 : memref<1024xi32, #tpu.memory_space<vmem>>) target_semaphore(%run_scoped3A : memref<!tpu.dma_semaphore, #tpu.memory_space<semaphore_mem>>)
      %dma_wait3A_92 = tpu.memref_slice %arg8[%mul3A_13] : memref<2048xi32, #tpu.memory_space<vmem>> -> memref<1024xi32, #tpu.memory_space<vmem>>
      %dma_wait3A_93 = tpu.memref_slice %arg2[%add3A_15] : memref<802816xi32, #tpu.memory_space<hbm>> -> memref<1024xi32, #tpu.memory_space<hbm>>
      %dma_wait3A_94 = tpu.memref_slice %arg8[%mul3A_13] : memref<2048xi32, #tpu.memory_space<vmem>> -> memref<1024xi32, #tpu.memory_space<vmem>>
      %dma_wait3A_95 = tpu.memref_slice %arg2[%add3A_15] : memref<802816xi32, #tpu.memory_space<hbm>> -> memref<1024xi32, #tpu.memory_space<hbm>>
      tpu.wait_dma2 semaphore(%run_scoped3A : memref<!tpu.dma_semaphore, #tpu.memory_space<semaphore_mem>>) src(%dma_wait3A_95 : memref<1024xi32, #tpu.memory_space<hbm>>) dst(%dma_wait3A_94 : memref<1024xi32, #tpu.memory_space<vmem>>)
      tpu.yield
    }) : () -> ()
    %add3A_16 = arith.constant 0 : i32
    %add3A_17 = arith.addi %mul3A_4, %add3A_16 : i32
    "tpu.region"() ({
      %run_scoped3A = tpu.sem_alloc : memref<!tpu.dma_semaphore, #tpu.memory_space<semaphore_mem>>
      %dma_start3A_88 = tpu.memref_slice %arg9[%mul3A_13] : memref<2048xi32, #tpu.memory_space<vmem>> -> memref<1024xi32, #tpu.memory_space<vmem>>
      %dma_start3A_89 = tpu.memref_slice %arg3[%add3A_17] : memref<802816xi32, #tpu.memory_space<hbm>> -> memref<1024xi32, #tpu.memory_space<hbm>>
      %dma_start3A_90 = tpu.memref_slice %arg9[%mul3A_13] : memref<2048xi32, #tpu.memory_space<vmem>> -> memref<1024xi32, #tpu.memory_space<vmem>>
      %dma_start3A_91 = tpu.memref_slice %arg3[%add3A_17] : memref<802816xi32, #tpu.memory_space<hbm>> -> memref<1024xi32, #tpu.memory_space<hbm>>
      tpu.enqueue_dma source(%dma_start3A_91 : memref<1024xi32, #tpu.memory_space<hbm>>) target(%dma_start3A_90 : memref<1024xi32, #tpu.memory_space<vmem>>) target_semaphore(%run_scoped3A : memref<!tpu.dma_semaphore, #tpu.memory_space<semaphore_mem>>)
      %dma_wait3A_92 = tpu.memref_slice %arg9[%mul3A_13] : memref<2048xi32, #tpu.memory_space<vmem>> -> memref<1024xi32, #tpu.memory_space<vmem>>
      %dma_wait3A_93 = tpu.memref_slice %arg3[%add3A_17] : memref<802816xi32, #tpu.memory_space<hbm>> -> memref<1024xi32, #tpu.memory_space<hbm>>
      %dma_wait3A_94 = tpu.memref_slice %arg9[%mul3A_13] : memref<2048xi32, #tpu.memory_space<vmem>> -> memref<1024xi32, #tpu.memory_space<vmem>>
      %dma_wait3A_95 = tpu.memref_slice %arg3[%add3A_17] : memref<802816xi32, #tpu.memory_space<hbm>> -> memref<1024xi32, #tpu.memory_space<hbm>>
      tpu.wait_dma2 semaphore(%run_scoped3A : memref<!tpu.dma_semaphore, #tpu.memory_space<semaphore_mem>>) src(%dma_wait3A_95 : memref<1024xi32, #tpu.memory_space<hbm>>) dst(%dma_wait3A_94 : memref<1024xi32, #tpu.memory_space<vmem>>)
      tpu.yield
    }) : () -> ()
    %scan3A = arith.constant 0 : i32
    %scan3A_18 = arith.constant 0 : i32
    %scan3A_19 = arith.constant 64 : i32
    %scan3A_20 = arith.addi %scan3A_18, %scan3A_19 : i32
    %scan3A_21 = arith.constant 4 : i32
    scf.for %scan3A_88 = %scan3A_18 to %scan3A_20 step %scan3A_21  : i32 {
      %mul3A_89 = arith.constant 16 : i32
      %mul3A_90 = arith.muli %scan3A_88, %mul3A_89 : i32
      %add3A_91 = arith.addi %mul3A_13, %mul3A_90 : i32
      %get3A = arith.index_cast %add3A_91 : i32 to index
      %get3A_92 = tpu.vector_load %arg8[%get3A] {strides = array<i32>} : memref<2048xi32, #tpu.memory_space<vmem>>, vector<16xi32>,
      %get3A_93 = vector.shape_cast %get3A_92 : vector<16xi32> to vector<16xi32>
      %add3A_94 = vector.broadcast %mul3A_9 : i32 to vector<16xi32>
      %add3A_95 = arith.addi %get3A_93, %add3A_94 : vector<16xi32>
      %swap3A = arith.index_cast %add3A_91 : i32 to index
      %swap3A_96 = tpu.vector_load %arg8[%swap3A] {strides = array<i32>} : memref<2048xi32, #tpu.memory_space<vmem>>, vector<16xi32>,
      %swap3A_97 = vector.shape_cast %swap3A_96 : vector<16xi32> to vector<16xi32>
      %swap3A_98 = vector.shape_cast %add3A_95 : vector<16xi32> to vector<16xi32>
      tpu.vector_store %arg8[%swap3A], %swap3A_98 {strides = array<i32>} : memref<2048xi32, #tpu.memory_space<vmem>>, vector<16xi32>,
      %scan3A_99 = arith.constant 1 : i32
      %scan3A_100 = arith.addi %scan3A_88, %scan3A_99 : i32
      %mul3A_101 = arith.constant 16 : i32
      %mul3A_102 = arith.muli %scan3A_100, %mul3A_101 : i32
      %add3A_103 = arith.addi %mul3A_13, %mul3A_102 : i32
      %get3A_104 = arith.index_cast %add3A_103 : i32 to index
      %get3A_105 = tpu.vector_load %arg8[%get3A_104] {strides = array<i32>} : memref<2048xi32, #tpu.memory_space<vmem>>, vector<16xi32>,
      %get3A_106 = vector.shape_cast %get3A_105 : vector<16xi32> to vector<16xi32>
      %add3A_107 = vector.broadcast %mul3A_9 : i32 to vector<16xi32>
      %add3A_108 = arith.addi %get3A_106, %add3A_107 : vector<16xi32>
      %swap3A_109 = arith.index_cast %add3A_103 : i32 to index
      %swap3A_110 = tpu.vector_load %arg8[%swap3A_109] {strides = array<i32>} : memref<2048xi32, #tpu.memory_space<vmem>>, vector<16xi32>,
      %swap3A_111 = vector.shape_cast %swap3A_110 : vector<16xi32> to vector<16xi32>
      %swap3A_112 = vector.shape_cast %add3A_108 : vector<16xi32> to vector<16xi32>
      tpu.vector_store %arg8[%swap3A_109], %swap3A_112 {strides = array<i32>} : memref<2048xi32, #tpu.memory_space<vmem>>, vector<16xi32>,
      %scan3A_113 = arith.constant 2 : i32
      %scan3A_114 = arith.addi %scan3A_88, %scan3A_113 : i32
      %mul3A_115 = arith.constant 16 : i32
      %mul3A_116 = arith.muli %scan3A_114, %mul3A_115 : i32
      %add3A_117 = arith.addi %mul3A_13, %mul3A_116 : i32
      %get3A_118 = arith.index_cast %add3A_117 : i32 to index
      %get3A_119 = tpu.vector_load %arg8[%get3A_118] {strides = array<i32>} : memref<2048xi32, #tpu.memory_space<vmem>>, vector<16xi32>,
      %get3A_120 = vector.shape_cast %get3A_119 : vector<16xi32> to vector<16xi32>
      %add3A_121 = vector.broadcast %mul3A_9 : i32 to vector<16xi32>
      %add3A_122 = arith.addi %get3A_120, %add3A_121 : vector<16xi32>
      %swap3A_123 = arith.index_cast %add3A_117 : i32 to index
      %swap3A_124 = tpu.vector_load %arg8[%swap3A_123] {strides = array<i32>} : memref<2048xi32, #tpu.memory_space<vmem>>, vector<16xi32>,
      %swap3A_125 = vector.shape_cast %swap3A_124 : vector<16xi32> to vector<16xi32>
      %swap3A_126 = vector.shape_cast %add3A_122 : vector<16xi32> to vector<16xi32>
      tpu.vector_store %arg8[%swap3A_123], %swap3A_126 {strides = array<i32>} : memref<2048xi32, #tpu.memory_space<vmem>>, vector<16xi32>,
      %scan3A_127 = arith.constant 3 : i32
      %scan3A_128 = arith.addi %scan3A_88, %scan3A_127 : i32
      %mul3A_129 = arith.constant 16 : i32
      %mul3A_130 = arith.muli %scan3A_128, %mul3A_129 : i32
      %add3A_131 = arith.addi %mul3A_13, %mul3A_130 : i32
      %get3A_132 = arith.index_cast %add3A_131 : i32 to index
      %get3A_133 = tpu.vector_load %arg8[%get3A_132] {strides = array<i32>} : memref<2048xi32, #tpu.memory_space<vmem>>, vector<16xi32>,
      %get3A_134 = vector.shape_cast %get3A_133 : vector<16xi32> to vector<16xi32>
      %add3A_135 = vector.broadcast %mul3A_9 : i32 to vector<16xi32>
      %add3A_136 = arith.addi %get3A_134, %add3A_135 : vector<16xi32>
      %swap3A_137 = arith.index_cast %add3A_131 : i32 to index
      %swap3A_138 = tpu.vector_load %arg8[%swap3A_137] {strides = array<i32>} : memref<2048xi32, #tpu.memory_space<vmem>>, vector<16xi32>,
      %swap3A_139 = vector.shape_cast %swap3A_138 : vector<16xi32> to vector<16xi32>
      %swap3A_140 = vector.shape_cast %add3A_136 : vector<16xi32> to vector<16xi32>
      tpu.vector_store %arg8[%swap3A_137], %swap3A_140 {strides = array<i32>} : memref<2048xi32, #tpu.memory_space<vmem>>, vector<16xi32>,
    }
    %scan3A_22 = arith.constant 64 : i32
    %add3A_23 = arith.constant 0 : i32
    %add3A_24 = arith.addi %add3A_7, %add3A_23 : i32
    %dma_start3A = arith.constant 0 : i32
    %dma_start3A_25 = tpu.memref_slice %arg5[%add3A_24, %dma_start3A] : memref<1204224x128xf32, #tpu.memory_space<hbm>> -> memref<32x128xf32, #tpu.memory_space<hbm>>
    %dma_start3A_26 = arith.constant 0 : i32
    %dma_start3A_27 = tpu.memref_slice %arg5[%add3A_24, %dma_start3A_26] : memref<1204224x128xf32, #tpu.memory_space<hbm>> -> memref<32x128xf32, #tpu.memory_space<hbm>>
    tpu.enqueue_dma source(%dma_start3A_27 : memref<32x128xf32, #tpu.memory_space<hbm>>) target(%arg10 : memref<32x128xf32, #tpu.memory_space<vmem>>) target_semaphore(%arg17 : memref<!tpu.dma_semaphore, #tpu.memory_space<semaphore_mem>>)
    %rem3A_28 = arith.constant 0 : i32
    %rem3A_29 = arith.constant 2 : i32
    %rem3A_30 = arith.remsi %rem3A_28, %rem3A_29 : i32
    %mul3A_31 = arith.constant 1024 : i32
    %mul3A_32 = arith.muli %rem3A_30, %mul3A_31 : i32
    %rem3A_33 = arith.constant 0 : i32
    %rem3A_34 = arith.constant 16 : i32
    %rem3A_35 = arith.remsi %rem3A_33, %rem3A_34 : i32
    %mul3A_36 = arith.constant 64 : i32
    %mul3A_37 = arith.muli %rem3A_35, %mul3A_36 : i32
    %add3A_38 = arith.addi %mul3A_32, %mul3A_37 : i32
    %dma_start3A_39 = tpu.memref_slice %arg8[%add3A_38] : memref<2048xi32, #tpu.memory_space<vmem>> -> memref<64xi32, #tpu.memory_space<vmem>>
    %dma_start3A_40 = arith.constant 0 : i32
    %dma_start3A_41 = arith.constant 0 : i32
    %dma_start3A_42 = tpu.memref_slice %arg4[%dma_start3A_40, %dma_start3A_41] : memref<100000x32xf32, #tpu.memory_space<hbm>> -> memref<100000x32xf32, #tpu.memory_space<hbm>>
    tpu.enqueue_indirect_dma source(%dma_start3A_42 : memref<100000x32xf32, #tpu.memory_space<hbm>>) target(%arg12 : memref<64x32xf32, #tpu.memory_space<vmem>>) offsets(%dma_start3A_39 : memref<64xi32, #tpu.memory_space<vmem>>) semaphore(%arg17 : memref<!tpu.dma_semaphore, #tpu.memory_space<semaphore_mem>>)
    %add3A_43 = arith.constant 32 : i32
    %add3A_44 = arith.addi %add3A_7, %add3A_43 : i32
    %dma_start3A_45 = arith.constant 0 : i32
    %dma_start3A_46 = tpu.memref_slice %arg5[%add3A_44, %dma_start3A_45] : memref<1204224x128xf32, #tpu.memory_space<hbm>> -> memref<32x128xf32, #tpu.memory_space<hbm>>
    %dma_start3A_47 = arith.constant 0 : i32
    %dma_start3A_48 = tpu.memref_slice %arg5[%add3A_44, %dma_start3A_47] : memref<1204224x128xf32, #tpu.memory_space<hbm>> -> memref<32x128xf32, #tpu.memory_space<hbm>>
    tpu.enqueue_dma source(%dma_start3A_48 : memref<32x128xf32, #tpu.memory_space<hbm>>) target(%arg11 : memref<32x128xf32, #tpu.memory_space<vmem>>) target_semaphore(%arg18 : memref<!tpu.dma_semaphore, #tpu.memory_space<semaphore_mem>>)
    %rem3A_49 = arith.constant 0 : i32
    %rem3A_50 = arith.constant 2 : i32
    %rem3A_51 = arith.remsi %rem3A_49, %rem3A_50 : i32
    %mul3A_52 = arith.constant 1024 : i32
    %mul3A_53 = arith.muli %rem3A_51, %mul3A_52 : i32
    %rem3A_54 = arith.constant 1 : i32
    %rem3A_55 = arith.constant 16 : i32
    %rem3A_56 = arith.remsi %rem3A_54, %rem3A_55 : i32
    %mul3A_57 = arith.constant 64 : i32
    %mul3A_58 = arith.muli %rem3A_56, %mul3A_57 : i32
    %add3A_59 = arith.addi %mul3A_53, %mul3A_58 : i32
    %dma_start3A_60 = tpu.memref_slice %arg8[%add3A_59] : memref<2048xi32, #tpu.memory_space<vmem>> -> memref<64xi32, #tpu.memory_space<vmem>>
    %dma_start3A_61 = arith.constant 0 : i32
    %dma_start3A_62 = arith.constant 0 : i32
    %dma_start3A_63 = tpu.memref_slice %arg4[%dma_start3A_61, %dma_start3A_62] : memref<100000x32xf32, #tpu.memory_space<hbm>> -> memref<100000x32xf32, #tpu.memory_space<hbm>>
    tpu.enqueue_indirect_dma source(%dma_start3A_63 : memref<100000x32xf32, #tpu.memory_space<hbm>>) target(%arg13 : memref<64x32xf32, #tpu.memory_space<vmem>>) offsets(%dma_start3A_60 : memref<64xi32, #tpu.memory_space<vmem>>) semaphore(%arg18 : memref<!tpu.dma_semaphore, #tpu.memory_space<semaphore_mem>>)
    %scan3A_64 = arith.constant 0 : i32
    %scan3A_65 = arith.constant 0 : i32
    %scan3A_66 = arith.constant 392 : i32
    %scan3A_67 = arith.addi %scan3A_65, %scan3A_66 : i32
    %scan3A_68 = arith.constant 1 : i32
    scf.for %scan3A_88 = %scan3A_65 to %scan3A_67 step %scan3A_68  : i32 {
      %mul3A_89 = arith.constant 2 : i32
      %mul3A_90 = arith.muli %mul3A_89, %scan3A_88 : i32
      %add3A_91 = arith.constant 1 : i32
      %add3A_92 = arith.addi %mul3A_90, %add3A_91 : i32
      %dma_wait3A_93 = arith.constant 0 : i32
      %dma_wait3A_94 = tpu.memref_slice %arg5[%add3A_7, %dma_wait3A_93] : memref<1204224x128xf32, #tpu.memory_space<hbm>> -> memref<32x128xf32, #tpu.memory_space<hbm>>
      %dma_wait3A_95 = arith.constant 0 : i32
      %dma_wait3A_96 = tpu.memref_slice %arg5[%add3A_7, %dma_wait3A_95] : memref<1204224x128xf32, #tpu.memory_space<hbm>> -> memref<32x128xf32, #tpu.memory_space<hbm>>
      tpu.wait_dma2 semaphore(%arg17 : memref<!tpu.dma_semaphore, #tpu.memory_space<semaphore_mem>>) src(%dma_wait3A_96 : memref<32x128xf32, #tpu.memory_space<hbm>>) dst(%arg10 : memref<32x128xf32, #tpu.memory_space<vmem>>)
      %dma_wait3A_97 = arith.constant 0 : i32
      %dma_wait3A_98 = arith.constant 0 : i32
      %dma_wait3A_99 = tpu.memref_slice %arg4[%dma_wait3A_97, %dma_wait3A_98] : memref<100000x32xf32, #tpu.memory_space<hbm>> -> memref<64x32xf32, #tpu.memory_space<hbm>>
      %dma_wait3A_100 = arith.constant 0 : i32
      %dma_wait3A_101 = arith.constant 0 : i32
      %dma_wait3A_102 = tpu.memref_slice %arg4[%dma_wait3A_100, %dma_wait3A_101] : memref<100000x32xf32, #tpu.memory_space<hbm>> -> memref<64x32xf32, #tpu.memory_space<hbm>>
      tpu.wait_dma2 semaphore(%arg17 : memref<!tpu.dma_semaphore, #tpu.memory_space<semaphore_mem>>) src(%dma_wait3A_102 : memref<64x32xf32, #tpu.memory_space<hbm>>) dst(%arg12 : memref<64x32xf32, #tpu.memory_space<vmem>>)
      %ge3A = arith.constant 2 : i32
      %ge3A_103 = arith.cmpi sge, %mul3A_90, %ge3A : i32
      %convert_element_type3A_104 = arith.extui %ge3A_103 : i1 to i32
      %cond3A_105 = arith.constant 0 : i32
      %cond3A_106 = arith.cmpi ne, %convert_element_type3A_104, %cond3A_105 : i32
      scf.if %cond3A_106 {
        %dma_wait3A_215 = arith.constant 0 : i32
        %dma_wait3A_216 = tpu.memref_slice %arg9[%dma_wait3A_215] : memref<2048xi32, #tpu.memory_space<vmem>> -> memref<64xi32, #tpu.memory_space<vmem>>
        %dma_wait3A_217 = arith.constant 0 : i32
        %dma_wait3A_218 = arith.constant 0 : i32
        %dma_wait3A_219 = tpu.memref_slice %arg16[%dma_wait3A_217, %dma_wait3A_218] : memref<50048x32xf32, #tpu.memory_space<vmem_shared>> -> memref<50048x32xf32, #tpu.memory_space<vmem_shared>>
        tpu.wait_indirect_dma semaphore(%arg19 : memref<!tpu.dma_semaphore, #tpu.memory_space<semaphore_mem>>) src(%arg14 : memref<64x32xf32, #tpu.memory_space<vmem>>) dst(%dma_wait3A_219 : memref<50048x32xf32, #tpu.memory_space<vmem_shared>>)
      } else {
      }
      %scan3A_107 = arith.constant 0 : i32
      %scan3A_108 = arith.constant 0 : i32
      %scan3A_109 = arith.constant 32 : i32
      %scan3A_110 = arith.addi %scan3A_108, %scan3A_109 : i32
      %scan3A_111 = arith.constant 4 : i32
      scf.for %scan3A_215 = %scan3A_108 to %scan3A_110 step %scan3A_111  : i32 {
        %mul3A_216 = arith.constant 2 : i32
        %mul3A_217 = arith.muli %mul3A_216, %scan3A_215 : i32
        %add3A_218 = arith.constant 1 : i32
        %add3A_219 = arith.addi %mul3A_217, %add3A_218 : i32
        %get3A = arith.index_cast %mul3A_217 : i32 to index
        %get3A_220 = arith.constant 0 : index
        %get3A_221 = tpu.vector_load %arg12[%get3A, %get3A_220] {strides = array<i32>} : memref<64x32xf32, #tpu.memory_space<vmem>>, vector<1x16xf32>,
        %get3A_222 = vector.shape_cast %get3A_221 : vector<1x16xf32> to vector<16xf32>
        %get3A_223 = arith.index_cast %scan3A_215 : i32 to index
        %get3A_224 = arith.index_cast %mul3A_0 : i32 to index
        %get3A_225 = tpu.vector_load %arg10[%get3A_223, %get3A_224] {strides = array<i32>} : memref<32x128xf32, #tpu.memory_space<vmem>>, vector<1x16xf32>,
        %get3A_226 = vector.shape_cast %get3A_225 : vector<1x16xf32> to vector<16xf32>
        %mul3A_227 = arith.mulf %get3A_222, %get3A_226 : vector<16xf32>
        %swap3A = arith.index_cast %mul3A_217 : i32 to index
        %swap3A_228 = arith.constant 0 : index
        %swap3A_229 = tpu.vector_load %arg14[%swap3A, %swap3A_228] {strides = array<i32>} : memref<64x32xf32, #tpu.memory_space<vmem>>, vector<1x16xf32>,
        %swap3A_230 = vector.shape_cast %swap3A_229 : vector<1x16xf32> to vector<16xf32>
        %swap3A_231 = vector.shape_cast %mul3A_227 : vector<16xf32> to vector<1x16xf32>
        tpu.vector_store %arg14[%swap3A, %swap3A_228], %swap3A_231 {strides = array<i32>} : memref<64x32xf32, #tpu.memory_space<vmem>>, vector<1x16xf32>,
        %get3A_232 = arith.index_cast %mul3A_217 : i32 to index
        %get3A_233 = arith.constant 16 : index
        %get3A_234 = tpu.vector_load %arg12[%get3A_232, %get3A_233] {strides = array<i32>} : memref<64x32xf32, #tpu.memory_space<vmem>>, vector<1x16xf32>,
        %get3A_235 = vector.shape_cast %get3A_234 : vector<1x16xf32> to vector<16xf32>
        %add3A_236 = arith.constant 16 : i32
        %add3A_237 = arith.addi %mul3A_0, %add3A_236 : i32
        %get3A_238 = arith.index_cast %scan3A_215 : i32 to index
        %get3A_239 = arith.index_cast %add3A_237 : i32 to index
        %get3A_240 = tpu.vector_load %arg10[%get3A_238, %get3A_239] {strides = array<i32>} : memref<32x128xf32, #tpu.memory_space<vmem>>, vector<1x16xf32>,
        %get3A_241 = vector.shape_cast %get3A_240 : vector<1x16xf32> to vector<16xf32>
        %mul3A_242 = arith.mulf %get3A_235, %get3A_241 : vector<16xf32>
        %swap3A_243 = arith.index_cast %mul3A_217 : i32 to index
        %swap3A_244 = arith.constant 16 : index
        %swap3A_245 = tpu.vector_load %arg14[%swap3A_243, %swap3A_244] {strides = array<i32>} : memref<64x32xf32, #tpu.memory_space<vmem>>, vector<1x16xf32>,
        %swap3A_246 = vector.shape_cast %swap3A_245 : vector<1x16xf32> to vector<16xf32>
        %swap3A_247 = vector.shape_cast %mul3A_242 : vector<16xf32> to vector<1x16xf32>
        tpu.vector_store %arg14[%swap3A_243, %swap3A_244], %swap3A_247 {strides = array<i32>} : memref<64x32xf32, #tpu.memory_space<vmem>>, vector<1x16xf32>,
        %get3A_248 = arith.index_cast %add3A_219 : i32 to index
        %get3A_249 = arith.constant 0 : index
        %get3A_250 = tpu.vector_load %arg12[%get3A_248, %get3A_249] {strides = array<i32>} : memref<64x32xf32, #tpu.memory_space<vmem>>, vector<1x16xf32>,
        %get3A_251 = vector.shape_cast %get3A_250 : vector<1x16xf32> to vector<16xf32>
        %add3A_252 = arith.constant 64 : i32
        %add3A_253 = arith.addi %add3A_252, %mul3A_0 : i32
        %get3A_254 = arith.index_cast %scan3A_215 : i32 to index
        %get3A_255 = arith.index_cast %add3A_253 : i32 to index
        %get3A_256 = tpu.vector_load %arg10[%get3A_254, %get3A_255] {strides = array<i32>} : memref<32x128xf32, #tpu.memory_space<vmem>>, vector<1x16xf32>,
        %get3A_257 = vector.shape_cast %get3A_256 : vector<1x16xf32> to vector<16xf32>
        %mul3A_258 = arith.mulf %get3A_251, %get3A_257 : vector<16xf32>
        %swap3A_259 = arith.index_cast %add3A_219 : i32 to index
        %swap3A_260 = arith.constant 0 : index
        %swap3A_261 = tpu.vector_load %arg14[%swap3A_259, %swap3A_260] {strides = array<i32>} : memref<64x32xf32, #tpu.memory_space<vmem>>, vector<1x16xf32>,
        %swap3A_262 = vector.shape_cast %swap3A_261 : vector<1x16xf32> to vector<16xf32>
        %swap3A_263 = vector.shape_cast %mul3A_258 : vector<16xf32> to vector<1x16xf32>
        tpu.vector_store %arg14[%swap3A_259, %swap3A_260], %swap3A_263 {strides = array<i32>} : memref<64x32xf32, #tpu.memory_space<vmem>>, vector<1x16xf32>,
        %get3A_264 = arith.index_cast %add3A_219 : i32 to index
        %get3A_265 = arith.constant 16 : index
        %get3A_266 = tpu.vector_load %arg12[%get3A_264, %get3A_265] {strides = array<i32>} : memref<64x32xf32, #tpu.memory_space<vmem>>, vector<1x16xf32>,
        %get3A_267 = vector.shape_cast %get3A_266 : vector<1x16xf32> to vector<16xf32>
        %add3A_268 = arith.constant 64 : i32
        %add3A_269 = arith.addi %add3A_268, %mul3A_0 : i32
        %add3A_270 = arith.constant 16 : i32
        %add3A_271 = arith.addi %add3A_269, %add3A_270 : i32
        %get3A_272 = arith.index_cast %scan3A_215 : i32 to index
        %get3A_273 = arith.index_cast %add3A_271 : i32 to index
        %get3A_274 = tpu.vector_load %arg10[%get3A_272, %get3A_273] {strides = array<i32>} : memref<32x128xf32, #tpu.memory_space<vmem>>, vector<1x16xf32>,
        %get3A_275 = vector.shape_cast %get3A_274 : vector<1x16xf32> to vector<16xf32>
        %mul3A_276 = arith.mulf %get3A_267, %get3A_275 : vector<16xf32>
        %swap3A_277 = arith.index_cast %add3A_219 : i32 to index
        %swap3A_278 = arith.constant 16 : index
        %swap3A_279 = tpu.vector_load %arg14[%swap3A_277, %swap3A_278] {strides = array<i32>} : memref<64x32xf32, #tpu.memory_space<vmem>>, vector<1x16xf32>,
        %swap3A_280 = vector.shape_cast %swap3A_279 : vector<1x16xf32> to vector<16xf32>
        %swap3A_281 = vector.shape_cast %mul3A_276 : vector<16xf32> to vector<1x16xf32>
        tpu.vector_store %arg14[%swap3A_277, %swap3A_278], %swap3A_281 {strides = array<i32>} : memref<64x32xf32, #tpu.memory_space<vmem>>, vector<1x16xf32>,
        %scan3A_282 = arith.constant 1 : i32
        %scan3A_283 = arith.addi %scan3A_215, %scan3A_282 : i32
        %mul3A_284 = arith.constant 2 : i32
        %mul3A_285 = arith.muli %mul3A_284, %scan3A_283 : i32
        %add3A_286 = arith.constant 1 : i32
        %add3A_287 = arith.addi %mul3A_285, %add3A_286 : i32
        %get3A_288 = arith.index_cast %mul3A_285 : i32 to index
        %get3A_289 = arith.constant 0 : index
        %get3A_290 = tpu.vector_load %arg12[%get3A_288, %get3A_289] {strides = array<i32>} : memref<64x32xf32, #tpu.memory_space<vmem>>, vector<1x16xf32>,
        %get3A_291 = vector.shape_cast %get3A_290 : vector<1x16xf32> to vector<16xf32>
        %get3A_292 = arith.index_cast %scan3A_283 : i32 to index
        %get3A_293 = arith.index_cast %mul3A_0 : i32 to index
        %get3A_294 = tpu.vector_load %arg10[%get3A_292, %get3A_293] {strides = array<i32>} : memref<32x128xf32, #tpu.memory_space<vmem>>, vector<1x16xf32>,
        %get3A_295 = vector.shape_cast %get3A_294 : vector<1x16xf32> to vector<16xf32>
        %mul3A_296 = arith.mulf %get3A_291, %get3A_295 : vector<16xf32>
        %swap3A_297 = arith.index_cast %mul3A_285 : i32 to index
        %swap3A_298 = arith.constant 0 : index
        %swap3A_299 = tpu.vector_load %arg14[%swap3A_297, %swap3A_298] {strides = array<i32>} : memref<64x32xf32, #tpu.memory_space<vmem>>, vector<1x16xf32>,
        %swap3A_300 = vector.shape_cast %swap3A_299 : vector<1x16xf32> to vector<16xf32>
        %swap3A_301 = vector.shape_cast %mul3A_296 : vector<16xf32> to vector<1x16xf32>
        tpu.vector_store %arg14[%swap3A_297, %swap3A_298], %swap3A_301 {strides = array<i32>} : memref<64x32xf32, #tpu.memory_space<vmem>>, vector<1x16xf32>,
        %get3A_302 = arith.index_cast %mul3A_285 : i32 to index
        %get3A_303 = arith.constant 16 : index
        %get3A_304 = tpu.vector_load %arg12[%get3A_302, %get3A_303] {strides = array<i32>} : memref<64x32xf32, #tpu.memory_space<vmem>>, vector<1x16xf32>,
        %get3A_305 = vector.shape_cast %get3A_304 : vector<1x16xf32> to vector<16xf32>
        %add3A_306 = arith.constant 16 : i32
        %add3A_307 = arith.addi %mul3A_0, %add3A_306 : i32
        %get3A_308 = arith.index_cast %scan3A_283 : i32 to index
        %get3A_309 = arith.index_cast %add3A_307 : i32 to index
        %get3A_310 = tpu.vector_load %arg10[%get3A_308, %get3A_309] {strides = array<i32>} : memref<32x128xf32, #tpu.memory_space<vmem>>, vector<1x16xf32>,
        %get3A_311 = vector.shape_cast %get3A_310 : vector<1x16xf32> to vector<16xf32>
        %mul3A_312 = arith.mulf %get3A_305, %get3A_311 : vector<16xf32>
        %swap3A_313 = arith.index_cast %mul3A_285 : i32 to index
        %swap3A_314 = arith.constant 16 : index
        %swap3A_315 = tpu.vector_load %arg14[%swap3A_313, %swap3A_314] {strides = array<i32>} : memref<64x32xf32, #tpu.memory_space<vmem>>, vector<1x16xf32>,
        %swap3A_316 = vector.shape_cast %swap3A_315 : vector<1x16xf32> to vector<16xf32>
        %swap3A_317 = vector.shape_cast %mul3A_312 : vector<16xf32> to vector<1x16xf32>
        tpu.vector_store %arg14[%swap3A_313, %swap3A_314], %swap3A_317 {strides = array<i32>} : memref<64x32xf32, #tpu.memory_space<vmem>>, vector<1x16xf32>,
        %get3A_318 = arith.index_cast %add3A_287 : i32 to index
        %get3A_319 = arith.constant 0 : index
        %get3A_320 = tpu.vector_load %arg12[%get3A_318, %get3A_319] {strides = array<i32>} : memref<64x32xf32, #tpu.memory_space<vmem>>, vector<1x16xf32>,
        %get3A_321 = vector.shape_cast %get3A_320 : vector<1x16xf32> to vector<16xf32>
        %add3A_322 = arith.constant 64 : i32
        %add3A_323 = arith.addi %add3A_322, %mul3A_0 : i32
        %get3A_324 = arith.index_cast %scan3A_283 : i32 to index
        %get3A_325 = arith.index_cast %add3A_323 : i32 to index
        %get3A_326 = tpu.vector_load %arg10[%get3A_324, %get3A_325] {strides = array<i32>} : memref<32x128xf32, #tpu.memory_space<vmem>>, vector<1x16xf32>,
        %get3A_327 = vector.shape_cast %get3A_326 : vector<1x16xf32> to vector<16xf32>
        %mul3A_328 = arith.mulf %get3A_321, %get3A_327 : vector<16xf32>
        %swap3A_329 = arith.index_cast %add3A_287 : i32 to index
        %swap3A_330 = arith.constant 0 : index
        %swap3A_331 = tpu.vector_load %arg14[%swap3A_329, %swap3A_330] {strides = array<i32>} : memref<64x32xf32, #tpu.memory_space<vmem>>, vector<1x16xf32>,
        %swap3A_332 = vector.shape_cast %swap3A_331 : vector<1x16xf32> to vector<16xf32>
        %swap3A_333 = vector.shape_cast %mul3A_328 : vector<16xf32> to vector<1x16xf32>
        tpu.vector_store %arg14[%swap3A_329, %swap3A_330], %swap3A_333 {strides = array<i32>} : memref<64x32xf32, #tpu.memory_space<vmem>>, vector<1x16xf32>,
        %get3A_334 = arith.index_cast %add3A_287 : i32 to index
        %get3A_335 = arith.constant 16 : index
        %get3A_336 = tpu.vector_load %arg12[%get3A_334, %get3A_335] {strides = array<i32>} : memref<64x32xf32, #tpu.memory_space<vmem>>, vector<1x16xf32>,
        %get3A_337 = vector.shape_cast %get3A_336 : vector<1x16xf32> to vector<16xf32>
        %add3A_338 = arith.constant 64 : i32
        %add3A_339 = arith.addi %add3A_338, %mul3A_0 : i32
        %add3A_340 = arith.constant 16 : i32
        %add3A_341 = arith.addi %add3A_339, %add3A_340 : i32
        %get3A_342 = arith.index_cast %scan3A_283 : i32 to index
        %get3A_343 = arith.index_cast %add3A_341 : i32 to index
        %get3A_344 = tpu.vector_load %arg10[%get3A_342, %get3A_343] {strides = array<i32>} : memref<32x128xf32, #tpu.memory_space<vmem>>, vector<1x16xf32>,
        %get3A_345 = vector.shape_cast %get3A_344 : vector<1x16xf32> to vector<16xf32>
        %mul3A_346 = arith.mulf %get3A_337, %get3A_345 : vector<16xf32>
        %swap3A_347 = arith.index_cast %add3A_287 : i32 to index
        %swap3A_348 = arith.constant 16 : index
        %swap3A_349 = tpu.vector_load %arg14[%swap3A_347, %swap3A_348] {strides = array<i32>} : memref<64x32xf32, #tpu.memory_space<vmem>>, vector<1x16xf32>,
        %swap3A_350 = vector.shape_cast %swap3A_349 : vector<1x16xf32> to vector<16xf32>
        %swap3A_351 = vector.shape_cast %mul3A_346 : vector<16xf32> to vector<1x16xf32>
        tpu.vector_store %arg14[%swap3A_347, %swap3A_348], %swap3A_351 {strides = array<i32>} : memref<64x32xf32, #tpu.memory_space<vmem>>, vector<1x16xf32>,
        %scan3A_352 = arith.constant 2 : i32
        %scan3A_353 = arith.addi %scan3A_215, %scan3A_352 : i32
        %mul3A_354 = arith.constant 2 : i32
        %mul3A_355 = arith.muli %mul3A_354, %scan3A_353 : i32
        %add3A_356 = arith.constant 1 : i32
        %add3A_357 = arith.addi %mul3A_355, %add3A_356 : i32
        %get3A_358 = arith.index_cast %mul3A_355 : i32 to index
        %get3A_359 = arith.constant 0 : index
        %get3A_360 = tpu.vector_load %arg12[%get3A_358, %get3A_359] {strides = array<i32>} : memref<64x32xf32, #tpu.memory_space<vmem>>, vector<1x16xf32>,
        %get3A_361 = vector.shape_cast %get3A_360 : vector<1x16xf32> to vector<16xf32>
        %get3A_362 = arith.index_cast %scan3A_353 : i32 to index
        %get3A_363 = arith.index_cast %mul3A_0 : i32 to index
        %get3A_364 = tpu.vector_load %arg10[%get3A_362, %get3A_363] {strides = array<i32>} : memref<32x128xf32, #tpu.memory_space<vmem>>, vector<1x16xf32>,
        %get3A_365 = vector.shape_cast %get3A_364 : vector<1x16xf32> to vector<16xf32>
        %mul3A_366 = arith.mulf %get3A_361, %get3A_365 : vector<16xf32>
        %swap3A_367 = arith.index_cast %mul3A_355 : i32 to index
        %swap3A_368 = arith.constant 0 : index
        %swap3A_369 = tpu.vector_load %arg14[%swap3A_367, %swap3A_368] {strides = array<i32>} : memref<64x32xf32, #tpu.memory_space<vmem>>, vector<1x16xf32>,
        %swap3A_370 = vector.shape_cast %swap3A_369 : vector<1x16xf32> to vector<16xf32>
        %swap3A_371 = vector.shape_cast %mul3A_366 : vector<16xf32> to vector<1x16xf32>
        tpu.vector_store %arg14[%swap3A_367, %swap3A_368], %swap3A_371 {strides = array<i32>} : memref<64x32xf32, #tpu.memory_space<vmem>>, vector<1x16xf32>,
        %get3A_372 = arith.index_cast %mul3A_355 : i32 to index
        %get3A_373 = arith.constant 16 : index
        %get3A_374 = tpu.vector_load %arg12[%get3A_372, %get3A_373] {strides = array<i32>} : memref<64x32xf32, #tpu.memory_space<vmem>>, vector<1x16xf32>,
        %get3A_375 = vector.shape_cast %get3A_374 : vector<1x16xf32> to vector<16xf32>
        %add3A_376 = arith.constant 16 : i32
        %add3A_377 = arith.addi %mul3A_0, %add3A_376 : i32
        %get3A_378 = arith.index_cast %scan3A_353 : i32 to index
        %get3A_379 = arith.index_cast %add3A_377 : i32 to index
        %get3A_380 = tpu.vector_load %arg10[%get3A_378, %get3A_379] {strides = array<i32>} : memref<32x128xf32, #tpu.memory_space<vmem>>, vector<1x16xf32>,
        %get3A_381 = vector.shape_cast %get3A_380 : vector<1x16xf32> to vector<16xf32>
        %mul3A_382 = arith.mulf %get3A_375, %get3A_381 : vector<16xf32>
        %swap3A_383 = arith.index_cast %mul3A_355 : i32 to index
        %swap3A_384 = arith.constant 16 : index
        %swap3A_385 = tpu.vector_load %arg14[%swap3A_383, %swap3A_384] {strides = array<i32>} : memref<64x32xf32, #tpu.memory_space<vmem>>, vector<1x16xf32>,
        %swap3A_386 = vector.shape_cast %swap3A_385 : vector<1x16xf32> to vector<16xf32>
        %swap3A_387 = vector.shape_cast %mul3A_382 : vector<16xf32> to vector<1x16xf32>
        tpu.vector_store %arg14[%swap3A_383, %swap3A_384], %swap3A_387 {strides = array<i32>} : memref<64x32xf32, #tpu.memory_space<vmem>>, vector<1x16xf32>,
        %get3A_388 = arith.index_cast %add3A_357 : i32 to index
        %get3A_389 = arith.constant 0 : index
        %get3A_390 = tpu.vector_load %arg12[%get3A_388, %get3A_389] {strides = array<i32>} : memref<64x32xf32, #tpu.memory_space<vmem>>, vector<1x16xf32>,
        %get3A_391 = vector.shape_cast %get3A_390 : vector<1x16xf32> to vector<16xf32>
        %add3A_392 = arith.constant 64 : i32
        %add3A_393 = arith.addi %add3A_392, %mul3A_0 : i32
        %get3A_394 = arith.index_cast %scan3A_353 : i32 to index
        %get3A_395 = arith.index_cast %add3A_393 : i32 to index
        %get3A_396 = tpu.vector_load %arg10[%get3A_394, %get3A_395] {strides = array<i32>} : memref<32x128xf32, #tpu.memory_space<vmem>>, vector<1x16xf32>,
        %get3A_397 = vector.shape_cast %get3A_396 : vector<1x16xf32> to vector<16xf32>
        %mul3A_398 = arith.mulf %get3A_391, %get3A_397 : vector<16xf32>
        %swap3A_399 = arith.index_cast %add3A_357 : i32 to index
        %swap3A_400 = arith.constant 0 : index
        %swap3A_401 = tpu.vector_load %arg14[%swap3A_399, %swap3A_400] {strides = array<i32>} : memref<64x32xf32, #tpu.memory_space<vmem>>, vector<1x16xf32>,
        %swap3A_402 = vector.shape_cast %swap3A_401 : vector<1x16xf32> to vector<16xf32>
        %swap3A_403 = vector.shape_cast %mul3A_398 : vector<16xf32> to vector<1x16xf32>
        tpu.vector_store %arg14[%swap3A_399, %swap3A_400], %swap3A_403 {strides = array<i32>} : memref<64x32xf32, #tpu.memory_space<vmem>>, vector<1x16xf32>,
        %get3A_404 = arith.index_cast %add3A_357 : i32 to index
        %get3A_405 = arith.constant 16 : index
        %get3A_406 = tpu.vector_load %arg12[%get3A_404, %get3A_405] {strides = array<i32>} : memref<64x32xf32, #tpu.memory_space<vmem>>, vector<1x16xf32>,
        %get3A_407 = vector.shape_cast %get3A_406 : vector<1x16xf32> to vector<16xf32>
        %add3A_408 = arith.constant 64 : i32
        %add3A_409 = arith.addi %add3A_408, %mul3A_0 : i32
        %add3A_410 = arith.constant 16 : i32
        %add3A_411 = arith.addi %add3A_409, %add3A_410 : i32
        %get3A_412 = arith.index_cast %scan3A_353 : i32 to index
        %get3A_413 = arith.index_cast %add3A_411 : i32 to index
        %get3A_414 = tpu.vector_load %arg10[%get3A_412, %get3A_413] {strides = array<i32>} : memref<32x128xf32, #tpu.memory_space<vmem>>, vector<1x16xf32>,
        %get3A_415 = vector.shape_cast %get3A_414 : vector<1x16xf32> to vector<16xf32>
        %mul3A_416 = arith.mulf %get3A_407, %get3A_415 : vector<16xf32>
        %swap3A_417 = arith.index_cast %add3A_357 : i32 to index
        %swap3A_418 = arith.constant 16 : index
        %swap3A_419 = tpu.vector_load %arg14[%swap3A_417, %swap3A_418] {strides = array<i32>} : memref<64x32xf32, #tpu.memory_space<vmem>>, vector<1x16xf32>,
        %swap3A_420 = vector.shape_cast %swap3A_419 : vector<1x16xf32> to vector<16xf32>
        %swap3A_421 = vector.shape_cast %mul3A_416 : vector<16xf32> to vector<1x16xf32>
        tpu.vector_store %arg14[%swap3A_417, %swap3A_418], %swap3A_421 {strides = array<i32>} : memref<64x32xf32, #tpu.memory_space<vmem>>, vector<1x16xf32>,
        %scan3A_422 = arith.constant 3 : i32
        %scan3A_423 = arith.addi %scan3A_215, %scan3A_422 : i32
        %mul3A_424 = arith.constant 2 : i32
        %mul3A_425 = arith.muli %mul3A_424, %scan3A_423 : i32
        %add3A_426 = arith.constant 1 : i32
        %add3A_427 = arith.addi %mul3A_425, %add3A_426 : i32
        %get3A_428 = arith.index_cast %mul3A_425 : i32 to index
        %get3A_429 = arith.constant 0 : index
        %get3A_430 = tpu.vector_load %arg12[%get3A_428, %get3A_429] {strides = array<i32>} : memref<64x32xf32, #tpu.memory_space<vmem>>, vector<1x16xf32>,
        %get3A_431 = vector.shape_cast %get3A_430 : vector<1x16xf32> to vector<16xf32>
        %get3A_432 = arith.index_cast %scan3A_423 : i32 to index
        %get3A_433 = arith.index_cast %mul3A_0 : i32 to index
        %get3A_434 = tpu.vector_load %arg10[%get3A_432, %get3A_433] {strides = array<i32>} : memref<32x128xf32, #tpu.memory_space<vmem>>, vector<1x16xf32>,
        %get3A_435 = vector.shape_cast %get3A_434 : vector<1x16xf32> to vector<16xf32>
        %mul3A_436 = arith.mulf %get3A_431, %get3A_435 : vector<16xf32>
        %swap3A_437 = arith.index_cast %mul3A_425 : i32 to index
        %swap3A_438 = arith.constant 0 : index
        %swap3A_439 = tpu.vector_load %arg14[%swap3A_437, %swap3A_438] {strides = array<i32>} : memref<64x32xf32, #tpu.memory_space<vmem>>, vector<1x16xf32>,
        %swap3A_440 = vector.shape_cast %swap3A_439 : vector<1x16xf32> to vector<16xf32>
        %swap3A_441 = vector.shape_cast %mul3A_436 : vector<16xf32> to vector<1x16xf32>
        tpu.vector_store %arg14[%swap3A_437, %swap3A_438], %swap3A_441 {strides = array<i32>} : memref<64x32xf32, #tpu.memory_space<vmem>>, vector<1x16xf32>,
        %get3A_442 = arith.index_cast %mul3A_425 : i32 to index
        %get3A_443 = arith.constant 16 : index
        %get3A_444 = tpu.vector_load %arg12[%get3A_442, %get3A_443] {strides = array<i32>} : memref<64x32xf32, #tpu.memory_space<vmem>>, vector<1x16xf32>,
        %get3A_445 = vector.shape_cast %get3A_444 : vector<1x16xf32> to vector<16xf32>
        %add3A_446 = arith.constant 16 : i32
        %add3A_447 = arith.addi %mul3A_0, %add3A_446 : i32
        %get3A_448 = arith.index_cast %scan3A_423 : i32 to index
        %get3A_449 = arith.index_cast %add3A_447 : i32 to index
        %get3A_450 = tpu.vector_load %arg10[%get3A_448, %get3A_449] {strides = array<i32>} : memref<32x128xf32, #tpu.memory_space<vmem>>, vector<1x16xf32>,
        %get3A_451 = vector.shape_cast %get3A_450 : vector<1x16xf32> to vector<16xf32>
        %mul3A_452 = arith.mulf %get3A_445, %get3A_451 : vector<16xf32>
        %swap3A_453 = arith.index_cast %mul3A_425 : i32 to index
        %swap3A_454 = arith.constant 16 : index
        %swap3A_455 = tpu.vector_load %arg14[%swap3A_453, %swap3A_454] {strides = array<i32>} : memref<64x32xf32, #tpu.memory_space<vmem>>, vector<1x16xf32>,
        %swap3A_456 = vector.shape_cast %swap3A_455 : vector<1x16xf32> to vector<16xf32>
        %swap3A_457 = vector.shape_cast %mul3A_452 : vector<16xf32> to vector<1x16xf32>
        tpu.vector_store %arg14[%swap3A_453, %swap3A_454], %swap3A_457 {strides = array<i32>} : memref<64x32xf32, #tpu.memory_space<vmem>>, vector<1x16xf32>,
        %get3A_458 = arith.index_cast %add3A_427 : i32 to index
        %get3A_459 = arith.constant 0 : index
        %get3A_460 = tpu.vector_load %arg12[%get3A_458, %get3A_459] {strides = array<i32>} : memref<64x32xf32, #tpu.memory_space<vmem>>, vector<1x16xf32>,
        %get3A_461 = vector.shape_cast %get3A_460 : vector<1x16xf32> to vector<16xf32>
        %add3A_462 = arith.constant 64 : i32
        %add3A_463 = arith.addi %add3A_462, %mul3A_0 : i32
        %get3A_464 = arith.index_cast %scan3A_423 : i32 to index
        %get3A_465 = arith.index_cast %add3A_463 : i32 to index
        %get3A_466 = tpu.vector_load %arg10[%get3A_464, %get3A_465] {strides = array<i32>} : memref<32x128xf32, #tpu.memory_space<vmem>>, vector<1x16xf32>,
        %get3A_467 = vector.shape_cast %get3A_466 : vector<1x16xf32> to vector<16xf32>
        %mul3A_468 = arith.mulf %get3A_461, %get3A_467 : vector<16xf32>
        %swap3A_469 = arith.index_cast %add3A_427 : i32 to index
        %swap3A_470 = arith.constant 0 : index
        %swap3A_471 = tpu.vector_load %arg14[%swap3A_469, %swap3A_470] {strides = array<i32>} : memref<64x32xf32, #tpu.memory_space<vmem>>, vector<1x16xf32>,
        %swap3A_472 = vector.shape_cast %swap3A_471 : vector<1x16xf32> to vector<16xf32>
        %swap3A_473 = vector.shape_cast %mul3A_468 : vector<16xf32> to vector<1x16xf32>
        tpu.vector_store %arg14[%swap3A_469, %swap3A_470], %swap3A_473 {strides = array<i32>} : memref<64x32xf32, #tpu.memory_space<vmem>>, vector<1x16xf32>,
        %get3A_474 = arith.index_cast %add3A_427 : i32 to index
        %get3A_475 = arith.constant 16 : index
        %get3A_476 = tpu.vector_load %arg12[%get3A_474, %get3A_475] {strides = array<i32>} : memref<64x32xf32, #tpu.memory_space<vmem>>, vector<1x16xf32>,
        %get3A_477 = vector.shape_cast %get3A_476 : vector<1x16xf32> to vector<16xf32>
        %add3A_478 = arith.constant 64 : i32
        %add3A_479 = arith.addi %add3A_478, %mul3A_0 : i32
        %add3A_480 = arith.constant 16 : i32
        %add3A_481 = arith.addi %add3A_479, %add3A_480 : i32
        %get3A_482 = arith.index_cast %scan3A_423 : i32 to index
        %get3A_483 = arith.index_cast %add3A_481 : i32 to index
        %get3A_484 = tpu.vector_load %arg10[%get3A_482, %get3A_483] {strides = array<i32>} : memref<32x128xf32, #tpu.memory_space<vmem>>, vector<1x16xf32>,
        %get3A_485 = vector.shape_cast %get3A_484 : vector<1x16xf32> to vector<16xf32>
        %mul3A_486 = arith.mulf %get3A_477, %get3A_485 : vector<16xf32>
        %swap3A_487 = arith.index_cast %add3A_427 : i32 to index
        %swap3A_488 = arith.constant 16 : index
        %swap3A_489 = tpu.vector_load %arg14[%swap3A_487, %swap3A_488] {strides = array<i32>} : memref<64x32xf32, #tpu.memory_space<vmem>>, vector<1x16xf32>,
        %swap3A_490 = vector.shape_cast %swap3A_489 : vector<1x16xf32> to vector<16xf32>
        %swap3A_491 = vector.shape_cast %mul3A_486 : vector<16xf32> to vector<1x16xf32>
        tpu.vector_store %arg14[%swap3A_487, %swap3A_488], %swap3A_491 {strides = array<i32>} : memref<64x32xf32, #tpu.memory_space<vmem>>, vector<1x16xf32>,
      }
      %scan3A_112 = arith.constant 32 : i32
      %jit3A = arith.constant 16 : i32
      %div3A = arith.divsi %mul3A_90, %jit3A : i32
      %sign3A = arith.constant 0 : i32
      %sign3A_113 = arith.cmpi sgt, %mul3A_90, %sign3A : i32
      %sign3A_114 = arith.extui %sign3A_113 : i1 to i32
      %sign3A_115 = arith.constant 0 : i32
      %sign3A_116 = arith.cmpi slt, %mul3A_90, %sign3A_115 : i32
      %sign3A_117 = arith.extui %sign3A_116 : i1 to i32
      %sign3A_118 = arith.subi %sign3A_114, %sign3A_117 : i32
      %sign3A_119 = arith.constant 0 : i32
      %sign3A_120 = arith.cmpi sgt, %jit3A, %sign3A_119 : i32
      %sign3A_121 = arith.extui %sign3A_120 : i1 to i32
      %sign3A_122 = arith.constant 0 : i32
      %sign3A_123 = arith.cmpi slt, %jit3A, %sign3A_122 : i32
      %sign3A_124 = arith.extui %sign3A_123 : i1 to i32
      %sign3A_125 = arith.subi %sign3A_121, %sign3A_124 : i32
      %ne3A = arith.cmpi ne, %sign3A_118, %sign3A_125 : i32
      %rem3A_126 = arith.remsi %mul3A_90, %jit3A : i32
      %ne3A_127 = arith.constant 0 : i32
      %ne3A_128 = arith.cmpi ne, %rem3A_126, %ne3A_127 : i32
      %and3A = arith.andi %ne3A, %ne3A_128 : i1
      %sub3A = arith.constant 1 : i32
      %sub3A_129 = arith.subi %div3A, %sub3A : i32
      %select_n3A = arith.select %and3A, %sub3A_129, %div3A : i32
      %rem3A_130 = arith.constant 2 : i32
      %rem3A_131 = arith.remsi %select_n3A, %rem3A_130 : i32
      %mul3A_132 = arith.constant 1024 : i32
      %mul3A_133 = arith.muli %rem3A_131, %mul3A_132 : i32
      %rem3A_134 = arith.constant 16 : i32
      %rem3A_135 = arith.remsi %mul3A_90, %rem3A_134 : i32
      %mul3A_136 = arith.constant 64 : i32
      %mul3A_137 = arith.muli %rem3A_135, %mul3A_136 : i32
      %add3A_138 = arith.addi %mul3A_133, %mul3A_137 : i32
      %dma_start3A_139 = tpu.memref_slice %arg9[%add3A_138] : memref<2048xi32, #tpu.memory_space<vmem>> -> memref<64xi32, #tpu.memory_space<vmem>>
      %dma_start3A_140 = arith.constant 0 : i32
      %dma_start3A_141 = arith.constant 0 : i32
      %dma_start3A_142 = tpu.memref_slice %arg16[%dma_start3A_140, %dma_start3A_141] : memref<50048x32xf32, #tpu.memory_space<vmem_shared>> -> memref<50048x32xf32, #tpu.memory_space<vmem_shared>>
      tpu.enqueue_indirect_dma source(%arg14 : memref<64x32xf32, #tpu.memory_space<vmem>>) target(%dma_start3A_142 : memref<50048x32xf32, #tpu.memory_space<vmem_shared>>) offsets(%dma_start3A_139 : memref<64xi32, #tpu.memory_space<vmem>>) semaphore(%arg19 : memref<!tpu.dma_semaphore, #tpu.memory_space<semaphore_mem>>) {add = true}
      %add3A_143 = arith.constant 2 : i32
      %add3A_144 = arith.addi %mul3A_90, %add3A_143 : i32
      %lt3A_145 = arith.constant 784 : i32
      %lt3A_146 = arith.cmpi slt, %add3A_144, %lt3A_145 : i32
      %convert_element_type3A_147 = arith.extui %lt3A_146 : i1 to i32
      %cond3A_148 = arith.constant 0 : i32
      %cond3A_149 = arith.cmpi ne, %convert_element_type3A_147, %cond3A_148 : i32
      scf.if %cond3A_149 {
        %rem3A_215 = arith.constant 16 : i32
        %rem3A_216 = arith.remsi %add3A_144, %rem3A_215 : i32
        %eq3A_217 = arith.constant 0 : i32
        %eq3A_218 = arith.cmpi eq, %rem3A_216, %eq3A_217 : i32
        %convert_element_type3A_219 = arith.extui %eq3A_218 : i1 to i32
        %cond3A_220 = arith.constant 0 : i32
        %cond3A_221 = arith.cmpi ne, %convert_element_type3A_219, %cond3A_220 : i32
        scf.if %cond3A_221 {
          %jit3A_266 = arith.constant 16 : i32
          %div3A_267 = arith.divsi %add3A_144, %jit3A_266 : i32
          %sign3A_268 = arith.constant 0 : i32
          %sign3A_269 = arith.cmpi sgt, %add3A_144, %sign3A_268 : i32
          %sign3A_270 = arith.extui %sign3A_269 : i1 to i32
          %sign3A_271 = arith.constant 0 : i32
          %sign3A_272 = arith.cmpi slt, %add3A_144, %sign3A_271 : i32
          %sign3A_273 = arith.extui %sign3A_272 : i1 to i32
          %sign3A_274 = arith.subi %sign3A_270, %sign3A_273 : i32
          %sign3A_275 = arith.constant 0 : i32
          %sign3A_276 = arith.cmpi sgt, %jit3A_266, %sign3A_275 : i32
          %sign3A_277 = arith.extui %sign3A_276 : i1 to i32
          %sign3A_278 = arith.constant 0 : i32
          %sign3A_279 = arith.cmpi slt, %jit3A_266, %sign3A_278 : i32
          %sign3A_280 = arith.extui %sign3A_279 : i1 to i32
          %sign3A_281 = arith.subi %sign3A_277, %sign3A_280 : i32
          %ne3A_282 = arith.cmpi ne, %sign3A_274, %sign3A_281 : i32
          %rem3A_283 = arith.remsi %add3A_144, %jit3A_266 : i32
          %ne3A_284 = arith.constant 0 : i32
          %ne3A_285 = arith.cmpi ne, %rem3A_283, %ne3A_284 : i32
          %and3A_286 = arith.andi %ne3A_282, %ne3A_285 : i1
          %sub3A_287 = arith.constant 1 : i32
          %sub3A_288 = arith.subi %div3A_267, %sub3A_287 : i32
          %select_n3A_289 = arith.select %and3A_286, %sub3A_288, %div3A_267 : i32
          %rem3A_290 = arith.constant 2 : i32
          %rem3A_291 = arith.remsi %select_n3A_289, %rem3A_290 : i32
          %mul3A_292 = arith.constant 1024 : i32
          %mul3A_293 = arith.muli %rem3A_291, %mul3A_292 : i32
          %mul3A_294 = arith.constant 64 : i32
          %mul3A_295 = arith.muli %add3A_144, %mul3A_294 : i32
          %add3A_296 = arith.addi %mul3A_4, %mul3A_295 : i32
          "tpu.region"() ({
            %run_scoped3A = tpu.sem_alloc : memref<!tpu.dma_semaphore, #tpu.memory_space<semaphore_mem>>
            %dma_start3A_306 = tpu.memref_slice %arg8[%mul3A_293] : memref<2048xi32, #tpu.memory_space<vmem>> -> memref<1024xi32, #tpu.memory_space<vmem>>
            %dma_start3A_307 = tpu.memref_slice %arg2[%add3A_296] : memref<802816xi32, #tpu.memory_space<hbm>> -> memref<1024xi32, #tpu.memory_space<hbm>>
            %dma_start3A_308 = tpu.memref_slice %arg8[%mul3A_293] : memref<2048xi32, #tpu.memory_space<vmem>> -> memref<1024xi32, #tpu.memory_space<vmem>>
            %dma_start3A_309 = tpu.memref_slice %arg2[%add3A_296] : memref<802816xi32, #tpu.memory_space<hbm>> -> memref<1024xi32, #tpu.memory_space<hbm>>
            tpu.enqueue_dma source(%dma_start3A_309 : memref<1024xi32, #tpu.memory_space<hbm>>) target(%dma_start3A_308 : memref<1024xi32, #tpu.memory_space<vmem>>) target_semaphore(%run_scoped3A : memref<!tpu.dma_semaphore, #tpu.memory_space<semaphore_mem>>)
            %dma_wait3A_310 = tpu.memref_slice %arg8[%mul3A_293] : memref<2048xi32, #tpu.memory_space<vmem>> -> memref<1024xi32, #tpu.memory_space<vmem>>
            %dma_wait3A_311 = tpu.memref_slice %arg2[%add3A_296] : memref<802816xi32, #tpu.memory_space<hbm>> -> memref<1024xi32, #tpu.memory_space<hbm>>
            %dma_wait3A_312 = tpu.memref_slice %arg8[%mul3A_293] : memref<2048xi32, #tpu.memory_space<vmem>> -> memref<1024xi32, #tpu.memory_space<vmem>>
            %dma_wait3A_313 = tpu.memref_slice %arg2[%add3A_296] : memref<802816xi32, #tpu.memory_space<hbm>> -> memref<1024xi32, #tpu.memory_space<hbm>>
            tpu.wait_dma2 semaphore(%run_scoped3A : memref<!tpu.dma_semaphore, #tpu.memory_space<semaphore_mem>>) src(%dma_wait3A_313 : memref<1024xi32, #tpu.memory_space<hbm>>) dst(%dma_wait3A_312 : memref<1024xi32, #tpu.memory_space<vmem>>)
            tpu.yield
          }) : () -> ()
          %mul3A_297 = arith.constant 64 : i32
          %mul3A_298 = arith.muli %add3A_144, %mul3A_297 : i32
          %add3A_299 = arith.addi %mul3A_4, %mul3A_298 : i32
          "tpu.region"() ({
            %run_scoped3A = tpu.sem_alloc : memref<!tpu.dma_semaphore, #tpu.memory_space<semaphore_mem>>
            %dma_start3A_306 = tpu.memref_slice %arg9[%mul3A_293] : memref<2048xi32, #tpu.memory_space<vmem>> -> memref<1024xi32, #tpu.memory_space<vmem>>
            %dma_start3A_307 = tpu.memref_slice %arg3[%add3A_299] : memref<802816xi32, #tpu.memory_space<hbm>> -> memref<1024xi32, #tpu.memory_space<hbm>>
            %dma_start3A_308 = tpu.memref_slice %arg9[%mul3A_293] : memref<2048xi32, #tpu.memory_space<vmem>> -> memref<1024xi32, #tpu.memory_space<vmem>>
            %dma_start3A_309 = tpu.memref_slice %arg3[%add3A_299] : memref<802816xi32, #tpu.memory_space<hbm>> -> memref<1024xi32, #tpu.memory_space<hbm>>
            tpu.enqueue_dma source(%dma_start3A_309 : memref<1024xi32, #tpu.memory_space<hbm>>) target(%dma_start3A_308 : memref<1024xi32, #tpu.memory_space<vmem>>) target_semaphore(%run_scoped3A : memref<!tpu.dma_semaphore, #tpu.memory_space<semaphore_mem>>)
            %dma_wait3A_310 = tpu.memref_slice %arg9[%mul3A_293] : memref<2048xi32, #tpu.memory_space<vmem>> -> memref<1024xi32, #tpu.memory_space<vmem>>
            %dma_wait3A_311 = tpu.memref_slice %arg3[%add3A_299] : memref<802816xi32, #tpu.memory_space<hbm>> -> memref<1024xi32, #tpu.memory_space<hbm>>
            %dma_wait3A_312 = tpu.memref_slice %arg9[%mul3A_293] : memref<2048xi32, #tpu.memory_space<vmem>> -> memref<1024xi32, #tpu.memory_space<vmem>>
            %dma_wait3A_313 = tpu.memref_slice %arg3[%add3A_299] : memref<802816xi32, #tpu.memory_space<hbm>> -> memref<1024xi32, #tpu.memory_space<hbm>>
            tpu.wait_dma2 semaphore(%run_scoped3A : memref<!tpu.dma_semaphore, #tpu.memory_space<semaphore_mem>>) src(%dma_wait3A_313 : memref<1024xi32, #tpu.memory_space<hbm>>) dst(%dma_wait3A_312 : memref<1024xi32, #tpu.memory_space<vmem>>)
            tpu.yield
          }) : () -> ()
          %scan3A_300 = arith.constant 0 : i32
          %scan3A_301 = arith.constant 0 : i32
          %scan3A_302 = arith.constant 64 : i32
          %scan3A_303 = arith.addi %scan3A_301, %scan3A_302 : i32
          %scan3A_304 = arith.constant 4 : i32
          scf.for %scan3A_306 = %scan3A_301 to %scan3A_303 step %scan3A_304  : i32 {
            %mul3A_307 = arith.constant 16 : i32
            %mul3A_308 = arith.muli %scan3A_306, %mul3A_307 : i32
            %add3A_309 = arith.addi %mul3A_293, %mul3A_308 : i32
            %get3A = arith.index_cast %add3A_309 : i32 to index
            %get3A_310 = tpu.vector_load %arg8[%get3A] {strides = array<i32>} : memref<2048xi32, #tpu.memory_space<vmem>>, vector<16xi32>,
            %get3A_311 = vector.shape_cast %get3A_310 : vector<16xi32> to vector<16xi32>
            %add3A_312 = vector.broadcast %mul3A_9 : i32 to vector<16xi32>
            %add3A_313 = arith.addi %get3A_311, %add3A_312 : vector<16xi32>
            %swap3A = arith.index_cast %add3A_309 : i32 to index
            %swap3A_314 = tpu.vector_load %arg8[%swap3A] {strides = array<i32>} : memref<2048xi32, #tpu.memory_space<vmem>>, vector<16xi32>,
            %swap3A_315 = vector.shape_cast %swap3A_314 : vector<16xi32> to vector<16xi32>
            %swap3A_316 = vector.shape_cast %add3A_313 : vector<16xi32> to vector<16xi32>
            tpu.vector_store %arg8[%swap3A], %swap3A_316 {strides = array<i32>} : memref<2048xi32, #tpu.memory_space<vmem>>, vector<16xi32>,
            %scan3A_317 = arith.constant 1 : i32
            %scan3A_318 = arith.addi %scan3A_306, %scan3A_317 : i32
            %mul3A_319 = arith.constant 16 : i32
            %mul3A_320 = arith.muli %scan3A_318, %mul3A_319 : i32
            %add3A_321 = arith.addi %mul3A_293, %mul3A_320 : i32
            %get3A_322 = arith.index_cast %add3A_321 : i32 to index
            %get3A_323 = tpu.vector_load %arg8[%get3A_322] {strides = array<i32>} : memref<2048xi32, #tpu.memory_space<vmem>>, vector<16xi32>,
            %get3A_324 = vector.shape_cast %get3A_323 : vector<16xi32> to vector<16xi32>
            %add3A_325 = vector.broadcast %mul3A_9 : i32 to vector<16xi32>
            %add3A_326 = arith.addi %get3A_324, %add3A_325 : vector<16xi32>
            %swap3A_327 = arith.index_cast %add3A_321 : i32 to index
            %swap3A_328 = tpu.vector_load %arg8[%swap3A_327] {strides = array<i32>} : memref<2048xi32, #tpu.memory_space<vmem>>, vector<16xi32>,
            %swap3A_329 = vector.shape_cast %swap3A_328 : vector<16xi32> to vector<16xi32>
            %swap3A_330 = vector.shape_cast %add3A_326 : vector<16xi32> to vector<16xi32>
            tpu.vector_store %arg8[%swap3A_327], %swap3A_330 {strides = array<i32>} : memref<2048xi32, #tpu.memory_space<vmem>>, vector<16xi32>,
            %scan3A_331 = arith.constant 2 : i32
            %scan3A_332 = arith.addi %scan3A_306, %scan3A_331 : i32
            %mul3A_333 = arith.constant 16 : i32
            %mul3A_334 = arith.muli %scan3A_332, %mul3A_333 : i32
            %add3A_335 = arith.addi %mul3A_293, %mul3A_334 : i32
            %get3A_336 = arith.index_cast %add3A_335 : i32 to index
            %get3A_337 = tpu.vector_load %arg8[%get3A_336] {strides = array<i32>} : memref<2048xi32, #tpu.memory_space<vmem>>, vector<16xi32>,
            %get3A_338 = vector.shape_cast %get3A_337 : vector<16xi32> to vector<16xi32>
            %add3A_339 = vector.broadcast %mul3A_9 : i32 to vector<16xi32>
            %add3A_340 = arith.addi %get3A_338, %add3A_339 : vector<16xi32>
            %swap3A_341 = arith.index_cast %add3A_335 : i32 to index
            %swap3A_342 = tpu.vector_load %arg8[%swap3A_341] {strides = array<i32>} : memref<2048xi32, #tpu.memory_space<vmem>>, vector<16xi32>,
            %swap3A_343 = vector.shape_cast %swap3A_342 : vector<16xi32> to vector<16xi32>
            %swap3A_344 = vector.shape_cast %add3A_340 : vector<16xi32> to vector<16xi32>
            tpu.vector_store %arg8[%swap3A_341], %swap3A_344 {strides = array<i32>} : memref<2048xi32, #tpu.memory_space<vmem>>, vector<16xi32>,
            %scan3A_345 = arith.constant 3 : i32
            %scan3A_346 = arith.addi %scan3A_306, %scan3A_345 : i32
            %mul3A_347 = arith.constant 16 : i32
            %mul3A_348 = arith.muli %scan3A_346, %mul3A_347 : i32
            %add3A_349 = arith.addi %mul3A_293, %mul3A_348 : i32
            %get3A_350 = arith.index_cast %add3A_349 : i32 to index
            %get3A_351 = tpu.vector_load %arg8[%get3A_350] {strides = array<i32>} : memref<2048xi32, #tpu.memory_space<vmem>>, vector<16xi32>,
            %get3A_352 = vector.shape_cast %get3A_351 : vector<16xi32> to vector<16xi32>
            %add3A_353 = vector.broadcast %mul3A_9 : i32 to vector<16xi32>
            %add3A_354 = arith.addi %get3A_352, %add3A_353 : vector<16xi32>
            %swap3A_355 = arith.index_cast %add3A_349 : i32 to index
            %swap3A_356 = tpu.vector_load %arg8[%swap3A_355] {strides = array<i32>} : memref<2048xi32, #tpu.memory_space<vmem>>, vector<16xi32>,
            %swap3A_357 = vector.shape_cast %swap3A_356 : vector<16xi32> to vector<16xi32>
            %swap3A_358 = vector.shape_cast %add3A_354 : vector<16xi32> to vector<16xi32>
            tpu.vector_store %arg8[%swap3A_355], %swap3A_358 {strides = array<i32>} : memref<2048xi32, #tpu.memory_space<vmem>>, vector<16xi32>,
          }
          %scan3A_305 = arith.constant 64 : i32
        } else {
        }
        %mul3A_222 = arith.constant 32 : i32
        %mul3A_223 = arith.muli %add3A_144, %mul3A_222 : i32
        %add3A_224 = arith.addi %add3A_7, %mul3A_223 : i32
        %dma_start3A_225 = arith.constant 0 : i32
        %dma_start3A_226 = tpu.memref_slice %arg5[%add3A_224, %dma_start3A_225] : memref<1204224x128xf32, #tpu.memory_space<hbm>> -> memref<32x128xf32, #tpu.memory_space<hbm>>
        %dma_start3A_227 = arith.constant 0 : i32
        %dma_start3A_228 = tpu.memref_slice %arg5[%add3A_224, %dma_start3A_227] : memref<1204224x128xf32, #tpu.memory_space<hbm>> -> memref<32x128xf32, #tpu.memory_space<hbm>>
        tpu.enqueue_dma source(%dma_start3A_228 : memref<32x128xf32, #tpu.memory_space<hbm>>) target(%arg10 : memref<32x128xf32, #tpu.memory_space<vmem>>) target_semaphore(%arg17 : memref<!tpu.dma_semaphore, #tpu.memory_space<semaphore_mem>>)
        %jit3A_229 = arith.constant 16 : i32
        %div3A_230 = arith.divsi %add3A_144, %jit3A_229 : i32
        %sign3A_231 = arith.constant 0 : i32
        %sign3A_232 = arith.cmpi sgt, %add3A_144, %sign3A_231 : i32
        %sign3A_233 = arith.extui %sign3A_232 : i1 to i32
        %sign3A_234 = arith.constant 0 : i32
        %sign3A_235 = arith.cmpi slt, %add3A_144, %sign3A_234 : i32
        %sign3A_236 = arith.extui %sign3A_235 : i1 to i32
        %sign3A_237 = arith.subi %sign3A_233, %sign3A_236 : i32
        %sign3A_238 = arith.constant 0 : i32
        %sign3A_239 = arith.cmpi sgt, %jit3A_229, %sign3A_238 : i32
        %sign3A_240 = arith.extui %sign3A_239 : i1 to i32
        %sign3A_241 = arith.constant 0 : i32
        %sign3A_242 = arith.cmpi slt, %jit3A_229, %sign3A_241 : i32
        %sign3A_243 = arith.extui %sign3A_242 : i1 to i32
        %sign3A_244 = arith.subi %sign3A_240, %sign3A_243 : i32
        %ne3A_245 = arith.cmpi ne, %sign3A_237, %sign3A_244 : i32
        %rem3A_246 = arith.remsi %add3A_144, %jit3A_229 : i32
        %ne3A_247 = arith.constant 0 : i32
        %ne3A_248 = arith.cmpi ne, %rem3A_246, %ne3A_247 : i32
        %and3A_249 = arith.andi %ne3A_245, %ne3A_248 : i1
        %sub3A_250 = arith.constant 1 : i32
        %sub3A_251 = arith.subi %div3A_230, %sub3A_250 : i32
        %select_n3A_252 = arith.select %and3A_249, %sub3A_251, %div3A_230 : i32
        %rem3A_253 = arith.constant 2 : i32
        %rem3A_254 = arith.remsi %select_n3A_252, %rem3A_253 : i32
        %mul3A_255 = arith.constant 1024 : i32
        %mul3A_256 = arith.muli %rem3A_254, %mul3A_255 : i32
        %rem3A_257 = arith.constant 16 : i32
        %rem3A_258 = arith.remsi %add3A_144, %rem3A_257 : i32
        %mul3A_259 = arith.constant 64 : i32
        %mul3A_260 = arith.muli %rem3A_258, %mul3A_259 : i32
        %add3A_261 = arith.addi %mul3A_256, %mul3A_260 : i32
        %dma_start3A_262 = tpu.memref_slice %arg8[%add3A_261] : memref<2048xi32, #tpu.memory_space<vmem>> -> memref<64xi32, #tpu.memory_space<vmem>>
        %dma_start3A_263 = arith.constant 0 : i32
        %dma_start3A_264 = arith.constant 0 : i32
        %dma_start3A_265 = tpu.memref_slice %arg4[%dma_start3A_263, %dma_start3A_264] : memref<100000x32xf32, #tpu.memory_space<hbm>> -> memref<100000x32xf32, #tpu.memory_space<hbm>>
        tpu.enqueue_indirect_dma source(%dma_start3A_265 : memref<100000x32xf32, #tpu.memory_space<hbm>>) target(%arg12 : memref<64x32xf32, #tpu.memory_space<vmem>>) offsets(%dma_start3A_262 : memref<64xi32, #tpu.memory_space<vmem>>) semaphore(%arg17 : memref<!tpu.dma_semaphore, #tpu.memory_space<semaphore_mem>>)
      } else {
      }
      %dma_wait3A_150 = arith.constant 0 : i32
      %dma_wait3A_151 = tpu.memref_slice %arg5[%add3A_7, %dma_wait3A_150] : memref<1204224x128xf32, #tpu.memory_space<hbm>> -> memref<32x128xf32, #tpu.memory_space<hbm>>
      %dma_wait3A_152 = arith.constant 0 : i32
      %dma_wait3A_153 = tpu.memref_slice %arg5[%add3A_7, %dma_wait3A_152] : memref<1204224x128xf32, #tpu.memory_space<hbm>> -> memref<32x128xf32, #tpu.memory_space<hbm>>
      tpu.wait_dma2 semaphore(%arg18 : memref<!tpu.dma_semaphore, #tpu.memory_space<semaphore_mem>>) src(%dma_wait3A_153 : memref<32x128xf32, #tpu.memory_space<hbm>>) dst(%arg11 : memref<32x128xf32, #tpu.memory_space<vmem>>)
      %dma_wait3A_154 = arith.constant 0 : i32
      %dma_wait3A_155 = arith.constant 0 : i32
      %dma_wait3A_156 = tpu.memref_slice %arg4[%dma_wait3A_154, %dma_wait3A_155] : memref<100000x32xf32, #tpu.memory_space<hbm>> -> memref<64x32xf32, #tpu.memory_space<hbm>>
      %dma_wait3A_157 = arith.constant 0 : i32
      %dma_wait3A_158 = arith.constant 0 : i32
      %dma_wait3A_159 = tpu.memref_slice %arg4[%dma_wait3A_157, %dma_wait3A_158] : memref<100000x32xf32, #tpu.memory_space<hbm>> -> memref<64x32xf32, #tpu.memory_space<hbm>>
      tpu.wait_dma2 semaphore(%arg18 : memref<!tpu.dma_semaphore, #tpu.memory_space<semaphore_mem>>) src(%dma_wait3A_159 : memref<64x32xf32, #tpu.memory_space<hbm>>) dst(%arg13 : memref<64x32xf32, #tpu.memory_space<vmem>>)
      %ge3A_160 = arith.constant 2 : i32
      %ge3A_161 = arith.cmpi sge, %add3A_92, %ge3A_160 : i32
      %convert_element_type3A_162 = arith.extui %ge3A_161 : i1 to i32
      %cond3A_163 = arith.constant 0 : i32
      %cond3A_164 = arith.cmpi ne, %convert_element_type3A_162, %cond3A_163 : i32
      scf.if %cond3A_164 {
        %dma_wait3A_215 = arith.constant 0 : i32
        %dma_wait3A_216 = tpu.memref_slice %arg9[%dma_wait3A_215] : memref<2048xi32, #tpu.memory_space<vmem>> -> memref<64xi32, #tpu.memory_space<vmem>>
        %dma_wait3A_217 = arith.constant 0 : i32
        %dma_wait3A_218 = arith.constant 0 : i32
        %dma_wait3A_219 = tpu.memref_slice %arg16[%dma_wait3A_217, %dma_wait3A_218] : memref<50048x32xf32, #tpu.memory_space<vmem_shared>> -> memref<50048x32xf32, #tpu.memory_space<vmem_shared>>
        tpu.wait_indirect_dma semaphore(%arg20 : memref<!tpu.dma_semaphore, #tpu.memory_space<semaphore_mem>>) src(%arg15 : memref<64x32xf32, #tpu.memory_space<vmem>>) dst(%dma_wait3A_219 : memref<50048x32xf32, #tpu.memory_space<vmem_shared>>)
      } else {
      }
      %scan3A_165 = arith.constant 0 : i32
      %scan3A_166 = arith.constant 0 : i32
      %scan3A_167 = arith.constant 32 : i32
      %scan3A_168 = arith.addi %scan3A_166, %scan3A_167 : i32
      %scan3A_169 = arith.constant 4 : i32
      scf.for %scan3A_215 = %scan3A_166 to %scan3A_168 step %scan3A_169  : i32 {
        %mul3A_216 = arith.constant 2 : i32
        %mul3A_217 = arith.muli %mul3A_216, %scan3A_215 : i32
        %add3A_218 = arith.constant 1 : i32
        %add3A_219 = arith.addi %mul3A_217, %add3A_218 : i32
        %get3A = arith.index_cast %mul3A_217 : i32 to index
        %get3A_220 = arith.constant 0 : index
        %get3A_221 = tpu.vector_load %arg13[%get3A, %get3A_220] {strides = array<i32>} : memref<64x32xf32, #tpu.memory_space<vmem>>, vector<1x16xf32>,
        %get3A_222 = vector.shape_cast %get3A_221 : vector<1x16xf32> to vector<16xf32>
        %get3A_223 = arith.index_cast %scan3A_215 : i32 to index
        %get3A_224 = arith.index_cast %mul3A_0 : i32 to index
        %get3A_225 = tpu.vector_load %arg11[%get3A_223, %get3A_224] {strides = array<i32>} : memref<32x128xf32, #tpu.memory_space<vmem>>, vector<1x16xf32>,
        %get3A_226 = vector.shape_cast %get3A_225 : vector<1x16xf32> to vector<16xf32>
        %mul3A_227 = arith.mulf %get3A_222, %get3A_226 : vector<16xf32>
        %swap3A = arith.index_cast %mul3A_217 : i32 to index
        %swap3A_228 = arith.constant 0 : index
        %swap3A_229 = tpu.vector_load %arg15[%swap3A, %swap3A_228] {strides = array<i32>} : memref<64x32xf32, #tpu.memory_space<vmem>>, vector<1x16xf32>,
        %swap3A_230 = vector.shape_cast %swap3A_229 : vector<1x16xf32> to vector<16xf32>
        %swap3A_231 = vector.shape_cast %mul3A_227 : vector<16xf32> to vector<1x16xf32>
        tpu.vector_store %arg15[%swap3A, %swap3A_228], %swap3A_231 {strides = array<i32>} : memref<64x32xf32, #tpu.memory_space<vmem>>, vector<1x16xf32>,
        %get3A_232 = arith.index_cast %mul3A_217 : i32 to index
        %get3A_233 = arith.constant 16 : index
        %get3A_234 = tpu.vector_load %arg13[%get3A_232, %get3A_233] {strides = array<i32>} : memref<64x32xf32, #tpu.memory_space<vmem>>, vector<1x16xf32>,
        %get3A_235 = vector.shape_cast %get3A_234 : vector<1x16xf32> to vector<16xf32>
        %add3A_236 = arith.constant 16 : i32
        %add3A_237 = arith.addi %mul3A_0, %add3A_236 : i32
        %get3A_238 = arith.index_cast %scan3A_215 : i32 to index
        %get3A_239 = arith.index_cast %add3A_237 : i32 to index
        %get3A_240 = tpu.vector_load %arg11[%get3A_238, %get3A_239] {strides = array<i32>} : memref<32x128xf32, #tpu.memory_space<vmem>>, vector<1x16xf32>,
        %get3A_241 = vector.shape_cast %get3A_240 : vector<1x16xf32> to vector<16xf32>
        %mul3A_242 = arith.mulf %get3A_235, %get3A_241 : vector<16xf32>
        %swap3A_243 = arith.index_cast %mul3A_217 : i32 to index
        %swap3A_244 = arith.constant 16 : index
        %swap3A_245 = tpu.vector_load %arg15[%swap3A_243, %swap3A_244] {strides = array<i32>} : memref<64x32xf32, #tpu.memory_space<vmem>>, vector<1x16xf32>,
        %swap3A_246 = vector.shape_cast %swap3A_245 : vector<1x16xf32> to vector<16xf32>
        %swap3A_247 = vector.shape_cast %mul3A_242 : vector<16xf32> to vector<1x16xf32>
        tpu.vector_store %arg15[%swap3A_243, %swap3A_244], %swap3A_247 {strides = array<i32>} : memref<64x32xf32, #tpu.memory_space<vmem>>, vector<1x16xf32>,
        %get3A_248 = arith.index_cast %add3A_219 : i32 to index
        %get3A_249 = arith.constant 0 : index
        %get3A_250 = tpu.vector_load %arg13[%get3A_248, %get3A_249] {strides = array<i32>} : memref<64x32xf32, #tpu.memory_space<vmem>>, vector<1x16xf32>,
        %get3A_251 = vector.shape_cast %get3A_250 : vector<1x16xf32> to vector<16xf32>
        %add3A_252 = arith.constant 64 : i32
        %add3A_253 = arith.addi %add3A_252, %mul3A_0 : i32
        %get3A_254 = arith.index_cast %scan3A_215 : i32 to index
        %get3A_255 = arith.index_cast %add3A_253 : i32 to index
        %get3A_256 = tpu.vector_load %arg11[%get3A_254, %get3A_255] {strides = array<i32>} : memref<32x128xf32, #tpu.memory_space<vmem>>, vector<1x16xf32>,
        %get3A_257 = vector.shape_cast %get3A_256 : vector<1x16xf32> to vector<16xf32>
        %mul3A_258 = arith.mulf %get3A_251, %get3A_257 : vector<16xf32>
        %swap3A_259 = arith.index_cast %add3A_219 : i32 to index
        %swap3A_260 = arith.constant 0 : index
        %swap3A_261 = tpu.vector_load %arg15[%swap3A_259, %swap3A_260] {strides = array<i32>} : memref<64x32xf32, #tpu.memory_space<vmem>>, vector<1x16xf32>,
        %swap3A_262 = vector.shape_cast %swap3A_261 : vector<1x16xf32> to vector<16xf32>
        %swap3A_263 = vector.shape_cast %mul3A_258 : vector<16xf32> to vector<1x16xf32>
        tpu.vector_store %arg15[%swap3A_259, %swap3A_260], %swap3A_263 {strides = array<i32>} : memref<64x32xf32, #tpu.memory_space<vmem>>, vector<1x16xf32>,
        %get3A_264 = arith.index_cast %add3A_219 : i32 to index
        %get3A_265 = arith.constant 16 : index
        %get3A_266 = tpu.vector_load %arg13[%get3A_264, %get3A_265] {strides = array<i32>} : memref<64x32xf32, #tpu.memory_space<vmem>>, vector<1x16xf32>,
        %get3A_267 = vector.shape_cast %get3A_266 : vector<1x16xf32> to vector<16xf32>
        %add3A_268 = arith.constant 64 : i32
        %add3A_269 = arith.addi %add3A_268, %mul3A_0 : i32
        %add3A_270 = arith.constant 16 : i32
        %add3A_271 = arith.addi %add3A_269, %add3A_270 : i32
        %get3A_272 = arith.index_cast %scan3A_215 : i32 to index
        %get3A_273 = arith.index_cast %add3A_271 : i32 to index
        %get3A_274 = tpu.vector_load %arg11[%get3A_272, %get3A_273] {strides = array<i32>} : memref<32x128xf32, #tpu.memory_space<vmem>>, vector<1x16xf32>,
        %get3A_275 = vector.shape_cast %get3A_274 : vector<1x16xf32> to vector<16xf32>
        %mul3A_276 = arith.mulf %get3A_267, %get3A_275 : vector<16xf32>
        %swap3A_277 = arith.index_cast %add3A_219 : i32 to index
        %swap3A_278 = arith.constant 16 : index
        %swap3A_279 = tpu.vector_load %arg15[%swap3A_277, %swap3A_278] {strides = array<i32>} : memref<64x32xf32, #tpu.memory_space<vmem>>, vector<1x16xf32>,
        %swap3A_280 = vector.shape_cast %swap3A_279 : vector<1x16xf32> to vector<16xf32>
        %swap3A_281 = vector.shape_cast %mul3A_276 : vector<16xf32> to vector<1x16xf32>
        tpu.vector_store %arg15[%swap3A_277, %swap3A_278], %swap3A_281 {strides = array<i32>} : memref<64x32xf32, #tpu.memory_space<vmem>>, vector<1x16xf32>,
        %scan3A_282 = arith.constant 1 : i32
        %scan3A_283 = arith.addi %scan3A_215, %scan3A_282 : i32
        %mul3A_284 = arith.constant 2 : i32
        %mul3A_285 = arith.muli %mul3A_284, %scan3A_283 : i32
        %add3A_286 = arith.constant 1 : i32
        %add3A_287 = arith.addi %mul3A_285, %add3A_286 : i32
        %get3A_288 = arith.index_cast %mul3A_285 : i32 to index
        %get3A_289 = arith.constant 0 : index
        %get3A_290 = tpu.vector_load %arg13[%get3A_288, %get3A_289] {strides = array<i32>} : memref<64x32xf32, #tpu.memory_space<vmem>>, vector<1x16xf32>,
        %get3A_291 = vector.shape_cast %get3A_290 : vector<1x16xf32> to vector<16xf32>
        %get3A_292 = arith.index_cast %scan3A_283 : i32 to index
        %get3A_293 = arith.index_cast %mul3A_0 : i32 to index
        %get3A_294 = tpu.vector_load %arg11[%get3A_292, %get3A_293] {strides = array<i32>} : memref<32x128xf32, #tpu.memory_space<vmem>>, vector<1x16xf32>,
        %get3A_295 = vector.shape_cast %get3A_294 : vector<1x16xf32> to vector<16xf32>
        %mul3A_296 = arith.mulf %get3A_291, %get3A_295 : vector<16xf32>
        %swap3A_297 = arith.index_cast %mul3A_285 : i32 to index
        %swap3A_298 = arith.constant 0 : index
        %swap3A_299 = tpu.vector_load %arg15[%swap3A_297, %swap3A_298] {strides = array<i32>} : memref<64x32xf32, #tpu.memory_space<vmem>>, vector<1x16xf32>,
        %swap3A_300 = vector.shape_cast %swap3A_299 : vector<1x16xf32> to vector<16xf32>
        %swap3A_301 = vector.shape_cast %mul3A_296 : vector<16xf32> to vector<1x16xf32>
        tpu.vector_store %arg15[%swap3A_297, %swap3A_298], %swap3A_301 {strides = array<i32>} : memref<64x32xf32, #tpu.memory_space<vmem>>, vector<1x16xf32>,
        %get3A_302 = arith.index_cast %mul3A_285 : i32 to index
        %get3A_303 = arith.constant 16 : index
        %get3A_304 = tpu.vector_load %arg13[%get3A_302, %get3A_303] {strides = array<i32>} : memref<64x32xf32, #tpu.memory_space<vmem>>, vector<1x16xf32>,
        %get3A_305 = vector.shape_cast %get3A_304 : vector<1x16xf32> to vector<16xf32>
        %add3A_306 = arith.constant 16 : i32
        %add3A_307 = arith.addi %mul3A_0, %add3A_306 : i32
        %get3A_308 = arith.index_cast %scan3A_283 : i32 to index
        %get3A_309 = arith.index_cast %add3A_307 : i32 to index
        %get3A_310 = tpu.vector_load %arg11[%get3A_308, %get3A_309] {strides = array<i32>} : memref<32x128xf32, #tpu.memory_space<vmem>>, vector<1x16xf32>,
        %get3A_311 = vector.shape_cast %get3A_310 : vector<1x16xf32> to vector<16xf32>
        %mul3A_312 = arith.mulf %get3A_305, %get3A_311 : vector<16xf32>
        %swap3A_313 = arith.index_cast %mul3A_285 : i32 to index
        %swap3A_314 = arith.constant 16 : index
        %swap3A_315 = tpu.vector_load %arg15[%swap3A_313, %swap3A_314] {strides = array<i32>} : memref<64x32xf32, #tpu.memory_space<vmem>>, vector<1x16xf32>,
        %swap3A_316 = vector.shape_cast %swap3A_315 : vector<1x16xf32> to vector<16xf32>
        %swap3A_317 = vector.shape_cast %mul3A_312 : vector<16xf32> to vector<1x16xf32>
        tpu.vector_store %arg15[%swap3A_313, %swap3A_314], %swap3A_317 {strides = array<i32>} : memref<64x32xf32, #tpu.memory_space<vmem>>, vector<1x16xf32>,
        %get3A_318 = arith.index_cast %add3A_287 : i32 to index
        %get3A_319 = arith.constant 0 : index
        %get3A_320 = tpu.vector_load %arg13[%get3A_318, %get3A_319] {strides = array<i32>} : memref<64x32xf32, #tpu.memory_space<vmem>>, vector<1x16xf32>,
        %get3A_321 = vector.shape_cast %get3A_320 : vector<1x16xf32> to vector<16xf32>
        %add3A_322 = arith.constant 64 : i32
        %add3A_323 = arith.addi %add3A_322, %mul3A_0 : i32
        %get3A_324 = arith.index_cast %scan3A_283 : i32 to index
        %get3A_325 = arith.index_cast %add3A_323 : i32 to index
        %get3A_326 = tpu.vector_load %arg11[%get3A_324, %get3A_325] {strides = array<i32>} : memref<32x128xf32, #tpu.memory_space<vmem>>, vector<1x16xf32>,
        %get3A_327 = vector.shape_cast %get3A_326 : vector<1x16xf32> to vector<16xf32>
        %mul3A_328 = arith.mulf %get3A_321, %get3A_327 : vector<16xf32>
        %swap3A_329 = arith.index_cast %add3A_287 : i32 to index
        %swap3A_330 = arith.constant 0 : index
        %swap3A_331 = tpu.vector_load %arg15[%swap3A_329, %swap3A_330] {strides = array<i32>} : memref<64x32xf32, #tpu.memory_space<vmem>>, vector<1x16xf32>,
        %swap3A_332 = vector.shape_cast %swap3A_331 : vector<1x16xf32> to vector<16xf32>
        %swap3A_333 = vector.shape_cast %mul3A_328 : vector<16xf32> to vector<1x16xf32>
        tpu.vector_store %arg15[%swap3A_329, %swap3A_330], %swap3A_333 {strides = array<i32>} : memref<64x32xf32, #tpu.memory_space<vmem>>, vector<1x16xf32>,
        %get3A_334 = arith.index_cast %add3A_287 : i32 to index
        %get3A_335 = arith.constant 16 : index
        %get3A_336 = tpu.vector_load %arg13[%get3A_334, %get3A_335] {strides = array<i32>} : memref<64x32xf32, #tpu.memory_space<vmem>>, vector<1x16xf32>,
        %get3A_337 = vector.shape_cast %get3A_336 : vector<1x16xf32> to vector<16xf32>
        %add3A_338 = arith.constant 64 : i32
        %add3A_339 = arith.addi %add3A_338, %mul3A_0 : i32
        %add3A_340 = arith.constant 16 : i32
        %add3A_341 = arith.addi %add3A_339, %add3A_340 : i32
        %get3A_342 = arith.index_cast %scan3A_283 : i32 to index
        %get3A_343 = arith.index_cast %add3A_341 : i32 to index
        %get3A_344 = tpu.vector_load %arg11[%get3A_342, %get3A_343] {strides = array<i32>} : memref<32x128xf32, #tpu.memory_space<vmem>>, vector<1x16xf32>,
        %get3A_345 = vector.shape_cast %get3A_344 : vector<1x16xf32> to vector<16xf32>
        %mul3A_346 = arith.mulf %get3A_337, %get3A_345 : vector<16xf32>
        %swap3A_347 = arith.index_cast %add3A_287 : i32 to index
        %swap3A_348 = arith.constant 16 : index
        %swap3A_349 = tpu.vector_load %arg15[%swap3A_347, %swap3A_348] {strides = array<i32>} : memref<64x32xf32, #tpu.memory_space<vmem>>, vector<1x16xf32>,
        %swap3A_350 = vector.shape_cast %swap3A_349 : vector<1x16xf32> to vector<16xf32>
        %swap3A_351 = vector.shape_cast %mul3A_346 : vector<16xf32> to vector<1x16xf32>
        tpu.vector_store %arg15[%swap3A_347, %swap3A_348], %swap3A_351 {strides = array<i32>} : memref<64x32xf32, #tpu.memory_space<vmem>>, vector<1x16xf32>,
        %scan3A_352 = arith.constant 2 : i32
        %scan3A_353 = arith.addi %scan3A_215, %scan3A_352 : i32
        %mul3A_354 = arith.constant 2 : i32
        %mul3A_355 = arith.muli %mul3A_354, %scan3A_353 : i32
        %add3A_356 = arith.constant 1 : i32
        %add3A_357 = arith.addi %mul3A_355, %add3A_356 : i32
        %get3A_358 = arith.index_cast %mul3A_355 : i32 to index
        %get3A_359 = arith.constant 0 : index
        %get3A_360 = tpu.vector_load %arg13[%get3A_358, %get3A_359] {strides = array<i32>} : memref<64x32xf32, #tpu.memory_space<vmem>>, vector<1x16xf32>,
        %get3A_361 = vector.shape_cast %get3A_360 : vector<1x16xf32> to vector<16xf32>
        %get3A_362 = arith.index_cast %scan3A_353 : i32 to index
        %get3A_363 = arith.index_cast %mul3A_0 : i32 to index
        %get3A_364 = tpu.vector_load %arg11[%get3A_362, %get3A_363] {strides = array<i32>} : memref<32x128xf32, #tpu.memory_space<vmem>>, vector<1x16xf32>,
        %get3A_365 = vector.shape_cast %get3A_364 : vector<1x16xf32> to vector<16xf32>
        %mul3A_366 = arith.mulf %get3A_361, %get3A_365 : vector<16xf32>
        %swap3A_367 = arith.index_cast %mul3A_355 : i32 to index
        %swap3A_368 = arith.constant 0 : index
        %swap3A_369 = tpu.vector_load %arg15[%swap3A_367, %swap3A_368] {strides = array<i32>} : memref<64x32xf32, #tpu.memory_space<vmem>>, vector<1x16xf32>,
        %swap3A_370 = vector.shape_cast %swap3A_369 : vector<1x16xf32> to vector<16xf32>
        %swap3A_371 = vector.shape_cast %mul3A_366 : vector<16xf32> to vector<1x16xf32>
        tpu.vector_store %arg15[%swap3A_367, %swap3A_368], %swap3A_371 {strides = array<i32>} : memref<64x32xf32, #tpu.memory_space<vmem>>, vector<1x16xf32>,
        %get3A_372 = arith.index_cast %mul3A_355 : i32 to index
        %get3A_373 = arith.constant 16 : index
        %get3A_374 = tpu.vector_load %arg13[%get3A_372, %get3A_373] {strides = array<i32>} : memref<64x32xf32, #tpu.memory_space<vmem>>, vector<1x16xf32>,
        %get3A_375 = vector.shape_cast %get3A_374 : vector<1x16xf32> to vector<16xf32>
        %add3A_376 = arith.constant 16 : i32
        %add3A_377 = arith.addi %mul3A_0, %add3A_376 : i32
        %get3A_378 = arith.index_cast %scan3A_353 : i32 to index
        %get3A_379 = arith.index_cast %add3A_377 : i32 to index
        %get3A_380 = tpu.vector_load %arg11[%get3A_378, %get3A_379] {strides = array<i32>} : memref<32x128xf32, #tpu.memory_space<vmem>>, vector<1x16xf32>,
        %get3A_381 = vector.shape_cast %get3A_380 : vector<1x16xf32> to vector<16xf32>
        %mul3A_382 = arith.mulf %get3A_375, %get3A_381 : vector<16xf32>
        %swap3A_383 = arith.index_cast %mul3A_355 : i32 to index
        %swap3A_384 = arith.constant 16 : index
        %swap3A_385 = tpu.vector_load %arg15[%swap3A_383, %swap3A_384] {strides = array<i32>} : memref<64x32xf32, #tpu.memory_space<vmem>>, vector<1x16xf32>,
        %swap3A_386 = vector.shape_cast %swap3A_385 : vector<1x16xf32> to vector<16xf32>
        %swap3A_387 = vector.shape_cast %mul3A_382 : vector<16xf32> to vector<1x16xf32>
        tpu.vector_store %arg15[%swap3A_383, %swap3A_384], %swap3A_387 {strides = array<i32>} : memref<64x32xf32, #tpu.memory_space<vmem>>, vector<1x16xf32>,
        %get3A_388 = arith.index_cast %add3A_357 : i32 to index
        %get3A_389 = arith.constant 0 : index
        %get3A_390 = tpu.vector_load %arg13[%get3A_388, %get3A_389] {strides = array<i32>} : memref<64x32xf32, #tpu.memory_space<vmem>>, vector<1x16xf32>,
        %get3A_391 = vector.shape_cast %get3A_390 : vector<1x16xf32> to vector<16xf32>
        %add3A_392 = arith.constant 64 : i32
        %add3A_393 = arith.addi %add3A_392, %mul3A_0 : i32
        %get3A_394 = arith.index_cast %scan3A_353 : i32 to index
        %get3A_395 = arith.index_cast %add3A_393 : i32 to index
        %get3A_396 = tpu.vector_load %arg11[%get3A_394, %get3A_395] {strides = array<i32>} : memref<32x128xf32, #tpu.memory_space<vmem>>, vector<1x16xf32>,
        %get3A_397 = vector.shape_cast %get3A_396 : vector<1x16xf32> to vector<16xf32>
        %mul3A_398 = arith.mulf %get3A_391, %get3A_397 : vector<16xf32>
        %swap3A_399 = arith.index_cast %add3A_357 : i32 to index
        %swap3A_400 = arith.constant 0 : index
        %swap3A_401 = tpu.vector_load %arg15[%swap3A_399, %swap3A_400] {strides = array<i32>} : memref<64x32xf32, #tpu.memory_space<vmem>>, vector<1x16xf32>,
        %swap3A_402 = vector.shape_cast %swap3A_401 : vector<1x16xf32> to vector<16xf32>
        %swap3A_403 = vector.shape_cast %mul3A_398 : vector<16xf32> to vector<1x16xf32>
        tpu.vector_store %arg15[%swap3A_399, %swap3A_400], %swap3A_403 {strides = array<i32>} : memref<64x32xf32, #tpu.memory_space<vmem>>, vector<1x16xf32>,
        %get3A_404 = arith.index_cast %add3A_357 : i32 to index
        %get3A_405 = arith.constant 16 : index
        %get3A_406 = tpu.vector_load %arg13[%get3A_404, %get3A_405] {strides = array<i32>} : memref<64x32xf32, #tpu.memory_space<vmem>>, vector<1x16xf32>,
        %get3A_407 = vector.shape_cast %get3A_406 : vector<1x16xf32> to vector<16xf32>
        %add3A_408 = arith.constant 64 : i32
        %add3A_409 = arith.addi %add3A_408, %mul3A_0 : i32
        %add3A_410 = arith.constant 16 : i32
        %add3A_411 = arith.addi %add3A_409, %add3A_410 : i32
        %get3A_412 = arith.index_cast %scan3A_353 : i32 to index
        %get3A_413 = arith.index_cast %add3A_411 : i32 to index
        %get3A_414 = tpu.vector_load %arg11[%get3A_412, %get3A_413] {strides = array<i32>} : memref<32x128xf32, #tpu.memory_space<vmem>>, vector<1x16xf32>,
        %get3A_415 = vector.shape_cast %get3A_414 : vector<1x16xf32> to vector<16xf32>
        %mul3A_416 = arith.mulf %get3A_407, %get3A_415 : vector<16xf32>
        %swap3A_417 = arith.index_cast %add3A_357 : i32 to index
        %swap3A_418 = arith.constant 16 : index
        %swap3A_419 = tpu.vector_load %arg15[%swap3A_417, %swap3A_418] {strides = array<i32>} : memref<64x32xf32, #tpu.memory_space<vmem>>, vector<1x16xf32>,
        %swap3A_420 = vector.shape_cast %swap3A_419 : vector<1x16xf32> to vector<16xf32>
        %swap3A_421 = vector.shape_cast %mul3A_416 : vector<16xf32> to vector<1x16xf32>
        tpu.vector_store %arg15[%swap3A_417, %swap3A_418], %swap3A_421 {strides = array<i32>} : memref<64x32xf32, #tpu.memory_space<vmem>>, vector<1x16xf32>,
        %scan3A_422 = arith.constant 3 : i32
        %scan3A_423 = arith.addi %scan3A_215, %scan3A_422 : i32
        %mul3A_424 = arith.constant 2 : i32
        %mul3A_425 = arith.muli %mul3A_424, %scan3A_423 : i32
        %add3A_426 = arith.constant 1 : i32
        %add3A_427 = arith.addi %mul3A_425, %add3A_426 : i32
        %get3A_428 = arith.index_cast %mul3A_425 : i32 to index
        %get3A_429 = arith.constant 0 : index
        %get3A_430 = tpu.vector_load %arg13[%get3A_428, %get3A_429] {strides = array<i32>} : memref<64x32xf32, #tpu.memory_space<vmem>>, vector<1x16xf32>,
        %get3A_431 = vector.shape_cast %get3A_430 : vector<1x16xf32> to vector<16xf32>
        %get3A_432 = arith.index_cast %scan3A_423 : i32 to index
        %get3A_433 = arith.index_cast %mul3A_0 : i32 to index
        %get3A_434 = tpu.vector_load %arg11[%get3A_432, %get3A_433] {strides = array<i32>} : memref<32x128xf32, #tpu.memory_space<vmem>>, vector<1x16xf32>,
        %get3A_435 = vector.shape_cast %get3A_434 : vector<1x16xf32> to vector<16xf32>
        %mul3A_436 = arith.mulf %get3A_431, %get3A_435 : vector<16xf32>
        %swap3A_437 = arith.index_cast %mul3A_425 : i32 to index
        %swap3A_438 = arith.constant 0 : index
        %swap3A_439 = tpu.vector_load %arg15[%swap3A_437, %swap3A_438] {strides = array<i32>} : memref<64x32xf32, #tpu.memory_space<vmem>>, vector<1x16xf32>,
        %swap3A_440 = vector.shape_cast %swap3A_439 : vector<1x16xf32> to vector<16xf32>
        %swap3A_441 = vector.shape_cast %mul3A_436 : vector<16xf32> to vector<1x16xf32>
        tpu.vector_store %arg15[%swap3A_437, %swap3A_438], %swap3A_441 {strides = array<i32>} : memref<64x32xf32, #tpu.memory_space<vmem>>, vector<1x16xf32>,
        %get3A_442 = arith.index_cast %mul3A_425 : i32 to index
        %get3A_443 = arith.constant 16 : index
        %get3A_444 = tpu.vector_load %arg13[%get3A_442, %get3A_443] {strides = array<i32>} : memref<64x32xf32, #tpu.memory_space<vmem>>, vector<1x16xf32>,
        %get3A_445 = vector.shape_cast %get3A_444 : vector<1x16xf32> to vector<16xf32>
        %add3A_446 = arith.constant 16 : i32
        %add3A_447 = arith.addi %mul3A_0, %add3A_446 : i32
        %get3A_448 = arith.index_cast %scan3A_423 : i32 to index
        %get3A_449 = arith.index_cast %add3A_447 : i32 to index
        %get3A_450 = tpu.vector_load %arg11[%get3A_448, %get3A_449] {strides = array<i32>} : memref<32x128xf32, #tpu.memory_space<vmem>>, vector<1x16xf32>,
        %get3A_451 = vector.shape_cast %get3A_450 : vector<1x16xf32> to vector<16xf32>
        %mul3A_452 = arith.mulf %get3A_445, %get3A_451 : vector<16xf32>
        %swap3A_453 = arith.index_cast %mul3A_425 : i32 to index
        %swap3A_454 = arith.constant 16 : index
        %swap3A_455 = tpu.vector_load %arg15[%swap3A_453, %swap3A_454] {strides = array<i32>} : memref<64x32xf32, #tpu.memory_space<vmem>>, vector<1x16xf32>,
        %swap3A_456 = vector.shape_cast %swap3A_455 : vector<1x16xf32> to vector<16xf32>
        %swap3A_457 = vector.shape_cast %mul3A_452 : vector<16xf32> to vector<1x16xf32>
        tpu.vector_store %arg15[%swap3A_453, %swap3A_454], %swap3A_457 {strides = array<i32>} : memref<64x32xf32, #tpu.memory_space<vmem>>, vector<1x16xf32>,
        %get3A_458 = arith.index_cast %add3A_427 : i32 to index
        %get3A_459 = arith.constant 0 : index
        %get3A_460 = tpu.vector_load %arg13[%get3A_458, %get3A_459] {strides = array<i32>} : memref<64x32xf32, #tpu.memory_space<vmem>>, vector<1x16xf32>,
        %get3A_461 = vector.shape_cast %get3A_460 : vector<1x16xf32> to vector<16xf32>
        %add3A_462 = arith.constant 64 : i32
        %add3A_463 = arith.addi %add3A_462, %mul3A_0 : i32
        %get3A_464 = arith.index_cast %scan3A_423 : i32 to index
        %get3A_465 = arith.index_cast %add3A_463 : i32 to index
        %get3A_466 = tpu.vector_load %arg11[%get3A_464, %get3A_465] {strides = array<i32>} : memref<32x128xf32, #tpu.memory_space<vmem>>, vector<1x16xf32>,
        %get3A_467 = vector.shape_cast %get3A_466 : vector<1x16xf32> to vector<16xf32>
        %mul3A_468 = arith.mulf %get3A_461, %get3A_467 : vector<16xf32>
        %swap3A_469 = arith.index_cast %add3A_427 : i32 to index
        %swap3A_470 = arith.constant 0 : index
        %swap3A_471 = tpu.vector_load %arg15[%swap3A_469, %swap3A_470] {strides = array<i32>} : memref<64x32xf32, #tpu.memory_space<vmem>>, vector<1x16xf32>,
        %swap3A_472 = vector.shape_cast %swap3A_471 : vector<1x16xf32> to vector<16xf32>
        %swap3A_473 = vector.shape_cast %mul3A_468 : vector<16xf32> to vector<1x16xf32>
        tpu.vector_store %arg15[%swap3A_469, %swap3A_470], %swap3A_473 {strides = array<i32>} : memref<64x32xf32, #tpu.memory_space<vmem>>, vector<1x16xf32>,
        %get3A_474 = arith.index_cast %add3A_427 : i32 to index
        %get3A_475 = arith.constant 16 : index
        %get3A_476 = tpu.vector_load %arg13[%get3A_474, %get3A_475] {strides = array<i32>} : memref<64x32xf32, #tpu.memory_space<vmem>>, vector<1x16xf32>,
        %get3A_477 = vector.shape_cast %get3A_476 : vector<1x16xf32> to vector<16xf32>
        %add3A_478 = arith.constant 64 : i32
        %add3A_479 = arith.addi %add3A_478, %mul3A_0 : i32
        %add3A_480 = arith.constant 16 : i32
        %add3A_481 = arith.addi %add3A_479, %add3A_480 : i32
        %get3A_482 = arith.index_cast %scan3A_423 : i32 to index
        %get3A_483 = arith.index_cast %add3A_481 : i32 to index
        %get3A_484 = tpu.vector_load %arg11[%get3A_482, %get3A_483] {strides = array<i32>} : memref<32x128xf32, #tpu.memory_space<vmem>>, vector<1x16xf32>,
        %get3A_485 = vector.shape_cast %get3A_484 : vector<1x16xf32> to vector<16xf32>
        %mul3A_486 = arith.mulf %get3A_477, %get3A_485 : vector<16xf32>
        %swap3A_487 = arith.index_cast %add3A_427 : i32 to index
        %swap3A_488 = arith.constant 16 : index
        %swap3A_489 = tpu.vector_load %arg15[%swap3A_487, %swap3A_488] {strides = array<i32>} : memref<64x32xf32, #tpu.memory_space<vmem>>, vector<1x16xf32>,
        %swap3A_490 = vector.shape_cast %swap3A_489 : vector<1x16xf32> to vector<16xf32>
        %swap3A_491 = vector.shape_cast %mul3A_486 : vector<16xf32> to vector<1x16xf32>
        tpu.vector_store %arg15[%swap3A_487, %swap3A_488], %swap3A_491 {strides = array<i32>} : memref<64x32xf32, #tpu.memory_space<vmem>>, vector<1x16xf32>,
      }
      %scan3A_170 = arith.constant 32 : i32
      %jit3A_171 = arith.constant 16 : i32
      %div3A_172 = arith.divsi %add3A_92, %jit3A_171 : i32
      %sign3A_173 = arith.constant 0 : i32
      %sign3A_174 = arith.cmpi sgt, %add3A_92, %sign3A_173 : i32
      %sign3A_175 = arith.extui %sign3A_174 : i1 to i32
      %sign3A_176 = arith.constant 0 : i32
      %sign3A_177 = arith.cmpi slt, %add3A_92, %sign3A_176 : i32
      %sign3A_178 = arith.extui %sign3A_177 : i1 to i32
      %sign3A_179 = arith.subi %sign3A_175, %sign3A_178 : i32
      %sign3A_180 = arith.constant 0 : i32
      %sign3A_181 = arith.cmpi sgt, %jit3A_171, %sign3A_180 : i32
      %sign3A_182 = arith.extui %sign3A_181 : i1 to i32
      %sign3A_183 = arith.constant 0 : i32
      %sign3A_184 = arith.cmpi slt, %jit3A_171, %sign3A_183 : i32
      %sign3A_185 = arith.extui %sign3A_184 : i1 to i32
      %sign3A_186 = arith.subi %sign3A_182, %sign3A_185 : i32
      %ne3A_187 = arith.cmpi ne, %sign3A_179, %sign3A_186 : i32
      %rem3A_188 = arith.remsi %add3A_92, %jit3A_171 : i32
      %ne3A_189 = arith.constant 0 : i32
      %ne3A_190 = arith.cmpi ne, %rem3A_188, %ne3A_189 : i32
      %and3A_191 = arith.andi %ne3A_187, %ne3A_190 : i1
      %sub3A_192 = arith.constant 1 : i32
      %sub3A_193 = arith.subi %div3A_172, %sub3A_192 : i32
      %select_n3A_194 = arith.select %and3A_191, %sub3A_193, %div3A_172 : i32
      %rem3A_195 = arith.constant 2 : i32
      %rem3A_196 = arith.remsi %select_n3A_194, %rem3A_195 : i32
      %mul3A_197 = arith.constant 1024 : i32
      %mul3A_198 = arith.muli %rem3A_196, %mul3A_197 : i32
      %rem3A_199 = arith.constant 16 : i32
      %rem3A_200 = arith.remsi %add3A_92, %rem3A_199 : i32
      %mul3A_201 = arith.constant 64 : i32
      %mul3A_202 = arith.muli %rem3A_200, %mul3A_201 : i32
      %add3A_203 = arith.addi %mul3A_198, %mul3A_202 : i32
      %dma_start3A_204 = tpu.memref_slice %arg9[%add3A_203] : memref<2048xi32, #tpu.memory_space<vmem>> -> memref<64xi32, #tpu.memory_space<vmem>>
      %dma_start3A_205 = arith.constant 0 : i32
      %dma_start3A_206 = arith.constant 0 : i32
      %dma_start3A_207 = tpu.memref_slice %arg16[%dma_start3A_205, %dma_start3A_206] : memref<50048x32xf32, #tpu.memory_space<vmem_shared>> -> memref<50048x32xf32, #tpu.memory_space<vmem_shared>>
      tpu.enqueue_indirect_dma source(%arg15 : memref<64x32xf32, #tpu.memory_space<vmem>>) target(%dma_start3A_207 : memref<50048x32xf32, #tpu.memory_space<vmem_shared>>) offsets(%dma_start3A_204 : memref<64xi32, #tpu.memory_space<vmem>>) semaphore(%arg20 : memref<!tpu.dma_semaphore, #tpu.memory_space<semaphore_mem>>) {add = true}
      %add3A_208 = arith.constant 2 : i32
      %add3A_209 = arith.addi %add3A_92, %add3A_208 : i32
      %lt3A_210 = arith.constant 784 : i32
      %lt3A_211 = arith.cmpi slt, %add3A_209, %lt3A_210 : i32
      %convert_element_type3A_212 = arith.extui %lt3A_211 : i1 to i32
      %cond3A_213 = arith.constant 0 : i32
      %cond3A_214 = arith.cmpi ne, %convert_element_type3A_212, %cond3A_213 : i32
      scf.if %cond3A_214 {
        %mul3A_215 = arith.constant 32 : i32
        %mul3A_216 = arith.muli %add3A_209, %mul3A_215 : i32
        %add3A_217 = arith.addi %add3A_7, %mul3A_216 : i32
        %dma_start3A_218 = arith.constant 0 : i32
        %dma_start3A_219 = tpu.memref_slice %arg5[%add3A_217, %dma_start3A_218] : memref<1204224x128xf32, #tpu.memory_space<hbm>> -> memref<32x128xf32, #tpu.memory_space<hbm>>
        %dma_start3A_220 = arith.constant 0 : i32
        %dma_start3A_221 = tpu.memref_slice %arg5[%add3A_217, %dma_start3A_220] : memref<1204224x128xf32, #tpu.memory_space<hbm>> -> memref<32x128xf32, #tpu.memory_space<hbm>>
        tpu.enqueue_dma source(%dma_start3A_221 : memref<32x128xf32, #tpu.memory_space<hbm>>) target(%arg11 : memref<32x128xf32, #tpu.memory_space<vmem>>) target_semaphore(%arg18 : memref<!tpu.dma_semaphore, #tpu.memory_space<semaphore_mem>>)
        %jit3A_222 = arith.constant 16 : i32
        %div3A_223 = arith.divsi %add3A_209, %jit3A_222 : i32
        %sign3A_224 = arith.constant 0 : i32
        %sign3A_225 = arith.cmpi sgt, %add3A_209, %sign3A_224 : i32
        %sign3A_226 = arith.extui %sign3A_225 : i1 to i32
        %sign3A_227 = arith.constant 0 : i32
        %sign3A_228 = arith.cmpi slt, %add3A_209, %sign3A_227 : i32
        %sign3A_229 = arith.extui %sign3A_228 : i1 to i32
        %sign3A_230 = arith.subi %sign3A_226, %sign3A_229 : i32
        %sign3A_231 = arith.constant 0 : i32
        %sign3A_232 = arith.cmpi sgt, %jit3A_222, %sign3A_231 : i32
        %sign3A_233 = arith.extui %sign3A_232 : i1 to i32
        %sign3A_234 = arith.constant 0 : i32
        %sign3A_235 = arith.cmpi slt, %jit3A_222, %sign3A_234 : i32
        %sign3A_236 = arith.extui %sign3A_235 : i1 to i32
        %sign3A_237 = arith.subi %sign3A_233, %sign3A_236 : i32
        %ne3A_238 = arith.cmpi ne, %sign3A_230, %sign3A_237 : i32
        %rem3A_239 = arith.remsi %add3A_209, %jit3A_222 : i32
        %ne3A_240 = arith.constant 0 : i32
        %ne3A_241 = arith.cmpi ne, %rem3A_239, %ne3A_240 : i32
        %and3A_242 = arith.andi %ne3A_238, %ne3A_241 : i1
        %sub3A_243 = arith.constant 1 : i32
        %sub3A_244 = arith.subi %div3A_223, %sub3A_243 : i32
        %select_n3A_245 = arith.select %and3A_242, %sub3A_244, %div3A_223 : i32
        %rem3A_246 = arith.constant 2 : i32
        %rem3A_247 = arith.remsi %select_n3A_245, %rem3A_246 : i32
        %mul3A_248 = arith.constant 1024 : i32
        %mul3A_249 = arith.muli %rem3A_247, %mul3A_248 : i32
        %rem3A_250 = arith.constant 16 : i32
        %rem3A_251 = arith.remsi %add3A_209, %rem3A_250 : i32
        %mul3A_252 = arith.constant 64 : i32
        %mul3A_253 = arith.muli %rem3A_251, %mul3A_252 : i32
        %add3A_254 = arith.addi %mul3A_249, %mul3A_253 : i32
        %dma_start3A_255 = tpu.memref_slice %arg8[%add3A_254] : memref<2048xi32, #tpu.memory_space<vmem>> -> memref<64xi32, #tpu.memory_space<vmem>>
        %dma_start3A_256 = arith.constant 0 : i32
        %dma_start3A_257 = arith.constant 0 : i32
        %dma_start3A_258 = tpu.memref_slice %arg4[%dma_start3A_256, %dma_start3A_257] : memref<100000x32xf32, #tpu.memory_space<hbm>> -> memref<100000x32xf32, #tpu.memory_space<hbm>>
        tpu.enqueue_indirect_dma source(%dma_start3A_258 : memref<100000x32xf32, #tpu.memory_space<hbm>>) target(%arg13 : memref<64x32xf32, #tpu.memory_space<vmem>>) offsets(%dma_start3A_255 : memref<64xi32, #tpu.memory_space<vmem>>) semaphore(%arg18 : memref<!tpu.dma_semaphore, #tpu.memory_space<semaphore_mem>>)
      } else {
      }
    }
    %scan3A_69 = arith.constant 392 : i32
    %dma_wait3A = arith.constant 0 : i32
    %dma_wait3A_70 = tpu.memref_slice %arg9[%dma_wait3A] : memref<2048xi32, #tpu.memory_space<vmem>> -> memref<64xi32, #tpu.memory_space<vmem>>
    %dma_wait3A_71 = arith.constant 0 : i32
    %dma_wait3A_72 = arith.constant 0 : i32
    %dma_wait3A_73 = tpu.memref_slice %arg16[%dma_wait3A_71, %dma_wait3A_72] : memref<50048x32xf32, #tpu.memory_space<vmem_shared>> -> memref<50048x32xf32, #tpu.memory_space<vmem_shared>>
    tpu.wait_indirect_dma semaphore(%arg19 : memref<!tpu.dma_semaphore, #tpu.memory_space<semaphore_mem>>) src(%arg14 : memref<64x32xf32, #tpu.memory_space<vmem>>) dst(%dma_wait3A_73 : memref<50048x32xf32, #tpu.memory_space<vmem_shared>>)
    %dma_wait3A_74 = arith.constant 0 : i32
    %dma_wait3A_75 = tpu.memref_slice %arg9[%dma_wait3A_74] : memref<2048xi32, #tpu.memory_space<vmem>> -> memref<64xi32, #tpu.memory_space<vmem>>
    %dma_wait3A_76 = arith.constant 0 : i32
    %dma_wait3A_77 = arith.constant 0 : i32
    %dma_wait3A_78 = tpu.memref_slice %arg16[%dma_wait3A_76, %dma_wait3A_77] : memref<50048x32xf32, #tpu.memory_space<vmem_shared>> -> memref<50048x32xf32, #tpu.memory_space<vmem_shared>>
    tpu.wait_indirect_dma semaphore(%arg20 : memref<!tpu.dma_semaphore, #tpu.memory_space<semaphore_mem>>) src(%arg15 : memref<64x32xf32, #tpu.memory_space<vmem>>) dst(%dma_wait3A_78 : memref<50048x32xf32, #tpu.memory_space<vmem_shared>>)
    %barrier3A_79 = arith.constant 0 : index
    tpu.barrier barrier_id(%barrier3A_79)
    %mul3A_80 = arith.constant 3128 : i32
    %mul3A_81 = arith.muli %arg1, %mul3A_80 : i32
    %lt3A = arith.constant 15 : i32
    %lt3A_82 = arith.cmpi slt, %arg1, %lt3A : i32
    %convert_element_type3A = arith.extui %lt3A_82 : i1 to i32
    %cond3A = arith.constant 0 : i32
    %cond3A_83 = arith.cmpi ne, %convert_element_type3A, %cond3A : i32
    scf.if %cond3A_83 {
      %mul3A_88 = arith.constant 50000 : i32
      %mul3A_89 = arith.muli %arg0, %mul3A_88 : i32
      %add3A_90 = arith.addi %mul3A_89, %mul3A_81 : i32
      "tpu.region"() ({
        %run_scoped3A = tpu.sem_alloc : memref<!tpu.dma_semaphore, #tpu.memory_space<semaphore_mem>>
        %dma_start3A_91 = arith.constant 0 : i32
        %dma_start3A_92 = tpu.memref_slice %arg7[%add3A_90, %dma_start3A_91] : memref<100000x32xf32, #tpu.memory_space<hbm>> -> memref<3128x32xf32, #tpu.memory_space<hbm>>
        %dma_start3A_93 = arith.constant 0 : i32
        %dma_start3A_94 = tpu.memref_slice %arg16[%mul3A_81, %dma_start3A_93] : memref<50048x32xf32, #tpu.memory_space<vmem_shared>> -> memref<3128x32xf32, #tpu.memory_space<vmem_shared>>
        tpu.enqueue_dma source(%dma_start3A_94 : memref<3128x32xf32, #tpu.memory_space<vmem_shared>>) target(%dma_start3A_92 : memref<3128x32xf32, #tpu.memory_space<hbm>>) target_semaphore(%run_scoped3A : memref<!tpu.dma_semaphore, #tpu.memory_space<semaphore_mem>>)
        %dma_wait3A_95 = arith.constant 0 : i32
        %dma_wait3A_96 = tpu.memref_slice %arg7[%add3A_90, %dma_wait3A_95] : memref<100000x32xf32, #tpu.memory_space<hbm>> -> memref<3128x32xf32, #tpu.memory_space<hbm>>
        %dma_wait3A_97 = arith.constant 0 : i32
        %dma_wait3A_98 = tpu.memref_slice %arg16[%mul3A_81, %dma_wait3A_97] : memref<50048x32xf32, #tpu.memory_space<vmem_shared>> -> memref<3128x32xf32, #tpu.memory_space<vmem_shared>>
        tpu.wait_dma2 semaphore(%run_scoped3A : memref<!tpu.dma_semaphore, #tpu.memory_space<semaphore_mem>>) src(%dma_wait3A_98 : memref<3128x32xf32, #tpu.memory_space<vmem_shared>>) dst(%dma_wait3A_96 : memref<3128x32xf32, #tpu.memory_space<hbm>>)
        tpu.yield
      }) : () -> ()
    } else {
    }
    %eq3A = arith.constant 15 : i32
    %eq3A_84 = arith.cmpi eq, %arg1, %eq3A : i32
    %convert_element_type3A_85 = arith.extui %eq3A_84 : i1 to i32
    %cond3A_86 = arith.constant 0 : i32
    %cond3A_87 = arith.cmpi ne, %convert_element_type3A_85, %cond3A_86 : i32
    scf.if %cond3A_87 {
      %mul3A_88 = arith.constant 50000 : i32
      %mul3A_89 = arith.muli %arg0, %mul3A_88 : i32
      %add3A_90 = arith.addi %mul3A_89, %mul3A_81 : i32
      "tpu.region"() ({
        %run_scoped3A = tpu.sem_alloc : memref<!tpu.dma_semaphore, #tpu.memory_space<semaphore_mem>>
        %dma_start3A_91 = arith.constant 0 : i32
        %dma_start3A_92 = tpu.memref_slice %arg7[%add3A_90, %dma_start3A_91] : memref<100000x32xf32, #tpu.memory_space<hbm>> -> memref<3080x32xf32, #tpu.memory_space<hbm>>
        %dma_start3A_93 = arith.constant 0 : i32
        %dma_start3A_94 = tpu.memref_slice %arg16[%mul3A_81, %dma_start3A_93] : memref<50048x32xf32, #tpu.memory_space<vmem_shared>> -> memref<3080x32xf32, #tpu.memory_space<vmem_shared>>
        tpu.enqueue_dma source(%dma_start3A_94 : memref<3080x32xf32, #tpu.memory_space<vmem_shared>>) target(%dma_start3A_92 : memref<3080x32xf32, #tpu.memory_space<hbm>>) target_semaphore(%run_scoped3A : memref<!tpu.dma_semaphore, #tpu.memory_space<semaphore_mem>>)
        %dma_wait3A_95 = arith.constant 0 : i32
        %dma_wait3A_96 = tpu.memref_slice %arg7[%add3A_90, %dma_wait3A_95] : memref<100000x32xf32, #tpu.memory_space<hbm>> -> memref<3080x32xf32, #tpu.memory_space<hbm>>
        %dma_wait3A_97 = arith.constant 0 : i32
        %dma_wait3A_98 = tpu.memref_slice %arg16[%mul3A_81, %dma_wait3A_97] : memref<50048x32xf32, #tpu.memory_space<vmem_shared>> -> memref<3080x32xf32, #tpu.memory_space<vmem_shared>>
        tpu.wait_dma2 semaphore(%run_scoped3A : memref<!tpu.dma_semaphore, #tpu.memory_space<semaphore_mem>>) src(%dma_wait3A_98 : memref<3080x32xf32, #tpu.memory_space<vmem_shared>>) dst(%dma_wait3A_96 : memref<3080x32xf32, #tpu.memory_space<hbm>>)
        tpu.yield
      }) : () -> ()
    } else {
    }
    return
  }
}

#map = affine_map<(d0, d1) -> (0)>
#map1 = affine_map<(d0, d1) -> (0, 0)>
module attributes {stable_mosaic.version = 14 : i64} {
  func.func @msg(%arg0: i32, %arg1: i32, %arg2: memref<802816xi32, #tpu.memory_space<hbm>>, %arg3: memref<802816xi32, #tpu.memory_space<hbm>>, %arg4: memref<100000x32xf32, #tpu.memory_space<hbm>>, %arg5: memref<1204224x128xf32, #tpu.memory_space<hbm>>, %arg6: memref<3128x32xf32, #tpu.memory_space<hbm>>, %arg7: memref<100000x32xf32, #tpu.memory_space<hbm>>, %arg8: memref<2048xi32, #tpu.memory_space<vmem>>, %arg9: memref<2048xi32, #tpu.memory_space<vmem>>, %arg10: memref<32x128xf32, #tpu.memory_space<vmem>>, %arg11: memref<32x128xf32, #tpu.memory_space<vmem>>, %arg12: memref<64x32xf32, #tpu.memory_space<vmem>>, %arg13: memref<64x32xf32, #tpu.memory_space<vmem>>, %arg14: memref<64x32xf32, #tpu.memory_space<vmem>>, %arg15: memref<64x32xf32, #tpu.memory_space<vmem>>, %arg16: memref<50048x32xf32, #tpu.memory_space<vmem_shared>>, %arg17: memref<!tpu.dma_semaphore, #tpu.memory_space<semaphore_mem>>, %arg18: memref<!tpu.dma_semaphore, #tpu.memory_space<semaphore_mem>>, %arg19: memref<!tpu.dma_semaphore, #tpu.memory_space<semaphore_mem>>, %arg20: memref<!tpu.dma_semaphore, #tpu.memory_space<semaphore_mem>>) attributes {dimension_semantics = [#tpu.dimension_semantics<core_parallel>, #tpu.dimension_semantics<subcore_parallel>], iteration_bounds = array<i64: 2, 16>, scalar_prefetch = 0 : i64, scratch_operands = 13 : i64, tpu.core_type = #tpu.core_type<sc_vector_subcore>, window_params = [{transform_indices = #map}, {transform_indices = #map}, {transform_indices = #map1}, {transform_indices = #map1}, {transform_indices = #map1}, {transform_indices = #map1}]} {
    %mul3A = arith.constant 32 : i32
    %mul3A_0 = arith.muli %arg0, %mul3A : i32
    %mul3A_1 = arith.constant 3128 : i32
    %mul3A_2 = arith.muli %arg1, %mul3A_1 : i32
    "tpu.region"() ({
      %run_scoped3A = tpu.sem_alloc : memref<!tpu.dma_semaphore, #tpu.memory_space<semaphore_mem>>
      %dma_start3A_88 = arith.constant 0 : i32
      %dma_start3A_89 = tpu.memref_slice %arg16[%mul3A_2, %dma_start3A_88] : memref<50048x32xf32, #tpu.memory_space<vmem_shared>> -> memref<3128x32xf32, #tpu.memory_space<vmem_shared>>
      tpu.enqueue_dma source(%arg6 : memref<3128x32xf32, #tpu.memory_space<hbm>>) target(%dma_start3A_89 : memref<3128x32xf32, #tpu.memory_space<vmem_shared>>) target_semaphore(%run_scoped3A : memref<!tpu.dma_semaphore, #tpu.memory_space<semaphore_mem>>)
      %dma_wait3A_90 = arith.constant 0 : i32
      %dma_wait3A_91 = tpu.memref_slice %arg16[%mul3A_2, %dma_wait3A_90] : memref<50048x32xf32, #tpu.memory_space<vmem_shared>> -> memref<3128x32xf32, #tpu.memory_space<vmem_shared>>
      tpu.wait_dma2 semaphore(%run_scoped3A : memref<!tpu.dma_semaphore, #tpu.memory_space<semaphore_mem>>) src(%arg6 : memref<3128x32xf32, #tpu.memory_space<hbm>>) dst(%dma_wait3A_91 : memref<3128x32xf32, #tpu.memory_space<vmem_shared>>)
      tpu.yield
    }) : () -> ()
    %barrier3A = arith.constant 0 : index
    tpu.barrier barrier_id(%barrier3A)
    %mul3A_3 = arith.constant 50176 : i32
    %mul3A_4 = arith.muli %arg1, %mul3A_3 : i32
    %mul3A_5 = arith.constant 25088 : i32
    %mul3A_6 = arith.muli %arg1, %mul3A_5 : i32
    %add3A = arith.constant 0 : i32
    %add3A_7 = arith.addi %add3A, %mul3A_6 : i32
    %mul3A_8 = arith.constant 50000 : i32
    %mul3A_9 = arith.muli %arg0, %mul3A_8 : i32
    %rem3A = arith.constant 0 : i32
    %rem3A_10 = arith.constant 2 : i32
    %rem3A_11 = arith.remsi %rem3A, %rem3A_10 : i32
    %mul3A_12 = arith.constant 1024 : i32
    %mul3A_13 = arith.muli %rem3A_11, %mul3A_12 : i32
    %add3A_14 = arith.constant 0 : i32
    %add3A_15 = arith.addi %mul3A_4, %add3A_14 : i32
    "tpu.region"() ({
      %run_scoped3A = tpu.sem_alloc : memref<!tpu.dma_semaphore, #tpu.memory_space<semaphore_mem>>
      %dma_start3A_88 = tpu.memref_slice %arg8[%mul3A_13] : memref<2048xi32, #tpu.memory_space<vmem>> -> memref<1024xi32, #tpu.memory_space<vmem>>
      %dma_start3A_89 = tpu.memref_slice %arg2[%add3A_15] : memref<802816xi32, #tpu.memory_space<hbm>> -> memref<1024xi32, #tpu.memory_space<hbm>>
      %dma_start3A_90 = tpu.memref_slice %arg8[%mul3A_13] : memref<2048xi32, #tpu.memory_space<vmem>> -> memref<1024xi32, #tpu.memory_space<vmem>>
      %dma_start3A_91 = tpu.memref_slice %arg2[%add3A_15] : memref<802816xi32, #tpu.memory_space<hbm>> -> memref<1024xi32, #tpu.memory_space<hbm>>
      tpu.enqueue_dma source(%dma_start3A_91 : memref<1024xi32, #tpu.memory_space<hbm>>) target(%dma_start3A_90 : memref<1024xi32, #tpu.memory_space<vmem>>) target_semaphore(%run_scoped3A : memref<!tpu.dma_semaphore, #tpu.memory_space<semaphore_mem>>)
      %dma_wait3A_92 = tpu.memref_slice %arg8[%mul3A_13] : memref<2048xi32, #tpu.memory_space<vmem>> -> memref<1024xi32, #tpu.memory_space<vmem>>
      %dma_wait3A_93 = tpu.memref_slice %arg2[%add3A_15] : memref<802816xi32, #tpu.memory_space<hbm>> -> memref<1024xi32, #tpu.memory_space<hbm>>
      %dma_wait3A_94 = tpu.memref_slice %arg8[%mul3A_13] : memref<2048xi32, #tpu.memory_space<vmem>> -> memref<1024xi32, #tpu.memory_space<vmem>>
      %dma_wait3A_95 = tpu.memref_slice %arg2[%add3A_15] : memref<802816xi32, #tpu.memory_space<hbm>> -> memref<1024xi32, #tpu.memory_space<hbm>>
      tpu.wait_dma2 semaphore(%run_scoped3A : memref<!tpu.dma_semaphore, #tpu.memory_space<semaphore_mem>>) src(%dma_wait3A_95 : memref<1024xi32, #tpu.memory_space<hbm>>) dst(%dma_wait3A_94 : memref<1024xi32, #tpu.memory_space<vmem>>)
      tpu.yield
    }) : () -> ()
    %add3A_16 = arith.constant 0 : i32
    %add3A_17 = arith.addi %mul3A_4, %add3A_16 : i32
    "tpu.region"() ({
      %run_scoped3A = tpu.sem_alloc : memref<!tpu.dma_semaphore, #tpu.memory_space<semaphore_mem>>
      %dma_start3A_88 = tpu.memref_slice %arg9[%mul3A_13] : memref<2048xi32, #tpu.memory_space<vmem>> -> memref<1024xi32, #tpu.memory_space<vmem>>
      %dma_start3A_89 = tpu.memref_slice %arg3[%add3A_17] : memref<802816xi32, #tpu.memory_space<hbm>> -> memref<1024xi32, #tpu.memory_space<hbm>>
      %dma_start3A_90 = tpu.memref_slice %arg9[%mul3A_13] : memref<2048xi32, #tpu.memory_space<vmem>> -> memref<1024xi32, #tpu.memory_space<vmem>>
      %dma_start3A_91 = tpu.memref_slice %arg3[%add3A_17] : memref<802816xi32, #tpu.memory_space<hbm>> -> memref<1024xi32, #tpu.memory_space<hbm>>
      tpu.enqueue_dma source(%dma_start3A_91 : memref<1024xi32, #tpu.memory_space<hbm>>) target(%dma_start3A_90 : memref<1024xi32, #tpu.memory_space<vmem>>) target_semaphore(%run_scoped3A : memref<!tpu.dma_semaphore, #tpu.memory_space<semaphore_mem>>)
      %dma_wait3A_92 = tpu.memref_slice %arg9[%mul3A_13] : memref<2048xi32, #tpu.memory_space<vmem>> -> memref<1024xi32, #tpu.memory_space<vmem>>
      %dma_wait3A_93 = tpu.memref_slice %arg3[%add3A_17] : memref<802816xi32, #tpu.memory_space<hbm>> -> memref<1024xi32, #tpu.memory_space<hbm>>
      %dma_wait3A_94 = tpu.memref_slice %arg9[%mul3A_13] : memref<2048xi32, #tpu.memory_space<vmem>> -> memref<1024xi32, #tpu.memory_space<vmem>>
      %dma_wait3A_95 = tpu.memref_slice %arg3[%add3A_17] : memref<802816xi32, #tpu.memory_space<hbm>> -> memref<1024xi32, #tpu.memory_space<hbm>>
      tpu.wait_dma2 semaphore(%run_scoped3A : memref<!tpu.dma_semaphore, #tpu.memory_space<semaphore_mem>>) src(%dma_wait3A_95 : memref<1024xi32, #tpu.memory_space<hbm>>) dst(%dma_wait3A_94 : memref<1024xi32, #tpu.memory_space<vmem>>)
      tpu.yield
    }) : () -> ()
    %scan3A = arith.constant 0 : i32
    %scan3A_18 = arith.constant 0 : i32
    %scan3A_19 = arith.constant 64 : i32
    %scan3A_20 = arith.addi %scan3A_18, %scan3A_19 : i32
    %scan3A_21 = arith.constant 4 : i32
    scf.for %scan3A_88 = %scan3A_18 to %scan3A_20 step %scan3A_21  : i32 {
      %mul3A_89 = arith.constant 16 : i32
      %mul3A_90 = arith.muli %scan3A_88, %mul3A_89 : i32
      %add3A_91 = arith.addi %mul3A_13, %mul3A_90 : i32
      %get3A = arith.index_cast %add3A_91 : i32 to index
      %get3A_92 = tpu.vector_load %arg8[%get3A] {strides = array<i32>} : memref<2048xi32, #tpu.memory_space<vmem>>, vector<16xi32>,
      %get3A_93 = vector.shape_cast %get3A_92 : vector<16xi32> to vector<16xi32>
      %add3A_94 = vector.broadcast %mul3A_9 : i32 to vector<16xi32>
      %add3A_95 = arith.addi %get3A_93, %add3A_94 : vector<16xi32>
      %swap3A = arith.index_cast %add3A_91 : i32 to index
      %swap3A_96 = tpu.vector_load %arg8[%swap3A] {strides = array<i32>} : memref<2048xi32, #tpu.memory_space<vmem>>, vector<16xi32>,
      %swap3A_97 = vector.shape_cast %swap3A_96 : vector<16xi32> to vector<16xi32>
      %swap3A_98 = vector.shape_cast %add3A_95 : vector<16xi32> to vector<16xi32>
      tpu.vector_store %arg8[%swap3A], %swap3A_98 {strides = array<i32>} : memref<2048xi32, #tpu.memory_space<vmem>>, vector<16xi32>,
      %scan3A_99 = arith.constant 1 : i32
      %scan3A_100 = arith.addi %scan3A_88, %scan3A_99 : i32
      %mul3A_101 = arith.constant 16 : i32
      %mul3A_102 = arith.muli %scan3A_100, %mul3A_101 : i32
      %add3A_103 = arith.addi %mul3A_13, %mul3A_102 : i32
      %get3A_104 = arith.index_cast %add3A_103 : i32 to index
      %get3A_105 = tpu.vector_load %arg8[%get3A_104] {strides = array<i32>} : memref<2048xi32, #tpu.memory_space<vmem>>, vector<16xi32>,
      %get3A_106 = vector.shape_cast %get3A_105 : vector<16xi32> to vector<16xi32>
      %add3A_107 = vector.broadcast %mul3A_9 : i32 to vector<16xi32>
      %add3A_108 = arith.addi %get3A_106, %add3A_107 : vector<16xi32>
      %swap3A_109 = arith.index_cast %add3A_103 : i32 to index
      %swap3A_110 = tpu.vector_load %arg8[%swap3A_109] {strides = array<i32>} : memref<2048xi32, #tpu.memory_space<vmem>>, vector<16xi32>,
      %swap3A_111 = vector.shape_cast %swap3A_110 : vector<16xi32> to vector<16xi32>
      %swap3A_112 = vector.shape_cast %add3A_108 : vector<16xi32> to vector<16xi32>
      tpu.vector_store %arg8[%swap3A_109], %swap3A_112 {strides = array<i32>} : memref<2048xi32, #tpu.memory_space<vmem>>, vector<16xi32>,
      %scan3A_113 = arith.constant 2 : i32
      %scan3A_114 = arith.addi %scan3A_88, %scan3A_113 : i32
      %mul3A_115 = arith.constant 16 : i32
      %mul3A_116 = arith.muli %scan3A_114, %mul3A_115 : i32
      %add3A_117 = arith.addi %mul3A_13, %mul3A_116 : i32
      %get3A_118 = arith.index_cast %add3A_117 : i32 to index
      %get3A_119 = tpu.vector_load %arg8[%get3A_118] {strides = array<i32>} : memref<2048xi32, #tpu.memory_space<vmem>>, vector<16xi32>,
      %get3A_120 = vector.shape_cast %get3A_119 : vector<16xi32> to vector<16xi32>
      %add3A_121 = vector.broadcast %mul3A_9 : i32 to vector<16xi32>
      %add3A_122 = arith.addi %get3A_120, %add3A_121 : vector<16xi32>
      %swap3A_123 = arith.index_cast %add3A_117 : i32 to index
      %swap3A_124 = tpu.vector_load %arg8[%swap3A_123] {strides = array<i32>} : memref<2048xi32, #tpu.memory_space<vmem>>, vector<16xi32>,
      %swap3A_125 = vector.shape_cast %swap3A_124 : vector<16xi32> to vector<16xi32>
      %swap3A_126 = vector.shape_cast %add3A_122 : vector<16xi32> to vector<16xi32>
      tpu.vector_store %arg8[%swap3A_123], %swap3A_126 {strides = array<i32>} : memref<2048xi32, #tpu.memory_space<vmem>>, vector<16xi32>,
      %scan3A_127 = arith.constant 3 : i32
      %scan3A_128 = arith.addi %scan3A_88, %scan3A_127 : i32
      %mul3A_129 = arith.constant 16 : i32
      %mul3A_130 = arith.muli %scan3A_128, %mul3A_129 : i32
      %add3A_131 = arith.addi %mul3A_13, %mul3A_130 : i32
      %get3A_132 = arith.index_cast %add3A_131 : i32 to index
      %get3A_133 = tpu.vector_load %arg8[%get3A_132] {strides = array<i32>} : memref<2048xi32, #tpu.memory_space<vmem>>, vector<16xi32>,
      %get3A_134 = vector.shape_cast %get3A_133 : vector<16xi32> to vector<16xi32>
      %add3A_135 = vector.broadcast %mul3A_9 : i32 to vector<16xi32>
      %add3A_136 = arith.addi %get3A_134, %add3A_135 : vector<16xi32>
      %swap3A_137 = arith.index_cast %add3A_131 : i32 to index
      %swap3A_138 = tpu.vector_load %arg8[%swap3A_137] {strides = array<i32>} : memref<2048xi32, #tpu.memory_space<vmem>>, vector<16xi32>,
      %swap3A_139 = vector.shape_cast %swap3A_138 : vector<16xi32> to vector<16xi32>
      %swap3A_140 = vector.shape_cast %add3A_136 : vector<16xi32> to vector<16xi32>
      tpu.vector_store %arg8[%swap3A_137], %swap3A_140 {strides = array<i32>} : memref<2048xi32, #tpu.memory_space<vmem>>, vector<16xi32>,
    }
    %scan3A_22 = arith.constant 64 : i32
    %add3A_23 = arith.constant 0 : i32
    %add3A_24 = arith.addi %add3A_7, %add3A_23 : i32
    %dma_start3A = arith.constant 0 : i32
    %dma_start3A_25 = tpu.memref_slice %arg5[%add3A_24, %dma_start3A] : memref<1204224x128xf32, #tpu.memory_space<hbm>> -> memref<32x128xf32, #tpu.memory_space<hbm>>
    %dma_start3A_26 = arith.constant 0 : i32
    %dma_start3A_27 = tpu.memref_slice %arg5[%add3A_24, %dma_start3A_26] : memref<1204224x128xf32, #tpu.memory_space<hbm>> -> memref<32x128xf32, #tpu.memory_space<hbm>>
    tpu.enqueue_dma source(%dma_start3A_27 : memref<32x128xf32, #tpu.memory_space<hbm>>) target(%arg10 : memref<32x128xf32, #tpu.memory_space<vmem>>) target_semaphore(%arg17 : memref<!tpu.dma_semaphore, #tpu.memory_space<semaphore_mem>>)
    %rem3A_28 = arith.constant 0 : i32
    %rem3A_29 = arith.constant 2 : i32
    %rem3A_30 = arith.remsi %rem3A_28, %rem3A_29 : i32
    %mul3A_31 = arith.constant 1024 : i32
    %mul3A_32 = arith.muli %rem3A_30, %mul3A_31 : i32
    %rem3A_33 = arith.constant 0 : i32
    %rem3A_34 = arith.constant 16 : i32
    %rem3A_35 = arith.remsi %rem3A_33, %rem3A_34 : i32
    %mul3A_36 = arith.constant 64 : i32
    %mul3A_37 = arith.muli %rem3A_35, %mul3A_36 : i32
    %add3A_38 = arith.addi %mul3A_32, %mul3A_37 : i32
    %dma_start3A_39 = tpu.memref_slice %arg8[%add3A_38] : memref<2048xi32, #tpu.memory_space<vmem>> -> memref<64xi32, #tpu.memory_space<vmem>>
    %dma_start3A_40 = arith.constant 0 : i32
    %dma_start3A_41 = arith.constant 0 : i32
    %dma_start3A_42 = tpu.memref_slice %arg4[%dma_start3A_40, %dma_start3A_41] : memref<100000x32xf32, #tpu.memory_space<hbm>> -> memref<100000x32xf32, #tpu.memory_space<hbm>>
    tpu.enqueue_indirect_dma source(%dma_start3A_42 : memref<100000x32xf32, #tpu.memory_space<hbm>>) target(%arg12 : memref<64x32xf32, #tpu.memory_space<vmem>>) offsets(%dma_start3A_39 : memref<64xi32, #tpu.memory_space<vmem>>) semaphore(%arg17 : memref<!tpu.dma_semaphore, #tpu.memory_space<semaphore_mem>>)
    %add3A_43 = arith.constant 32 : i32
    %add3A_44 = arith.addi %add3A_7, %add3A_43 : i32
    %dma_start3A_45 = arith.constant 0 : i32
    %dma_start3A_46 = tpu.memref_slice %arg5[%add3A_44, %dma_start3A_45] : memref<1204224x128xf32, #tpu.memory_space<hbm>> -> memref<32x128xf32, #tpu.memory_space<hbm>>
    %dma_start3A_47 = arith.constant 0 : i32
    %dma_start3A_48 = tpu.memref_slice %arg5[%add3A_44, %dma_start3A_47] : memref<1204224x128xf32, #tpu.memory_space<hbm>> -> memref<32x128xf32, #tpu.memory_space<hbm>>
    tpu.enqueue_dma source(%dma_start3A_48 : memref<32x128xf32, #tpu.memory_space<hbm>>) target(%arg11 : memref<32x128xf32, #tpu.memory_space<vmem>>) target_semaphore(%arg18 : memref<!tpu.dma_semaphore, #tpu.memory_space<semaphore_mem>>)
    %rem3A_49 = arith.constant 0 : i32
    %rem3A_50 = arith.constant 2 : i32
    %rem3A_51 = arith.remsi %rem3A_49, %rem3A_50 : i32
    %mul3A_52 = arith.constant 1024 : i32
    %mul3A_53 = arith.muli %rem3A_51, %mul3A_52 : i32
    %rem3A_54 = arith.constant 1 : i32
    %rem3A_55 = arith.constant 16 : i32
    %rem3A_56 = arith.remsi %rem3A_54, %rem3A_55 : i32
    %mul3A_57 = arith.constant 64 : i32
    %mul3A_58 = arith.muli %rem3A_56, %mul3A_57 : i32
    %add3A_59 = arith.addi %mul3A_53, %mul3A_58 : i32
    %dma_start3A_60 = tpu.memref_slice %arg8[%add3A_59] : memref<2048xi32, #tpu.memory_space<vmem>> -> memref<64xi32, #tpu.memory_space<vmem>>
    %dma_start3A_61 = arith.constant 0 : i32
    %dma_start3A_62 = arith.constant 0 : i32
    %dma_start3A_63 = tpu.memref_slice %arg4[%dma_start3A_61, %dma_start3A_62] : memref<100000x32xf32, #tpu.memory_space<hbm>> -> memref<100000x32xf32, #tpu.memory_space<hbm>>
    tpu.enqueue_indirect_dma source(%dma_start3A_63 : memref<100000x32xf32, #tpu.memory_space<hbm>>) target(%arg13 : memref<64x32xf32, #tpu.memory_space<vmem>>) offsets(%dma_start3A_60 : memref<64xi32, #tpu.memory_space<vmem>>) semaphore(%arg18 : memref<!tpu.dma_semaphore, #tpu.memory_space<semaphore_mem>>)
    %scan3A_64 = arith.constant 0 : i32
    %scan3A_65 = arith.constant 0 : i32
    %scan3A_66 = arith.constant 392 : i32
    %scan3A_67 = arith.addi %scan3A_65, %scan3A_66 : i32
    %scan3A_68 = arith.constant 1 : i32
    scf.for %scan3A_88 = %scan3A_65 to %scan3A_67 step %scan3A_68  : i32 {
      %mul3A_89 = arith.constant 2 : i32
      %mul3A_90 = arith.muli %mul3A_89, %scan3A_88 : i32
      %add3A_91 = arith.constant 1 : i32
      %add3A_92 = arith.addi %mul3A_90, %add3A_91 : i32
      %dma_wait3A_93 = arith.constant 0 : i32
      %dma_wait3A_94 = tpu.memref_slice %arg5[%add3A_7, %dma_wait3A_93] : memref<1204224x128xf32, #tpu.memory_space<hbm>> -> memref<32x128xf32, #tpu.memory_space<hbm>>
      %dma_wait3A_95 = arith.constant 0 : i32
      %dma_wait3A_96 = tpu.memref_slice %arg5[%add3A_7, %dma_wait3A_95] : memref<1204224x128xf32, #tpu.memory_space<hbm>> -> memref<32x128xf32, #tpu.memory_space<hbm>>
      tpu.wait_dma2 semaphore(%arg17 : memref<!tpu.dma_semaphore, #tpu.memory_space<semaphore_mem>>) src(%dma_wait3A_96 : memref<32x128xf32, #tpu.memory_space<hbm>>) dst(%arg10 : memref<32x128xf32, #tpu.memory_space<vmem>>)
      %dma_wait3A_97 = arith.constant 0 : i32
      %dma_wait3A_98 = arith.constant 0 : i32
      %dma_wait3A_99 = tpu.memref_slice %arg4[%dma_wait3A_97, %dma_wait3A_98] : memref<100000x32xf32, #tpu.memory_space<hbm>> -> memref<64x32xf32, #tpu.memory_space<hbm>>
      %dma_wait3A_100 = arith.constant 0 : i32
      %dma_wait3A_101 = arith.constant 0 : i32
      %dma_wait3A_102 = tpu.memref_slice %arg4[%dma_wait3A_100, %dma_wait3A_101] : memref<100000x32xf32, #tpu.memory_space<hbm>> -> memref<64x32xf32, #tpu.memory_space<hbm>>
      tpu.wait_dma2 semaphore(%arg17 : memref<!tpu.dma_semaphore, #tpu.memory_space<semaphore_mem>>) src(%dma_wait3A_102 : memref<64x32xf32, #tpu.memory_space<hbm>>) dst(%arg12 : memref<64x32xf32, #tpu.memory_space<vmem>>)
      %ge3A = arith.constant 2 : i32
      %ge3A_103 = arith.cmpi sge, %mul3A_90, %ge3A : i32
      %convert_element_type3A_104 = arith.extui %ge3A_103 : i1 to i32
      %cond3A_105 = arith.constant 0 : i32
      %cond3A_106 = arith.cmpi ne, %convert_element_type3A_104, %cond3A_105 : i32
      scf.if %cond3A_106 {
        %dma_wait3A_215 = arith.constant 0 : i32
        %dma_wait3A_216 = tpu.memref_slice %arg9[%dma_wait3A_215] : memref<2048xi32, #tpu.memory_space<vmem>> -> memref<64xi32, #tpu.memory_space<vmem>>
        %dma_wait3A_217 = arith.constant 0 : i32
        %dma_wait3A_218 = arith.constant 0 : i32
        %dma_wait3A_219 = tpu.memref_slice %arg16[%dma_wait3A_217, %dma_wait3A_218] : memref<50048x32xf32, #tpu.memory_space<vmem_shared>> -> memref<50048x32xf32, #tpu.memory_space<vmem_shared>>
        tpu.wait_indirect_dma semaphore(%arg19 : memref<!tpu.dma_semaphore, #tpu.memory_space<semaphore_mem>>) src(%arg14 : memref<64x32xf32, #tpu.memory_space<vmem>>) dst(%dma_wait3A_219 : memref<50048x32xf32, #tpu.memory_space<vmem_shared>>)
      } else {
      }
      %scan3A_107 = arith.constant 0 : i32
      %scan3A_108 = arith.constant 0 : i32
      %scan3A_109 = arith.constant 32 : i32
      %scan3A_110 = arith.addi %scan3A_108, %scan3A_109 : i32
      %scan3A_111 = arith.constant 4 : i32
      scf.for %scan3A_215 = %scan3A_108 to %scan3A_110 step %scan3A_111  : i32 {
        %mul3A_216 = arith.constant 2 : i32
        %mul3A_217 = arith.muli %mul3A_216, %scan3A_215 : i32
        %add3A_218 = arith.constant 1 : i32
        %add3A_219 = arith.addi %mul3A_217, %add3A_218 : i32
        %get3A = arith.index_cast %mul3A_217 : i32 to index
        %get3A_220 = arith.constant 0 : index
        %get3A_221 = tpu.vector_load %arg12[%get3A, %get3A_220] {strides = array<i32>} : memref<64x32xf32, #tpu.memory_space<vmem>>, vector<1x16xf32>,
        %get3A_222 = vector.shape_cast %get3A_221 : vector<1x16xf32> to vector<16xf32>
        %get3A_223 = arith.index_cast %scan3A_215 : i32 to index
        %get3A_224 = arith.index_cast %mul3A_0 : i32 to index
        %get3A_225 = tpu.vector_load %arg10[%get3A_223, %get3A_224] {strides = array<i32>} : memref<32x128xf32, #tpu.memory_space<vmem>>, vector<1x16xf32>,
        %get3A_226 = vector.shape_cast %get3A_225 : vector<1x16xf32> to vector<16xf32>
        %mul3A_227 = arith.mulf %get3A_222, %get3A_226 : vector<16xf32>
        %swap3A = arith.index_cast %mul3A_217 : i32 to index
        %swap3A_228 = arith.constant 0 : index
        %swap3A_229 = tpu.vector_load %arg14[%swap3A, %swap3A_228] {strides = array<i32>} : memref<64x32xf32, #tpu.memory_space<vmem>>, vector<1x16xf32>,
        %swap3A_230 = vector.shape_cast %swap3A_229 : vector<1x16xf32> to vector<16xf32>
        %swap3A_231 = vector.shape_cast %mul3A_227 : vector<16xf32> to vector<1x16xf32>
        tpu.vector_store %arg14[%swap3A, %swap3A_228], %swap3A_231 {strides = array<i32>} : memref<64x32xf32, #tpu.memory_space<vmem>>, vector<1x16xf32>,
        %get3A_232 = arith.index_cast %mul3A_217 : i32 to index
        %get3A_233 = arith.constant 16 : index
        %get3A_234 = tpu.vector_load %arg12[%get3A_232, %get3A_233] {strides = array<i32>} : memref<64x32xf32, #tpu.memory_space<vmem>>, vector<1x16xf32>,
        %get3A_235 = vector.shape_cast %get3A_234 : vector<1x16xf32> to vector<16xf32>
        %add3A_236 = arith.constant 16 : i32
        %add3A_237 = arith.addi %mul3A_0, %add3A_236 : i32
        %get3A_238 = arith.index_cast %scan3A_215 : i32 to index
        %get3A_239 = arith.index_cast %add3A_237 : i32 to index
        %get3A_240 = tpu.vector_load %arg10[%get3A_238, %get3A_239] {strides = array<i32>} : memref<32x128xf32, #tpu.memory_space<vmem>>, vector<1x16xf32>,
        %get3A_241 = vector.shape_cast %get3A_240 : vector<1x16xf32> to vector<16xf32>
        %mul3A_242 = arith.mulf %get3A_235, %get3A_241 : vector<16xf32>
        %swap3A_243 = arith.index_cast %mul3A_217 : i32 to index
        %swap3A_244 = arith.constant 16 : index
        %swap3A_245 = tpu.vector_load %arg14[%swap3A_243, %swap3A_244] {strides = array<i32>} : memref<64x32xf32, #tpu.memory_space<vmem>>, vector<1x16xf32>,
        %swap3A_246 = vector.shape_cast %swap3A_245 : vector<1x16xf32> to vector<16xf32>
        %swap3A_247 = vector.shape_cast %mul3A_242 : vector<16xf32> to vector<1x16xf32>
        tpu.vector_store %arg14[%swap3A_243, %swap3A_244], %swap3A_247 {strides = array<i32>} : memref<64x32xf32, #tpu.memory_space<vmem>>, vector<1x16xf32>,
        %get3A_248 = arith.index_cast %add3A_219 : i32 to index
        %get3A_249 = arith.constant 0 : index
        %get3A_250 = tpu.vector_load %arg12[%get3A_248, %get3A_249] {strides = array<i32>} : memref<64x32xf32, #tpu.memory_space<vmem>>, vector<1x16xf32>,
        %get3A_251 = vector.shape_cast %get3A_250 : vector<1x16xf32> to vector<16xf32>
        %add3A_252 = arith.constant 64 : i32
        %add3A_253 = arith.addi %add3A_252, %mul3A_0 : i32
        %get3A_254 = arith.index_cast %scan3A_215 : i32 to index
        %get3A_255 = arith.index_cast %add3A_253 : i32 to index
        %get3A_256 = tpu.vector_load %arg10[%get3A_254, %get3A_255] {strides = array<i32>} : memref<32x128xf32, #tpu.memory_space<vmem>>, vector<1x16xf32>,
        %get3A_257 = vector.shape_cast %get3A_256 : vector<1x16xf32> to vector<16xf32>
        %mul3A_258 = arith.mulf %get3A_251, %get3A_257 : vector<16xf32>
        %swap3A_259 = arith.index_cast %add3A_219 : i32 to index
        %swap3A_260 = arith.constant 0 : index
        %swap3A_261 = tpu.vector_load %arg14[%swap3A_259, %swap3A_260] {strides = array<i32>} : memref<64x32xf32, #tpu.memory_space<vmem>>, vector<1x16xf32>,
        %swap3A_262 = vector.shape_cast %swap3A_261 : vector<1x16xf32> to vector<16xf32>
        %swap3A_263 = vector.shape_cast %mul3A_258 : vector<16xf32> to vector<1x16xf32>
        tpu.vector_store %arg14[%swap3A_259, %swap3A_260], %swap3A_263 {strides = array<i32>} : memref<64x32xf32, #tpu.memory_space<vmem>>, vector<1x16xf32>,
        %get3A_264 = arith.index_cast %add3A_219 : i32 to index
        %get3A_265 = arith.constant 16 : index
        %get3A_266 = tpu.vector_load %arg12[%get3A_264, %get3A_265] {strides = array<i32>} : memref<64x32xf32, #tpu.memory_space<vmem>>, vector<1x16xf32>,
        %get3A_267 = vector.shape_cast %get3A_266 : vector<1x16xf32> to vector<16xf32>
        %add3A_268 = arith.constant 64 : i32
        %add3A_269 = arith.addi %add3A_268, %mul3A_0 : i32
        %add3A_270 = arith.constant 16 : i32
        %add3A_271 = arith.addi %add3A_269, %add3A_270 : i32
        %get3A_272 = arith.index_cast %scan3A_215 : i32 to index
        %get3A_273 = arith.index_cast %add3A_271 : i32 to index
        %get3A_274 = tpu.vector_load %arg10[%get3A_272, %get3A_273] {strides = array<i32>} : memref<32x128xf32, #tpu.memory_space<vmem>>, vector<1x16xf32>,
        %get3A_275 = vector.shape_cast %get3A_274 : vector<1x16xf32> to vector<16xf32>
        %mul3A_276 = arith.mulf %get3A_267, %get3A_275 : vector<16xf32>
        %swap3A_277 = arith.index_cast %add3A_219 : i32 to index
        %swap3A_278 = arith.constant 16 : index
        %swap3A_279 = tpu.vector_load %arg14[%swap3A_277, %swap3A_278] {strides = array<i32>} : memref<64x32xf32, #tpu.memory_space<vmem>>, vector<1x16xf32>,
        %swap3A_280 = vector.shape_cast %swap3A_279 : vector<1x16xf32> to vector<16xf32>
        %swap3A_281 = vector.shape_cast %mul3A_276 : vector<16xf32> to vector<1x16xf32>
        tpu.vector_store %arg14[%swap3A_277, %swap3A_278], %swap3A_281 {strides = array<i32>} : memref<64x32xf32, #tpu.memory_space<vmem>>, vector<1x16xf32>,
        %scan3A_282 = arith.constant 1 : i32
        %scan3A_283 = arith.addi %scan3A_215, %scan3A_282 : i32
        %mul3A_284 = arith.constant 2 : i32
        %mul3A_285 = arith.muli %mul3A_284, %scan3A_283 : i32
        %add3A_286 = arith.constant 1 : i32
        %add3A_287 = arith.addi %mul3A_285, %add3A_286 : i32
        %get3A_288 = arith.index_cast %mul3A_285 : i32 to index
        %get3A_289 = arith.constant 0 : index
        %get3A_290 = tpu.vector_load %arg12[%get3A_288, %get3A_289] {strides = array<i32>} : memref<64x32xf32, #tpu.memory_space<vmem>>, vector<1x16xf32>,
        %get3A_291 = vector.shape_cast %get3A_290 : vector<1x16xf32> to vector<16xf32>
        %get3A_292 = arith.index_cast %scan3A_283 : i32 to index
        %get3A_293 = arith.index_cast %mul3A_0 : i32 to index
        %get3A_294 = tpu.vector_load %arg10[%get3A_292, %get3A_293] {strides = array<i32>} : memref<32x128xf32, #tpu.memory_space<vmem>>, vector<1x16xf32>,
        %get3A_295 = vector.shape_cast %get3A_294 : vector<1x16xf32> to vector<16xf32>
        %mul3A_296 = arith.mulf %get3A_291, %get3A_295 : vector<16xf32>
        %swap3A_297 = arith.index_cast %mul3A_285 : i32 to index
        %swap3A_298 = arith.constant 0 : index
        %swap3A_299 = tpu.vector_load %arg14[%swap3A_297, %swap3A_298] {strides = array<i32>} : memref<64x32xf32, #tpu.memory_space<vmem>>, vector<1x16xf32>,
        %swap3A_300 = vector.shape_cast %swap3A_299 : vector<1x16xf32> to vector<16xf32>
        %swap3A_301 = vector.shape_cast %mul3A_296 : vector<16xf32> to vector<1x16xf32>
        tpu.vector_store %arg14[%swap3A_297, %swap3A_298], %swap3A_301 {strides = array<i32>} : memref<64x32xf32, #tpu.memory_space<vmem>>, vector<1x16xf32>,
        %get3A_302 = arith.index_cast %mul3A_285 : i32 to index
        %get3A_303 = arith.constant 16 : index
        %get3A_304 = tpu.vector_load %arg12[%get3A_302, %get3A_303] {strides = array<i32>} : memref<64x32xf32, #tpu.memory_space<vmem>>, vector<1x16xf32>,
        %get3A_305 = vector.shape_cast %get3A_304 : vector<1x16xf32> to vector<16xf32>
        %add3A_306 = arith.constant 16 : i32
        %add3A_307 = arith.addi %mul3A_0, %add3A_306 : i32
        %get3A_308 = arith.index_cast %scan3A_283 : i32 to index
        %get3A_309 = arith.index_cast %add3A_307 : i32 to index
        %get3A_310 = tpu.vector_load %arg10[%get3A_308, %get3A_309] {strides = array<i32>} : memref<32x128xf32, #tpu.memory_space<vmem>>, vector<1x16xf32>,
        %get3A_311 = vector.shape_cast %get3A_310 : vector<1x16xf32> to vector<16xf32>
        %mul3A_312 = arith.mulf %get3A_305, %get3A_311 : vector<16xf32>
        %swap3A_313 = arith.index_cast %mul3A_285 : i32 to index
        %swap3A_314 = arith.constant 16 : index
        %swap3A_315 = tpu.vector_load %arg14[%swap3A_313, %swap3A_314] {strides = array<i32>} : memref<64x32xf32, #tpu.memory_space<vmem>>, vector<1x16xf32>,
        %swap3A_316 = vector.shape_cast %swap3A_315 : vector<1x16xf32> to vector<16xf32>
        %swap3A_317 = vector.shape_cast %mul3A_312 : vector<16xf32> to vector<1x16xf32>
        tpu.vector_store %arg14[%swap3A_313, %swap3A_314], %swap3A_317 {strides = array<i32>} : memref<64x32xf32, #tpu.memory_space<vmem>>, vector<1x16xf32>,
        %get3A_318 = arith.index_cast %add3A_287 : i32 to index
        %get3A_319 = arith.constant 0 : index
        %get3A_320 = tpu.vector_load %arg12[%get3A_318, %get3A_319] {strides = array<i32>} : memref<64x32xf32, #tpu.memory_space<vmem>>, vector<1x16xf32>,
        %get3A_321 = vector.shape_cast %get3A_320 : vector<1x16xf32> to vector<16xf32>
        %add3A_322 = arith.constant 64 : i32
        %add3A_323 = arith.addi %add3A_322, %mul3A_0 : i32
        %get3A_324 = arith.index_cast %scan3A_283 : i32 to index
        %get3A_325 = arith.index_cast %add3A_323 : i32 to index
        %get3A_326 = tpu.vector_load %arg10[%get3A_324, %get3A_325] {strides = array<i32>} : memref<32x128xf32, #tpu.memory_space<vmem>>, vector<1x16xf32>,
        %get3A_327 = vector.shape_cast %get3A_326 : vector<1x16xf32> to vector<16xf32>
        %mul3A_328 = arith.mulf %get3A_321, %get3A_327 : vector<16xf32>
        %swap3A_329 = arith.index_cast %add3A_287 : i32 to index
        %swap3A_330 = arith.constant 0 : index
        %swap3A_331 = tpu.vector_load %arg14[%swap3A_329, %swap3A_330] {strides = array<i32>} : memref<64x32xf32, #tpu.memory_space<vmem>>, vector<1x16xf32>,
        %swap3A_332 = vector.shape_cast %swap3A_331 : vector<1x16xf32> to vector<16xf32>
        %swap3A_333 = vector.shape_cast %mul3A_328 : vector<16xf32> to vector<1x16xf32>
        tpu.vector_store %arg14[%swap3A_329, %swap3A_330], %swap3A_333 {strides = array<i32>} : memref<64x32xf32, #tpu.memory_space<vmem>>, vector<1x16xf32>,
        %get3A_334 = arith.index_cast %add3A_287 : i32 to index
        %get3A_335 = arith.constant 16 : index
        %get3A_336 = tpu.vector_load %arg12[%get3A_334, %get3A_335] {strides = array<i32>} : memref<64x32xf32, #tpu.memory_space<vmem>>, vector<1x16xf32>,
        %get3A_337 = vector.shape_cast %get3A_336 : vector<1x16xf32> to vector<16xf32>
        %add3A_338 = arith.constant 64 : i32
        %add3A_339 = arith.addi %add3A_338, %mul3A_0 : i32
        %add3A_340 = arith.constant 16 : i32
        %add3A_341 = arith.addi %add3A_339, %add3A_340 : i32
        %get3A_342 = arith.index_cast %scan3A_283 : i32 to index
        %get3A_343 = arith.index_cast %add3A_341 : i32 to index
        %get3A_344 = tpu.vector_load %arg10[%get3A_342, %get3A_343] {strides = array<i32>} : memref<32x128xf32, #tpu.memory_space<vmem>>, vector<1x16xf32>,
        %get3A_345 = vector.shape_cast %get3A_344 : vector<1x16xf32> to vector<16xf32>
        %mul3A_346 = arith.mulf %get3A_337, %get3A_345 : vector<16xf32>
        %swap3A_347 = arith.index_cast %add3A_287 : i32 to index
        %swap3A_348 = arith.constant 16 : index
        %swap3A_349 = tpu.vector_load %arg14[%swap3A_347, %swap3A_348] {strides = array<i32>} : memref<64x32xf32, #tpu.memory_space<vmem>>, vector<1x16xf32>,
        %swap3A_350 = vector.shape_cast %swap3A_349 : vector<1x16xf32> to vector<16xf32>
        %swap3A_351 = vector.shape_cast %mul3A_346 : vector<16xf32> to vector<1x16xf32>
        tpu.vector_store %arg14[%swap3A_347, %swap3A_348], %swap3A_351 {strides = array<i32>} : memref<64x32xf32, #tpu.memory_space<vmem>>, vector<1x16xf32>,
        %scan3A_352 = arith.constant 2 : i32
        %scan3A_353 = arith.addi %scan3A_215, %scan3A_352 : i32
        %mul3A_354 = arith.constant 2 : i32
        %mul3A_355 = arith.muli %mul3A_354, %scan3A_353 : i32
        %add3A_356 = arith.constant 1 : i32
        %add3A_357 = arith.addi %mul3A_355, %add3A_356 : i32
        %get3A_358 = arith.index_cast %mul3A_355 : i32 to index
        %get3A_359 = arith.constant 0 : index
        %get3A_360 = tpu.vector_load %arg12[%get3A_358, %get3A_359] {strides = array<i32>} : memref<64x32xf32, #tpu.memory_space<vmem>>, vector<1x16xf32>,
        %get3A_361 = vector.shape_cast %get3A_360 : vector<1x16xf32> to vector<16xf32>
        %get3A_362 = arith.index_cast %scan3A_353 : i32 to index
        %get3A_363 = arith.index_cast %mul3A_0 : i32 to index
        %get3A_364 = tpu.vector_load %arg10[%get3A_362, %get3A_363] {strides = array<i32>} : memref<32x128xf32, #tpu.memory_space<vmem>>, vector<1x16xf32>,
        %get3A_365 = vector.shape_cast %get3A_364 : vector<1x16xf32> to vector<16xf32>
        %mul3A_366 = arith.mulf %get3A_361, %get3A_365 : vector<16xf32>
        %swap3A_367 = arith.index_cast %mul3A_355 : i32 to index
        %swap3A_368 = arith.constant 0 : index
        %swap3A_369 = tpu.vector_load %arg14[%swap3A_367, %swap3A_368] {strides = array<i32>} : memref<64x32xf32, #tpu.memory_space<vmem>>, vector<1x16xf32>,
        %swap3A_370 = vector.shape_cast %swap3A_369 : vector<1x16xf32> to vector<16xf32>
        %swap3A_371 = vector.shape_cast %mul3A_366 : vector<16xf32> to vector<1x16xf32>
        tpu.vector_store %arg14[%swap3A_367, %swap3A_368], %swap3A_371 {strides = array<i32>} : memref<64x32xf32, #tpu.memory_space<vmem>>, vector<1x16xf32>,
        %get3A_372 = arith.index_cast %mul3A_355 : i32 to index
        %get3A_373 = arith.constant 16 : index
        %get3A_374 = tpu.vector_load %arg12[%get3A_372, %get3A_373] {strides = array<i32>} : memref<64x32xf32, #tpu.memory_space<vmem>>, vector<1x16xf32>,
        %get3A_375 = vector.shape_cast %get3A_374 : vector<1x16xf32> to vector<16xf32>
        %add3A_376 = arith.constant 16 : i32
        %add3A_377 = arith.addi %mul3A_0, %add3A_376 : i32
        %get3A_378 = arith.index_cast %scan3A_353 : i32 to index
        %get3A_379 = arith.index_cast %add3A_377 : i32 to index
        %get3A_380 = tpu.vector_load %arg10[%get3A_378, %get3A_379] {strides = array<i32>} : memref<32x128xf32, #tpu.memory_space<vmem>>, vector<1x16xf32>,
        %get3A_381 = vector.shape_cast %get3A_380 : vector<1x16xf32> to vector<16xf32>
        %mul3A_382 = arith.mulf %get3A_375, %get3A_381 : vector<16xf32>
        %swap3A_383 = arith.index_cast %mul3A_355 : i32 to index
        %swap3A_384 = arith.constant 16 : index
        %swap3A_385 = tpu.vector_load %arg14[%swap3A_383, %swap3A_384] {strides = array<i32>} : memref<64x32xf32, #tpu.memory_space<vmem>>, vector<1x16xf32>,
        %swap3A_386 = vector.shape_cast %swap3A_385 : vector<1x16xf32> to vector<16xf32>
        %swap3A_387 = vector.shape_cast %mul3A_382 : vector<16xf32> to vector<1x16xf32>
        tpu.vector_store %arg14[%swap3A_383, %swap3A_384], %swap3A_387 {strides = array<i32>} : memref<64x32xf32, #tpu.memory_space<vmem>>, vector<1x16xf32>,
        %get3A_388 = arith.index_cast %add3A_357 : i32 to index
        %get3A_389 = arith.constant 0 : index
        %get3A_390 = tpu.vector_load %arg12[%get3A_388, %get3A_389] {strides = array<i32>} : memref<64x32xf32, #tpu.memory_space<vmem>>, vector<1x16xf32>,
        %get3A_391 = vector.shape_cast %get3A_390 : vector<1x16xf32> to vector<16xf32>
        %add3A_392 = arith.constant 64 : i32
        %add3A_393 = arith.addi %add3A_392, %mul3A_0 : i32
        %get3A_394 = arith.index_cast %scan3A_353 : i32 to index
        %get3A_395 = arith.index_cast %add3A_393 : i32 to index
        %get3A_396 = tpu.vector_load %arg10[%get3A_394, %get3A_395] {strides = array<i32>} : memref<32x128xf32, #tpu.memory_space<vmem>>, vector<1x16xf32>,
        %get3A_397 = vector.shape_cast %get3A_396 : vector<1x16xf32> to vector<16xf32>
        %mul3A_398 = arith.mulf %get3A_391, %get3A_397 : vector<16xf32>
        %swap3A_399 = arith.index_cast %add3A_357 : i32 to index
        %swap3A_400 = arith.constant 0 : index
        %swap3A_401 = tpu.vector_load %arg14[%swap3A_399, %swap3A_400] {strides = array<i32>} : memref<64x32xf32, #tpu.memory_space<vmem>>, vector<1x16xf32>,
        %swap3A_402 = vector.shape_cast %swap3A_401 : vector<1x16xf32> to vector<16xf32>
        %swap3A_403 = vector.shape_cast %mul3A_398 : vector<16xf32> to vector<1x16xf32>
        tpu.vector_store %arg14[%swap3A_399, %swap3A_400], %swap3A_403 {strides = array<i32>} : memref<64x32xf32, #tpu.memory_space<vmem>>, vector<1x16xf32>,
        %get3A_404 = arith.index_cast %add3A_357 : i32 to index
        %get3A_405 = arith.constant 16 : index
        %get3A_406 = tpu.vector_load %arg12[%get3A_404, %get3A_405] {strides = array<i32>} : memref<64x32xf32, #tpu.memory_space<vmem>>, vector<1x16xf32>,
        %get3A_407 = vector.shape_cast %get3A_406 : vector<1x16xf32> to vector<16xf32>
        %add3A_408 = arith.constant 64 : i32
        %add3A_409 = arith.addi %add3A_408, %mul3A_0 : i32
        %add3A_410 = arith.constant 16 : i32
        %add3A_411 = arith.addi %add3A_409, %add3A_410 : i32
        %get3A_412 = arith.index_cast %scan3A_353 : i32 to index
        %get3A_413 = arith.index_cast %add3A_411 : i32 to index
        %get3A_414 = tpu.vector_load %arg10[%get3A_412, %get3A_413] {strides = array<i32>} : memref<32x128xf32, #tpu.memory_space<vmem>>, vector<1x16xf32>,
        %get3A_415 = vector.shape_cast %get3A_414 : vector<1x16xf32> to vector<16xf32>
        %mul3A_416 = arith.mulf %get3A_407, %get3A_415 : vector<16xf32>
        %swap3A_417 = arith.index_cast %add3A_357 : i32 to index
        %swap3A_418 = arith.constant 16 : index
        %swap3A_419 = tpu.vector_load %arg14[%swap3A_417, %swap3A_418] {strides = array<i32>} : memref<64x32xf32, #tpu.memory_space<vmem>>, vector<1x16xf32>,
        %swap3A_420 = vector.shape_cast %swap3A_419 : vector<1x16xf32> to vector<16xf32>
        %swap3A_421 = vector.shape_cast %mul3A_416 : vector<16xf32> to vector<1x16xf32>
        tpu.vector_store %arg14[%swap3A_417, %swap3A_418], %swap3A_421 {strides = array<i32>} : memref<64x32xf32, #tpu.memory_space<vmem>>, vector<1x16xf32>,
        %scan3A_422 = arith.constant 3 : i32
        %scan3A_423 = arith.addi %scan3A_215, %scan3A_422 : i32
        %mul3A_424 = arith.constant 2 : i32
        %mul3A_425 = arith.muli %mul3A_424, %scan3A_423 : i32
        %add3A_426 = arith.constant 1 : i32
        %add3A_427 = arith.addi %mul3A_425, %add3A_426 : i32
        %get3A_428 = arith.index_cast %mul3A_425 : i32 to index
        %get3A_429 = arith.constant 0 : index
        %get3A_430 = tpu.vector_load %arg12[%get3A_428, %get3A_429] {strides = array<i32>} : memref<64x32xf32, #tpu.memory_space<vmem>>, vector<1x16xf32>,
        %get3A_431 = vector.shape_cast %get3A_430 : vector<1x16xf32> to vector<16xf32>
        %get3A_432 = arith.index_cast %scan3A_423 : i32 to index
        %get3A_433 = arith.index_cast %mul3A_0 : i32 to index
        %get3A_434 = tpu.vector_load %arg10[%get3A_432, %get3A_433] {strides = array<i32>} : memref<32x128xf32, #tpu.memory_space<vmem>>, vector<1x16xf32>,
        %get3A_435 = vector.shape_cast %get3A_434 : vector<1x16xf32> to vector<16xf32>
        %mul3A_436 = arith.mulf %get3A_431, %get3A_435 : vector<16xf32>
        %swap3A_437 = arith.index_cast %mul3A_425 : i32 to index
        %swap3A_438 = arith.constant 0 : index
        %swap3A_439 = tpu.vector_load %arg14[%swap3A_437, %swap3A_438] {strides = array<i32>} : memref<64x32xf32, #tpu.memory_space<vmem>>, vector<1x16xf32>,
        %swap3A_440 = vector.shape_cast %swap3A_439 : vector<1x16xf32> to vector<16xf32>
        %swap3A_441 = vector.shape_cast %mul3A_436 : vector<16xf32> to vector<1x16xf32>
        tpu.vector_store %arg14[%swap3A_437, %swap3A_438], %swap3A_441 {strides = array<i32>} : memref<64x32xf32, #tpu.memory_space<vmem>>, vector<1x16xf32>,
        %get3A_442 = arith.index_cast %mul3A_425 : i32 to index
        %get3A_443 = arith.constant 16 : index
        %get3A_444 = tpu.vector_load %arg12[%get3A_442, %get3A_443] {strides = array<i32>} : memref<64x32xf32, #tpu.memory_space<vmem>>, vector<1x16xf32>,
        %get3A_445 = vector.shape_cast %get3A_444 : vector<1x16xf32> to vector<16xf32>
        %add3A_446 = arith.constant 16 : i32
        %add3A_447 = arith.addi %mul3A_0, %add3A_446 : i32
        %get3A_448 = arith.index_cast %scan3A_423 : i32 to index
        %get3A_449 = arith.index_cast %add3A_447 : i32 to index
        %get3A_450 = tpu.vector_load %arg10[%get3A_448, %get3A_449] {strides = array<i32>} : memref<32x128xf32, #tpu.memory_space<vmem>>, vector<1x16xf32>,
        %get3A_451 = vector.shape_cast %get3A_450 : vector<1x16xf32> to vector<16xf32>
        %mul3A_452 = arith.mulf %get3A_445, %get3A_451 : vector<16xf32>
        %swap3A_453 = arith.index_cast %mul3A_425 : i32 to index
        %swap3A_454 = arith.constant 16 : index
        %swap3A_455 = tpu.vector_load %arg14[%swap3A_453, %swap3A_454] {strides = array<i32>} : memref<64x32xf32, #tpu.memory_space<vmem>>, vector<1x16xf32>,
        %swap3A_456 = vector.shape_cast %swap3A_455 : vector<1x16xf32> to vector<16xf32>
        %swap3A_457 = vector.shape_cast %mul3A_452 : vector<16xf32> to vector<1x16xf32>
        tpu.vector_store %arg14[%swap3A_453, %swap3A_454], %swap3A_457 {strides = array<i32>} : memref<64x32xf32, #tpu.memory_space<vmem>>, vector<1x16xf32>,
        %get3A_458 = arith.index_cast %add3A_427 : i32 to index
        %get3A_459 = arith.constant 0 : index
        %get3A_460 = tpu.vector_load %arg12[%get3A_458, %get3A_459] {strides = array<i32>} : memref<64x32xf32, #tpu.memory_space<vmem>>, vector<1x16xf32>,
        %get3A_461 = vector.shape_cast %get3A_460 : vector<1x16xf32> to vector<16xf32>
        %add3A_462 = arith.constant 64 : i32
        %add3A_463 = arith.addi %add3A_462, %mul3A_0 : i32
        %get3A_464 = arith.index_cast %scan3A_423 : i32 to index
        %get3A_465 = arith.index_cast %add3A_463 : i32 to index
        %get3A_466 = tpu.vector_load %arg10[%get3A_464, %get3A_465] {strides = array<i32>} : memref<32x128xf32, #tpu.memory_space<vmem>>, vector<1x16xf32>,
        %get3A_467 = vector.shape_cast %get3A_466 : vector<1x16xf32> to vector<16xf32>
        %mul3A_468 = arith.mulf %get3A_461, %get3A_467 : vector<16xf32>
        %swap3A_469 = arith.index_cast %add3A_427 : i32 to index
        %swap3A_470 = arith.constant 0 : index
        %swap3A_471 = tpu.vector_load %arg14[%swap3A_469, %swap3A_470] {strides = array<i32>} : memref<64x32xf32, #tpu.memory_space<vmem>>, vector<1x16xf32>,
        %swap3A_472 = vector.shape_cast %swap3A_471 : vector<1x16xf32> to vector<16xf32>
        %swap3A_473 = vector.shape_cast %mul3A_468 : vector<16xf32> to vector<1x16xf32>
        tpu.vector_store %arg14[%swap3A_469, %swap3A_470], %swap3A_473 {strides = array<i32>} : memref<64x32xf32, #tpu.memory_space<vmem>>, vector<1x16xf32>,
        %get3A_474 = arith.index_cast %add3A_427 : i32 to index
        %get3A_475 = arith.constant 16 : index
        %get3A_476 = tpu.vector_load %arg12[%get3A_474, %get3A_475] {strides = array<i32>} : memref<64x32xf32, #tpu.memory_space<vmem>>, vector<1x16xf32>,
        %get3A_477 = vector.shape_cast %get3A_476 : vector<1x16xf32> to vector<16xf32>
        %add3A_478 = arith.constant 64 : i32
        %add3A_479 = arith.addi %add3A_478, %mul3A_0 : i32
        %add3A_480 = arith.constant 16 : i32
        %add3A_481 = arith.addi %add3A_479, %add3A_480 : i32
        %get3A_482 = arith.index_cast %scan3A_423 : i32 to index
        %get3A_483 = arith.index_cast %add3A_481 : i32 to index
        %get3A_484 = tpu.vector_load %arg10[%get3A_482, %get3A_483] {strides = array<i32>} : memref<32x128xf32, #tpu.memory_space<vmem>>, vector<1x16xf32>,
        %get3A_485 = vector.shape_cast %get3A_484 : vector<1x16xf32> to vector<16xf32>
        %mul3A_486 = arith.mulf %get3A_477, %get3A_485 : vector<16xf32>
        %swap3A_487 = arith.index_cast %add3A_427 : i32 to index
        %swap3A_488 = arith.constant 16 : index
        %swap3A_489 = tpu.vector_load %arg14[%swap3A_487, %swap3A_488] {strides = array<i32>} : memref<64x32xf32, #tpu.memory_space<vmem>>, vector<1x16xf32>,
        %swap3A_490 = vector.shape_cast %swap3A_489 : vector<1x16xf32> to vector<16xf32>
        %swap3A_491 = vector.shape_cast %mul3A_486 : vector<16xf32> to vector<1x16xf32>
        tpu.vector_store %arg14[%swap3A_487, %swap3A_488], %swap3A_491 {strides = array<i32>} : memref<64x32xf32, #tpu.memory_space<vmem>>, vector<1x16xf32>,
      }
      %scan3A_112 = arith.constant 32 : i32
      %jit3A = arith.constant 16 : i32
      %div3A = arith.divsi %mul3A_90, %jit3A : i32
      %sign3A = arith.constant 0 : i32
      %sign3A_113 = arith.cmpi sgt, %mul3A_90, %sign3A : i32
      %sign3A_114 = arith.extui %sign3A_113 : i1 to i32
      %sign3A_115 = arith.constant 0 : i32
      %sign3A_116 = arith.cmpi slt, %mul3A_90, %sign3A_115 : i32
      %sign3A_117 = arith.extui %sign3A_116 : i1 to i32
      %sign3A_118 = arith.subi %sign3A_114, %sign3A_117 : i32
      %sign3A_119 = arith.constant 0 : i32
      %sign3A_120 = arith.cmpi sgt, %jit3A, %sign3A_119 : i32
      %sign3A_121 = arith.extui %sign3A_120 : i1 to i32
      %sign3A_122 = arith.constant 0 : i32
      %sign3A_123 = arith.cmpi slt, %jit3A, %sign3A_122 : i32
      %sign3A_124 = arith.extui %sign3A_123 : i1 to i32
      %sign3A_125 = arith.subi %sign3A_121, %sign3A_124 : i32
      %ne3A = arith.cmpi ne, %sign3A_118, %sign3A_125 : i32
      %rem3A_126 = arith.remsi %mul3A_90, %jit3A : i32
      %ne3A_127 = arith.constant 0 : i32
      %ne3A_128 = arith.cmpi ne, %rem3A_126, %ne3A_127 : i32
      %and3A = arith.andi %ne3A, %ne3A_128 : i1
      %sub3A = arith.constant 1 : i32
      %sub3A_129 = arith.subi %div3A, %sub3A : i32
      %select_n3A = arith.select %and3A, %sub3A_129, %div3A : i32
      %rem3A_130 = arith.constant 2 : i32
      %rem3A_131 = arith.remsi %select_n3A, %rem3A_130 : i32
      %mul3A_132 = arith.constant 1024 : i32
      %mul3A_133 = arith.muli %rem3A_131, %mul3A_132 : i32
      %rem3A_134 = arith.constant 16 : i32
      %rem3A_135 = arith.remsi %mul3A_90, %rem3A_134 : i32
      %mul3A_136 = arith.constant 64 : i32
      %mul3A_137 = arith.muli %rem3A_135, %mul3A_136 : i32
      %add3A_138 = arith.addi %mul3A_133, %mul3A_137 : i32
      %dma_start3A_139 = tpu.memref_slice %arg9[%add3A_138] : memref<2048xi32, #tpu.memory_space<vmem>> -> memref<64xi32, #tpu.memory_space<vmem>>
      %dma_start3A_140 = arith.constant 0 : i32
      %dma_start3A_141 = arith.constant 0 : i32
      %dma_start3A_142 = tpu.memref_slice %arg16[%dma_start3A_140, %dma_start3A_141] : memref<50048x32xf32, #tpu.memory_space<vmem_shared>> -> memref<50048x32xf32, #tpu.memory_space<vmem_shared>>
      tpu.enqueue_indirect_dma source(%arg14 : memref<64x32xf32, #tpu.memory_space<vmem>>) target(%dma_start3A_142 : memref<50048x32xf32, #tpu.memory_space<vmem_shared>>) offsets(%dma_start3A_139 : memref<64xi32, #tpu.memory_space<vmem>>) semaphore(%arg19 : memref<!tpu.dma_semaphore, #tpu.memory_space<semaphore_mem>>) {add = true}
      %add3A_143 = arith.constant 2 : i32
      %add3A_144 = arith.addi %mul3A_90, %add3A_143 : i32
      %lt3A_145 = arith.constant 784 : i32
      %lt3A_146 = arith.cmpi slt, %add3A_144, %lt3A_145 : i32
      %convert_element_type3A_147 = arith.extui %lt3A_146 : i1 to i32
      %cond3A_148 = arith.constant 0 : i32
      %cond3A_149 = arith.cmpi ne, %convert_element_type3A_147, %cond3A_148 : i32
      scf.if %cond3A_149 {
        %rem3A_215 = arith.constant 16 : i32
        %rem3A_216 = arith.remsi %add3A_144, %rem3A_215 : i32
        %eq3A_217 = arith.constant 0 : i32
        %eq3A_218 = arith.cmpi eq, %rem3A_216, %eq3A_217 : i32
        %convert_element_type3A_219 = arith.extui %eq3A_218 : i1 to i32
        %cond3A_220 = arith.constant 0 : i32
        %cond3A_221 = arith.cmpi ne, %convert_element_type3A_219, %cond3A_220 : i32
        scf.if %cond3A_221 {
          %jit3A_266 = arith.constant 16 : i32
          %div3A_267 = arith.divsi %add3A_144, %jit3A_266 : i32
          %sign3A_268 = arith.constant 0 : i32
          %sign3A_269 = arith.cmpi sgt, %add3A_144, %sign3A_268 : i32
          %sign3A_270 = arith.extui %sign3A_269 : i1 to i32
          %sign3A_271 = arith.constant 0 : i32
          %sign3A_272 = arith.cmpi slt, %add3A_144, %sign3A_271 : i32
          %sign3A_273 = arith.extui %sign3A_272 : i1 to i32
          %sign3A_274 = arith.subi %sign3A_270, %sign3A_273 : i32
          %sign3A_275 = arith.constant 0 : i32
          %sign3A_276 = arith.cmpi sgt, %jit3A_266, %sign3A_275 : i32
          %sign3A_277 = arith.extui %sign3A_276 : i1 to i32
          %sign3A_278 = arith.constant 0 : i32
          %sign3A_279 = arith.cmpi slt, %jit3A_266, %sign3A_278 : i32
          %sign3A_280 = arith.extui %sign3A_279 : i1 to i32
          %sign3A_281 = arith.subi %sign3A_277, %sign3A_280 : i32
          %ne3A_282 = arith.cmpi ne, %sign3A_274, %sign3A_281 : i32
          %rem3A_283 = arith.remsi %add3A_144, %jit3A_266 : i32
          %ne3A_284 = arith.constant 0 : i32
          %ne3A_285 = arith.cmpi ne, %rem3A_283, %ne3A_284 : i32
          %and3A_286 = arith.andi %ne3A_282, %ne3A_285 : i1
          %sub3A_287 = arith.constant 1 : i32
          %sub3A_288 = arith.subi %div3A_267, %sub3A_287 : i32
          %select_n3A_289 = arith.select %and3A_286, %sub3A_288, %div3A_267 : i32
          %rem3A_290 = arith.constant 2 : i32
          %rem3A_291 = arith.remsi %select_n3A_289, %rem3A_290 : i32
          %mul3A_292 = arith.constant 1024 : i32
          %mul3A_293 = arith.muli %rem3A_291, %mul3A_292 : i32
          %mul3A_294 = arith.constant 64 : i32
          %mul3A_295 = arith.muli %add3A_144, %mul3A_294 : i32
          %add3A_296 = arith.addi %mul3A_4, %mul3A_295 : i32
          "tpu.region"() ({
            %run_scoped3A = tpu.sem_alloc : memref<!tpu.dma_semaphore, #tpu.memory_space<semaphore_mem>>
            %dma_start3A_306 = tpu.memref_slice %arg8[%mul3A_293] : memref<2048xi32, #tpu.memory_space<vmem>> -> memref<1024xi32, #tpu.memory_space<vmem>>
            %dma_start3A_307 = tpu.memref_slice %arg2[%add3A_296] : memref<802816xi32, #tpu.memory_space<hbm>> -> memref<1024xi32, #tpu.memory_space<hbm>>
            %dma_start3A_308 = tpu.memref_slice %arg8[%mul3A_293] : memref<2048xi32, #tpu.memory_space<vmem>> -> memref<1024xi32, #tpu.memory_space<vmem>>
            %dma_start3A_309 = tpu.memref_slice %arg2[%add3A_296] : memref<802816xi32, #tpu.memory_space<hbm>> -> memref<1024xi32, #tpu.memory_space<hbm>>
            tpu.enqueue_dma source(%dma_start3A_309 : memref<1024xi32, #tpu.memory_space<hbm>>) target(%dma_start3A_308 : memref<1024xi32, #tpu.memory_space<vmem>>) target_semaphore(%run_scoped3A : memref<!tpu.dma_semaphore, #tpu.memory_space<semaphore_mem>>)
            %dma_wait3A_310 = tpu.memref_slice %arg8[%mul3A_293] : memref<2048xi32, #tpu.memory_space<vmem>> -> memref<1024xi32, #tpu.memory_space<vmem>>
            %dma_wait3A_311 = tpu.memref_slice %arg2[%add3A_296] : memref<802816xi32, #tpu.memory_space<hbm>> -> memref<1024xi32, #tpu.memory_space<hbm>>
            %dma_wait3A_312 = tpu.memref_slice %arg8[%mul3A_293] : memref<2048xi32, #tpu.memory_space<vmem>> -> memref<1024xi32, #tpu.memory_space<vmem>>
            %dma_wait3A_313 = tpu.memref_slice %arg2[%add3A_296] : memref<802816xi32, #tpu.memory_space<hbm>> -> memref<1024xi32, #tpu.memory_space<hbm>>
            tpu.wait_dma2 semaphore(%run_scoped3A : memref<!tpu.dma_semaphore, #tpu.memory_space<semaphore_mem>>) src(%dma_wait3A_313 : memref<1024xi32, #tpu.memory_space<hbm>>) dst(%dma_wait3A_312 : memref<1024xi32, #tpu.memory_space<vmem>>)
            tpu.yield
          }) : () -> ()
          %mul3A_297 = arith.constant 64 : i32
          %mul3A_298 = arith.muli %add3A_144, %mul3A_297 : i32
          %add3A_299 = arith.addi %mul3A_4, %mul3A_298 : i32
          "tpu.region"() ({
            %run_scoped3A = tpu.sem_alloc : memref<!tpu.dma_semaphore, #tpu.memory_space<semaphore_mem>>
            %dma_start3A_306 = tpu.memref_slice %arg9[%mul3A_293] : memref<2048xi32, #tpu.memory_space<vmem>> -> memref<1024xi32, #tpu.memory_space<vmem>>
            %dma_start3A_307 = tpu.memref_slice %arg3[%add3A_299] : memref<802816xi32, #tpu.memory_space<hbm>> -> memref<1024xi32, #tpu.memory_space<hbm>>
            %dma_start3A_308 = tpu.memref_slice %arg9[%mul3A_293] : memref<2048xi32, #tpu.memory_space<vmem>> -> memref<1024xi32, #tpu.memory_space<vmem>>
            %dma_start3A_309 = tpu.memref_slice %arg3[%add3A_299] : memref<802816xi32, #tpu.memory_space<hbm>> -> memref<1024xi32, #tpu.memory_space<hbm>>
            tpu.enqueue_dma source(%dma_start3A_309 : memref<1024xi32, #tpu.memory_space<hbm>>) target(%dma_start3A_308 : memref<1024xi32, #tpu.memory_space<vmem>>) target_semaphore(%run_scoped3A : memref<!tpu.dma_semaphore, #tpu.memory_space<semaphore_mem>>)
            %dma_wait3A_310 = tpu.memref_slice %arg9[%mul3A_293] : memref<2048xi32, #tpu.memory_space<vmem>> -> memref<1024xi32, #tpu.memory_space<vmem>>
            %dma_wait3A_311 = tpu.memref_slice %arg3[%add3A_299] : memref<802816xi32, #tpu.memory_space<hbm>> -> memref<1024xi32, #tpu.memory_space<hbm>>
            %dma_wait3A_312 = tpu.memref_slice %arg9[%mul3A_293] : memref<2048xi32, #tpu.memory_space<vmem>> -> memref<1024xi32, #tpu.memory_space<vmem>>
            %dma_wait3A_313 = tpu.memref_slice %arg3[%add3A_299] : memref<802816xi32, #tpu.memory_space<hbm>> -> memref<1024xi32, #tpu.memory_space<hbm>>
            tpu.wait_dma2 semaphore(%run_scoped3A : memref<!tpu.dma_semaphore, #tpu.memory_space<semaphore_mem>>) src(%dma_wait3A_313 : memref<1024xi32, #tpu.memory_space<hbm>>) dst(%dma_wait3A_312 : memref<1024xi32, #tpu.memory_space<vmem>>)
            tpu.yield
          }) : () -> ()
          %scan3A_300 = arith.constant 0 : i32
          %scan3A_301 = arith.constant 0 : i32
          %scan3A_302 = arith.constant 64 : i32
          %scan3A_303 = arith.addi %scan3A_301, %scan3A_302 : i32
          %scan3A_304 = arith.constant 4 : i32
          scf.for %scan3A_306 = %scan3A_301 to %scan3A_303 step %scan3A_304  : i32 {
            %mul3A_307 = arith.constant 16 : i32
            %mul3A_308 = arith.muli %scan3A_306, %mul3A_307 : i32
            %add3A_309 = arith.addi %mul3A_293, %mul3A_308 : i32
            %get3A = arith.index_cast %add3A_309 : i32 to index
            %get3A_310 = tpu.vector_load %arg8[%get3A] {strides = array<i32>} : memref<2048xi32, #tpu.memory_space<vmem>>, vector<16xi32>,
            %get3A_311 = vector.shape_cast %get3A_310 : vector<16xi32> to vector<16xi32>
            %add3A_312 = vector.broadcast %mul3A_9 : i32 to vector<16xi32>
            %add3A_313 = arith.addi %get3A_311, %add3A_312 : vector<16xi32>
            %swap3A = arith.index_cast %add3A_309 : i32 to index
            %swap3A_314 = tpu.vector_load %arg8[%swap3A] {strides = array<i32>} : memref<2048xi32, #tpu.memory_space<vmem>>, vector<16xi32>,
            %swap3A_315 = vector.shape_cast %swap3A_314 : vector<16xi32> to vector<16xi32>
            %swap3A_316 = vector.shape_cast %add3A_313 : vector<16xi32> to vector<16xi32>
            tpu.vector_store %arg8[%swap3A], %swap3A_316 {strides = array<i32>} : memref<2048xi32, #tpu.memory_space<vmem>>, vector<16xi32>,
            %scan3A_317 = arith.constant 1 : i32
            %scan3A_318 = arith.addi %scan3A_306, %scan3A_317 : i32
            %mul3A_319 = arith.constant 16 : i32
            %mul3A_320 = arith.muli %scan3A_318, %mul3A_319 : i32
            %add3A_321 = arith.addi %mul3A_293, %mul3A_320 : i32
            %get3A_322 = arith.index_cast %add3A_321 : i32 to index
            %get3A_323 = tpu.vector_load %arg8[%get3A_322] {strides = array<i32>} : memref<2048xi32, #tpu.memory_space<vmem>>, vector<16xi32>,
            %get3A_324 = vector.shape_cast %get3A_323 : vector<16xi32> to vector<16xi32>
            %add3A_325 = vector.broadcast %mul3A_9 : i32 to vector<16xi32>
            %add3A_326 = arith.addi %get3A_324, %add3A_325 : vector<16xi32>
            %swap3A_327 = arith.index_cast %add3A_321 : i32 to index
            %swap3A_328 = tpu.vector_load %arg8[%swap3A_327] {strides = array<i32>} : memref<2048xi32, #tpu.memory_space<vmem>>, vector<16xi32>,
            %swap3A_329 = vector.shape_cast %swap3A_328 : vector<16xi32> to vector<16xi32>
            %swap3A_330 = vector.shape_cast %add3A_326 : vector<16xi32> to vector<16xi32>
            tpu.vector_store %arg8[%swap3A_327], %swap3A_330 {strides = array<i32>} : memref<2048xi32, #tpu.memory_space<vmem>>, vector<16xi32>,
            %scan3A_331 = arith.constant 2 : i32
            %scan3A_332 = arith.addi %scan3A_306, %scan3A_331 : i32
            %mul3A_333 = arith.constant 16 : i32
            %mul3A_334 = arith.muli %scan3A_332, %mul3A_333 : i32
            %add3A_335 = arith.addi %mul3A_293, %mul3A_334 : i32
            %get3A_336 = arith.index_cast %add3A_335 : i32 to index
            %get3A_337 = tpu.vector_load %arg8[%get3A_336] {strides = array<i32>} : memref<2048xi32, #tpu.memory_space<vmem>>, vector<16xi32>,
            %get3A_338 = vector.shape_cast %get3A_337 : vector<16xi32> to vector<16xi32>
            %add3A_339 = vector.broadcast %mul3A_9 : i32 to vector<16xi32>
            %add3A_340 = arith.addi %get3A_338, %add3A_339 : vector<16xi32>
            %swap3A_341 = arith.index_cast %add3A_335 : i32 to index
            %swap3A_342 = tpu.vector_load %arg8[%swap3A_341] {strides = array<i32>} : memref<2048xi32, #tpu.memory_space<vmem>>, vector<16xi32>,
            %swap3A_343 = vector.shape_cast %swap3A_342 : vector<16xi32> to vector<16xi32>
            %swap3A_344 = vector.shape_cast %add3A_340 : vector<16xi32> to vector<16xi32>
            tpu.vector_store %arg8[%swap3A_341], %swap3A_344 {strides = array<i32>} : memref<2048xi32, #tpu.memory_space<vmem>>, vector<16xi32>,
            %scan3A_345 = arith.constant 3 : i32
            %scan3A_346 = arith.addi %scan3A_306, %scan3A_345 : i32
            %mul3A_347 = arith.constant 16 : i32
            %mul3A_348 = arith.muli %scan3A_346, %mul3A_347 : i32
            %add3A_349 = arith.addi %mul3A_293, %mul3A_348 : i32
            %get3A_350 = arith.index_cast %add3A_349 : i32 to index
            %get3A_351 = tpu.vector_load %arg8[%get3A_350] {strides = array<i32>} : memref<2048xi32, #tpu.memory_space<vmem>>, vector<16xi32>,
            %get3A_352 = vector.shape_cast %get3A_351 : vector<16xi32> to vector<16xi32>
            %add3A_353 = vector.broadcast %mul3A_9 : i32 to vector<16xi32>
            %add3A_354 = arith.addi %get3A_352, %add3A_353 : vector<16xi32>
            %swap3A_355 = arith.index_cast %add3A_349 : i32 to index
            %swap3A_356 = tpu.vector_load %arg8[%swap3A_355] {strides = array<i32>} : memref<2048xi32, #tpu.memory_space<vmem>>, vector<16xi32>,
            %swap3A_357 = vector.shape_cast %swap3A_356 : vector<16xi32> to vector<16xi32>
            %swap3A_358 = vector.shape_cast %add3A_354 : vector<16xi32> to vector<16xi32>
            tpu.vector_store %arg8[%swap3A_355], %swap3A_358 {strides = array<i32>} : memref<2048xi32, #tpu.memory_space<vmem>>, vector<16xi32>,
          }
          %scan3A_305 = arith.constant 64 : i32
        } else {
        }
        %mul3A_222 = arith.constant 32 : i32
        %mul3A_223 = arith.muli %add3A_144, %mul3A_222 : i32
        %add3A_224 = arith.addi %add3A_7, %mul3A_223 : i32
        %dma_start3A_225 = arith.constant 0 : i32
        %dma_start3A_226 = tpu.memref_slice %arg5[%add3A_224, %dma_start3A_225] : memref<1204224x128xf32, #tpu.memory_space<hbm>> -> memref<32x128xf32, #tpu.memory_space<hbm>>
        %dma_start3A_227 = arith.constant 0 : i32
        %dma_start3A_228 = tpu.memref_slice %arg5[%add3A_224, %dma_start3A_227] : memref<1204224x128xf32, #tpu.memory_space<hbm>> -> memref<32x128xf32, #tpu.memory_space<hbm>>
        tpu.enqueue_dma source(%dma_start3A_228 : memref<32x128xf32, #tpu.memory_space<hbm>>) target(%arg10 : memref<32x128xf32, #tpu.memory_space<vmem>>) target_semaphore(%arg17 : memref<!tpu.dma_semaphore, #tpu.memory_space<semaphore_mem>>)
        %jit3A_229 = arith.constant 16 : i32
        %div3A_230 = arith.divsi %add3A_144, %jit3A_229 : i32
        %sign3A_231 = arith.constant 0 : i32
        %sign3A_232 = arith.cmpi sgt, %add3A_144, %sign3A_231 : i32
        %sign3A_233 = arith.extui %sign3A_232 : i1 to i32
        %sign3A_234 = arith.constant 0 : i32
        %sign3A_235 = arith.cmpi slt, %add3A_144, %sign3A_234 : i32
        %sign3A_236 = arith.extui %sign3A_235 : i1 to i32
        %sign3A_237 = arith.subi %sign3A_233, %sign3A_236 : i32
        %sign3A_238 = arith.constant 0 : i32
        %sign3A_239 = arith.cmpi sgt, %jit3A_229, %sign3A_238 : i32
        %sign3A_240 = arith.extui %sign3A_239 : i1 to i32
        %sign3A_241 = arith.constant 0 : i32
        %sign3A_242 = arith.cmpi slt, %jit3A_229, %sign3A_241 : i32
        %sign3A_243 = arith.extui %sign3A_242 : i1 to i32
        %sign3A_244 = arith.subi %sign3A_240, %sign3A_243 : i32
        %ne3A_245 = arith.cmpi ne, %sign3A_237, %sign3A_244 : i32
        %rem3A_246 = arith.remsi %add3A_144, %jit3A_229 : i32
        %ne3A_247 = arith.constant 0 : i32
        %ne3A_248 = arith.cmpi ne, %rem3A_246, %ne3A_247 : i32
        %and3A_249 = arith.andi %ne3A_245, %ne3A_248 : i1
        %sub3A_250 = arith.constant 1 : i32
        %sub3A_251 = arith.subi %div3A_230, %sub3A_250 : i32
        %select_n3A_252 = arith.select %and3A_249, %sub3A_251, %div3A_230 : i32
        %rem3A_253 = arith.constant 2 : i32
        %rem3A_254 = arith.remsi %select_n3A_252, %rem3A_253 : i32
        %mul3A_255 = arith.constant 1024 : i32
        %mul3A_256 = arith.muli %rem3A_254, %mul3A_255 : i32
        %rem3A_257 = arith.constant 16 : i32
        %rem3A_258 = arith.remsi %add3A_144, %rem3A_257 : i32
        %mul3A_259 = arith.constant 64 : i32
        %mul3A_260 = arith.muli %rem3A_258, %mul3A_259 : i32
        %add3A_261 = arith.addi %mul3A_256, %mul3A_260 : i32
        %dma_start3A_262 = tpu.memref_slice %arg8[%add3A_261] : memref<2048xi32, #tpu.memory_space<vmem>> -> memref<64xi32, #tpu.memory_space<vmem>>
        %dma_start3A_263 = arith.constant 0 : i32
        %dma_start3A_264 = arith.constant 0 : i32
        %dma_start3A_265 = tpu.memref_slice %arg4[%dma_start3A_263, %dma_start3A_264] : memref<100000x32xf32, #tpu.memory_space<hbm>> -> memref<100000x32xf32, #tpu.memory_space<hbm>>
        tpu.enqueue_indirect_dma source(%dma_start3A_265 : memref<100000x32xf32, #tpu.memory_space<hbm>>) target(%arg12 : memref<64x32xf32, #tpu.memory_space<vmem>>) offsets(%dma_start3A_262 : memref<64xi32, #tpu.memory_space<vmem>>) semaphore(%arg17 : memref<!tpu.dma_semaphore, #tpu.memory_space<semaphore_mem>>)
      } else {
      }
      %dma_wait3A_150 = arith.constant 0 : i32
      %dma_wait3A_151 = tpu.memref_slice %arg5[%add3A_7, %dma_wait3A_150] : memref<1204224x128xf32, #tpu.memory_space<hbm>> -> memref<32x128xf32, #tpu.memory_space<hbm>>
      %dma_wait3A_152 = arith.constant 0 : i32
      %dma_wait3A_153 = tpu.memref_slice %arg5[%add3A_7, %dma_wait3A_152] : memref<1204224x128xf32, #tpu.memory_space<hbm>> -> memref<32x128xf32, #tpu.memory_space<hbm>>
      tpu.wait_dma2 semaphore(%arg18 : memref<!tpu.dma_semaphore, #tpu.memory_space<semaphore_mem>>) src(%dma_wait3A_153 : memref<32x128xf32, #tpu.memory_space<hbm>>) dst(%arg11 : memref<32x128xf32, #tpu.memory_space<vmem>>)
      %dma_wait3A_154 = arith.constant 0 : i32
      %dma_wait3A_155 = arith.constant 0 : i32
      %dma_wait3A_156 = tpu.memref_slice %arg4[%dma_wait3A_154, %dma_wait3A_155] : memref<100000x32xf32, #tpu.memory_space<hbm>> -> memref<64x32xf32, #tpu.memory_space<hbm>>
      %dma_wait3A_157 = arith.constant 0 : i32
      %dma_wait3A_158 = arith.constant 0 : i32
      %dma_wait3A_159 = tpu.memref_slice %arg4[%dma_wait3A_157, %dma_wait3A_158] : memref<100000x32xf32, #tpu.memory_space<hbm>> -> memref<64x32xf32, #tpu.memory_space<hbm>>
      tpu.wait_dma2 semaphore(%arg18 : memref<!tpu.dma_semaphore, #tpu.memory_space<semaphore_mem>>) src(%dma_wait3A_159 : memref<64x32xf32, #tpu.memory_space<hbm>>) dst(%arg13 : memref<64x32xf32, #tpu.memory_space<vmem>>)
      %ge3A_160 = arith.constant 2 : i32
      %ge3A_161 = arith.cmpi sge, %add3A_92, %ge3A_160 : i32
      %convert_element_type3A_162 = arith.extui %ge3A_161 : i1 to i32
      %cond3A_163 = arith.constant 0 : i32
      %cond3A_164 = arith.cmpi ne, %convert_element_type3A_162, %cond3A_163 : i32
      scf.if %cond3A_164 {
        %dma_wait3A_215 = arith.constant 0 : i32
        %dma_wait3A_216 = tpu.memref_slice %arg9[%dma_wait3A_215] : memref<2048xi32, #tpu.memory_space<vmem>> -> memref<64xi32, #tpu.memory_space<vmem>>
        %dma_wait3A_217 = arith.constant 0 : i32
        %dma_wait3A_218 = arith.constant 0 : i32
        %dma_wait3A_219 = tpu.memref_slice %arg16[%dma_wait3A_217, %dma_wait3A_218] : memref<50048x32xf32, #tpu.memory_space<vmem_shared>> -> memref<50048x32xf32, #tpu.memory_space<vmem_shared>>
        tpu.wait_indirect_dma semaphore(%arg20 : memref<!tpu.dma_semaphore, #tpu.memory_space<semaphore_mem>>) src(%arg15 : memref<64x32xf32, #tpu.memory_space<vmem>>) dst(%dma_wait3A_219 : memref<50048x32xf32, #tpu.memory_space<vmem_shared>>)
      } else {
      }
      %scan3A_165 = arith.constant 0 : i32
      %scan3A_166 = arith.constant 0 : i32
      %scan3A_167 = arith.constant 32 : i32
      %scan3A_168 = arith.addi %scan3A_166, %scan3A_167 : i32
      %scan3A_169 = arith.constant 4 : i32
      scf.for %scan3A_215 = %scan3A_166 to %scan3A_168 step %scan3A_169  : i32 {
        %mul3A_216 = arith.constant 2 : i32
        %mul3A_217 = arith.muli %mul3A_216, %scan3A_215 : i32
        %add3A_218 = arith.constant 1 : i32
        %add3A_219 = arith.addi %mul3A_217, %add3A_218 : i32
        %get3A = arith.index_cast %mul3A_217 : i32 to index
        %get3A_220 = arith.constant 0 : index
        %get3A_221 = tpu.vector_load %arg13[%get3A, %get3A_220] {strides = array<i32>} : memref<64x32xf32, #tpu.memory_space<vmem>>, vector<1x16xf32>,
        %get3A_222 = vector.shape_cast %get3A_221 : vector<1x16xf32> to vector<16xf32>
        %get3A_223 = arith.index_cast %scan3A_215 : i32 to index
        %get3A_224 = arith.index_cast %mul3A_0 : i32 to index
        %get3A_225 = tpu.vector_load %arg11[%get3A_223, %get3A_224] {strides = array<i32>} : memref<32x128xf32, #tpu.memory_space<vmem>>, vector<1x16xf32>,
        %get3A_226 = vector.shape_cast %get3A_225 : vector<1x16xf32> to vector<16xf32>
        %mul3A_227 = arith.mulf %get3A_222, %get3A_226 : vector<16xf32>
        %swap3A = arith.index_cast %mul3A_217 : i32 to index
        %swap3A_228 = arith.constant 0 : index
        %swap3A_229 = tpu.vector_load %arg15[%swap3A, %swap3A_228] {strides = array<i32>} : memref<64x32xf32, #tpu.memory_space<vmem>>, vector<1x16xf32>,
        %swap3A_230 = vector.shape_cast %swap3A_229 : vector<1x16xf32> to vector<16xf32>
        %swap3A_231 = vector.shape_cast %mul3A_227 : vector<16xf32> to vector<1x16xf32>
        tpu.vector_store %arg15[%swap3A, %swap3A_228], %swap3A_231 {strides = array<i32>} : memref<64x32xf32, #tpu.memory_space<vmem>>, vector<1x16xf32>,
        %get3A_232 = arith.index_cast %mul3A_217 : i32 to index
        %get3A_233 = arith.constant 16 : index
        %get3A_234 = tpu.vector_load %arg13[%get3A_232, %get3A_233] {strides = array<i32>} : memref<64x32xf32, #tpu.memory_space<vmem>>, vector<1x16xf32>,
        %get3A_235 = vector.shape_cast %get3A_234 : vector<1x16xf32> to vector<16xf32>
        %add3A_236 = arith.constant 16 : i32
        %add3A_237 = arith.addi %mul3A_0, %add3A_236 : i32
        %get3A_238 = arith.index_cast %scan3A_215 : i32 to index
        %get3A_239 = arith.index_cast %add3A_237 : i32 to index
        %get3A_240 = tpu.vector_load %arg11[%get3A_238, %get3A_239] {strides = array<i32>} : memref<32x128xf32, #tpu.memory_space<vmem>>, vector<1x16xf32>,
        %get3A_241 = vector.shape_cast %get3A_240 : vector<1x16xf32> to vector<16xf32>
        %mul3A_242 = arith.mulf %get3A_235, %get3A_241 : vector<16xf32>
        %swap3A_243 = arith.index_cast %mul3A_217 : i32 to index
        %swap3A_244 = arith.constant 16 : index
        %swap3A_245 = tpu.vector_load %arg15[%swap3A_243, %swap3A_244] {strides = array<i32>} : memref<64x32xf32, #tpu.memory_space<vmem>>, vector<1x16xf32>,
        %swap3A_246 = vector.shape_cast %swap3A_245 : vector<1x16xf32> to vector<16xf32>
        %swap3A_247 = vector.shape_cast %mul3A_242 : vector<16xf32> to vector<1x16xf32>
        tpu.vector_store %arg15[%swap3A_243, %swap3A_244], %swap3A_247 {strides = array<i32>} : memref<64x32xf32, #tpu.memory_space<vmem>>, vector<1x16xf32>,
        %get3A_248 = arith.index_cast %add3A_219 : i32 to index
        %get3A_249 = arith.constant 0 : index
        %get3A_250 = tpu.vector_load %arg13[%get3A_248, %get3A_249] {strides = array<i32>} : memref<64x32xf32, #tpu.memory_space<vmem>>, vector<1x16xf32>,
        %get3A_251 = vector.shape_cast %get3A_250 : vector<1x16xf32> to vector<16xf32>
        %add3A_252 = arith.constant 64 : i32
        %add3A_253 = arith.addi %add3A_252, %mul3A_0 : i32
        %get3A_254 = arith.index_cast %scan3A_215 : i32 to index
        %get3A_255 = arith.index_cast %add3A_253 : i32 to index
        %get3A_256 = tpu.vector_load %arg11[%get3A_254, %get3A_255] {strides = array<i32>} : memref<32x128xf32, #tpu.memory_space<vmem>>, vector<1x16xf32>,
        %get3A_257 = vector.shape_cast %get3A_256 : vector<1x16xf32> to vector<16xf32>
        %mul3A_258 = arith.mulf %get3A_251, %get3A_257 : vector<16xf32>
        %swap3A_259 = arith.index_cast %add3A_219 : i32 to index
        %swap3A_260 = arith.constant 0 : index
        %swap3A_261 = tpu.vector_load %arg15[%swap3A_259, %swap3A_260] {strides = array<i32>} : memref<64x32xf32, #tpu.memory_space<vmem>>, vector<1x16xf32>,
        %swap3A_262 = vector.shape_cast %swap3A_261 : vector<1x16xf32> to vector<16xf32>
        %swap3A_263 = vector.shape_cast %mul3A_258 : vector<16xf32> to vector<1x16xf32>
        tpu.vector_store %arg15[%swap3A_259, %swap3A_260], %swap3A_263 {strides = array<i32>} : memref<64x32xf32, #tpu.memory_space<vmem>>, vector<1x16xf32>,
        %get3A_264 = arith.index_cast %add3A_219 : i32 to index
        %get3A_265 = arith.constant 16 : index
        %get3A_266 = tpu.vector_load %arg13[%get3A_264, %get3A_265] {strides = array<i32>} : memref<64x32xf32, #tpu.memory_space<vmem>>, vector<1x16xf32>,
        %get3A_267 = vector.shape_cast %get3A_266 : vector<1x16xf32> to vector<16xf32>
        %add3A_268 = arith.constant 64 : i32
        %add3A_269 = arith.addi %add3A_268, %mul3A_0 : i32
        %add3A_270 = arith.constant 16 : i32
        %add3A_271 = arith.addi %add3A_269, %add3A_270 : i32
        %get3A_272 = arith.index_cast %scan3A_215 : i32 to index
        %get3A_273 = arith.index_cast %add3A_271 : i32 to index
        %get3A_274 = tpu.vector_load %arg11[%get3A_272, %get3A_273] {strides = array<i32>} : memref<32x128xf32, #tpu.memory_space<vmem>>, vector<1x16xf32>,
        %get3A_275 = vector.shape_cast %get3A_274 : vector<1x16xf32> to vector<16xf32>
        %mul3A_276 = arith.mulf %get3A_267, %get3A_275 : vector<16xf32>
        %swap3A_277 = arith.index_cast %add3A_219 : i32 to index
        %swap3A_278 = arith.constant 16 : index
        %swap3A_279 = tpu.vector_load %arg15[%swap3A_277, %swap3A_278] {strides = array<i32>} : memref<64x32xf32, #tpu.memory_space<vmem>>, vector<1x16xf32>,
        %swap3A_280 = vector.shape_cast %swap3A_279 : vector<1x16xf32> to vector<16xf32>
        %swap3A_281 = vector.shape_cast %mul3A_276 : vector<16xf32> to vector<1x16xf32>
        tpu.vector_store %arg15[%swap3A_277, %swap3A_278], %swap3A_281 {strides = array<i32>} : memref<64x32xf32, #tpu.memory_space<vmem>>, vector<1x16xf32>,
        %scan3A_282 = arith.constant 1 : i32
        %scan3A_283 = arith.addi %scan3A_215, %scan3A_282 : i32
        %mul3A_284 = arith.constant 2 : i32
        %mul3A_285 = arith.muli %mul3A_284, %scan3A_283 : i32
        %add3A_286 = arith.constant 1 : i32
        %add3A_287 = arith.addi %mul3A_285, %add3A_286 : i32
        %get3A_288 = arith.index_cast %mul3A_285 : i32 to index
        %get3A_289 = arith.constant 0 : index
        %get3A_290 = tpu.vector_load %arg13[%get3A_288, %get3A_289] {strides = array<i32>} : memref<64x32xf32, #tpu.memory_space<vmem>>, vector<1x16xf32>,
        %get3A_291 = vector.shape_cast %get3A_290 : vector<1x16xf32> to vector<16xf32>
        %get3A_292 = arith.index_cast %scan3A_283 : i32 to index
        %get3A_293 = arith.index_cast %mul3A_0 : i32 to index
        %get3A_294 = tpu.vector_load %arg11[%get3A_292, %get3A_293] {strides = array<i32>} : memref<32x128xf32, #tpu.memory_space<vmem>>, vector<1x16xf32>,
        %get3A_295 = vector.shape_cast %get3A_294 : vector<1x16xf32> to vector<16xf32>
        %mul3A_296 = arith.mulf %get3A_291, %get3A_295 : vector<16xf32>
        %swap3A_297 = arith.index_cast %mul3A_285 : i32 to index
        %swap3A_298 = arith.constant 0 : index
        %swap3A_299 = tpu.vector_load %arg15[%swap3A_297, %swap3A_298] {strides = array<i32>} : memref<64x32xf32, #tpu.memory_space<vmem>>, vector<1x16xf32>,
        %swap3A_300 = vector.shape_cast %swap3A_299 : vector<1x16xf32> to vector<16xf32>
        %swap3A_301 = vector.shape_cast %mul3A_296 : vector<16xf32> to vector<1x16xf32>
        tpu.vector_store %arg15[%swap3A_297, %swap3A_298], %swap3A_301 {strides = array<i32>} : memref<64x32xf32, #tpu.memory_space<vmem>>, vector<1x16xf32>,
        %get3A_302 = arith.index_cast %mul3A_285 : i32 to index
        %get3A_303 = arith.constant 16 : index
        %get3A_304 = tpu.vector_load %arg13[%get3A_302, %get3A_303] {strides = array<i32>} : memref<64x32xf32, #tpu.memory_space<vmem>>, vector<1x16xf32>,
        %get3A_305 = vector.shape_cast %get3A_304 : vector<1x16xf32> to vector<16xf32>
        %add3A_306 = arith.constant 16 : i32
        %add3A_307 = arith.addi %mul3A_0, %add3A_306 : i32
        %get3A_308 = arith.index_cast %scan3A_283 : i32 to index
        %get3A_309 = arith.index_cast %add3A_307 : i32 to index
        %get3A_310 = tpu.vector_load %arg11[%get3A_308, %get3A_309] {strides = array<i32>} : memref<32x128xf32, #tpu.memory_space<vmem>>, vector<1x16xf32>,
        %get3A_311 = vector.shape_cast %get3A_310 : vector<1x16xf32> to vector<16xf32>
        %mul3A_312 = arith.mulf %get3A_305, %get3A_311 : vector<16xf32>
        %swap3A_313 = arith.index_cast %mul3A_285 : i32 to index
        %swap3A_314 = arith.constant 16 : index
        %swap3A_315 = tpu.vector_load %arg15[%swap3A_313, %swap3A_314] {strides = array<i32>} : memref<64x32xf32, #tpu.memory_space<vmem>>, vector<1x16xf32>,
        %swap3A_316 = vector.shape_cast %swap3A_315 : vector<1x16xf32> to vector<16xf32>
        %swap3A_317 = vector.shape_cast %mul3A_312 : vector<16xf32> to vector<1x16xf32>
        tpu.vector_store %arg15[%swap3A_313, %swap3A_314], %swap3A_317 {strides = array<i32>} : memref<64x32xf32, #tpu.memory_space<vmem>>, vector<1x16xf32>,
        %get3A_318 = arith.index_cast %add3A_287 : i32 to index
        %get3A_319 = arith.constant 0 : index
        %get3A_320 = tpu.vector_load %arg13[%get3A_318, %get3A_319] {strides = array<i32>} : memref<64x32xf32, #tpu.memory_space<vmem>>, vector<1x16xf32>,
        %get3A_321 = vector.shape_cast %get3A_320 : vector<1x16xf32> to vector<16xf32>
        %add3A_322 = arith.constant 64 : i32
        %add3A_323 = arith.addi %add3A_322, %mul3A_0 : i32
        %get3A_324 = arith.index_cast %scan3A_283 : i32 to index
        %get3A_325 = arith.index_cast %add3A_323 : i32 to index
        %get3A_326 = tpu.vector_load %arg11[%get3A_324, %get3A_325] {strides = array<i32>} : memref<32x128xf32, #tpu.memory_space<vmem>>, vector<1x16xf32>,
        %get3A_327 = vector.shape_cast %get3A_326 : vector<1x16xf32> to vector<16xf32>
        %mul3A_328 = arith.mulf %get3A_321, %get3A_327 : vector<16xf32>
        %swap3A_329 = arith.index_cast %add3A_287 : i32 to index
        %swap3A_330 = arith.constant 0 : index
        %swap3A_331 = tpu.vector_load %arg15[%swap3A_329, %swap3A_330] {strides = array<i32>} : memref<64x32xf32, #tpu.memory_space<vmem>>, vector<1x16xf32>,
        %swap3A_332 = vector.shape_cast %swap3A_331 : vector<1x16xf32> to vector<16xf32>
        %swap3A_333 = vector.shape_cast %mul3A_328 : vector<16xf32> to vector<1x16xf32>
        tpu.vector_store %arg15[%swap3A_329, %swap3A_330], %swap3A_333 {strides = array<i32>} : memref<64x32xf32, #tpu.memory_space<vmem>>, vector<1x16xf32>,
        %get3A_334 = arith.index_cast %add3A_287 : i32 to index
        %get3A_335 = arith.constant 16 : index
        %get3A_336 = tpu.vector_load %arg13[%get3A_334, %get3A_335] {strides = array<i32>} : memref<64x32xf32, #tpu.memory_space<vmem>>, vector<1x16xf32>,
        %get3A_337 = vector.shape_cast %get3A_336 : vector<1x16xf32> to vector<16xf32>
        %add3A_338 = arith.constant 64 : i32
        %add3A_339 = arith.addi %add3A_338, %mul3A_0 : i32
        %add3A_340 = arith.constant 16 : i32
        %add3A_341 = arith.addi %add3A_339, %add3A_340 : i32
        %get3A_342 = arith.index_cast %scan3A_283 : i32 to index
        %get3A_343 = arith.index_cast %add3A_341 : i32 to index
        %get3A_344 = tpu.vector_load %arg11[%get3A_342, %get3A_343] {strides = array<i32>} : memref<32x128xf32, #tpu.memory_space<vmem>>, vector<1x16xf32>,
        %get3A_345 = vector.shape_cast %get3A_344 : vector<1x16xf32> to vector<16xf32>
        %mul3A_346 = arith.mulf %get3A_337, %get3A_345 : vector<16xf32>
        %swap3A_347 = arith.index_cast %add3A_287 : i32 to index
        %swap3A_348 = arith.constant 16 : index
        %swap3A_349 = tpu.vector_load %arg15[%swap3A_347, %swap3A_348] {strides = array<i32>} : memref<64x32xf32, #tpu.memory_space<vmem>>, vector<1x16xf32>,
        %swap3A_350 = vector.shape_cast %swap3A_349 : vector<1x16xf32> to vector<16xf32>
        %swap3A_351 = vector.shape_cast %mul3A_346 : vector<16xf32> to vector<1x16xf32>
        tpu.vector_store %arg15[%swap3A_347, %swap3A_348], %swap3A_351 {strides = array<i32>} : memref<64x32xf32, #tpu.memory_space<vmem>>, vector<1x16xf32>,
        %scan3A_352 = arith.constant 2 : i32
        %scan3A_353 = arith.addi %scan3A_215, %scan3A_352 : i32
        %mul3A_354 = arith.constant 2 : i32
        %mul3A_355 = arith.muli %mul3A_354, %scan3A_353 : i32
        %add3A_356 = arith.constant 1 : i32
        %add3A_357 = arith.addi %mul3A_355, %add3A_356 : i32
        %get3A_358 = arith.index_cast %mul3A_355 : i32 to index
        %get3A_359 = arith.constant 0 : index
        %get3A_360 = tpu.vector_load %arg13[%get3A_358, %get3A_359] {strides = array<i32>} : memref<64x32xf32, #tpu.memory_space<vmem>>, vector<1x16xf32>,
        %get3A_361 = vector.shape_cast %get3A_360 : vector<1x16xf32> to vector<16xf32>
        %get3A_362 = arith.index_cast %scan3A_353 : i32 to index
        %get3A_363 = arith.index_cast %mul3A_0 : i32 to index
        %get3A_364 = tpu.vector_load %arg11[%get3A_362, %get3A_363] {strides = array<i32>} : memref<32x128xf32, #tpu.memory_space<vmem>>, vector<1x16xf32>,
        %get3A_365 = vector.shape_cast %get3A_364 : vector<1x16xf32> to vector<16xf32>
        %mul3A_366 = arith.mulf %get3A_361, %get3A_365 : vector<16xf32>
        %swap3A_367 = arith.index_cast %mul3A_355 : i32 to index
        %swap3A_368 = arith.constant 0 : index
        %swap3A_369 = tpu.vector_load %arg15[%swap3A_367, %swap3A_368] {strides = array<i32>} : memref<64x32xf32, #tpu.memory_space<vmem>>, vector<1x16xf32>,
        %swap3A_370 = vector.shape_cast %swap3A_369 : vector<1x16xf32> to vector<16xf32>
        %swap3A_371 = vector.shape_cast %mul3A_366 : vector<16xf32> to vector<1x16xf32>
        tpu.vector_store %arg15[%swap3A_367, %swap3A_368], %swap3A_371 {strides = array<i32>} : memref<64x32xf32, #tpu.memory_space<vmem>>, vector<1x16xf32>,
        %get3A_372 = arith.index_cast %mul3A_355 : i32 to index
        %get3A_373 = arith.constant 16 : index
        %get3A_374 = tpu.vector_load %arg13[%get3A_372, %get3A_373] {strides = array<i32>} : memref<64x32xf32, #tpu.memory_space<vmem>>, vector<1x16xf32>,
        %get3A_375 = vector.shape_cast %get3A_374 : vector<1x16xf32> to vector<16xf32>
        %add3A_376 = arith.constant 16 : i32
        %add3A_377 = arith.addi %mul3A_0, %add3A_376 : i32
        %get3A_378 = arith.index_cast %scan3A_353 : i32 to index
        %get3A_379 = arith.index_cast %add3A_377 : i32 to index
        %get3A_380 = tpu.vector_load %arg11[%get3A_378, %get3A_379] {strides = array<i32>} : memref<32x128xf32, #tpu.memory_space<vmem>>, vector<1x16xf32>,
        %get3A_381 = vector.shape_cast %get3A_380 : vector<1x16xf32> to vector<16xf32>
        %mul3A_382 = arith.mulf %get3A_375, %get3A_381 : vector<16xf32>
        %swap3A_383 = arith.index_cast %mul3A_355 : i32 to index
        %swap3A_384 = arith.constant 16 : index
        %swap3A_385 = tpu.vector_load %arg15[%swap3A_383, %swap3A_384] {strides = array<i32>} : memref<64x32xf32, #tpu.memory_space<vmem>>, vector<1x16xf32>,
        %swap3A_386 = vector.shape_cast %swap3A_385 : vector<1x16xf32> to vector<16xf32>
        %swap3A_387 = vector.shape_cast %mul3A_382 : vector<16xf32> to vector<1x16xf32>
        tpu.vector_store %arg15[%swap3A_383, %swap3A_384], %swap3A_387 {strides = array<i32>} : memref<64x32xf32, #tpu.memory_space<vmem>>, vector<1x16xf32>,
        %get3A_388 = arith.index_cast %add3A_357 : i32 to index
        %get3A_389 = arith.constant 0 : index
        %get3A_390 = tpu.vector_load %arg13[%get3A_388, %get3A_389] {strides = array<i32>} : memref<64x32xf32, #tpu.memory_space<vmem>>, vector<1x16xf32>,
        %get3A_391 = vector.shape_cast %get3A_390 : vector<1x16xf32> to vector<16xf32>
        %add3A_392 = arith.constant 64 : i32
        %add3A_393 = arith.addi %add3A_392, %mul3A_0 : i32
        %get3A_394 = arith.index_cast %scan3A_353 : i32 to index
        %get3A_395 = arith.index_cast %add3A_393 : i32 to index
        %get3A_396 = tpu.vector_load %arg11[%get3A_394, %get3A_395] {strides = array<i32>} : memref<32x128xf32, #tpu.memory_space<vmem>>, vector<1x16xf32>,
        %get3A_397 = vector.shape_cast %get3A_396 : vector<1x16xf32> to vector<16xf32>
        %mul3A_398 = arith.mulf %get3A_391, %get3A_397 : vector<16xf32>
        %swap3A_399 = arith.index_cast %add3A_357 : i32 to index
        %swap3A_400 = arith.constant 0 : index
        %swap3A_401 = tpu.vector_load %arg15[%swap3A_399, %swap3A_400] {strides = array<i32>} : memref<64x32xf32, #tpu.memory_space<vmem>>, vector<1x16xf32>,
        %swap3A_402 = vector.shape_cast %swap3A_401 : vector<1x16xf32> to vector<16xf32>
        %swap3A_403 = vector.shape_cast %mul3A_398 : vector<16xf32> to vector<1x16xf32>
        tpu.vector_store %arg15[%swap3A_399, %swap3A_400], %swap3A_403 {strides = array<i32>} : memref<64x32xf32, #tpu.memory_space<vmem>>, vector<1x16xf32>,
        %get3A_404 = arith.index_cast %add3A_357 : i32 to index
        %get3A_405 = arith.constant 16 : index
        %get3A_406 = tpu.vector_load %arg13[%get3A_404, %get3A_405] {strides = array<i32>} : memref<64x32xf32, #tpu.memory_space<vmem>>, vector<1x16xf32>,
        %get3A_407 = vector.shape_cast %get3A_406 : vector<1x16xf32> to vector<16xf32>
        %add3A_408 = arith.constant 64 : i32
        %add3A_409 = arith.addi %add3A_408, %mul3A_0 : i32
        %add3A_410 = arith.constant 16 : i32
        %add3A_411 = arith.addi %add3A_409, %add3A_410 : i32
        %get3A_412 = arith.index_cast %scan3A_353 : i32 to index
        %get3A_413 = arith.index_cast %add3A_411 : i32 to index
        %get3A_414 = tpu.vector_load %arg11[%get3A_412, %get3A_413] {strides = array<i32>} : memref<32x128xf32, #tpu.memory_space<vmem>>, vector<1x16xf32>,
        %get3A_415 = vector.shape_cast %get3A_414 : vector<1x16xf32> to vector<16xf32>
        %mul3A_416 = arith.mulf %get3A_407, %get3A_415 : vector<16xf32>
        %swap3A_417 = arith.index_cast %add3A_357 : i32 to index
        %swap3A_418 = arith.constant 16 : index
        %swap3A_419 = tpu.vector_load %arg15[%swap3A_417, %swap3A_418] {strides = array<i32>} : memref<64x32xf32, #tpu.memory_space<vmem>>, vector<1x16xf32>,
        %swap3A_420 = vector.shape_cast %swap3A_419 : vector<1x16xf32> to vector<16xf32>
        %swap3A_421 = vector.shape_cast %mul3A_416 : vector<16xf32> to vector<1x16xf32>
        tpu.vector_store %arg15[%swap3A_417, %swap3A_418], %swap3A_421 {strides = array<i32>} : memref<64x32xf32, #tpu.memory_space<vmem>>, vector<1x16xf32>,
        %scan3A_422 = arith.constant 3 : i32
        %scan3A_423 = arith.addi %scan3A_215, %scan3A_422 : i32
        %mul3A_424 = arith.constant 2 : i32
        %mul3A_425 = arith.muli %mul3A_424, %scan3A_423 : i32
        %add3A_426 = arith.constant 1 : i32
        %add3A_427 = arith.addi %mul3A_425, %add3A_426 : i32
        %get3A_428 = arith.index_cast %mul3A_425 : i32 to index
        %get3A_429 = arith.constant 0 : index
        %get3A_430 = tpu.vector_load %arg13[%get3A_428, %get3A_429] {strides = array<i32>} : memref<64x32xf32, #tpu.memory_space<vmem>>, vector<1x16xf32>,
        %get3A_431 = vector.shape_cast %get3A_430 : vector<1x16xf32> to vector<16xf32>
        %get3A_432 = arith.index_cast %scan3A_423 : i32 to index
        %get3A_433 = arith.index_cast %mul3A_0 : i32 to index
        %get3A_434 = tpu.vector_load %arg11[%get3A_432, %get3A_433] {strides = array<i32>} : memref<32x128xf32, #tpu.memory_space<vmem>>, vector<1x16xf32>,
        %get3A_435 = vector.shape_cast %get3A_434 : vector<1x16xf32> to vector<16xf32>
        %mul3A_436 = arith.mulf %get3A_431, %get3A_435 : vector<16xf32>
        %swap3A_437 = arith.index_cast %mul3A_425 : i32 to index
        %swap3A_438 = arith.constant 0 : index
        %swap3A_439 = tpu.vector_load %arg15[%swap3A_437, %swap3A_438] {strides = array<i32>} : memref<64x32xf32, #tpu.memory_space<vmem>>, vector<1x16xf32>,
        %swap3A_440 = vector.shape_cast %swap3A_439 : vector<1x16xf32> to vector<16xf32>
        %swap3A_441 = vector.shape_cast %mul3A_436 : vector<16xf32> to vector<1x16xf32>
        tpu.vector_store %arg15[%swap3A_437, %swap3A_438], %swap3A_441 {strides = array<i32>} : memref<64x32xf32, #tpu.memory_space<vmem>>, vector<1x16xf32>,
        %get3A_442 = arith.index_cast %mul3A_425 : i32 to index
        %get3A_443 = arith.constant 16 : index
        %get3A_444 = tpu.vector_load %arg13[%get3A_442, %get3A_443] {strides = array<i32>} : memref<64x32xf32, #tpu.memory_space<vmem>>, vector<1x16xf32>,
        %get3A_445 = vector.shape_cast %get3A_444 : vector<1x16xf32> to vector<16xf32>
        %add3A_446 = arith.constant 16 : i32
        %add3A_447 = arith.addi %mul3A_0, %add3A_446 : i32
        %get3A_448 = arith.index_cast %scan3A_423 : i32 to index
        %get3A_449 = arith.index_cast %add3A_447 : i32 to index
        %get3A_450 = tpu.vector_load %arg11[%get3A_448, %get3A_449] {strides = array<i32>} : memref<32x128xf32, #tpu.memory_space<vmem>>, vector<1x16xf32>,
        %get3A_451 = vector.shape_cast %get3A_450 : vector<1x16xf32> to vector<16xf32>
        %mul3A_452 = arith.mulf %get3A_445, %get3A_451 : vector<16xf32>
        %swap3A_453 = arith.index_cast %mul3A_425 : i32 to index
        %swap3A_454 = arith.constant 16 : index
        %swap3A_455 = tpu.vector_load %arg15[%swap3A_453, %swap3A_454] {strides = array<i32>} : memref<64x32xf32, #tpu.memory_space<vmem>>, vector<1x16xf32>,
        %swap3A_456 = vector.shape_cast %swap3A_455 : vector<1x16xf32> to vector<16xf32>
        %swap3A_457 = vector.shape_cast %mul3A_452 : vector<16xf32> to vector<1x16xf32>
        tpu.vector_store %arg15[%swap3A_453, %swap3A_454], %swap3A_457 {strides = array<i32>} : memref<64x32xf32, #tpu.memory_space<vmem>>, vector<1x16xf32>,
        %get3A_458 = arith.index_cast %add3A_427 : i32 to index
        %get3A_459 = arith.constant 0 : index
        %get3A_460 = tpu.vector_load %arg13[%get3A_458, %get3A_459] {strides = array<i32>} : memref<64x32xf32, #tpu.memory_space<vmem>>, vector<1x16xf32>,
        %get3A_461 = vector.shape_cast %get3A_460 : vector<1x16xf32> to vector<16xf32>
        %add3A_462 = arith.constant 64 : i32
        %add3A_463 = arith.addi %add3A_462, %mul3A_0 : i32
        %get3A_464 = arith.index_cast %scan3A_423 : i32 to index
        %get3A_465 = arith.index_cast %add3A_463 : i32 to index
        %get3A_466 = tpu.vector_load %arg11[%get3A_464, %get3A_465] {strides = array<i32>} : memref<32x128xf32, #tpu.memory_space<vmem>>, vector<1x16xf32>,
        %get3A_467 = vector.shape_cast %get3A_466 : vector<1x16xf32> to vector<16xf32>
        %mul3A_468 = arith.mulf %get3A_461, %get3A_467 : vector<16xf32>
        %swap3A_469 = arith.index_cast %add3A_427 : i32 to index
        %swap3A_470 = arith.constant 0 : index
        %swap3A_471 = tpu.vector_load %arg15[%swap3A_469, %swap3A_470] {strides = array<i32>} : memref<64x32xf32, #tpu.memory_space<vmem>>, vector<1x16xf32>,
        %swap3A_472 = vector.shape_cast %swap3A_471 : vector<1x16xf32> to vector<16xf32>
        %swap3A_473 = vector.shape_cast %mul3A_468 : vector<16xf32> to vector<1x16xf32>
        tpu.vector_store %arg15[%swap3A_469, %swap3A_470], %swap3A_473 {strides = array<i32>} : memref<64x32xf32, #tpu.memory_space<vmem>>, vector<1x16xf32>,
        %get3A_474 = arith.index_cast %add3A_427 : i32 to index
        %get3A_475 = arith.constant 16 : index
        %get3A_476 = tpu.vector_load %arg13[%get3A_474, %get3A_475] {strides = array<i32>} : memref<64x32xf32, #tpu.memory_space<vmem>>, vector<1x16xf32>,
        %get3A_477 = vector.shape_cast %get3A_476 : vector<1x16xf32> to vector<16xf32>
        %add3A_478 = arith.constant 64 : i32
        %add3A_479 = arith.addi %add3A_478, %mul3A_0 : i32
        %add3A_480 = arith.constant 16 : i32
        %add3A_481 = arith.addi %add3A_479, %add3A_480 : i32
        %get3A_482 = arith.index_cast %scan3A_423 : i32 to index
        %get3A_483 = arith.index_cast %add3A_481 : i32 to index
        %get3A_484 = tpu.vector_load %arg11[%get3A_482, %get3A_483] {strides = array<i32>} : memref<32x128xf32, #tpu.memory_space<vmem>>, vector<1x16xf32>,
        %get3A_485 = vector.shape_cast %get3A_484 : vector<1x16xf32> to vector<16xf32>
        %mul3A_486 = arith.mulf %get3A_477, %get3A_485 : vector<16xf32>
        %swap3A_487 = arith.index_cast %add3A_427 : i32 to index
        %swap3A_488 = arith.constant 16 : index
        %swap3A_489 = tpu.vector_load %arg15[%swap3A_487, %swap3A_488] {strides = array<i32>} : memref<64x32xf32, #tpu.memory_space<vmem>>, vector<1x16xf32>,
        %swap3A_490 = vector.shape_cast %swap3A_489 : vector<1x16xf32> to vector<16xf32>
        %swap3A_491 = vector.shape_cast %mul3A_486 : vector<16xf32> to vector<1x16xf32>
        tpu.vector_store %arg15[%swap3A_487, %swap3A_488], %swap3A_491 {strides = array<i32>} : memref<64x32xf32, #tpu.memory_space<vmem>>, vector<1x16xf32>,
      }
      %scan3A_170 = arith.constant 32 : i32
      %jit3A_171 = arith.constant 16 : i32
      %div3A_172 = arith.divsi %add3A_92, %jit3A_171 : i32
      %sign3A_173 = arith.constant 0 : i32
      %sign3A_174 = arith.cmpi sgt, %add3A_92, %sign3A_173 : i32
      %sign3A_175 = arith.extui %sign3A_174 : i1 to i32
      %sign3A_176 = arith.constant 0 : i32
      %sign3A_177 = arith.cmpi slt, %add3A_92, %sign3A_176 : i32
      %sign3A_178 = arith.extui %sign3A_177 : i1 to i32
      %sign3A_179 = arith.subi %sign3A_175, %sign3A_178 : i32
      %sign3A_180 = arith.constant 0 : i32
      %sign3A_181 = arith.cmpi sgt, %jit3A_171, %sign3A_180 : i32
      %sign3A_182 = arith.extui %sign3A_181 : i1 to i32
      %sign3A_183 = arith.constant 0 : i32
      %sign3A_184 = arith.cmpi slt, %jit3A_171, %sign3A_183 : i32
      %sign3A_185 = arith.extui %sign3A_184 : i1 to i32
      %sign3A_186 = arith.subi %sign3A_182, %sign3A_185 : i32
      %ne3A_187 = arith.cmpi ne, %sign3A_179, %sign3A_186 : i32
      %rem3A_188 = arith.remsi %add3A_92, %jit3A_171 : i32
      %ne3A_189 = arith.constant 0 : i32
      %ne3A_190 = arith.cmpi ne, %rem3A_188, %ne3A_189 : i32
      %and3A_191 = arith.andi %ne3A_187, %ne3A_190 : i1
      %sub3A_192 = arith.constant 1 : i32
      %sub3A_193 = arith.subi %div3A_172, %sub3A_192 : i32
      %select_n3A_194 = arith.select %and3A_191, %sub3A_193, %div3A_172 : i32
      %rem3A_195 = arith.constant 2 : i32
      %rem3A_196 = arith.remsi %select_n3A_194, %rem3A_195 : i32
      %mul3A_197 = arith.constant 1024 : i32
      %mul3A_198 = arith.muli %rem3A_196, %mul3A_197 : i32
      %rem3A_199 = arith.constant 16 : i32
      %rem3A_200 = arith.remsi %add3A_92, %rem3A_199 : i32
      %mul3A_201 = arith.constant 64 : i32
      %mul3A_202 = arith.muli %rem3A_200, %mul3A_201 : i32
      %add3A_203 = arith.addi %mul3A_198, %mul3A_202 : i32
      %dma_start3A_204 = tpu.memref_slice %arg9[%add3A_203] : memref<2048xi32, #tpu.memory_space<vmem>> -> memref<64xi32, #tpu.memory_space<vmem>>
      %dma_start3A_205 = arith.constant 0 : i32
      %dma_start3A_206 = arith.constant 0 : i32
      %dma_start3A_207 = tpu.memref_slice %arg16[%dma_start3A_205, %dma_start3A_206] : memref<50048x32xf32, #tpu.memory_space<vmem_shared>> -> memref<50048x32xf32, #tpu.memory_space<vmem_shared>>
      tpu.enqueue_indirect_dma source(%arg15 : memref<64x32xf32, #tpu.memory_space<vmem>>) target(%dma_start3A_207 : memref<50048x32xf32, #tpu.memory_space<vmem_shared>>) offsets(%dma_start3A_204 : memref<64xi32, #tpu.memory_space<vmem>>) semaphore(%arg20 : memref<!tpu.dma_semaphore, #tpu.memory_space<semaphore_mem>>) {add = true}
      %add3A_208 = arith.constant 2 : i32
      %add3A_209 = arith.addi %add3A_92, %add3A_208 : i32
      %lt3A_210 = arith.constant 784 : i32
      %lt3A_211 = arith.cmpi slt, %add3A_209, %lt3A_210 : i32
      %convert_element_type3A_212 = arith.extui %lt3A_211 : i1 to i32
      %cond3A_213 = arith.constant 0 : i32
      %cond3A_214 = arith.cmpi ne, %convert_element_type3A_212, %cond3A_213 : i32
      scf.if %cond3A_214 {
        %mul3A_215 = arith.constant 32 : i32
        %mul3A_216 = arith.muli %add3A_209, %mul3A_215 : i32
        %add3A_217 = arith.addi %add3A_7, %mul3A_216 : i32
        %dma_start3A_218 = arith.constant 0 : i32
        %dma_start3A_219 = tpu.memref_slice %arg5[%add3A_217, %dma_start3A_218] : memref<1204224x128xf32, #tpu.memory_space<hbm>> -> memref<32x128xf32, #tpu.memory_space<hbm>>
        %dma_start3A_220 = arith.constant 0 : i32
        %dma_start3A_221 = tpu.memref_slice %arg5[%add3A_217, %dma_start3A_220] : memref<1204224x128xf32, #tpu.memory_space<hbm>> -> memref<32x128xf32, #tpu.memory_space<hbm>>
        tpu.enqueue_dma source(%dma_start3A_221 : memref<32x128xf32, #tpu.memory_space<hbm>>) target(%arg11 : memref<32x128xf32, #tpu.memory_space<vmem>>) target_semaphore(%arg18 : memref<!tpu.dma_semaphore, #tpu.memory_space<semaphore_mem>>)
        %jit3A_222 = arith.constant 16 : i32
        %div3A_223 = arith.divsi %add3A_209, %jit3A_222 : i32
        %sign3A_224 = arith.constant 0 : i32
        %sign3A_225 = arith.cmpi sgt, %add3A_209, %sign3A_224 : i32
        %sign3A_226 = arith.extui %sign3A_225 : i1 to i32
        %sign3A_227 = arith.constant 0 : i32
        %sign3A_228 = arith.cmpi slt, %add3A_209, %sign3A_227 : i32
        %sign3A_229 = arith.extui %sign3A_228 : i1 to i32
        %sign3A_230 = arith.subi %sign3A_226, %sign3A_229 : i32
        %sign3A_231 = arith.constant 0 : i32
        %sign3A_232 = arith.cmpi sgt, %jit3A_222, %sign3A_231 : i32
        %sign3A_233 = arith.extui %sign3A_232 : i1 to i32
        %sign3A_234 = arith.constant 0 : i32
        %sign3A_235 = arith.cmpi slt, %jit3A_222, %sign3A_234 : i32
        %sign3A_236 = arith.extui %sign3A_235 : i1 to i32
        %sign3A_237 = arith.subi %sign3A_233, %sign3A_236 : i32
        %ne3A_238 = arith.cmpi ne, %sign3A_230, %sign3A_237 : i32
        %rem3A_239 = arith.remsi %add3A_209, %jit3A_222 : i32
        %ne3A_240 = arith.constant 0 : i32
        %ne3A_241 = arith.cmpi ne, %rem3A_239, %ne3A_240 : i32
        %and3A_242 = arith.andi %ne3A_238, %ne3A_241 : i1
        %sub3A_243 = arith.constant 1 : i32
        %sub3A_244 = arith.subi %div3A_223, %sub3A_243 : i32
        %select_n3A_245 = arith.select %and3A_242, %sub3A_244, %div3A_223 : i32
        %rem3A_246 = arith.constant 2 : i32
        %rem3A_247 = arith.remsi %select_n3A_245, %rem3A_246 : i32
        %mul3A_248 = arith.constant 1024 : i32
        %mul3A_249 = arith.muli %rem3A_247, %mul3A_248 : i32
        %rem3A_250 = arith.constant 16 : i32
        %rem3A_251 = arith.remsi %add3A_209, %rem3A_250 : i32
        %mul3A_252 = arith.constant 64 : i32
        %mul3A_253 = arith.muli %rem3A_251, %mul3A_252 : i32
        %add3A_254 = arith.addi %mul3A_249, %mul3A_253 : i32
        %dma_start3A_255 = tpu.memref_slice %arg8[%add3A_254] : memref<2048xi32, #tpu.memory_space<vmem>> -> memref<64xi32, #tpu.memory_space<vmem>>
        %dma_start3A_256 = arith.constant 0 : i32
        %dma_start3A_257 = arith.constant 0 : i32
        %dma_start3A_258 = tpu.memref_slice %arg4[%dma_start3A_256, %dma_start3A_257] : memref<100000x32xf32, #tpu.memory_space<hbm>> -> memref<100000x32xf32, #tpu.memory_space<hbm>>
        tpu.enqueue_indirect_dma source(%dma_start3A_258 : memref<100000x32xf32, #tpu.memory_space<hbm>>) target(%arg13 : memref<64x32xf32, #tpu.memory_space<vmem>>) offsets(%dma_start3A_255 : memref<64xi32, #tpu.memory_space<vmem>>) semaphore(%arg18 : memref<!tpu.dma_semaphore, #tpu.memory_space<semaphore_mem>>)
      } else {
      }
    }
    %scan3A_69 = arith.constant 392 : i32
    %dma_wait3A = arith.constant 0 : i32
    %dma_wait3A_70 = tpu.memref_slice %arg9[%dma_wait3A] : memref<2048xi32, #tpu.memory_space<vmem>> -> memref<64xi32, #tpu.memory_space<vmem>>
    %dma_wait3A_71 = arith.constant 0 : i32
    %dma_wait3A_72 = arith.constant 0 : i32
    %dma_wait3A_73 = tpu.memref_slice %arg16[%dma_wait3A_71, %dma_wait3A_72] : memref<50048x32xf32, #tpu.memory_space<vmem_shared>> -> memref<50048x32xf32, #tpu.memory_space<vmem_shared>>
    tpu.wait_indirect_dma semaphore(%arg19 : memref<!tpu.dma_semaphore, #tpu.memory_space<semaphore_mem>>) src(%arg14 : memref<64x32xf32, #tpu.memory_space<vmem>>) dst(%dma_wait3A_73 : memref<50048x32xf32, #tpu.memory_space<vmem_shared>>)
    %dma_wait3A_74 = arith.constant 0 : i32
    %dma_wait3A_75 = tpu.memref_slice %arg9[%dma_wait3A_74] : memref<2048xi32, #tpu.memory_space<vmem>> -> memref<64xi32, #tpu.memory_space<vmem>>
    %dma_wait3A_76 = arith.constant 0 : i32
    %dma_wait3A_77 = arith.constant 0 : i32
    %dma_wait3A_78 = tpu.memref_slice %arg16[%dma_wait3A_76, %dma_wait3A_77] : memref<50048x32xf32, #tpu.memory_space<vmem_shared>> -> memref<50048x32xf32, #tpu.memory_space<vmem_shared>>
    tpu.wait_indirect_dma semaphore(%arg20 : memref<!tpu.dma_semaphore, #tpu.memory_space<semaphore_mem>>) src(%arg15 : memref<64x32xf32, #tpu.memory_space<vmem>>) dst(%dma_wait3A_78 : memref<50048x32xf32, #tpu.memory_space<vmem_shared>>)
    %barrier3A_79 = arith.constant 0 : index
    tpu.barrier barrier_id(%barrier3A_79)
    %mul3A_80 = arith.constant 3128 : i32
    %mul3A_81 = arith.muli %arg1, %mul3A_80 : i32
    %lt3A = arith.constant 15 : i32
    %lt3A_82 = arith.cmpi slt, %arg1, %lt3A : i32
    %convert_element_type3A = arith.extui %lt3A_82 : i1 to i32
    %cond3A = arith.constant 0 : i32
    %cond3A_83 = arith.cmpi ne, %convert_element_type3A, %cond3A : i32
    scf.if %cond3A_83 {
      %mul3A_88 = arith.constant 50000 : i32
      %mul3A_89 = arith.muli %arg0, %mul3A_88 : i32
      %add3A_90 = arith.addi %mul3A_89, %mul3A_81 : i32
      "tpu.region"() ({
        %run_scoped3A = tpu.sem_alloc : memref<!tpu.dma_semaphore, #tpu.memory_space<semaphore_mem>>
        %dma_start3A_91 = arith.constant 0 : i32
        %dma_start3A_92 = tpu.memref_slice %arg7[%add3A_90, %dma_start3A_91] : memref<100000x32xf32, #tpu.memory_space<hbm>> -> memref<3128x32xf32, #tpu.memory_space<hbm>>
        %dma_start3A_93 = arith.constant 0 : i32
        %dma_start3A_94 = tpu.memref_slice %arg16[%mul3A_81, %dma_start3A_93] : memref<50048x32xf32, #tpu.memory_space<vmem_shared>> -> memref<3128x32xf32, #tpu.memory_space<vmem_shared>>
        tpu.enqueue_dma source(%dma_start3A_94 : memref<3128x32xf32, #tpu.memory_space<vmem_shared>>) target(%dma_start3A_92 : memref<3128x32xf32, #tpu.memory_space<hbm>>) target_semaphore(%run_scoped3A : memref<!tpu.dma_semaphore, #tpu.memory_space<semaphore_mem>>)
        %dma_wait3A_95 = arith.constant 0 : i32
        %dma_wait3A_96 = tpu.memref_slice %arg7[%add3A_90, %dma_wait3A_95] : memref<100000x32xf32, #tpu.memory_space<hbm>> -> memref<3128x32xf32, #tpu.memory_space<hbm>>
        %dma_wait3A_97 = arith.constant 0 : i32
        %dma_wait3A_98 = tpu.memref_slice %arg16[%mul3A_81, %dma_wait3A_97] : memref<50048x32xf32, #tpu.memory_space<vmem_shared>> -> memref<3128x32xf32, #tpu.memory_space<vmem_shared>>
        tpu.wait_dma2 semaphore(%run_scoped3A : memref<!tpu.dma_semaphore, #tpu.memory_space<semaphore_mem>>) src(%dma_wait3A_98 : memref<3128x32xf32, #tpu.memory_space<vmem_shared>>) dst(%dma_wait3A_96 : memref<3128x32xf32, #tpu.memory_space<hbm>>)
        tpu.yield
      }) : () -> ()
    } else {
    }
    %eq3A = arith.constant 15 : i32
    %eq3A_84 = arith.cmpi eq, %arg1, %eq3A : i32
    %convert_element_type3A_85 = arith.extui %eq3A_84 : i1 to i32
    %cond3A_86 = arith.constant 0 : i32
    %cond3A_87 = arith.cmpi ne, %convert_element_type3A_85, %cond3A_86 : i32
    scf.if %cond3A_87 {
      %mul3A_88 = arith.constant 50000 : i32
      %mul3A_89 = arith.muli %arg0, %mul3A_88 : i32
      %add3A_90 = arith.addi %mul3A_89, %mul3A_81 : i32
      "tpu.region"() ({
        %run_scoped3A = tpu.sem_alloc : memref<!tpu.dma_semaphore, #tpu.memory_space<semaphore_mem>>
        %dma_start3A_91 = arith.constant 0 : i32
        %dma_start3A_92 = tpu.memref_slice %arg7[%add3A_90, %dma_start3A_91] : memref<100000x32xf32, #tpu.memory_space<hbm>> -> memref<3080x32xf32, #tpu.memory_space<hbm>>
        %dma_start3A_93 = arith.constant 0 : i32
        %dma_start3A_94 = tpu.memref_slice %arg16[%mul3A_81, %dma_start3A_93] : memref<50048x32xf32, #tpu.memory_space<vmem_shared>> -> memref<3080x32xf32, #tpu.memory_space<vmem_shared>>
        tpu.enqueue_dma source(%dma_start3A_94 : memref<3080x32xf32, #tpu.memory_space<vmem_shared>>) target(%dma_start3A_92 : memref<3080x32xf32, #tpu.memory_space<hbm>>) target_semaphore(%run_scoped3A : memref<!tpu.dma_semaphore, #tpu.memory_space<semaphore_mem>>)
        %dma_wait3A_95 = arith.constant 0 : i32
        %dma_wait3A_96 = tpu.memref_slice %arg7[%add3A_90, %dma_wait3A_95] : memref<100000x32xf32, #tpu.memory_space<hbm>> -> memref<3080x32xf32, #tpu.memory_space<hbm>>
        %dma_wait3A_97 = arith.constant 0 : i32
        %dma_wait3A_98 = tpu.memref_slice %arg16[%mul3A_81, %dma_wait3A_97] : memref<50048x32xf32, #tpu.memory_space<vmem_shared>> -> memref<3080x32xf32, #tpu.memory_space<vmem_shared>>
        tpu.wait_dma2 semaphore(%run_scoped3A : memref<!tpu.dma_semaphore, #tpu.memory_space<semaphore_mem>>) src(%dma_wait3A_98 : memref<3080x32xf32, #tpu.memory_space<vmem_shared>>) dst(%dma_wait3A_96 : memref<3080x32xf32, #tpu.memory_space<hbm>>)
        tpu.yield
      }) : () -> ()
    } else {
    }
    return
  }
}

#map = affine_map<(d0, d1) -> (0)>
#map1 = affine_map<(d0, d1) -> (0, 0)>
module attributes {stable_mosaic.version = 14 : i64} {
  func.func @deg(%arg0: i32, %arg1: i32, %arg2: memref<802816xi32, #tpu.memory_space<hbm>>, %arg3: memref<3128x32xf32, #tpu.memory_space<hbm>>, %arg4: memref<100000x32xf32, #tpu.memory_space<hbm>>, %arg5: memref<128xi32, #tpu.memory_space<vmem>>, %arg6: memref<128x32xf32, #tpu.memory_space<vmem>>, %arg7: memref<50048x32xf32, #tpu.memory_space<vmem_shared>>, %arg8: memref<!tpu.dma_semaphore, #tpu.memory_space<semaphore_mem>>) attributes {dimension_semantics = [#tpu.dimension_semantics<core_parallel>, #tpu.dimension_semantics<subcore_parallel>], iteration_bounds = array<i64: 2, 16>, scalar_prefetch = 0 : i64, scratch_operands = 4 : i64, tpu.core_type = #tpu.core_type<sc_vector_subcore>, window_params = [{transform_indices = #map}, {transform_indices = #map1}, {transform_indices = #map1}]} {
    %mul3A = arith.constant 3128 : i32
    %mul3A_0 = arith.muli %arg1, %mul3A : i32
    "tpu.region"() ({
      %run_scoped3A = tpu.sem_alloc : memref<!tpu.dma_semaphore, #tpu.memory_space<semaphore_mem>>
      %dma_start3A = arith.constant 0 : i32
      %dma_start3A_25 = tpu.memref_slice %arg7[%mul3A_0, %dma_start3A] : memref<50048x32xf32, #tpu.memory_space<vmem_shared>> -> memref<3128x32xf32, #tpu.memory_space<vmem_shared>>
      tpu.enqueue_dma source(%arg3 : memref<3128x32xf32, #tpu.memory_space<hbm>>) target(%dma_start3A_25 : memref<3128x32xf32, #tpu.memory_space<vmem_shared>>) target_semaphore(%run_scoped3A : memref<!tpu.dma_semaphore, #tpu.memory_space<semaphore_mem>>)
      %dma_wait3A = arith.constant 0 : i32
      %dma_wait3A_26 = tpu.memref_slice %arg7[%mul3A_0, %dma_wait3A] : memref<50048x32xf32, #tpu.memory_space<vmem_shared>> -> memref<3128x32xf32, #tpu.memory_space<vmem_shared>>
      tpu.wait_dma2 semaphore(%run_scoped3A : memref<!tpu.dma_semaphore, #tpu.memory_space<semaphore_mem>>) src(%arg3 : memref<3128x32xf32, #tpu.memory_space<hbm>>) dst(%dma_wait3A_26 : memref<3128x32xf32, #tpu.memory_space<vmem_shared>>)
      tpu.yield
    }) : () -> ()
    %scan3A = arith.constant 0 : i32
    %scan3A_1 = arith.constant 0 : i32
    %scan3A_2 = arith.constant 128 : i32
    %scan3A_3 = arith.addi %scan3A_1, %scan3A_2 : i32
    %scan3A_4 = arith.constant 1 : i32
    scf.for %scan3A_25 = %scan3A_1 to %scan3A_3 step %scan3A_4  : i32 {
      %broadcast_in_dim3A = arith.constant 1.000000e+00 : f32
      %broadcast_in_dim3A_26 = vector.broadcast %broadcast_in_dim3A : f32 to vector<16xf32>
      %swap3A = arith.index_cast %scan3A_25 : i32 to index
      %swap3A_27 = arith.constant 0 : index
      %swap3A_28 = tpu.vector_load %arg6[%swap3A, %swap3A_27] {strides = array<i32>} : memref<128x32xf32, #tpu.memory_space<vmem>>, vector<1x16xf32>,
      %swap3A_29 = vector.shape_cast %swap3A_28 : vector<1x16xf32> to vector<16xf32>
      %swap3A_30 = vector.shape_cast %broadcast_in_dim3A_26 : vector<16xf32> to vector<1x16xf32>
      tpu.vector_store %arg6[%swap3A, %swap3A_27], %swap3A_30 {strides = array<i32>} : memref<128x32xf32, #tpu.memory_space<vmem>>, vector<1x16xf32>,
      %broadcast_in_dim3A_31 = arith.constant 1.000000e+00 : f32
      %broadcast_in_dim3A_32 = vector.broadcast %broadcast_in_dim3A_31 : f32 to vector<16xf32>
      %swap3A_33 = arith.index_cast %scan3A_25 : i32 to index
      %swap3A_34 = arith.constant 16 : index
      %swap3A_35 = tpu.vector_load %arg6[%swap3A_33, %swap3A_34] {strides = array<i32>} : memref<128x32xf32, #tpu.memory_space<vmem>>, vector<1x16xf32>,
      %swap3A_36 = vector.shape_cast %swap3A_35 : vector<1x16xf32> to vector<16xf32>
      %swap3A_37 = vector.shape_cast %broadcast_in_dim3A_32 : vector<16xf32> to vector<1x16xf32>
      tpu.vector_store %arg6[%swap3A_33, %swap3A_34], %swap3A_37 {strides = array<i32>} : memref<128x32xf32, #tpu.memory_space<vmem>>, vector<1x16xf32>,
    }
    %scan3A_5 = arith.constant 128 : i32
    %barrier3A = arith.constant 0 : index
    tpu.barrier barrier_id(%barrier3A)
    %mul3A_6 = arith.constant 401408 : i32
    %mul3A_7 = arith.muli %arg0, %mul3A_6 : i32
    %mul3A_8 = arith.constant 25088 : i32
    %mul3A_9 = arith.muli %arg1, %mul3A_8 : i32
    %add3A = arith.addi %mul3A_7, %mul3A_9 : i32
    %scan3A_10 = arith.constant 0 : i32
    %scan3A_11 = arith.constant 0 : i32
    %scan3A_12 = arith.constant 196 : i32
    %scan3A_13 = arith.addi %scan3A_11, %scan3A_12 : i32
    %scan3A_14 = arith.constant 1 : i32
    scf.for %scan3A_25 = %scan3A_11 to %scan3A_13 step %scan3A_14  : i32 {
      %mul3A_26 = arith.constant 128 : i32
      %mul3A_27 = arith.muli %scan3A_25, %mul3A_26 : i32
      %add3A_28 = arith.addi %add3A, %mul3A_27 : i32
      "tpu.region"() ({
        %run_scoped3A = tpu.sem_alloc : memref<!tpu.dma_semaphore, #tpu.memory_space<semaphore_mem>>
        %dma_start3A = tpu.memref_slice %arg2[%add3A_28] : memref<802816xi32, #tpu.memory_space<hbm>> -> memref<128xi32, #tpu.memory_space<hbm>>
        %dma_start3A_29 = tpu.memref_slice %arg2[%add3A_28] : memref<802816xi32, #tpu.memory_space<hbm>> -> memref<128xi32, #tpu.memory_space<hbm>>
        tpu.enqueue_dma source(%dma_start3A_29 : memref<128xi32, #tpu.memory_space<hbm>>) target(%arg5 : memref<128xi32, #tpu.memory_space<vmem>>) target_semaphore(%run_scoped3A : memref<!tpu.dma_semaphore, #tpu.memory_space<semaphore_mem>>)
        %dma_wait3A = tpu.memref_slice %arg2[%add3A_28] : memref<802816xi32, #tpu.memory_space<hbm>> -> memref<128xi32, #tpu.memory_space<hbm>>
        %dma_wait3A_30 = tpu.memref_slice %arg2[%add3A_28] : memref<802816xi32, #tpu.memory_space<hbm>> -> memref<128xi32, #tpu.memory_space<hbm>>
        tpu.wait_dma2 semaphore(%run_scoped3A : memref<!tpu.dma_semaphore, #tpu.memory_space<semaphore_mem>>) src(%dma_wait3A_30 : memref<128xi32, #tpu.memory_space<hbm>>) dst(%arg5 : memref<128xi32, #tpu.memory_space<vmem>>)
        tpu.yield
      }) : () -> ()
      "tpu.region"() ({
        %run_scoped3A = tpu.sem_alloc : memref<!tpu.dma_semaphore, #tpu.memory_space<semaphore_mem>>
        %dma_start3A = arith.constant 0 : i32
        %dma_start3A_29 = arith.constant 0 : i32
        %dma_start3A_30 = tpu.memref_slice %arg7[%dma_start3A, %dma_start3A_29] : memref<50048x32xf32, #tpu.memory_space<vmem_shared>> -> memref<50048x32xf32, #tpu.memory_space<vmem_shared>>
        tpu.enqueue_indirect_dma source(%arg6 : memref<128x32xf32, #tpu.memory_space<vmem>>) target(%dma_start3A_30 : memref<50048x32xf32, #tpu.memory_space<vmem_shared>>) offsets(%arg5 : memref<128xi32, #tpu.memory_space<vmem>>) semaphore(%run_scoped3A : memref<!tpu.dma_semaphore, #tpu.memory_space<semaphore_mem>>) {add = true}
        %dma_wait3A = arith.constant 0 : i32
        %dma_wait3A_31 = arith.constant 0 : i32
        %dma_wait3A_32 = tpu.memref_slice %arg7[%dma_wait3A, %dma_wait3A_31] : memref<50048x32xf32, #tpu.memory_space<vmem_shared>> -> memref<50048x32xf32, #tpu.memory_space<vmem_shared>>
        tpu.wait_indirect_dma semaphore(%run_scoped3A : memref<!tpu.dma_semaphore, #tpu.memory_space<semaphore_mem>>) src(%arg6 : memref<128x32xf32, #tpu.memory_space<vmem>>) dst(%dma_wait3A_32 : memref<50048x32xf32, #tpu.memory_space<vmem_shared>>)
        tpu.yield
      }) : () -> ()
    }
    %scan3A_15 = arith.constant 196 : i32
    %barrier3A_16 = arith.constant 0 : index
    tpu.barrier barrier_id(%barrier3A_16)
    %mul3A_17 = arith.constant 3128 : i32
    %mul3A_18 = arith.muli %arg1, %mul3A_17 : i32
    %lt3A = arith.constant 15 : i32
    %lt3A_19 = arith.cmpi slt, %arg1, %lt3A : i32
    %convert_element_type3A = arith.extui %lt3A_19 : i1 to i32
    %cond3A = arith.constant 0 : i32
    %cond3A_20 = arith.cmpi ne, %convert_element_type3A, %cond3A : i32
    scf.if %cond3A_20 {
      %mul3A_25 = arith.constant 50000 : i32
      %mul3A_26 = arith.muli %arg0, %mul3A_25 : i32
      %add3A_27 = arith.addi %mul3A_26, %mul3A_18 : i32
      "tpu.region"() ({
        %run_scoped3A = tpu.sem_alloc : memref<!tpu.dma_semaphore, #tpu.memory_space<semaphore_mem>>
        %dma_start3A = arith.constant 0 : i32
        %dma_start3A_28 = tpu.memref_slice %arg4[%add3A_27, %dma_start3A] : memref<100000x32xf32, #tpu.memory_space<hbm>> -> memref<3128x32xf32, #tpu.memory_space<hbm>>
        %dma_start3A_29 = arith.constant 0 : i32
        %dma_start3A_30 = tpu.memref_slice %arg7[%mul3A_18, %dma_start3A_29] : memref<50048x32xf32, #tpu.memory_space<vmem_shared>> -> memref<3128x32xf32, #tpu.memory_space<vmem_shared>>
        tpu.enqueue_dma source(%dma_start3A_30 : memref<3128x32xf32, #tpu.memory_space<vmem_shared>>) target(%dma_start3A_28 : memref<3128x32xf32, #tpu.memory_space<hbm>>) target_semaphore(%run_scoped3A : memref<!tpu.dma_semaphore, #tpu.memory_space<semaphore_mem>>)
        %dma_wait3A = arith.constant 0 : i32
        %dma_wait3A_31 = tpu.memref_slice %arg4[%add3A_27, %dma_wait3A] : memref<100000x32xf32, #tpu.memory_space<hbm>> -> memref<3128x32xf32, #tpu.memory_space<hbm>>
        %dma_wait3A_32 = arith.constant 0 : i32
        %dma_wait3A_33 = tpu.memref_slice %arg7[%mul3A_18, %dma_wait3A_32] : memref<50048x32xf32, #tpu.memory_space<vmem_shared>> -> memref<3128x32xf32, #tpu.memory_space<vmem_shared>>
        tpu.wait_dma2 semaphore(%run_scoped3A : memref<!tpu.dma_semaphore, #tpu.memory_space<semaphore_mem>>) src(%dma_wait3A_33 : memref<3128x32xf32, #tpu.memory_space<vmem_shared>>) dst(%dma_wait3A_31 : memref<3128x32xf32, #tpu.memory_space<hbm>>)
        tpu.yield
      }) : () -> ()
    } else {
    }
    %eq3A = arith.constant 15 : i32
    %eq3A_21 = arith.cmpi eq, %arg1, %eq3A : i32
    %convert_element_type3A_22 = arith.extui %eq3A_21 : i1 to i32
    %cond3A_23 = arith.constant 0 : i32
    %cond3A_24 = arith.cmpi ne, %convert_element_type3A_22, %cond3A_23 : i32
    scf.if %cond3A_24 {
      %mul3A_25 = arith.constant 50000 : i32
      %mul3A_26 = arith.muli %arg0, %mul3A_25 : i32
      %add3A_27 = arith.addi %mul3A_26, %mul3A_18 : i32
      "tpu.region"() ({
        %run_scoped3A = tpu.sem_alloc : memref<!tpu.dma_semaphore, #tpu.memory_space<semaphore_mem>>
        %dma_start3A = arith.constant 0 : i32
        %dma_start3A_28 = tpu.memref_slice %arg4[%add3A_27, %dma_start3A] : memref<100000x32xf32, #tpu.memory_space<hbm>> -> memref<3080x32xf32, #tpu.memory_space<hbm>>
        %dma_start3A_29 = arith.constant 0 : i32
        %dma_start3A_30 = tpu.memref_slice %arg7[%mul3A_18, %dma_start3A_29] : memref<50048x32xf32, #tpu.memory_space<vmem_shared>> -> memref<3080x32xf32, #tpu.memory_space<vmem_shared>>
        tpu.enqueue_dma source(%dma_start3A_30 : memref<3080x32xf32, #tpu.memory_space<vmem_shared>>) target(%dma_start3A_28 : memref<3080x32xf32, #tpu.memory_space<hbm>>) target_semaphore(%run_scoped3A : memref<!tpu.dma_semaphore, #tpu.memory_space<semaphore_mem>>)
        %dma_wait3A = arith.constant 0 : i32
        %dma_wait3A_31 = tpu.memref_slice %arg4[%add3A_27, %dma_wait3A] : memref<100000x32xf32, #tpu.memory_space<hbm>> -> memref<3080x32xf32, #tpu.memory_space<hbm>>
        %dma_wait3A_32 = arith.constant 0 : i32
        %dma_wait3A_33 = tpu.memref_slice %arg7[%mul3A_18, %dma_wait3A_32] : memref<50048x32xf32, #tpu.memory_space<vmem_shared>> -> memref<3080x32xf32, #tpu.memory_space<vmem_shared>>
        tpu.wait_dma2 semaphore(%run_scoped3A : memref<!tpu.dma_semaphore, #tpu.memory_space<semaphore_mem>>) src(%dma_wait3A_33 : memref<3080x32xf32, #tpu.memory_space<vmem_shared>>) dst(%dma_wait3A_31 : memref<3080x32xf32, #tpu.memory_space<hbm>>)
        tpu.yield
      }) : () -> ()
    } else {
    }
    return
  }
}

module attributes {stable_mosaic.version = 14 : i64} {
  func.func @_pre_body(%arg0: i32, %arg1: memref<2048x128xf32, #tpu.memory_space<vmem>>, %arg2: memref<128x64xf32, #tpu.memory_space<vmem>>, %arg3: memref<1x64xf32, #tpu.memory_space<vmem>>, %arg4: memref<4x64xf32, #tpu.memory_space<vmem>>, %arg5: memref<64x64xf32, #tpu.memory_space<vmem>>, %arg6: memref<1x64xf32, #tpu.memory_space<vmem>>, %arg7: memref<2x2048x32xf32, #tpu.memory_space<vmem>>) attributes {dimension_semantics = [#tpu.dimension_semantics<arbitrary>], iteration_bounds = array<i64: 25>, scalar_prefetch = 0 : i64, scratch_operands = 0 : i64, tpu.core_type = #tpu.core_type<tc>, window_params = [{transform_indices = @transform_0, window_bounds = array<i64: 2048, 128>}, {pipeline_mode = #tpu.pipeline_mode<synchronous>, transform_indices = @transform_1, window_bounds = array<i64: 128, 64>}, {pipeline_mode = #tpu.pipeline_mode<synchronous>, transform_indices = @transform_2, window_bounds = array<i64: 1, 64>}, {pipeline_mode = #tpu.pipeline_mode<synchronous>, transform_indices = @transform_3, window_bounds = array<i64: 4, 64>}, {pipeline_mode = #tpu.pipeline_mode<synchronous>, transform_indices = @transform_4, window_bounds = array<i64: 64, 64>}, {pipeline_mode = #tpu.pipeline_mode<synchronous>, transform_indices = @transform_5, window_bounds = array<i64: 1, 64>}, {transform_indices = @transform_6, window_bounds = array<i64: 2, 2048, 32>}]} {
    %get3A = arith.constant 0 : index
    %get3A_0 = arith.constant 0 : index
    %get3A_1 = vector.load %arg1[%get3A, %get3A_0] : memref<2048x128xf32, #tpu.memory_space<vmem>>, vector<2048x128xf32>
    %get3A_2 = arith.constant 0 : index
    %get3A_3 = arith.constant 0 : index
    %get3A_4 = vector.load %arg2[%get3A_2, %get3A_3] : memref<128x64xf32, #tpu.memory_space<vmem>>, vector<128x64xf32>
    %dot_general3A = arith.constant dense<0.000000e+00> : vector<2048x64xf32>
    %dot_general3A_5 = tpu.matmul %get3A_1, %get3A_4, %dot_general3A {dimension_numbers = #tpu.dot_dimension_numbers<[1], [0], [0], [1], [0, 0, 1, 1], [], []>, transpose_lhs_hint = false} : vector<2048x128xf32>, vector<128x64xf32>, vector<2048x64xf32> -> vector<2048x64xf32>
    %get3A_6 = arith.constant 0 : index
    %get3A_7 = arith.constant 0 : index
    %get3A_8 = vector.load %arg3[%get3A_6, %get3A_7] : memref<1x64xf32, #tpu.memory_space<vmem>>, vector<1x64xf32>
    %add3A = vector.broadcast %get3A_8 : vector<1x64xf32> to vector<2048x64xf32>
    %add3A_9 = arith.addf %dot_general3A_5, %add3A : vector<2048x64xf32>
    %max3A = arith.constant 0.000000e+00 : f32
    %max3A_10 = vector.broadcast %max3A : f32 to vector<2048x64xf32>
    %max3A_11 = arith.maximumf %add3A_9, %max3A_10 : vector<2048x64xf32>
    %get3A_12 = arith.constant 0 : index
    %get3A_13 = arith.constant 0 : index
    %get3A_14 = vector.load %arg4[%get3A_12, %get3A_13] : memref<4x64xf32, #tpu.memory_space<vmem>>, vector<4x64xf32>
    %slice3A = vector.extract_strided_slice %get3A_14 {offsets = [0, 0], sizes = [1, 64], strides = [1, 1]} : vector<4x64xf32> to vector<1x64xf32>
    %slice3A_15 = vector.extract_strided_slice %get3A_14 {offsets = [2, 0], sizes = [1, 64], strides = [1, 1]} : vector<4x64xf32> to vector<1x64xf32>
    %sub3A = vector.broadcast %slice3A_15 : vector<1x64xf32> to vector<2048x64xf32>
    %sub3A_16 = arith.subf %max3A_11, %sub3A : vector<2048x64xf32>
    %mul3A = vector.broadcast %slice3A : vector<1x64xf32> to vector<2048x64xf32>
    %mul3A_17 = arith.mulf %mul3A, %sub3A_16 : vector<2048x64xf32>
    %slice3A_18 = vector.extract_strided_slice %get3A_14 {offsets = [3, 0], sizes = [1, 64], strides = [1, 1]} : vector<4x64xf32> to vector<1x64xf32>
    %add3A_19 = arith.constant 1.000000e-03 : f32
    %add3A_20 = vector.broadcast %add3A_19 : f32 to vector<1x64xf32>
    %add3A_21 = arith.addf %slice3A_18, %add3A_20 : vector<1x64xf32>
    %rsqrt3A = math.rsqrt %add3A_21 : vector<1x64xf32>
    %mul3A_22 = vector.broadcast %rsqrt3A : vector<1x64xf32> to vector<2048x64xf32>
    %mul3A_23 = arith.mulf %mul3A_17, %mul3A_22 : vector<2048x64xf32>
    %slice3A_24 = vector.extract_strided_slice %get3A_14 {offsets = [1, 0], sizes = [1, 64], strides = [1, 1]} : vector<4x64xf32> to vector<1x64xf32>
    %add3A_25 = vector.broadcast %slice3A_24 : vector<1x64xf32> to vector<2048x64xf32>
    %add3A_26 = arith.addf %mul3A_23, %add3A_25 : vector<2048x64xf32>
    %get3A_27 = arith.constant 0 : index
    %get3A_28 = arith.constant 0 : index
    %get3A_29 = vector.load %arg5[%get3A_27, %get3A_28] : memref<64x64xf32, #tpu.memory_space<vmem>>, vector<64x64xf32>
    %dot_general3A_30 = arith.constant dense<0.000000e+00> : vector<2048x64xf32>
    %dot_general3A_31 = tpu.matmul %add3A_26, %get3A_29, %dot_general3A_30 {dimension_numbers = #tpu.dot_dimension_numbers<[1], [0], [0], [1], [0, 0, 1, 1], [], []>, transpose_lhs_hint = false} : vector<2048x64xf32>, vector<64x64xf32>, vector<2048x64xf32> -> vector<2048x64xf32>
    %get3A_32 = arith.constant 0 : index
    %get3A_33 = arith.constant 0 : index
    %get3A_34 = vector.load %arg6[%get3A_32, %get3A_33] : memref<1x64xf32, #tpu.memory_space<vmem>>, vector<1x64xf32>
    %add3A_35 = vector.broadcast %get3A_34 : vector<1x64xf32> to vector<2048x64xf32>
    %add3A_36 = arith.addf %dot_general3A_31, %add3A_35 : vector<2048x64xf32>
    %slice3A_37 = vector.extract_strided_slice %add3A_36 {offsets = [0, 0], sizes = [2048, 32], strides = [1, 1]} : vector<2048x64xf32> to vector<2048x32xf32>
    %swap3A = arith.constant 0 : index
    %swap3A_38 = arith.constant 0 : index
    %swap3A_39 = arith.constant 0 : index
    %swap3A_40 = vector.load %arg7[%swap3A, %swap3A_38, %swap3A_39] : memref<2x2048x32xf32, #tpu.memory_space<vmem>>, vector<1x2048x32xf32>
    %swap3A_41 = vector.shape_cast %swap3A_40 : vector<1x2048x32xf32> to vector<2048x32xf32>
    %swap3A_42 = vector.shape_cast %slice3A_37 : vector<2048x32xf32> to vector<1x2048x32xf32>
    tpu.vector_store %arg7[%swap3A, %swap3A_38, %swap3A_39], %swap3A_42 {strides = array<i32>} : memref<2x2048x32xf32, #tpu.memory_space<vmem>>, vector<1x2048x32xf32>,
    %slice3A_43 = vector.extract_strided_slice %add3A_36 {offsets = [0, 32], sizes = [2048, 32], strides = [1, 1]} : vector<2048x64xf32> to vector<2048x32xf32>
    %swap3A_44 = arith.constant 1 : index
    %swap3A_45 = arith.constant 0 : index
    %swap3A_46 = arith.constant 0 : index
    %swap3A_47 = vector.load %arg7[%swap3A_44, %swap3A_45, %swap3A_46] : memref<2x2048x32xf32, #tpu.memory_space<vmem>>, vector<1x2048x32xf32>
    %swap3A_48 = vector.shape_cast %swap3A_47 : vector<1x2048x32xf32> to vector<2048x32xf32>
    %swap3A_49 = vector.shape_cast %slice3A_43 : vector<2048x32xf32> to vector<1x2048x32xf32>
    tpu.vector_store %arg7[%swap3A_44, %swap3A_45, %swap3A_46], %swap3A_49 {strides = array<i32>} : memref<2x2048x32xf32, #tpu.memory_space<vmem>>, vector<1x2048x32xf32>,
    return
  }
  func.func @transform_0(%arg0: i32) -> (i32, i32) {
    %c0_i32 = arith.constant 0 : i32
    %c0_i32_0 = arith.constant 0 : i32
    return %arg0, %c0_i32 : i32, i32
  }
  func.func @transform_1(%arg0: i32) -> (i32, i32) {
    %c0_i32 = arith.constant 0 : i32
    %c0_i32_0 = arith.constant 0 : i32
    %c0_i32_1 = arith.constant 0 : i32
    return %c0_i32, %c0_i32_0 : i32, i32
  }
  func.func @transform_2(%arg0: i32) -> (i32, i32) {
    %c0_i32 = arith.constant 0 : i32
    %c0_i32_0 = arith.constant 0 : i32
    %c0_i32_1 = arith.constant 0 : i32
    return %c0_i32, %c0_i32_0 : i32, i32
  }
  func.func @transform_3(%arg0: i32) -> (i32, i32) {
    %c0_i32 = arith.constant 0 : i32
    %c0_i32_0 = arith.constant 0 : i32
    %c0_i32_1 = arith.constant 0 : i32
    return %c0_i32, %c0_i32_0 : i32, i32
  }
  func.func @transform_4(%arg0: i32) -> (i32, i32) {
    %c0_i32 = arith.constant 0 : i32
    %c0_i32_0 = arith.constant 0 : i32
    %c0_i32_1 = arith.constant 0 : i32
    return %c0_i32, %c0_i32_0 : i32, i32
  }
  func.func @transform_5(%arg0: i32) -> (i32, i32) {
    %c0_i32 = arith.constant 0 : i32
    %c0_i32_0 = arith.constant 0 : i32
    %c0_i32_1 = arith.constant 0 : i32
    return %c0_i32, %c0_i32_0 : i32, i32
  }
  func.func @transform_6(%arg0: i32) -> (i32, i32, i32) {
    %c0_i32 = arith.constant 0 : i32
    %c0_i32_0 = arith.constant 0 : i32
    %c0_i32_1 = arith.constant 0 : i32
    return %c0_i32, %arg0, %c0_i32_0 : i32, i32, i32
  }
}

module attributes {stable_mosaic.version = 14 : i64} {
  func.func @_coeff_body(%arg0: i32, %arg1: memref<2048x32xf32, #tpu.memory_space<vmem>>, %arg2: memref<3x32x128xf32, #tpu.memory_space<vmem>>, %arg3: memref<3x1x128xf32, #tpu.memory_space<vmem>>, %arg4: memref<3x32x128xf32, #tpu.memory_space<vmem>>, %arg5: memref<3x1x128xf32, #tpu.memory_space<vmem>>, %arg6: memref<3x2048x128xf32, #tpu.memory_space<vmem>>) attributes {dimension_semantics = [#tpu.dimension_semantics<arbitrary>], iteration_bounds = array<i64: 196>, scalar_prefetch = 0 : i64, scratch_operands = 0 : i64, tpu.core_type = #tpu.core_type<tc>, window_params = [{transform_indices = @transform_0, window_bounds = array<i64: 2048, 32>}, {pipeline_mode = #tpu.pipeline_mode<synchronous>, transform_indices = @transform_1, window_bounds = array<i64: 3, 32, 128>}, {pipeline_mode = #tpu.pipeline_mode<synchronous>, transform_indices = @transform_2, window_bounds = array<i64: 3, 1, 128>}, {pipeline_mode = #tpu.pipeline_mode<synchronous>, transform_indices = @transform_3, window_bounds = array<i64: 3, 32, 128>}, {pipeline_mode = #tpu.pipeline_mode<synchronous>, transform_indices = @transform_4, window_bounds = array<i64: 3, 1, 128>}, {transform_indices = @transform_5, window_bounds = array<i64: 3, 2048, 128>}]} {
    %mul3A = arith.constant 2048 : i32
    %mul3A_0 = arith.muli %arg0, %mul3A : i32
    %iota3A = tpu.iota {dimensions = array<i32: 0>} : vector<2048x1xi32>
    %add3A = vector.broadcast %mul3A_0 : i32 to vector<2048x1xi32>
    %add3A_1 = arith.addi %add3A, %iota3A : vector<2048x1xi32>
    %lt3A = arith.constant 400000 : i32
    %lt3A_2 = vector.broadcast %lt3A : i32 to vector<2048x1xi32>
    %lt3A_3 = arith.cmpi slt, %add3A_1, %lt3A_2 : vector<2048x1xi32>
    %convert_element_type3A = arith.extui %lt3A_3 : vector<2048x1xi1> to vector<2048x1xi32>
    %convert_element_type3A_4 = arith.sitofp %convert_element_type3A : vector<2048x1xi32> to vector<2048x1xf32>
    %get3A = arith.constant 0 : index
    %get3A_5 = arith.constant 0 : index
    %get3A_6 = vector.load %arg1[%get3A, %get3A_5] : memref<2048x32xf32, #tpu.memory_space<vmem>>, vector<2048x32xf32>
    %get3A_7 = arith.constant 0 : index
    %get3A_8 = arith.constant 0 : index
    %get3A_9 = arith.constant 0 : index
    %get3A_10 = vector.load %arg2[%get3A_7, %get3A_8, %get3A_9] : memref<3x32x128xf32, #tpu.memory_space<vmem>>, vector<1x32x128xf32>
    %get3A_11 = vector.shape_cast %get3A_10 : vector<1x32x128xf32> to vector<32x128xf32>
    %dot_general3A = arith.constant dense<0.000000e+00> : vector<2048x128xf32>
    %dot_general3A_12 = tpu.matmul %get3A_6, %get3A_11, %dot_general3A {dimension_numbers = #tpu.dot_dimension_numbers<[1], [0], [0], [1], [0, 0, 1, 1], [], []>, transpose_lhs_hint = false} : vector<2048x32xf32>, vector<32x128xf32>, vector<2048x128xf32> -> vector<2048x128xf32>
    %get3A_13 = arith.constant 0 : index
    %get3A_14 = arith.constant 0 : index
    %get3A_15 = arith.constant 0 : index
    %get3A_16 = vector.load %arg3[%get3A_13, %get3A_14, %get3A_15] : memref<3x1x128xf32, #tpu.memory_space<vmem>>, vector<1x1x128xf32>
    %get3A_17 = vector.shape_cast %get3A_16 : vector<1x1x128xf32> to vector<1x128xf32>
    %add3A_18 = vector.broadcast %get3A_17 : vector<1x128xf32> to vector<2048x128xf32>
    %add3A_19 = arith.addf %dot_general3A_12, %add3A_18 : vector<2048x128xf32>
    %logistic3A = arith.negf %add3A_19 : vector<2048x128xf32>
    %logistic3A_20 = math.exp %logistic3A : vector<2048x128xf32>
    %logistic3A_21 = arith.constant 1.000000e+00 : f32
    %logistic3A_22 = vector.broadcast %logistic3A_21 : f32 to vector<2048x128xf32>
    %logistic3A_23 = arith.addf %logistic3A_22, %logistic3A_20 : vector<2048x128xf32>
    %logistic3A_24 = arith.divf %logistic3A_22, %logistic3A_23 : vector<2048x128xf32>
    %get3A_25 = arith.constant 0 : index
    %get3A_26 = arith.constant 0 : index
    %get3A_27 = arith.constant 0 : index
    %get3A_28 = vector.load %arg4[%get3A_25, %get3A_26, %get3A_27] : memref<3x32x128xf32, #tpu.memory_space<vmem>>, vector<1x32x128xf32>
    %get3A_29 = vector.shape_cast %get3A_28 : vector<1x32x128xf32> to vector<32x128xf32>
    %dot_general3A_30 = arith.constant dense<0.000000e+00> : vector<2048x128xf32>
    %dot_general3A_31 = tpu.matmul %get3A_6, %get3A_29, %dot_general3A_30 {dimension_numbers = #tpu.dot_dimension_numbers<[1], [0], [0], [1], [0, 0, 1, 1], [], []>, transpose_lhs_hint = false} : vector<2048x32xf32>, vector<32x128xf32>, vector<2048x128xf32> -> vector<2048x128xf32>
    %get3A_32 = arith.constant 0 : index
    %get3A_33 = arith.constant 0 : index
    %get3A_34 = arith.constant 0 : index
    %get3A_35 = vector.load %arg5[%get3A_32, %get3A_33, %get3A_34] : memref<3x1x128xf32, #tpu.memory_space<vmem>>, vector<1x1x128xf32>
    %get3A_36 = vector.shape_cast %get3A_35 : vector<1x1x128xf32> to vector<1x128xf32>
    %add3A_37 = vector.broadcast %get3A_36 : vector<1x128xf32> to vector<2048x128xf32>
    %add3A_38 = arith.addf %dot_general3A_31, %add3A_37 : vector<2048x128xf32>
    %mul3A_39 = arith.mulf %logistic3A_24, %add3A_38 : vector<2048x128xf32>
    %mul3A_40 = vector.broadcast %convert_element_type3A_4 : vector<2048x1xf32> to vector<2048x128xf32>
    %mul3A_41 = arith.mulf %mul3A_39, %mul3A_40 : vector<2048x128xf32>
    %swap3A = arith.constant 0 : index
    %swap3A_42 = arith.constant 0 : index
    %swap3A_43 = arith.constant 0 : index
    %swap3A_44 = vector.load %arg6[%swap3A, %swap3A_42, %swap3A_43] : memref<3x2048x128xf32, #tpu.memory_space<vmem>>, vector<1x2048x128xf32>
    %swap3A_45 = vector.shape_cast %swap3A_44 : vector<1x2048x128xf32> to vector<2048x128xf32>
    %swap3A_46 = vector.shape_cast %mul3A_41 : vector<2048x128xf32> to vector<1x2048x128xf32>
    tpu.vector_store %arg6[%swap3A, %swap3A_42, %swap3A_43], %swap3A_46 {strides = array<i32>} : memref<3x2048x128xf32, #tpu.memory_space<vmem>>, vector<1x2048x128xf32>,
    %get3A_47 = arith.constant 1 : index
    %get3A_48 = arith.constant 0 : index
    %get3A_49 = arith.constant 0 : index
    %get3A_50 = vector.load %arg2[%get3A_47, %get3A_48, %get3A_49] : memref<3x32x128xf32, #tpu.memory_space<vmem>>, vector<1x32x128xf32>
    %get3A_51 = vector.shape_cast %get3A_50 : vector<1x32x128xf32> to vector<32x128xf32>
    %dot_general3A_52 = arith.constant dense<0.000000e+00> : vector<2048x128xf32>
    %dot_general3A_53 = tpu.matmul %get3A_6, %get3A_51, %dot_general3A_52 {dimension_numbers = #tpu.dot_dimension_numbers<[1], [0], [0], [1], [0, 0, 1, 1], [], []>, transpose_lhs_hint = false} : vector<2048x32xf32>, vector<32x128xf32>, vector<2048x128xf32> -> vector<2048x128xf32>
    %get3A_54 = arith.constant 1 : index
    %get3A_55 = arith.constant 0 : index
    %get3A_56 = arith.constant 0 : index
    %get3A_57 = vector.load %arg3[%get3A_54, %get3A_55, %get3A_56] : memref<3x1x128xf32, #tpu.memory_space<vmem>>, vector<1x1x128xf32>
    %get3A_58 = vector.shape_cast %get3A_57 : vector<1x1x128xf32> to vector<1x128xf32>
    %add3A_59 = vector.broadcast %get3A_58 : vector<1x128xf32> to vector<2048x128xf32>
    %add3A_60 = arith.addf %dot_general3A_53, %add3A_59 : vector<2048x128xf32>
    %logistic3A_61 = arith.negf %add3A_60 : vector<2048x128xf32>
    %logistic3A_62 = math.exp %logistic3A_61 : vector<2048x128xf32>
    %logistic3A_63 = arith.constant 1.000000e+00 : f32
    %logistic3A_64 = vector.broadcast %logistic3A_63 : f32 to vector<2048x128xf32>
    %logistic3A_65 = arith.addf %logistic3A_64, %logistic3A_62 : vector<2048x128xf32>
    %logistic3A_66 = arith.divf %logistic3A_64, %logistic3A_65 : vector<2048x128xf32>
    %get3A_67 = arith.constant 1 : index
    %get3A_68 = arith.constant 0 : index
    %get3A_69 = arith.constant 0 : index
    %get3A_70 = vector.load %arg4[%get3A_67, %get3A_68, %get3A_69] : memref<3x32x128xf32, #tpu.memory_space<vmem>>, vector<1x32x128xf32>
    %get3A_71 = vector.shape_cast %get3A_70 : vector<1x32x128xf32> to vector<32x128xf32>
    %dot_general3A_72 = arith.constant dense<0.000000e+00> : vector<2048x128xf32>
    %dot_general3A_73 = tpu.matmul %get3A_6, %get3A_71, %dot_general3A_72 {dimension_numbers = #tpu.dot_dimension_numbers<[1], [0], [0], [1], [0, 0, 1, 1], [], []>, transpose_lhs_hint = false} : vector<2048x32xf32>, vector<32x128xf32>, vector<2048x128xf32> -> vector<2048x128xf32>
    %get3A_74 = arith.constant 1 : index
    %get3A_75 = arith.constant 0 : index
    %get3A_76 = arith.constant 0 : index
    %get3A_77 = vector.load %arg5[%get3A_74, %get3A_75, %get3A_76] : memref<3x1x128xf32, #tpu.memory_space<vmem>>, vector<1x1x128xf32>
    %get3A_78 = vector.shape_cast %get3A_77 : vector<1x1x128xf32> to vector<1x128xf32>
    %add3A_79 = vector.broadcast %get3A_78 : vector<1x128xf32> to vector<2048x128xf32>
    %add3A_80 = arith.addf %dot_general3A_73, %add3A_79 : vector<2048x128xf32>
    %mul3A_81 = arith.mulf %logistic3A_66, %add3A_80 : vector<2048x128xf32>
    %mul3A_82 = vector.broadcast %convert_element_type3A_4 : vector<2048x1xf32> to vector<2048x128xf32>
    %mul3A_83 = arith.mulf %mul3A_81, %mul3A_82 : vector<2048x128xf32>
    %swap3A_84 = arith.constant 1 : index
    %swap3A_85 = arith.constant 0 : index
    %swap3A_86 = arith.constant 0 : index
    %swap3A_87 = vector.load %arg6[%swap3A_84, %swap3A_85, %swap3A_86] : memref<3x2048x128xf32, #tpu.memory_space<vmem>>, vector<1x2048x128xf32>
    %swap3A_88 = vector.shape_cast %swap3A_87 : vector<1x2048x128xf32> to vector<2048x128xf32>
    %swap3A_89 = vector.shape_cast %mul3A_83 : vector<2048x128xf32> to vector<1x2048x128xf32>
    tpu.vector_store %arg6[%swap3A_84, %swap3A_85, %swap3A_86], %swap3A_89 {strides = array<i32>} : memref<3x2048x128xf32, #tpu.memory_space<vmem>>, vector<1x2048x128xf32>,
    %get3A_90 = arith.constant 2 : index
    %get3A_91 = arith.constant 0 : index
    %get3A_92 = arith.constant 0 : index
    %get3A_93 = vector.load %arg2[%get3A_90, %get3A_91, %get3A_92] : memref<3x32x128xf32, #tpu.memory_space<vmem>>, vector<1x32x128xf32>
    %get3A_94 = vector.shape_cast %get3A_93 : vector<1x32x128xf32> to vector<32x128xf32>
    %dot_general3A_95 = arith.constant dense<0.000000e+00> : vector<2048x128xf32>
    %dot_general3A_96 = tpu.matmul %get3A_6, %get3A_94, %dot_general3A_95 {dimension_numbers = #tpu.dot_dimension_numbers<[1], [0], [0], [1], [0, 0, 1, 1], [], []>, transpose_lhs_hint = false} : vector<2048x32xf32>, vector<32x128xf32>, vector<2048x128xf32> -> vector<2048x128xf32>
    %get3A_97 = arith.constant 2 : index
    %get3A_98 = arith.constant 0 : index
    %get3A_99 = arith.constant 0 : index
    %get3A_100 = vector.load %arg3[%get3A_97, %get3A_98, %get3A_99] : memref<3x1x128xf32, #tpu.memory_space<vmem>>, vector<1x1x128xf32>
    %get3A_101 = vector.shape_cast %get3A_100 : vector<1x1x128xf32> to vector<1x128xf32>
    %add3A_102 = vector.broadcast %get3A_101 : vector<1x128xf32> to vector<2048x128xf32>
    %add3A_103 = arith.addf %dot_general3A_96, %add3A_102 : vector<2048x128xf32>
    %logistic3A_104 = arith.negf %add3A_103 : vector<2048x128xf32>
    %logistic3A_105 = math.exp %logistic3A_104 : vector<2048x128xf32>
    %logistic3A_106 = arith.constant 1.000000e+00 : f32
    %logistic3A_107 = vector.broadcast %logistic3A_106 : f32 to vector<2048x128xf32>
    %logistic3A_108 = arith.addf %logistic3A_107, %logistic3A_105 : vector<2048x128xf32>
    %logistic3A_109 = arith.divf %logistic3A_107, %logistic3A_108 : vector<2048x128xf32>
    %get3A_110 = arith.constant 2 : index
    %get3A_111 = arith.constant 0 : index
    %get3A_112 = arith.constant 0 : index
    %get3A_113 = vector.load %arg4[%get3A_110, %get3A_111, %get3A_112] : memref<3x32x128xf32, #tpu.memory_space<vmem>>, vector<1x32x128xf32>
    %get3A_114 = vector.shape_cast %get3A_113 : vector<1x32x128xf32> to vector<32x128xf32>
    %dot_general3A_115 = arith.constant dense<0.000000e+00> : vector<2048x128xf32>
    %dot_general3A_116 = tpu.matmul %get3A_6, %get3A_114, %dot_general3A_115 {dimension_numbers = #tpu.dot_dimension_numbers<[1], [0], [0], [1], [0, 0, 1, 1], [], []>, transpose_lhs_hint = false} : vector<2048x32xf32>, vector<32x128xf32>, vector<2048x128xf32> -> vector<2048x128xf32>
    %get3A_117 = arith.constant 2 : index
    %get3A_118 = arith.constant 0 : index
    %get3A_119 = arith.constant 0 : index
    %get3A_120 = vector.load %arg5[%get3A_117, %get3A_118, %get3A_119] : memref<3x1x128xf32, #tpu.memory_space<vmem>>, vector<1x1x128xf32>
    %get3A_121 = vector.shape_cast %get3A_120 : vector<1x1x128xf32> to vector<1x128xf32>
    %add3A_122 = vector.broadcast %get3A_121 : vector<1x128xf32> to vector<2048x128xf32>
    %add3A_123 = arith.addf %dot_general3A_116, %add3A_122 : vector<2048x128xf32>
    %mul3A_124 = arith.mulf %logistic3A_109, %add3A_123 : vector<2048x128xf32>
    %mul3A_125 = vector.broadcast %convert_element_type3A_4 : vector<2048x1xf32> to vector<2048x128xf32>
    %mul3A_126 = arith.mulf %mul3A_124, %mul3A_125 : vector<2048x128xf32>
    %swap3A_127 = arith.constant 2 : index
    %swap3A_128 = arith.constant 0 : index
    %swap3A_129 = arith.constant 0 : index
    %swap3A_130 = vector.load %arg6[%swap3A_127, %swap3A_128, %swap3A_129] : memref<3x2048x128xf32, #tpu.memory_space<vmem>>, vector<1x2048x128xf32>
    %swap3A_131 = vector.shape_cast %swap3A_130 : vector<1x2048x128xf32> to vector<2048x128xf32>
    %swap3A_132 = vector.shape_cast %mul3A_126 : vector<2048x128xf32> to vector<1x2048x128xf32>
    tpu.vector_store %arg6[%swap3A_127, %swap3A_128, %swap3A_129], %swap3A_132 {strides = array<i32>} : memref<3x2048x128xf32, #tpu.memory_space<vmem>>, vector<1x2048x128xf32>,
    return
  }
  func.func @transform_0(%arg0: i32) -> (i32, i32) {
    %c0_i32 = arith.constant 0 : i32
    %c0_i32_0 = arith.constant 0 : i32
    return %arg0, %c0_i32 : i32, i32
  }
  func.func @transform_1(%arg0: i32) -> (i32, i32, i32) {
    %c0_i32 = arith.constant 0 : i32
    %c0_i32_0 = arith.constant 0 : i32
    %c0_i32_1 = arith.constant 0 : i32
    %c0_i32_2 = arith.constant 0 : i32
    return %c0_i32, %c0_i32_0, %c0_i32_1 : i32, i32, i32
  }
  func.func @transform_2(%arg0: i32) -> (i32, i32, i32) {
    %c0_i32 = arith.constant 0 : i32
    %c0_i32_0 = arith.constant 0 : i32
    %c0_i32_1 = arith.constant 0 : i32
    %c0_i32_2 = arith.constant 0 : i32
    return %c0_i32, %c0_i32_0, %c0_i32_1 : i32, i32, i32
  }
  func.func @transform_3(%arg0: i32) -> (i32, i32, i32) {
    %c0_i32 = arith.constant 0 : i32
    %c0_i32_0 = arith.constant 0 : i32
    %c0_i32_1 = arith.constant 0 : i32
    %c0_i32_2 = arith.constant 0 : i32
    return %c0_i32, %c0_i32_0, %c0_i32_1 : i32, i32, i32
  }
  func.func @transform_4(%arg0: i32) -> (i32, i32, i32) {
    %c0_i32 = arith.constant 0 : i32
    %c0_i32_0 = arith.constant 0 : i32
    %c0_i32_1 = arith.constant 0 : i32
    %c0_i32_2 = arith.constant 0 : i32
    return %c0_i32, %c0_i32_0, %c0_i32_1 : i32, i32, i32
  }
  func.func @transform_5(%arg0: i32) -> (i32, i32, i32) {
    %c0_i32 = arith.constant 0 : i32
    %c0_i32_0 = arith.constant 0 : i32
    %c0_i32_1 = arith.constant 0 : i32
    return %c0_i32, %arg0, %c0_i32_0 : i32, i32, i32
  }
}

module attributes {stable_mosaic.version = 14 : i64} {
  func.func @_update_body(%arg0: i32, %arg1: memref<1x2048x32xf32, #tpu.memory_space<vmem>>, %arg2: memref<1x2048x32xf32, #tpu.memory_space<vmem>>, %arg3: memref<1x2048x32xf32, #tpu.memory_space<vmem>>, %arg4: memref<1x2048x32xf32, #tpu.memory_space<vmem>>, %arg5: memref<1x2048x32xf32, #tpu.memory_space<vmem>>, %arg6: memref<1x2048x32xf32, #tpu.memory_space<vmem>>, %arg7: memref<4x64xf32, #tpu.memory_space<vmem>>, %arg8: memref<64x64xf32, #tpu.memory_space<vmem>>, %arg9: memref<1x64xf32, #tpu.memory_space<vmem>>, %arg10: memref<2x2048x32xf32, #tpu.memory_space<vmem>>) attributes {dimension_semantics = [#tpu.dimension_semantics<arbitrary>], iteration_bounds = array<i64: 25>, scalar_prefetch = 0 : i64, scratch_operands = 0 : i64, tpu.core_type = #tpu.core_type<tc>, window_params = [{transform_indices = @transform_0, window_bounds = array<i64: 1, 2048, 32>}, {transform_indices = @transform_1, window_bounds = array<i64: 1, 2048, 32>}, {transform_indices = @transform_2, window_bounds = array<i64: 1, 2048, 32>}, {transform_indices = @transform_3, window_bounds = array<i64: 1, 2048, 32>}, {transform_indices = @transform_4, window_bounds = array<i64: 1, 2048, 32>}, {transform_indices = @transform_5, window_bounds = array<i64: 1, 2048, 32>}, {pipeline_mode = #tpu.pipeline_mode<synchronous>, transform_indices = @transform_6, window_bounds = array<i64: 4, 64>}, {pipeline_mode = #tpu.pipeline_mode<synchronous>, transform_indices = @transform_7, window_bounds = array<i64: 64, 64>}, {pipeline_mode = #tpu.pipeline_mode<synchronous>, transform_indices = @transform_8, window_bounds = array<i64: 1, 64>}, {transform_indices = @transform_9, window_bounds = array<i64: 2, 2048, 32>}]} {
    %get3A = arith.constant 0 : index
    %get3A_0 = arith.constant 0 : index
    %get3A_1 = arith.constant 0 : index
    %get3A_2 = vector.load %arg5[%get3A, %get3A_0, %get3A_1] : memref<1x2048x32xf32, #tpu.memory_space<vmem>>, vector<1x2048x1xf32>
    %get3A_3 = vector.shape_cast %get3A_2 : vector<1x2048x1xf32> to vector<2048x1xf32>
    %get3A_4 = arith.constant 0 : index
    %get3A_5 = arith.constant 0 : index
    %get3A_6 = arith.constant 0 : index
    %get3A_7 = vector.load %arg6[%get3A_4, %get3A_5, %get3A_6] : memref<1x2048x32xf32, #tpu.memory_space<vmem>>, vector<1x2048x1xf32>
    %get3A_8 = vector.shape_cast %get3A_7 : vector<1x2048x1xf32> to vector<2048x1xf32>
    %add3A = arith.addf %get3A_3, %get3A_8 : vector<2048x1xf32>
    %max3A = arith.constant 1.000000e+00 : f32
    %max3A_9 = vector.broadcast %max3A : f32 to vector<2048x1xf32>
    %max3A_10 = arith.maximumf %add3A, %max3A_9 : vector<2048x1xf32>
    %get3A_11 = arith.constant 0 : index
    %get3A_12 = arith.constant 0 : index
    %get3A_13 = arith.constant 0 : index
    %get3A_14 = vector.load %arg3[%get3A_11, %get3A_12, %get3A_13] : memref<1x2048x32xf32, #tpu.memory_space<vmem>>, vector<1x2048x32xf32>
    %get3A_15 = vector.shape_cast %get3A_14 : vector<1x2048x32xf32> to vector<2048x32xf32>
    %get3A_16 = arith.constant 0 : index
    %get3A_17 = arith.constant 0 : index
    %get3A_18 = arith.constant 0 : index
    %get3A_19 = vector.load %arg4[%get3A_16, %get3A_17, %get3A_18] : memref<1x2048x32xf32, #tpu.memory_space<vmem>>, vector<1x2048x32xf32>
    %get3A_20 = vector.shape_cast %get3A_19 : vector<1x2048x32xf32> to vector<2048x32xf32>
    %concatenate3A = tpu.concatenate %get3A_15, %get3A_20 in 1 : vector<2048x32xf32>, vector<2048x32xf32> -> vector<2048x64xf32>
    %div3A = vector.broadcast %max3A_10 : vector<2048x1xf32> to vector<2048x64xf32>
    %div3A_21 = arith.divf %concatenate3A, %div3A : vector<2048x64xf32>
    %get3A_22 = arith.constant 0 : index
    %get3A_23 = arith.constant 0 : index
    %get3A_24 = arith.constant 0 : index
    %get3A_25 = vector.load %arg1[%get3A_22, %get3A_23, %get3A_24] : memref<1x2048x32xf32, #tpu.memory_space<vmem>>, vector<1x2048x32xf32>
    %get3A_26 = vector.shape_cast %get3A_25 : vector<1x2048x32xf32> to vector<2048x32xf32>
    %get3A_27 = arith.constant 0 : index
    %get3A_28 = arith.constant 0 : index
    %get3A_29 = arith.constant 0 : index
    %get3A_30 = vector.load %arg2[%get3A_27, %get3A_28, %get3A_29] : memref<1x2048x32xf32, #tpu.memory_space<vmem>>, vector<1x2048x32xf32>
    %get3A_31 = vector.shape_cast %get3A_30 : vector<1x2048x32xf32> to vector<2048x32xf32>
    %concatenate3A_32 = tpu.concatenate %get3A_26, %get3A_31 in 1 : vector<2048x32xf32>, vector<2048x32xf32> -> vector<2048x64xf32>
    %add3A_33 = arith.addf %concatenate3A_32, %div3A_21 : vector<2048x64xf32>
    %get3A_34 = arith.constant 0 : index
    %get3A_35 = arith.constant 0 : index
    %get3A_36 = vector.load %arg7[%get3A_34, %get3A_35] : memref<4x64xf32, #tpu.memory_space<vmem>>, vector<4x64xf32>
    %slice3A = vector.extract_strided_slice %get3A_36 {offsets = [0, 0], sizes = [1, 64], strides = [1, 1]} : vector<4x64xf32> to vector<1x64xf32>
    %slice3A_37 = vector.extract_strided_slice %get3A_36 {offsets = [2, 0], sizes = [1, 64], strides = [1, 1]} : vector<4x64xf32> to vector<1x64xf32>
    %sub3A = vector.broadcast %slice3A_37 : vector<1x64xf32> to vector<2048x64xf32>
    %sub3A_38 = arith.subf %add3A_33, %sub3A : vector<2048x64xf32>
    %mul3A = vector.broadcast %slice3A : vector<1x64xf32> to vector<2048x64xf32>
    %mul3A_39 = arith.mulf %mul3A, %sub3A_38 : vector<2048x64xf32>
    %slice3A_40 = vector.extract_strided_slice %get3A_36 {offsets = [3, 0], sizes = [1, 64], strides = [1, 1]} : vector<4x64xf32> to vector<1x64xf32>
    %add3A_41 = arith.constant 1.000000e-03 : f32
    %add3A_42 = vector.broadcast %add3A_41 : f32 to vector<1x64xf32>
    %add3A_43 = arith.addf %slice3A_40, %add3A_42 : vector<1x64xf32>
    %rsqrt3A = math.rsqrt %add3A_43 : vector<1x64xf32>
    %mul3A_44 = vector.broadcast %rsqrt3A : vector<1x64xf32> to vector<2048x64xf32>
    %mul3A_45 = arith.mulf %mul3A_39, %mul3A_44 : vector<2048x64xf32>
    %slice3A_46 = vector.extract_strided_slice %get3A_36 {offsets = [1, 0], sizes = [1, 64], strides = [1, 1]} : vector<4x64xf32> to vector<1x64xf32>
    %add3A_47 = vector.broadcast %slice3A_46 : vector<1x64xf32> to vector<2048x64xf32>
    %add3A_48 = arith.addf %mul3A_45, %add3A_47 : vector<2048x64xf32>
    %max3A_49 = arith.constant 0.000000e+00 : f32
    %max3A_50 = vector.broadcast %max3A_49 : f32 to vector<2048x64xf32>
    %max3A_51 = arith.maximumf %add3A_48, %max3A_50 : vector<2048x64xf32>
    %get3A_52 = arith.constant 0 : index
    %get3A_53 = arith.constant 0 : index
    %get3A_54 = vector.load %arg8[%get3A_52, %get3A_53] : memref<64x64xf32, #tpu.memory_space<vmem>>, vector<64x64xf32>
    %dot_general3A = arith.constant dense<0.000000e+00> : vector<2048x64xf32>
    %dot_general3A_55 = tpu.matmul %max3A_51, %get3A_54, %dot_general3A {dimension_numbers = #tpu.dot_dimension_numbers<[1], [0], [0], [1], [0, 0, 1, 1], [], []>, transpose_lhs_hint = false} : vector<2048x64xf32>, vector<64x64xf32>, vector<2048x64xf32> -> vector<2048x64xf32>
    %get3A_56 = arith.constant 0 : index
    %get3A_57 = arith.constant 0 : index
    %get3A_58 = vector.load %arg9[%get3A_56, %get3A_57] : memref<1x64xf32, #tpu.memory_space<vmem>>, vector<1x64xf32>
    %add3A_59 = vector.broadcast %get3A_58 : vector<1x64xf32> to vector<2048x64xf32>
    %add3A_60 = arith.addf %dot_general3A_55, %add3A_59 : vector<2048x64xf32>
    %slice3A_61 = vector.extract_strided_slice %add3A_60 {offsets = [0, 0], sizes = [2048, 32], strides = [1, 1]} : vector<2048x64xf32> to vector<2048x32xf32>
    %swap3A = arith.constant 0 : index
    %swap3A_62 = arith.constant 0 : index
    %swap3A_63 = arith.constant 0 : index
    %swap3A_64 = vector.load %arg10[%swap3A, %swap3A_62, %swap3A_63] : memref<2x2048x32xf32, #tpu.memory_space<vmem>>, vector<1x2048x32xf32>
    %swap3A_65 = vector.shape_cast %swap3A_64 : vector<1x2048x32xf32> to vector<2048x32xf32>
    %swap3A_66 = vector.shape_cast %slice3A_61 : vector<2048x32xf32> to vector<1x2048x32xf32>
    tpu.vector_store %arg10[%swap3A, %swap3A_62, %swap3A_63], %swap3A_66 {strides = array<i32>} : memref<2x2048x32xf32, #tpu.memory_space<vmem>>, vector<1x2048x32xf32>,
    %slice3A_67 = vector.extract_strided_slice %add3A_60 {offsets = [0, 32], sizes = [2048, 32], strides = [1, 1]} : vector<2048x64xf32> to vector<2048x32xf32>
    %swap3A_68 = arith.constant 1 : index
    %swap3A_69 = arith.constant 0 : index
    %swap3A_70 = arith.constant 0 : index
    %swap3A_71 = vector.load %arg10[%swap3A_68, %swap3A_69, %swap3A_70] : memref<2x2048x32xf32, #tpu.memory_space<vmem>>, vector<1x2048x32xf32>
    %swap3A_72 = vector.shape_cast %swap3A_71 : vector<1x2048x32xf32> to vector<2048x32xf32>
    %swap3A_73 = vector.shape_cast %slice3A_67 : vector<2048x32xf32> to vector<1x2048x32xf32>
    tpu.vector_store %arg10[%swap3A_68, %swap3A_69, %swap3A_70], %swap3A_73 {strides = array<i32>} : memref<2x2048x32xf32, #tpu.memory_space<vmem>>, vector<1x2048x32xf32>,
    return
  }
  func.func @transform_0(%arg0: i32) -> (i32, i32, i32) {
    %c0_i32 = arith.constant 0 : i32
    %c0_i32_0 = arith.constant 0 : i32
    %c0_i32_1 = arith.constant 0 : i32
    return %c0_i32, %arg0, %c0_i32_0 : i32, i32, i32
  }
  func.func @transform_1(%arg0: i32) -> (i32, i32, i32) {
    %c1_i32 = arith.constant 1 : i32
    %c0_i32 = arith.constant 0 : i32
    %c0_i32_0 = arith.constant 0 : i32
    return %c1_i32, %arg0, %c0_i32 : i32, i32, i32
  }
  func.func @transform_2(%arg0: i32) -> (i32, i32, i32) {
    %c0_i32 = arith.constant 0 : i32
    %c0_i32_0 = arith.constant 0 : i32
    %c0_i32_1 = arith.constant 0 : i32
    return %c0_i32, %arg0, %c0_i32_0 : i32, i32, i32
  }
  func.func @transform_3(%arg0: i32) -> (i32, i32, i32) {
    %c1_i32 = arith.constant 1 : i32
    %c0_i32 = arith.constant 0 : i32
    %c0_i32_0 = arith.constant 0 : i32
    return %c1_i32, %arg0, %c0_i32 : i32, i32, i32
  }
  func.func @transform_4(%arg0: i32) -> (i32, i32, i32) {
    %c0_i32 = arith.constant 0 : i32
    %c0_i32_0 = arith.constant 0 : i32
    %c0_i32_1 = arith.constant 0 : i32
    return %c0_i32, %arg0, %c0_i32_0 : i32, i32, i32
  }
  func.func @transform_5(%arg0: i32) -> (i32, i32, i32) {
    %c1_i32 = arith.constant 1 : i32
    %c0_i32 = arith.constant 0 : i32
    %c0_i32_0 = arith.constant 0 : i32
    return %c1_i32, %arg0, %c0_i32 : i32, i32, i32
  }
  func.func @transform_6(%arg0: i32) -> (i32, i32) {
    %c0_i32 = arith.constant 0 : i32
    %c0_i32_0 = arith.constant 0 : i32
    %c0_i32_1 = arith.constant 0 : i32
    return %c0_i32, %c0_i32_0 : i32, i32
  }
  func.func @transform_7(%arg0: i32) -> (i32, i32) {
    %c0_i32 = arith.constant 0 : i32
    %c0_i32_0 = arith.constant 0 : i32
    %c0_i32_1 = arith.constant 0 : i32
    return %c0_i32, %c0_i32_0 : i32, i32
  }
  func.func @transform_8(%arg0: i32) -> (i32, i32) {
    %c0_i32 = arith.constant 0 : i32
    %c0_i32_0 = arith.constant 0 : i32
    %c0_i32_1 = arith.constant 0 : i32
    return %c0_i32, %c0_i32_0 : i32, i32
  }
  func.func @transform_9(%arg0: i32) -> (i32, i32, i32) {
    %c0_i32 = arith.constant 0 : i32
    %c0_i32_0 = arith.constant 0 : i32
    %c0_i32_1 = arith.constant 0 : i32
    return %c0_i32, %arg0, %c0_i32_0 : i32, i32, i32
  }
}

module attributes {stable_mosaic.version = 14 : i64} {
  func.func @_update_body(%arg0: i32, %arg1: memref<1x2048x32xf32, #tpu.memory_space<vmem>>, %arg2: memref<1x2048x32xf32, #tpu.memory_space<vmem>>, %arg3: memref<1x2048x32xf32, #tpu.memory_space<vmem>>, %arg4: memref<1x2048x32xf32, #tpu.memory_space<vmem>>, %arg5: memref<1x2048x32xf32, #tpu.memory_space<vmem>>, %arg6: memref<1x2048x32xf32, #tpu.memory_space<vmem>>, %arg7: memref<4x64xf32, #tpu.memory_space<vmem>>, %arg8: memref<64x64xf32, #tpu.memory_space<vmem>>, %arg9: memref<1x64xf32, #tpu.memory_space<vmem>>, %arg10: memref<2048x64xf32, #tpu.memory_space<vmem>>) attributes {dimension_semantics = [#tpu.dimension_semantics<arbitrary>], iteration_bounds = array<i64: 25>, scalar_prefetch = 0 : i64, scratch_operands = 0 : i64, tpu.core_type = #tpu.core_type<tc>, window_params = [{transform_indices = @transform_0, window_bounds = array<i64: 1, 2048, 32>}, {transform_indices = @transform_1, window_bounds = array<i64: 1, 2048, 32>}, {transform_indices = @transform_2, window_bounds = array<i64: 1, 2048, 32>}, {transform_indices = @transform_3, window_bounds = array<i64: 1, 2048, 32>}, {transform_indices = @transform_4, window_bounds = array<i64: 1, 2048, 32>}, {transform_indices = @transform_5, window_bounds = array<i64: 1, 2048, 32>}, {pipeline_mode = #tpu.pipeline_mode<synchronous>, transform_indices = @transform_6, window_bounds = array<i64: 4, 64>}, {pipeline_mode = #tpu.pipeline_mode<synchronous>, transform_indices = @transform_7, window_bounds = array<i64: 64, 64>}, {pipeline_mode = #tpu.pipeline_mode<synchronous>, transform_indices = @transform_8, window_bounds = array<i64: 1, 64>}, {transform_indices = @transform_9, window_bounds = array<i64: 2048, 64>}]} {
    %get3A = arith.constant 0 : index
    %get3A_0 = arith.constant 0 : index
    %get3A_1 = arith.constant 0 : index
    %get3A_2 = vector.load %arg5[%get3A, %get3A_0, %get3A_1] : memref<1x2048x32xf32, #tpu.memory_space<vmem>>, vector<1x2048x1xf32>
    %get3A_3 = vector.shape_cast %get3A_2 : vector<1x2048x1xf32> to vector<2048x1xf32>
    %get3A_4 = arith.constant 0 : index
    %get3A_5 = arith.constant 0 : index
    %get3A_6 = arith.constant 0 : index
    %get3A_7 = vector.load %arg6[%get3A_4, %get3A_5, %get3A_6] : memref<1x2048x32xf32, #tpu.memory_space<vmem>>, vector<1x2048x1xf32>
    %get3A_8 = vector.shape_cast %get3A_7 : vector<1x2048x1xf32> to vector<2048x1xf32>
    %add3A = arith.addf %get3A_3, %get3A_8 : vector<2048x1xf32>
    %max3A = arith.constant 1.000000e+00 : f32
    %max3A_9 = vector.broadcast %max3A : f32 to vector<2048x1xf32>
    %max3A_10 = arith.maximumf %add3A, %max3A_9 : vector<2048x1xf32>
    %get3A_11 = arith.constant 0 : index
    %get3A_12 = arith.constant 0 : index
    %get3A_13 = arith.constant 0 : index
    %get3A_14 = vector.load %arg3[%get3A_11, %get3A_12, %get3A_13] : memref<1x2048x32xf32, #tpu.memory_space<vmem>>, vector<1x2048x32xf32>
    %get3A_15 = vector.shape_cast %get3A_14 : vector<1x2048x32xf32> to vector<2048x32xf32>
    %get3A_16 = arith.constant 0 : index
    %get3A_17 = arith.constant 0 : index
    %get3A_18 = arith.constant 0 : index
    %get3A_19 = vector.load %arg4[%get3A_16, %get3A_17, %get3A_18] : memref<1x2048x32xf32, #tpu.memory_space<vmem>>, vector<1x2048x32xf32>
    %get3A_20 = vector.shape_cast %get3A_19 : vector<1x2048x32xf32> to vector<2048x32xf32>
    %concatenate3A = tpu.concatenate %get3A_15, %get3A_20 in 1 : vector<2048x32xf32>, vector<2048x32xf32> -> vector<2048x64xf32>
    %div3A = vector.broadcast %max3A_10 : vector<2048x1xf32> to vector<2048x64xf32>
    %div3A_21 = arith.divf %concatenate3A, %div3A : vector<2048x64xf32>
    %get3A_22 = arith.constant 0 : index
    %get3A_23 = arith.constant 0 : index
    %get3A_24 = arith.constant 0 : index
    %get3A_25 = vector.load %arg1[%get3A_22, %get3A_23, %get3A_24] : memref<1x2048x32xf32, #tpu.memory_space<vmem>>, vector<1x2048x32xf32>
    %get3A_26 = vector.shape_cast %get3A_25 : vector<1x2048x32xf32> to vector<2048x32xf32>
    %get3A_27 = arith.constant 0 : index
    %get3A_28 = arith.constant 0 : index
    %get3A_29 = arith.constant 0 : index
    %get3A_30 = vector.load %arg2[%get3A_27, %get3A_28, %get3A_29] : memref<1x2048x32xf32, #tpu.memory_space<vmem>>, vector<1x2048x32xf32>
    %get3A_31 = vector.shape_cast %get3A_30 : vector<1x2048x32xf32> to vector<2048x32xf32>
    %concatenate3A_32 = tpu.concatenate %get3A_26, %get3A_31 in 1 : vector<2048x32xf32>, vector<2048x32xf32> -> vector<2048x64xf32>
    %add3A_33 = arith.addf %concatenate3A_32, %div3A_21 : vector<2048x64xf32>
    %get3A_34 = arith.constant 0 : index
    %get3A_35 = arith.constant 0 : index
    %get3A_36 = vector.load %arg7[%get3A_34, %get3A_35] : memref<4x64xf32, #tpu.memory_space<vmem>>, vector<4x64xf32>
    %slice3A = vector.extract_strided_slice %get3A_36 {offsets = [0, 0], sizes = [1, 64], strides = [1, 1]} : vector<4x64xf32> to vector<1x64xf32>
    %slice3A_37 = vector.extract_strided_slice %get3A_36 {offsets = [2, 0], sizes = [1, 64], strides = [1, 1]} : vector<4x64xf32> to vector<1x64xf32>
    %sub3A = vector.broadcast %slice3A_37 : vector<1x64xf32> to vector<2048x64xf32>
    %sub3A_38 = arith.subf %add3A_33, %sub3A : vector<2048x64xf32>
    %mul3A = vector.broadcast %slice3A : vector<1x64xf32> to vector<2048x64xf32>
    %mul3A_39 = arith.mulf %mul3A, %sub3A_38 : vector<2048x64xf32>
    %slice3A_40 = vector.extract_strided_slice %get3A_36 {offsets = [3, 0], sizes = [1, 64], strides = [1, 1]} : vector<4x64xf32> to vector<1x64xf32>
    %add3A_41 = arith.constant 1.000000e-03 : f32
    %add3A_42 = vector.broadcast %add3A_41 : f32 to vector<1x64xf32>
    %add3A_43 = arith.addf %slice3A_40, %add3A_42 : vector<1x64xf32>
    %rsqrt3A = math.rsqrt %add3A_43 : vector<1x64xf32>
    %mul3A_44 = vector.broadcast %rsqrt3A : vector<1x64xf32> to vector<2048x64xf32>
    %mul3A_45 = arith.mulf %mul3A_39, %mul3A_44 : vector<2048x64xf32>
    %slice3A_46 = vector.extract_strided_slice %get3A_36 {offsets = [1, 0], sizes = [1, 64], strides = [1, 1]} : vector<4x64xf32> to vector<1x64xf32>
    %add3A_47 = vector.broadcast %slice3A_46 : vector<1x64xf32> to vector<2048x64xf32>
    %add3A_48 = arith.addf %mul3A_45, %add3A_47 : vector<2048x64xf32>
    %max3A_49 = arith.constant 0.000000e+00 : f32
    %max3A_50 = vector.broadcast %max3A_49 : f32 to vector<2048x64xf32>
    %max3A_51 = arith.maximumf %add3A_48, %max3A_50 : vector<2048x64xf32>
    %swap3A = arith.constant 0 : index
    %swap3A_52 = arith.constant 0 : index
    %swap3A_53 = vector.load %arg10[%swap3A, %swap3A_52] : memref<2048x64xf32, #tpu.memory_space<vmem>>, vector<2048x64xf32>
    tpu.vector_store %arg10[%swap3A, %swap3A_52], %max3A_51 {strides = array<i32>} : memref<2048x64xf32, #tpu.memory_space<vmem>>, vector<2048x64xf32>,
    return
  }
  func.func @transform_0(%arg0: i32) -> (i32, i32, i32) {
    %c0_i32 = arith.constant 0 : i32
    %c0_i32_0 = arith.constant 0 : i32
    %c0_i32_1 = arith.constant 0 : i32
    return %c0_i32, %arg0, %c0_i32_0 : i32, i32, i32
  }
  func.func @transform_1(%arg0: i32) -> (i32, i32, i32) {
    %c1_i32 = arith.constant 1 : i32
    %c0_i32 = arith.constant 0 : i32
    %c0_i32_0 = arith.constant 0 : i32
    return %c1_i32, %arg0, %c0_i32 : i32, i32, i32
  }
  func.func @transform_2(%arg0: i32) -> (i32, i32, i32) {
    %c0_i32 = arith.constant 0 : i32
    %c0_i32_0 = arith.constant 0 : i32
    %c0_i32_1 = arith.constant 0 : i32
    return %c0_i32, %arg0, %c0_i32_0 : i32, i32, i32
  }
  func.func @transform_3(%arg0: i32) -> (i32, i32, i32) {
    %c1_i32 = arith.constant 1 : i32
    %c0_i32 = arith.constant 0 : i32
    %c0_i32_0 = arith.constant 0 : i32
    return %c1_i32, %arg0, %c0_i32 : i32, i32, i32
  }
  func.func @transform_4(%arg0: i32) -> (i32, i32, i32) {
    %c0_i32 = arith.constant 0 : i32
    %c0_i32_0 = arith.constant 0 : i32
    %c0_i32_1 = arith.constant 0 : i32
    return %c0_i32, %arg0, %c0_i32_0 : i32, i32, i32
  }
  func.func @transform_5(%arg0: i32) -> (i32, i32, i32) {
    %c1_i32 = arith.constant 1 : i32
    %c0_i32 = arith.constant 0 : i32
    %c0_i32_0 = arith.constant 0 : i32
    return %c1_i32, %arg0, %c0_i32 : i32, i32, i32
  }
  func.func @transform_6(%arg0: i32) -> (i32, i32) {
    %c0_i32 = arith.constant 0 : i32
    %c0_i32_0 = arith.constant 0 : i32
    %c0_i32_1 = arith.constant 0 : i32
    return %c0_i32, %c0_i32_0 : i32, i32
  }
  func.func @transform_7(%arg0: i32) -> (i32, i32) {
    %c0_i32 = arith.constant 0 : i32
    %c0_i32_0 = arith.constant 0 : i32
    %c0_i32_1 = arith.constant 0 : i32
    return %c0_i32, %c0_i32_0 : i32, i32
  }
  func.func @transform_8(%arg0: i32) -> (i32, i32) {
    %c0_i32 = arith.constant 0 : i32
    %c0_i32_0 = arith.constant 0 : i32
    %c0_i32_1 = arith.constant 0 : i32
    return %c0_i32, %c0_i32_0 : i32, i32
  }
  func.func @transform_9(%arg0: i32) -> (i32, i32) {
    %c0_i32 = arith.constant 0 : i32
    %c0_i32_0 = arith.constant 0 : i32
    return %arg0, %c0_i32 : i32, i32
  }
}

module attributes {stable_mosaic.version = 14 : i64} {
  func.func @_pool_body(%arg0: i32, %arg1: memref<2048x64xf32, #tpu.memory_space<vmem>>, %arg2: memref<1x1x2048xi32, #tpu.memory_space<vmem>>, %arg3: memref<64x64xf32, #tpu.memory_space<vmem>>, %arg4: memref<1x64xf32, #tpu.memory_space<vmem>>, %arg5: memref<4x64xf32, #tpu.memory_space<vmem>>, %arg6: memref<64x1xf32, #tpu.memory_space<vmem>>, %arg7: memref<1x1xf32, #tpu.memory_space<vmem>>, %arg8: memref<256x1xf32, #tpu.memory_space<vmem>>, %arg9: memref<256x65xf32, #tpu.memory_space<vmem>>) attributes {dimension_semantics = [#tpu.dimension_semantics<arbitrary>], iteration_bounds = array<i64: 25>, scalar_prefetch = 0 : i64, scratch_operands = 1 : i64, tpu.core_type = #tpu.core_type<tc>, window_params = [{transform_indices = @transform_0, window_bounds = array<i64: 2048, 64>}, {transform_indices = @transform_1, window_bounds = array<i64: 1, 1, 2048>}, {pipeline_mode = #tpu.pipeline_mode<synchronous>, transform_indices = @transform_2, window_bounds = array<i64: 64, 64>}, {pipeline_mode = #tpu.pipeline_mode<synchronous>, transform_indices = @transform_3, window_bounds = array<i64: 1, 64>}, {pipeline_mode = #tpu.pipeline_mode<synchronous>, transform_indices = @transform_4, window_bounds = array<i64: 4, 64>}, {pipeline_mode = #tpu.pipeline_mode<synchronous>, transform_indices = @transform_5, window_bounds = array<i64: 64, 1>}, {pipeline_mode = #tpu.pipeline_mode<synchronous>, transform_indices = @transform_6, window_bounds = array<i64: 1, 1>}, {pipeline_mode = #tpu.pipeline_mode<synchronous>, transform_indices = @transform_7, window_bounds = array<i64: 256, 1>}]} {
    %eq3A = arith.constant 0 : i32
    %eq3A_0 = arith.cmpi eq, %arg0, %eq3A : i32
    %convert_element_type3A = arith.extui %eq3A_0 : i1 to i32
    %cond3A = arith.constant 0 : i32
    %cond3A_1 = arith.cmpi ne, %convert_element_type3A, %cond3A : i32
    scf.if %cond3A_1 {
      %broadcast_in_dim3A_38 = arith.constant 0.000000e+00 : f32
      %broadcast_in_dim3A_39 = vector.broadcast %broadcast_in_dim3A_38 : f32 to vector<256x65xf32>
      %swap3A_40 = arith.constant 0 : index
      %swap3A_41 = arith.constant 0 : index
      %swap3A_42 = vector.load %arg9[%swap3A_40, %swap3A_41] : memref<256x65xf32, #tpu.memory_space<vmem>>, vector<256x65xf32>
      tpu.vector_store %arg9[%swap3A_40, %swap3A_41], %broadcast_in_dim3A_39 {strides = array<i32>} : memref<256x65xf32, #tpu.memory_space<vmem>>, vector<256x65xf32>,
    } else {
    }
    %mul3A = arith.constant 2048 : i32
    %mul3A_2 = arith.muli %arg0, %mul3A : i32
    %iota3A = tpu.iota {dimensions = array<i32: 0>} : vector<2048x1xi32>
    %add3A = vector.broadcast %mul3A_2 : i32 to vector<2048x1xi32>
    %add3A_3 = arith.addi %add3A, %iota3A : vector<2048x1xi32>
    %lt3A = arith.constant 50000 : i32
    %lt3A_4 = vector.broadcast %lt3A : i32 to vector<2048x1xi32>
    %lt3A_5 = arith.cmpi slt, %add3A_3, %lt3A_4 : vector<2048x1xi32>
    %get3A = arith.constant 0 : index
    %get3A_6 = arith.constant 0 : index
    %get3A_7 = arith.constant 0 : index
    %get3A_8 = vector.load %arg2[%get3A, %get3A_6, %get3A_7] : memref<1x1x2048xi32, #tpu.memory_space<vmem>>, vector<1x1x2048xi32>
    %get3A_9 = vector.shape_cast %get3A_8 : vector<1x1x2048xi32> to vector<2048xi32>
    %reshape3A = vector.shape_cast %get3A_9 : vector<2048xi32> to vector<2048x1xi32>
    %iota3A_10 = tpu.iota {dimensions = array<i32: 1>} : vector<2048x256xi32>
    %eq3A_11 = vector.broadcast %reshape3A : vector<2048x1xi32> to vector<2048x256xi32>
    %eq3A_12 = arith.cmpi eq, %eq3A_11, %iota3A_10 : vector<2048x256xi32>
    %and3A = vector.broadcast %lt3A_5 : vector<2048x1xi1> to vector<2048x256xi1>
    %and3A_13 = arith.andi %and3A, %eq3A_12 : vector<2048x256xi1>
    %jit3A = arith.constant 1.000000e+00 : f32
    %jit3A_14 = arith.constant 0.000000e+00 : f32
    %broadcast_in_dim3A = vector.broadcast %jit3A : f32 to vector<2048x256xf32>
    %broadcast_in_dim3A_15 = vector.broadcast %jit3A_14 : f32 to vector<2048x256xf32>
    %select_n3A = arith.select %and3A_13, %broadcast_in_dim3A, %broadcast_in_dim3A_15 : vector<2048x256xi1>, vector<2048x256xf32>
    %get3A_16 = arith.constant 0 : index
    %get3A_17 = arith.constant 0 : index
    %get3A_18 = vector.load %arg1[%get3A_16, %get3A_17] : memref<2048x64xf32, #tpu.memory_space<vmem>>, vector<2048x64xf32>
    %broadcast_in_dim3A_19 = arith.constant 1.000000e+00 : f32
    %broadcast_in_dim3A_20 = vector.broadcast %broadcast_in_dim3A_19 : f32 to vector<2048x1xf32>
    %concatenate3A = tpu.concatenate %get3A_18, %broadcast_in_dim3A_20 in 1 : vector<2048x64xf32>, vector<2048x1xf32> -> vector<2048x65xf32>
    %jit3A_21 = arith.constant 0.000000e+00 : f32
    %broadcast_in_dim3A_22 = vector.shape_cast %lt3A_5 : vector<2048x1xi1> to vector<2048x1xi1>
    %broadcast_in_dim3A_23 = vector.broadcast %broadcast_in_dim3A_22 : vector<2048x1xi1> to vector<2048x65xi1>
    %broadcast_in_dim3A_24 = vector.broadcast %jit3A_21 : f32 to vector<2048x65xf32>
    %select_n3A_25 = arith.select %broadcast_in_dim3A_23, %concatenate3A, %broadcast_in_dim3A_24 : vector<2048x65xi1>, vector<2048x65xf32>
    %get3A_26 = arith.constant 0 : index
    %get3A_27 = arith.constant 0 : index
    %get3A_28 = vector.load %arg9[%get3A_26, %get3A_27] : memref<256x65xf32, #tpu.memory_space<vmem>>, vector<256x65xf32>
    %dot_general3A = arith.constant dense<0.000000e+00> : vector<256x65xf32>
    %dot_general3A_29 = tpu.matmul %select_n3A, %select_n3A_25, %dot_general3A {dimension_numbers = #tpu.dot_dimension_numbers<[0], [0], [1], [1], [0, 1, 1, 1], [], []>, transpose_lhs_hint = false} : vector<2048x256xf32>, vector<2048x65xf32>, vector<256x65xf32> -> vector<256x65xf32>
    %add3A_30 = arith.addf %get3A_28, %dot_general3A_29 : vector<256x65xf32>
    %swap3A = arith.constant 0 : index
    %swap3A_31 = arith.constant 0 : index
    %swap3A_32 = vector.load %arg9[%swap3A, %swap3A_31] : memref<256x65xf32, #tpu.memory_space<vmem>>, vector<256x65xf32>
    tpu.vector_store %arg9[%swap3A, %swap3A_31], %add3A_30 {strides = array<i32>} : memref<256x65xf32, #tpu.memory_space<vmem>>, vector<256x65xf32>,
    %eq3A_33 = arith.constant 24 : i32
    %eq3A_34 = arith.cmpi eq, %arg0, %eq3A_33 : i32
    %convert_element_type3A_35 = arith.extui %eq3A_34 : i1 to i32
    %cond3A_36 = arith.constant 0 : i32
    %cond3A_37 = arith.cmpi ne, %convert_element_type3A_35, %cond3A_36 : i32
    scf.if %cond3A_37 {
      %get3A_38 = arith.constant 0 : index
      %get3A_39 = arith.constant 0 : index
      %get3A_40 = vector.load %arg9[%get3A_38, %get3A_39] : memref<256x65xf32, #tpu.memory_space<vmem>>, vector<256x65xf32>
      %slice3A = vector.extract_strided_slice %get3A_40 {offsets = [0, 0], sizes = [256, 64], strides = [1, 1]} : vector<256x65xf32> to vector<256x64xf32>
      %slice3A_41 = vector.extract_strided_slice %get3A_40 {offsets = [0, 64], sizes = [256, 1], strides = [1, 1]} : vector<256x65xf32> to vector<256x1xf32>
      %max3A = arith.constant 1.000000e+00 : f32
      %max3A_42 = vector.broadcast %max3A : f32 to vector<256x1xf32>
      %max3A_43 = arith.maximumf %slice3A_41, %max3A_42 : vector<256x1xf32>
      %div3A = vector.broadcast %max3A_43 : vector<256x1xf32> to vector<256x64xf32>
      %div3A_44 = arith.divf %slice3A, %div3A : vector<256x64xf32>
      %get3A_45 = arith.constant 0 : index
      %get3A_46 = arith.constant 0 : index
      %get3A_47 = vector.load %arg3[%get3A_45, %get3A_46] : memref<64x64xf32, #tpu.memory_space<vmem>>, vector<64x64xf32>
      %dot_general3A_48 = arith.constant dense<0.000000e+00> : vector<256x64xf32>
      %dot_general3A_49 = tpu.matmul %div3A_44, %get3A_47, %dot_general3A_48 {dimension_numbers = #tpu.dot_dimension_numbers<[1], [0], [0], [1], [0, 0, 1, 1], [], []>, transpose_lhs_hint = false} : vector<256x64xf32>, vector<64x64xf32>, vector<256x64xf32> -> vector<256x64xf32>
      %get3A_50 = arith.constant 0 : index
      %get3A_51 = arith.constant 0 : index
      %get3A_52 = vector.load %arg4[%get3A_50, %get3A_51] : memref<1x64xf32, #tpu.memory_space<vmem>>, vector<1x64xf32>
      %add3A_53 = vector.broadcast %get3A_52 : vector<1x64xf32> to vector<256x64xf32>
      %add3A_54 = arith.addf %dot_general3A_49, %add3A_53 : vector<256x64xf32>
      %max3A_55 = arith.constant 0.000000e+00 : f32
      %max3A_56 = vector.broadcast %max3A_55 : f32 to vector<256x64xf32>
      %max3A_57 = arith.maximumf %add3A_54, %max3A_56 : vector<256x64xf32>
      %get3A_58 = arith.constant 0 : index
      %get3A_59 = arith.constant 0 : index
      %get3A_60 = vector.load %arg5[%get3A_58, %get3A_59] : memref<4x64xf32, #tpu.memory_space<vmem>>, vector<4x64xf32>
      %slice3A_61 = vector.extract_strided_slice %get3A_60 {offsets = [0, 0], sizes = [1, 64], strides = [1, 1]} : vector<4x64xf32> to vector<1x64xf32>
      %slice3A_62 = vector.extract_strided_slice %get3A_60 {offsets = [2, 0], sizes = [1, 64], strides = [1, 1]} : vector<4x64xf32> to vector<1x64xf32>
      %sub3A = vector.broadcast %slice3A_62 : vector<1x64xf32> to vector<256x64xf32>
      %sub3A_63 = arith.subf %max3A_57, %sub3A : vector<256x64xf32>
      %mul3A_64 = vector.broadcast %slice3A_61 : vector<1x64xf32> to vector<256x64xf32>
      %mul3A_65 = arith.mulf %mul3A_64, %sub3A_63 : vector<256x64xf32>
      %slice3A_66 = vector.extract_strided_slice %get3A_60 {offsets = [3, 0], sizes = [1, 64], strides = [1, 1]} : vector<4x64xf32> to vector<1x64xf32>
      %add3A_67 = arith.constant 1.000000e-03 : f32
      %add3A_68 = vector.broadcast %add3A_67 : f32 to vector<1x64xf32>
      %add3A_69 = arith.addf %slice3A_66, %add3A_68 : vector<1x64xf32>
      %rsqrt3A = math.rsqrt %add3A_69 : vector<1x64xf32>
      %mul3A_70 = vector.broadcast %rsqrt3A : vector<1x64xf32> to vector<256x64xf32>
      %mul3A_71 = arith.mulf %mul3A_65, %mul3A_70 : vector<256x64xf32>
      %slice3A_72 = vector.extract_strided_slice %get3A_60 {offsets = [1, 0], sizes = [1, 64], strides = [1, 1]} : vector<4x64xf32> to vector<1x64xf32>
      %add3A_73 = vector.broadcast %slice3A_72 : vector<1x64xf32> to vector<256x64xf32>
      %add3A_74 = arith.addf %mul3A_71, %add3A_73 : vector<256x64xf32>
      %get3A_75 = arith.constant 0 : index
      %get3A_76 = arith.constant 0 : index
      %get3A_77 = vector.load %arg6[%get3A_75, %get3A_76] : memref<64x1xf32, #tpu.memory_space<vmem>>, vector<64x1xf32>
      %dot_general3A_78 = arith.constant dense<0.000000e+00> : vector<256x1xf32>
      %dot_general3A_79 = tpu.matmul %add3A_74, %get3A_77, %dot_general3A_78 {dimension_numbers = #tpu.dot_dimension_numbers<[1], [0], [0], [1], [0, 0, 1, 1], [], []>, transpose_lhs_hint = false} : vector<256x64xf32>, vector<64x1xf32>, vector<256x1xf32> -> vector<256x1xf32>
      %get3A_80 = arith.constant 0 : index
      %get3A_81 = arith.constant 0 : index
      %get3A_82 = vector.load %arg7[%get3A_80, %get3A_81] : memref<1x1xf32, #tpu.memory_space<vmem>>, vector<1x1xf32>
      %add3A_83 = vector.broadcast %get3A_82 : vector<1x1xf32> to vector<256x1xf32>
      %add3A_84 = arith.addf %dot_general3A_79, %add3A_83 : vector<256x1xf32>
      %swap3A_85 = arith.constant 0 : index
      %swap3A_86 = arith.constant 0 : index
      %swap3A_87 = vector.load %arg8[%swap3A_85, %swap3A_86] : memref<256x1xf32, #tpu.memory_space<vmem>>, vector<256x1xf32>
      tpu.vector_store %arg8[%swap3A_85, %swap3A_86], %add3A_84 {strides = array<i32>} : memref<256x1xf32, #tpu.memory_space<vmem>>, vector<256x1xf32>,
    } else {
    }
    return
  }
  func.func @transform_0(%arg0: i32) -> (i32, i32) {
    %c0_i32 = arith.constant 0 : i32
    %c0_i32_0 = arith.constant 0 : i32
    return %arg0, %c0_i32 : i32, i32
  }
  func.func @transform_1(%arg0: i32) -> (i32, i32, i32) {
    %c0_i32 = arith.constant 0 : i32
    %c0_i32_0 = arith.constant 0 : i32
    %c0_i32_1 = arith.constant 0 : i32
    return %arg0, %c0_i32, %c0_i32_0 : i32, i32, i32
  }
  func.func @transform_2(%arg0: i32) -> (i32, i32) {
    %c0_i32 = arith.constant 0 : i32
    %c0_i32_0 = arith.constant 0 : i32
    %c0_i32_1 = arith.constant 0 : i32
    return %c0_i32, %c0_i32_0 : i32, i32
  }
  func.func @transform_3(%arg0: i32) -> (i32, i32) {
    %c0_i32 = arith.constant 0 : i32
    %c0_i32_0 = arith.constant 0 : i32
    %c0_i32_1 = arith.constant 0 : i32
    return %c0_i32, %c0_i32_0 : i32, i32
  }
  func.func @transform_4(%arg0: i32) -> (i32, i32) {
    %c0_i32 = arith.constant 0 : i32
    %c0_i32_0 = arith.constant 0 : i32
    %c0_i32_1 = arith.constant 0 : i32
    return %c0_i32, %c0_i32_0 : i32, i32
  }
  func.func @transform_5(%arg0: i32) -> (i32, i32) {
    %c0_i32 = arith.constant 0 : i32
    %c0_i32_0 = arith.constant 0 : i32
    %c0_i32_1 = arith.constant 0 : i32
    return %c0_i32, %c0_i32_0 : i32, i32
  }
  func.func @transform_6(%arg0: i32) -> (i32, i32) {
    %c0_i32 = arith.constant 0 : i32
    %c0_i32_0 = arith.constant 0 : i32
    %c0_i32_1 = arith.constant 0 : i32
    return %c0_i32, %c0_i32_0 : i32, i32
  }
  func.func @transform_7(%arg0: i32) -> (i32, i32) {
    %c0_i32 = arith.constant 0 : i32
    %c0_i32_0 = arith.constant 0 : i32
    %c0_i32_1 = arith.constant 0 : i32
    return %c0_i32, %c0_i32_0 : i32, i32
  }
}

</mosaic_0001>

<sc_bundles>
// kernel: kernel.12.cloned.1.call-start
scs
__scs_entry_jumppad:
0x0: {  	(pc) =	sbr.rel $0x88, $3  }
0x1: {  	(tag) =	ssettag $0x0;
	lr =	simm.s32 $0x1  }
0x2: {  	[smem:$0x3F8E] =	sst lr;
	_ =	strace $0xD0000000  }
0x3: {  	_ = 	snop  }
0x4: {  	_ = 	snop  }
0x5: {  	_ = 	snop  }
0x6: {  	_ = 	snop  }
0x7: {  	_ = 	snop  }
__scs_overlays_trampoline_lowered:
0x8: {  	[smem:$0x3F9D] =	sst s0  }
0x9: {  	[smem:$0x3F9E] =	sst s1  }
0xa: {  	[smem:$0x3F9F] =	sst s2  }
0xb: {  	[smem:$0x3FA0] =	sst s3  }
0xc: {  	[smem:$0x3FA1] =	sst s4  }
0xd: {  	[smem:$0x3FA2] =	sst s5  }
0xe: {  	[smem:$0x3FA3] =	sst s6  }
0xf: {  	[smem:$0x3FA4] =	sst s7  }
0x10: {  	[smem:$0x3FA5] =	sst s8  }
0x11: {  	[smem:$0x3FA6] =	sst s9;
	s0 =	simm.s32 @!p0 $0x0  }
0x12: {  	s1 =	sld [smem:$0x3F8C];
	s0 =	simm.s32 @p0 $0x1  }
0x13: {  	[smem:$0x3FA7] =	sst s0;
	s0 =	simm.s32 @!p1 $0x0  }
0x14: {  	s2 =	sld [smem:$0x3F8B];
	s0 =	simm.s32 @p1 $0x1  }
0x15: {  	[smem:$0x3FA8] =	sst s0;
	s0 =	simm.s32 @!p2 $0x0  }
0x16: {  	s3 =	sld [smem:$0x3FDB];
	s0 =	simm.s32 @p2 $0x1  }
0x17: {  	s4 =	simm.s32 $0x1BF5;
	[smem:$0x3FAA] =	sst s0  }
0x18: {  	s0 =	sld [smem:$0x3F8D];
	_ =	swait.ge [sflag:s4], $0x0  }
0x19: {  	s7 =	sld [smem:$0x3F8E]  }
0x1a: {  	s8 =	sadd.s32 $0xFFFFE003, lr  }
0x1b: {  	s9 =	sadd.s32 $0xFFFFFEF7, lr;
	s5 =	simm.s32 $0xFFFFFFFF;
	p2 =	slt.u32 s8, $0xFFFFF086  }
0x1c: {  	p1 =	slt.u32 s9, $0xF7A;
	s5 =	simm.s32 @!p2 $0x0  }
0x1d: {  	s5 =	simm.s32 @p1 $0x1;
	p0 =	seq.s32 s7, s2  }
0x1e: {  	s7 =	smul.u32 @!p0 $0xF7A, s2;
	p2 =	seq.s32 @!p0 s5, $0x0  }
0x1f: {  	s9 =	smul.u32 $0xF7A, s1;
	s8 =	simm.s32 @!p0 $0x1BF5;
	p2 =	por !p2, p0  }
0x20: {  	[sflag:s8] =	ssyncset.s32 @!p0 $0xFFFFF086;
	s6 =	sadd.s32 @!p0 s3, s7;
	s7 =	simm.s32 @!p0 $0x108  }
0x21: {  	s3 =	sadd.s32 s3, s9;
	s6 =	sadd.s32 @!p0 $0x88, s6;
	s7 =	simm.s32 @p2 $0x1082  }
0x22: {  	[simem:s7], [sflag:s8] =	dma.local @!p0 [hbm:s6], $0xF7A  }
0x23: {  	s9 =	sor.u32 $0xD0000000, s2;
	s6 =	simm.s32 $0x108;
	_ =	swait.ge @!p0 [sflag:s8], $0x0  }
0x24: {  	s3 =	sadd.s32 $0x88, s3;
	s6 =	simm.s32 @!p1 $0x1082;
	[sflag:s4] =	ssyncset.s32 $0xFFFFF086  }
0x25: {  	[simem:s6], [sflag:s4] =	dma.local [hbm:s3], $0xF7A  }
0x26: {  	[smem:$0x3F8E] =	sst s1;
	(tag) =	ssettag s2;
	_ =	strace s9  }
0x27: {  	s1 =	sld [smem:$0x3F9E]  }
0x28: {  	s2 =	sld [smem:$0x3F9F]  }
0x29: {  	s4 =	sld [smem:$0x3FA1]  }
0x2a: {  	p0 =	seq.s32 s5, $0x0;
	s5 =	sld [smem:$0x3FA2]  }
0x2b: {  	s6 =	sld [smem:$0x3FA3]  }
0x2c: {  	s7 =	sld [smem:$0x3FA4]  }
0x2d: {  	s3 =	simm.s32 $0x108;
	s8 =	sld [smem:$0x3FA5]  }
0x2e: {  	s3 =	simm.s32 @!p0 $0x1082;
	s9 =	sld [smem:$0x3FA6]  }
0x2f: {  	lr =	sadd.s32 s0, s3;
	s0 =	sld [smem:$0x3F9D]  }
0x30: {  	s3 =	sld [smem:$0x3FA0]  }
0x31: {  	[smem:$0x3FA9] =	sst s10  }
0x32: {  	s10 =	sld [smem:$0x3FA7];
	_ =	sdelay $0x3  }
0x33: {  	p0 =	seq.s32 s10, $0x1;
	s10 =	sld [smem:$0x3FA9];
	_ =	sdelay $0x3  }
0x34: {  	[smem:$0x3FA9] =	sst s10  }
0x35: {  	s10 =	sld [smem:$0x3FA8];
	_ =	sdelay $0x3  }
0x36: {  	p1 =	seq.s32 s10, $0x1;
	s10 =	sld [smem:$0x3FA9];
	_ =	sdelay $0x3  }
0x37: {  	[smem:$0x3FA9] =	sst s10  }
0x38: {  	s10 =	sld [smem:$0x3FAA]  }
0x39: {  	_ = 	snop;
	(pc) =	sbr.ind lr, $3  }
0x3a: {  	_ = 	snop  }
0x3b: {  	_ = 	snop  }
0x3c: {  	p2 =	seq.s32 s10, $0x1;
	s10 =	sld [smem:$0x3FA9]  }
0x3d: {  	_ =	shalt  }
0x3e: {  	_ =	shalt  }
0x3f: {  	_ =	shalt  }
0x40: {  	_ =	shalt  }
0x41: {  	_ =	shalt  }
0x42: {  	_ =	shalt  }
0x43: {  	_ =	shalt  }
0x44: {  	_ =	shalt  }
0x45: {  	_ =	shalt  }
0x46: {  	_ =	shalt  }
0x47: {  	_ =	shalt  }
0x48: {  	_ =	shalt  }
0x49: {  	_ =	shalt  }
0x4a: {  	_ =	shalt  }
0x4b: {  	_ =	shalt  }
0x4c: {  	_ =	shalt  }
0x4d: {  	_ =	shalt  }
0x4e: {  	_ =	shalt  }
0x4f: {  	_ =	shalt  }
0x50: {  	_ =	shalt  }
0x51: {  	_ =	shalt  }
0x52: {  	_ =	shalt  }
0x53: {  	_ =	shalt  }
0x54: {  	_ =	shalt  }
0x55: {  	_ =	shalt  }
0x56: {  	_ =	shalt  }
0x57: {  	_ =	shalt  }
0x58: {  	_ =	shalt  }
0x59: {  	_ =	shalt  }
0x5a: {  	_ =	shalt  }
0x5b: {  	_ =	shalt  }
0x5c: {  	_ =	shalt  }
0x5d: {  	_ =	shalt  }
0x5e: {  	_ =	shalt  }
0x5f: {  	_ =	shalt  }
0x60: {  	_ =	shalt  }
0x61: {  	_ =	shalt  }
0x62: {  	_ =	shalt  }
0x63: {  	_ =	shalt  }
0x64: {  	_ =	shalt  }
0x65: {  	_ =	shalt  }
0x66: {  	_ =	shalt  }
0x67: {  	_ =	shalt  }
0x68: {  	_ =	shalt  }
0x69: {  	_ =	shalt  }
0x6a: {  	_ =	shalt  }
0x6b: {  	_ =	shalt  }
0x6c: {  	_ =	shalt  }
0x6d: {  	_ =	shalt  }
0x6e: {  	_ =	shalt  }
0x6f: {  	_ =	shalt  }
0x70: {  	_ =	shalt  }
0x71: {  	_ =	shalt  }
0x72: {  	_ =	shalt  }
0x73: {  	_ =	shalt  }
0x74: {  	_ =	shalt  }
0x75: {  	_ =	shalt  }
0x76: {  	_ =	shalt  }
0x77: {  	_ =	shalt  }
0x78: {  	_ =	shalt  }
0x79: {  	_ =	shalt  }
0x7a: {  	_ =	shalt  }
0x7b: {  	_ =	shalt  }
0x7c: {  	_ =	shalt  }
0x7d: {  	_ =	shalt  }
0x7e: {  	_ =	shalt  }
0x7f: {  	_ =	shalt  }
0x80: {  	_ =	shalt  }
0x81: {  	_ =	shalt  }
0x82: {  	_ =	shalt  }
0x83: {  	_ =	shalt  }
0x84: {  	_ =	shalt  }
0x85: {  	_ =	shalt  }
0x86: {  	_ =	shalt  }
0x87: {  	_ =	shalt  }
.Lfunc_end0:
.L_simem_size_0:
called_computation_lowered:
.L_overlay_start_0:
0x88: {  	s2 =	sld [smem:$0x3FD9]  }
0x89: {  	s3 =	sld [smem:$0x3FFE];
	_ =	sdelay $0x1  }
0x8a: {  	s1 =	srdreg.scid  }
0x8b: {  	s0 =	sand.u32 $0x1, s1  }
0x8c: {  	s17 =	sshll.u32 s0, $0xA;
	s2 =	sadd.s32 s3, s2  }
0x8d: {  	s2 =	sadd.s32 s2, s17  }
0x8e: {  	[smem:$0x3FB5] =	sst s2  }
0x8f: {  	_ = 	snop  }
0x90: {  	(tm) =	ssettm $0x1  }
0x91: {  	s18 =	sld [smem:$0x3FFB];
	_ =	sdelay $0x3  }
0x92: {  	_ =	strace s18  }
0x93: {  	s2 =	sld [smem:$0x3FFC];
	_ =	sdelay $0x3  }
0x94: {  	_ =	strace s2  }
0x95: {  	s2 =	sld [smem:$0x3FFD];
	_ =	sdelay $0x3  }
0x96: {  	_ =	strace s2  }
0x97: {  	_ =	strace $0x8FFFFFFF  }
0x98: {  	s19 =	sld [smem:$0x3FDB];
	_ =	sdelay $0x1  }
0x99: {  	s20 =	simm.s32 $_scs_section_size  }
0x9a: {  	s4 =	simm.s32 $_size__tile_overlayer_lowered;
	s5 =	simm.s32 $_tile_overlayer_lowered  }
0x9b: {  	s6 =	simm.s32 $0x1BFF;
	s21 =	sshll.u32 s5, $0x1;
	s3 =	sadd.s32 s20, s19  }
0x9c: {  	s22 =	simm.s32 $0x0;
	s4 =	sshll.u32 s4, $0x1;
	s5 =	sadd.s32 s21, s3  }
0x9d: {  	[timem:s22], [sflag:s6] =	dma.local [hbm:s5], s4  }
0x9e: {  	_ =	swait.ge [sflag:s6], s4  }
0x9f: {  	s4 =	ssub.s32 $0x0, s4;
	[sflag:s6] =	ssyncset.done $0x0  }
0xa0: {  	[sflag:s6] =	ssyncadd.s32 s4;
	_ =	sdelay $0x1  }
0xa1: {  	s23 =	simm.s32 $0x1B8B  }
0xa2: {  	_ =	swait.ge [sflag:s23], $0x1  }
0xa3: {  	[sflag:s23] =	ssyncset.done $0x0  }
0xa4: {  	[sflag:s23] =	ssyncadd.s32 $0xFFFFFFFF  }
0xa5: {  	s4 =	sld [smem:$0x0]  }
0xa6: {  	s5 =	sand.u32 $0xFFFFFFFE, s1  }
0xa7: {  	p0 =	sne.s32 s1, s5  }
0xa8: {  	s5 =	sshll.u32 @p0 s5, $0xE  }
0xa9: {  	s5 =	sadd.s32 @p0 $0x11B8D, s5;
	s6 =	sshll.u32 @p0 s4, $0x11  }
0xaa: {  	s5 =	sor.u32 @p0 s6, s5  }
0xab: {  	[sflag:s5] =	ssyncadd.remote.s32 @p0 $0x1;
	_ =	sdelay $0x1  }
0xac: {  	s5 =	simm.s32 @p0 $0x1B8D  }
0xad: {  	_ =	swait.eq @p0 [sflag:s5], $0x1  }
0xae: {  	[sflag:s5] =	ssyncadd.s32 @p0 $0xFFFFFFFF  }
0xaf: {  	s6 =	sshll.u32 @!p0 s1, $0xE  }
0xb0: {  	s6 =	sor.u32 @!p0 $0x4000, s6;
	s5 =	simm.s32 @!p0 $0x1B8D  }
0xb1: {  	s4 =	sshll.u32 @!p0 s4, $0x11;
	s6 =	sadd.s32 @!p0 $0x11B8D, s6;
	_ =	swait.eq @!p0 [sflag:s5], $0x1  }
0xb2: {  	s4 =	sor.u32 @!p0 s4, s6;
	[sflag:s5] =	ssyncadd.s32 @!p0 $0xFFFFFFFF  }
0xb3: {  	s25 =	simm.s32 $0x1B8E;
	s24 =	sld [smem:$0x3FFE];
	[sflag:s4] =	ssyncadd.remote.s32 @!p0 $0x1  }
0xb4: {  	s26 =	simm.s32 $execute0_lowered;
	[smem:$0x3FD2] =	sst s25  }
0xb5: {  	s5 =	sshll.u32 s26, $0x1;
	_ =	strace $0x80000049;
	[dreg:$0x1] =	wrdreg $0xFFFFFFFF  }
0xb6: {  	s28 =	simm.s32 $_size_execute0_lowered;
	s3 =	sadd.s32 s3, s5;
	[dreg:$0x0] =	wrdreg $0x0  }
0xb7: {  	s5 =	sshll.u32 s28, $0x1;
	[dreg:$0x2] =	wrdreg s3  }
0xb8: {  	[dreg:$0x3] =	wrdreg s5  }
0xb9: {  	[dreg:$0x4] =	wrdreg $0xC0  }
0xba: {  	_ =	task [dreg:s22], $0x5FFFF  }
0xbb: {  	[dreg:$0x1] =	wrdreg $0xFFFFFFFF  }
0xbc: {  	[dreg:$0x0] =	wrdreg $0x60  }
0xbd: {  	[dreg:$0x2] =	wrdreg s24  }
0xbe: {  	[dreg:$0x3] =	wrdreg $0x10800  }
0xbf: {  	[dreg:$0x4] =	wrdreg $0x9  }
0xc0: {  	_ =	task.clear_ibuf [dreg:s22], $0x5FFFF;
	_ =	strace $0x90000049  }
0xc1: {  	s29 =	simm.s32 $0x9;
	_ =	strace $0x8000004B  }
0xc2: {  	_ =	swait.ge [sflag:s29], $0x1  }
0xc3: {  	[sflag:s29] =	ssyncadd.s32 $0xFFFFFFFF  }
0xc4: {  	_ =	strace $0x9000004B  }
0xc5: {  	_ =	sfence  }
0xc6: {  	s30 =	sld [smem:$0x0];
	_ =	sdelay $0x2  }
0xc7: {  	s31 =	sshll.u32 s1, $0xD;
	s1 =	sshrl.u32 s1, $0x2  }
0xc8: {  	s4 =	sand.u32 $0x4000, s31;
	s1 =	sadd.s32 s1, s30  }
0xc9: {  	s0 =	sor.u32 s4, s0;
	s1 =	sshll.u32 s1, $0x11  }
0xca: {  	s0 =	sor.u32 s1, s0  }
0xcb: {  	s0 =	sadd.s32 $0x8F2B, s0  }
0xcc: {  	[sflag:s0] =	ssyncadd.remote.s32 $0x1  }
0xcd: {  	_ =	sfence.sel $0xFFFF  }
0xce: {  	[dreg:$0x0] =	wrdreg $0xFFFFFFFF;
	(pc) =	sbr.abs _section_cstart, $3  }
0xcf: {  	[dreg:$0x1] =	wrdreg $0xFFFFFFFF  }
0xd0: {  	_ =	task.clear_ibuf [dreg:s22], $0x2FFFF;
	_ =	strace $0x9FFFFFFF  }
0xd1: {  	(tm) =	ssettm $0x7FFFFFFF  }
tec
execute0_lowered:
.L_overlay_start_1:
0x0: {  	(tag) =	ssettag $0x1  }
0x1: {  	s0 =	srdreg.scid;
	s5 =	rddreg [dreg:$0x0]  }
0x2: {  	s2 =	rddreg [dreg:$0x1];
	s6 =	sand.u32 $0x1, s0  }
0x3: {  	s0 =	stileid.u32;
	s4 =	smul.u32 $0x62000, s6  }
0x4: {  	s1 =	rddreg [dreg:$0x2];
	s7 =	smul.u32 $0x6200, s0  }
0x5: {  	s3 =	simm.s32 $0x0;
	s15 =	simm.s32 $0x0;
	s26 =	smul.u32 $0x30E0, s0  }
0x6: {  	[smem:$0x7FF] =	sst s3;
	s10 =	sadd.s32 $0x283200, s5;
	s8 =	smul.u32 $0x61C00, s0  }
0x7: {  	_ =	strace $0x8000004A;
	s28 =	ssub.s32 $0x2, s6;
	s11 =	smul.u32 $0x186A00, s6  }
0x8: {  	s6 =	smul.u32 $0x30D40, s6;
	s30 =	sshll.u32 s0, $0x6;
	p0 =	seq.s32 s0, $0xF  }
0x9: {  	s12 =	sshrl.u32 s28, $0x1;
	s4 =	sadd.s32 s7, s4;
	s8 =	sshrl.u32 s8, $0x2  }
0xa: {  	s12 =	ssub.s32 s28, s12;
	s29 =	sshrl.u32 s11, $0x3;
	s6 =	sadd.s32 s26, s6  }
0xb: {  	s11 =	simm.s32 $0x1;
	s4 =	sshrl.u32 s4, $0x3;
	s14 =	sadd.s32 s8, s2  }
0xc: {  	s31 =	sadd.s32 s10, s29;
	s6 =	sadd.s32 s10, s6;
	s8 =	smax.u32 s12, $0x1  }
0xd: {  	s12 =	simm.s32 $0x80;
	s9 =	sadd.s32 s4, s5;
	s4 =	sadd.s32 $0x21E400, s5  }
0xe: {  	s5 =	sor.u32 $0x1C01, s30;
	s7 =	sadd.s32 $0x2DD20, s31;
	s10 =	sshrl.u32 s14, $0x3  }
0xf: {  	v0 =	vimm.f32 $1.000000000e+00;
	s13 =	sshrl.u32 @p0 s14, $0x3;
	s14 =	sshrl.u32 @!p0 s14, $0x3;
	s9 =	sadd.s32 $0x1ED400, s9  }
.LBB2_1:
0x10: {  	[spmem:s10], [sflag:s5] =	dma.local [hbm:s4], $0x30E0  }
0x11: {  	_ =	swait.ge [sflag:s11], $0x30E0  }
0x12: {  	[sflag:s11] =	ssyncset.done $0x0  }
0x13: {  	s16 =	simm.s32 $0x80;
	s17 =	simm.s32 $0x0;
	[sflag:s11] =	ssyncadd.s32 $0xFFFFCF20  }
.LBB2_2:
0x14: {  	p1 =	sne.s32 s16, $0x3F80;
	[tilespmem:s17+$0x80] =	vst v0;
	s18 =	smov.u32 s16;
	s16 =	sadd.s32 $0x80, s16  }
.Ltmp0:
0x15: {  	[tilespmem:s17+$0x90] =	vst v0;
	(pc) =	sbr.rel @p1 .LBB2_2-.Ltmp0, $2  }
0x16: {  	_ =	sdelay $0x2  }
0x17: {  	s17 =	sshra.s32 s18, $0x2  }
0x18: {  	[tilespmem:s17+$0x80] =	vst v0  }
0x19: {  	[tilespmem:s17+$0x90] =	vst v0  }
0x1a: {  	s16 =	sadd.s32 $0x0, s9;
	[bflag:$0x0] =	sbarrier.arrive $0xFFFF  }
0x1b: {  	[tilespmem:s3], [sflag:$0x1] =	stream.linear.gather [hbm4b:s16+s3], $0x80, $0x38;
	[tilespmem:$0x19780] =	vst v63  }
0x1c: {  	_ =	swait.ge [sflag:s11], $0x80  }
0x1d: {  	[sflag:s11] =	ssyncset.done $0x0  }
0x1e: {  	[sflag:s11] =	ssyncadd.s32 $0xFFFFFF80  }
0x1f: {  	[spmem:s2] =	stream.indirect.scatter.add.f32 [tilespmem:s12], [sflag:$0x1], $0x20, s3, s12, $0xb8;
	[tilespmem:$0x19780] =	vst v63  }
0x20: {  	_ =	swait.ge [sflag:s11], $0x1000  }
0x21: {  	s17 =	simm.s32 $0x20;
	s16 =	simm.s32 $0x10;
	[sflag:s11] =	ssyncset.done $0x0  }
.LBB2_4:
0x22: {  	s18 =	sadd.s32 s16, s9  }
0x23: {  	[sflag:s11] =	ssyncadd.s32 $0xFFFFF000;
	s16 =	smov.u32 s17;
	s19 =	sadd.s32 $0x10, s17  }
0x24: {  	[tilespmem:s3], [sflag:$0x1] =	stream.linear.gather [hbm4b:s18+s3], $0x80, $0x38;
	[tilespmem:$0x19780] =	vst v63  }
0x25: {  	p1 =	sne.s32 s17, $0xC30;
	_ =	swait.ge [sflag:s11], $0x80  }
.Ltmp1:
0x26: {  	[sflag:s11] =	ssyncset.done $0x0;
	(pc) =	sbr.rel @p1 .LBB2_4-.Ltmp1, $4  }
0x27: {  	[sflag:s11] =	ssyncadd.s32 $0xFFFFFF80  }
0x28: {  	[spmem:s2] =	stream.indirect.scatter.add.f32 [tilespmem:s12], [sflag:$0x1], $0x20, s3, s12, $0xb8;
	[tilespmem:$0x19780] =	vst v63  }
0x29: {  	_ =	swait.ge [sflag:s11], $0x1000  }
0x2a: {  	s17 =	smov.u32 s19;
	[sflag:s11] =	ssyncset.done $0x0  }
0x2b: {  	s16 =	sadd.s32 s16, s9;
	[sflag:s11] =	ssyncadd.s32 $0xFFFFF000  }
0x2c: {  	[tilespmem:s3], [sflag:$0x1] =	stream.linear.gather [hbm4b:s16+s3], $0x80, $0x38;
	[tilespmem:$0x19780] =	vst v63  }
0x2d: {  	_ =	swait.ge [sflag:s11], $0x80  }
0x2e: {  	[sflag:s11] =	ssyncset.done $0x0  }
0x2f: {  	[sflag:s11] =	ssyncadd.s32 $0xFFFFFF80  }
0x30: {  	[spmem:s2] =	stream.indirect.scatter.add.f32 [tilespmem:s12], [sflag:$0x1], $0x20, s3, s12, $0xb8;
	[tilespmem:$0x19780] =	vst v63  }
0x31: {  	_ =	swait.ge [sflag:s11], $0x1000  }
0x32: {  	[sflag:s11] =	ssyncset.done $0x0  }
0x33: {  	[sflag:s11] =	ssyncadd.s32 $0xFFFFF000  }
0x34: {  	s16 =	simm.s32 @p0 $0x1;
	[bflag:$0x0] =	sbarrier.arrive $0xFFFF  }
0x35: {  	[hbm:s7], [sflag:s5] =	dma.local @p0 [spmem:s13], $0x3020  }
0x36: {  	s15 =	sadd.s32 $0x1, s15;
	_ =	swait.ge @p0 [sflag:s16], $0x3020  }
0x37: {  	p1 =	sne.s32 s15, s8;
	[sflag:s16] =	ssyncset.done @p0 $0x0  }
.Ltmp2:
0x38: {  	[sflag:s16] =	ssyncadd.s32 @p0 $0xFFFFCFE0;
	s16 =	simm.s32 @!p0 $0x1;
	(pc) =	sbr.rel @p1 .LBB2_1-.Ltmp2, $4  }
0x39: {  	[hbm:s6], [sflag:s5] =	dma.local @!p0 [spmem:s14], $0x30E0  }
0x3a: {  	_ =	swait.ge @!p0 [sflag:s16], $0x30E0  }
0x3b: {  	[sflag:s16] =	ssyncset.done @!p0 $0x0  }
0x3c: {  	[sflag:s16] =	ssyncadd.s32 @!p0 $0xFFFFCF20  }
0x3d: {  	_ =	sfence.sel $0x180000  }
0x3e: {  	[bflag:$0x0] =	sbarrier.arrive $0xFFFF  }
0x3f: {  	p0 =	sne.s32 s0, $0x0;
	_ =	strace $0x9000004A  }
0x40: {  	s0 =	sadd.s32 @!p0 $0x100000, s1;
	[bflag:$0x2] =	sbarrier.arrive $0xFFFF  }
0x41: {  	[sflag:s0] =	ssyncadd.tile.s32 @!p0 $0x1;
	_ =	shalt  }
.Lfunc_end2:
_tile_overlayer_lowered:
.L_overlay_start_2:
0x42: {  	(tag) =	ssettag $0x2  }
0x43: {  	s0 =	rddreg [dreg:$0x0];
	s2 =	stileid.u32  }
0x44: {  	s1 =	rddreg [dreg:$0x1];
	p0 =	sne.s32 s2, $0x0  }
0x45: {  	s3 =	rddreg [dreg:$0x2];
	[bflag:$0x3] =	sbarrier.arrive $0xFFFF;
	s2 =	simm.s32 @!p0 $0x1C01  }
0x46: {  	[timem:s3], [sflag:s2] =	dma.local @!p0 [hbm:s0], s1  }
0x47: {  	s0 =	simm.s32 @!p0 $0x1  }
0x48: {  	_ =	swait.ge @!p0 [sflag:s0], s1  }
0x49: {  	s1 =	ssub.s32 @!p0 $0x0, s1;
	[sflag:s0] =	ssyncset.done @!p0 $0x0  }
0x4a: {  	[sflag:s0] =	ssyncadd.s32 @!p0 s1  }
0x4b: {  	[bflag:$0x3] =	sbarrier.arrive $0xFFFF  }
0x4c: {  	_ =	shalt  }

// kernel: kernel.15.cloned.1.call-start
scs
__scs_entry_jumppad:
0x0: {  	(pc) =	sbr.rel $0x88, $3  }
0x1: {  	(tag) =	ssettag $0x0;
	lr =	simm.s32 $0x1  }
0x2: {  	[smem:$0x3F8E] =	sst lr;
	_ =	strace $0xD0000000  }
0x3: {  	_ = 	snop  }
0x4: {  	_ = 	snop  }
0x5: {  	_ = 	snop  }
0x6: {  	_ = 	snop  }
0x7: {  	_ = 	snop  }
__scs_overlays_trampoline_lowered:
0x8: {  	[smem:$0x3F9D] =	sst s0  }
0x9: {  	[smem:$0x3F9E] =	sst s1  }
0xa: {  	[smem:$0x3F9F] =	sst s2  }
0xb: {  	[smem:$0x3FA0] =	sst s3  }
0xc: {  	[smem:$0x3FA1] =	sst s4  }
0xd: {  	[smem:$0x3FA2] =	sst s5  }
0xe: {  	[smem:$0x3FA3] =	sst s6  }
0xf: {  	[smem:$0x3FA4] =	sst s7  }
0x10: {  	[smem:$0x3FA5] =	sst s8  }
0x11: {  	[smem:$0x3FA6] =	sst s9;
	s0 =	simm.s32 @!p0 $0x0  }
0x12: {  	s1 =	sld [smem:$0x3F8C];
	s0 =	simm.s32 @p0 $0x1  }
0x13: {  	[smem:$0x3FA7] =	sst s0;
	s0 =	simm.s32 @!p1 $0x0  }
0x14: {  	s2 =	sld [smem:$0x3F8B];
	s0 =	simm.s32 @p1 $0x1  }
0x15: {  	[smem:$0x3FA8] =	sst s0;
	s0 =	simm.s32 @!p2 $0x0  }
0x16: {  	s3 =	sld [smem:$0x3FDB];
	s0 =	simm.s32 @p2 $0x1  }
0x17: {  	s4 =	simm.s32 $0x1BF5;
	[smem:$0x3FAA] =	sst s0  }
0x18: {  	s0 =	sld [smem:$0x3F8D];
	_ =	swait.ge [sflag:s4], $0x0  }
0x19: {  	s7 =	sld [smem:$0x3F8E]  }
0x1a: {  	s8 =	sadd.s32 $0xFFFFE003, lr  }
0x1b: {  	s9 =	sadd.s32 $0xFFFFFEF7, lr;
	s5 =	simm.s32 $0xFFFFFFFF;
	p2 =	slt.u32 s8, $0xFFFFF086  }
0x1c: {  	p1 =	slt.u32 s9, $0xF7A;
	s5 =	simm.s32 @!p2 $0x0  }
0x1d: {  	s5 =	simm.s32 @p1 $0x1;
	p0 =	seq.s32 s7, s2  }
0x1e: {  	s7 =	smul.u32 @!p0 $0xF7A, s2;
	p2 =	seq.s32 @!p0 s5, $0x0  }
0x1f: {  	s9 =	smul.u32 $0xF7A, s1;
	s8 =	simm.s32 @!p0 $0x1BF5;
	p2 =	por !p2, p0  }
0x20: {  	[sflag:s8] =	ssyncset.s32 @!p0 $0xFFFFF086;
	s6 =	sadd.s32 @!p0 s3, s7;
	s7 =	simm.s32 @!p0 $0x108  }
0x21: {  	s3 =	sadd.s32 s3, s9;
	s6 =	sadd.s32 @!p0 $0x88, s6;
	s7 =	simm.s32 @p2 $0x1082  }
0x22: {  	[simem:s7], [sflag:s8] =	dma.local @!p0 [hbm:s6], $0xF7A  }
0x23: {  	s9 =	sor.u32 $0xD0000000, s2;
	s6 =	simm.s32 $0x108;
	_ =	swait.ge @!p0 [sflag:s8], $0x0  }
0x24: {  	s3 =	sadd.s32 $0x88, s3;
	s6 =	simm.s32 @!p1 $0x1082;
	[sflag:s4] =	ssyncset.s32 $0xFFFFF086  }
0x25: {  	[simem:s6], [sflag:s4] =	dma.local [hbm:s3], $0xF7A  }
0x26: {  	[smem:$0x3F8E] =	sst s1;
	(tag) =	ssettag s2;
	_ =	strace s9  }
0x27: {  	s1 =	sld [smem:$0x3F9E]  }
0x28: {  	s2 =	sld [smem:$0x3F9F]  }
0x29: {  	s4 =	sld [smem:$0x3FA1]  }
0x2a: {  	p0 =	seq.s32 s5, $0x0;
	s5 =	sld [smem:$0x3FA2]  }
0x2b: {  	s6 =	sld [smem:$0x3FA3]  }
0x2c: {  	s7 =	sld [smem:$0x3FA4]  }
0x2d: {  	s3 =	simm.s32 $0x108;
	s8 =	sld [smem:$0x3FA5]  }
0x2e: {  	s3 =	simm.s32 @!p0 $0x1082;
	s9 =	sld [smem:$0x3FA6]  }
0x2f: {  	lr =	sadd.s32 s0, s3;
	s0 =	sld [smem:$0x3F9D]  }
0x30: {  	s3 =	sld [smem:$0x3FA0]  }
0x31: {  	[smem:$0x3FA9] =	sst s10  }
0x32: {  	s10 =	sld [smem:$0x3FA7];
	_ =	sdelay $0x3  }
0x33: {  	p0 =	seq.s32 s10, $0x1;
	s10 =	sld [smem:$0x3FA9];
	_ =	sdelay $0x3  }
0x34: {  	[smem:$0x3FA9] =	sst s10  }
0x35: {  	s10 =	sld [smem:$0x3FA8];
	_ =	sdelay $0x3  }
0x36: {  	p1 =	seq.s32 s10, $0x1;
	s10 =	sld [smem:$0x3FA9];
	_ =	sdelay $0x3  }
0x37: {  	[smem:$0x3FA9] =	sst s10  }
0x38: {  	s10 =	sld [smem:$0x3FAA]  }
0x39: {  	_ = 	snop;
	(pc) =	sbr.ind lr, $3  }
0x3a: {  	_ = 	snop  }
0x3b: {  	_ = 	snop  }
0x3c: {  	p2 =	seq.s32 s10, $0x1;
	s10 =	sld [smem:$0x3FA9]  }
0x3d: {  	_ =	shalt  }
0x3e: {  	_ =	shalt  }
0x3f: {  	_ =	shalt  }
0x40: {  	_ =	shalt  }
0x41: {  	_ =	shalt  }
0x42: {  	_ =	shalt  }
0x43: {  	_ =	shalt  }
0x44: {  	_ =	shalt  }
0x45: {  	_ =	shalt  }
0x46: {  	_ =	shalt  }
0x47: {  	_ =	shalt  }
0x48: {  	_ =	shalt  }
0x49: {  	_ =	shalt  }
0x4a: {  	_ =	shalt  }
0x4b: {  	_ =	shalt  }
0x4c: {  	_ =	shalt  }
0x4d: {  	_ =	shalt  }
0x4e: {  	_ =	shalt  }
0x4f: {  	_ =	shalt  }
0x50: {  	_ =	shalt  }
0x51: {  	_ =	shalt  }
0x52: {  	_ =	shalt  }
0x53: {  	_ =	shalt  }
0x54: {  	_ =	shalt  }
0x55: {  	_ =	shalt  }
0x56: {  	_ =	shalt  }
0x57: {  	_ =	shalt  }
0x58: {  	_ =	shalt  }
0x59: {  	_ =	shalt  }
0x5a: {  	_ =	shalt  }
0x5b: {  	_ =	shalt  }
0x5c: {  	_ =	shalt  }
0x5d: {  	_ =	shalt  }
0x5e: {  	_ =	shalt  }
0x5f: {  	_ =	shalt  }
0x60: {  	_ =	shalt  }
0x61: {  	_ =	shalt  }
0x62: {  	_ =	shalt  }
0x63: {  	_ =	shalt  }
0x64: {  	_ =	shalt  }
0x65: {  	_ =	shalt  }
0x66: {  	_ =	shalt  }
0x67: {  	_ =	shalt  }
0x68: {  	_ =	shalt  }
0x69: {  	_ =	shalt  }
0x6a: {  	_ =	shalt  }
0x6b: {  	_ =	shalt  }
0x6c: {  	_ =	shalt  }
0x6d: {  	_ =	shalt  }
0x6e: {  	_ =	shalt  }
0x6f: {  	_ =	shalt  }
0x70: {  	_ =	shalt  }
0x71: {  	_ =	shalt  }
0x72: {  	_ =	shalt  }
0x73: {  	_ =	shalt  }
0x74: {  	_ =	shalt  }
0x75: {  	_ =	shalt  }
0x76: {  	_ =	shalt  }
0x77: {  	_ =	shalt  }
0x78: {  	_ =	shalt  }
0x79: {  	_ =	shalt  }
0x7a: {  	_ =	shalt  }
0x7b: {  	_ =	shalt  }
0x7c: {  	_ =	shalt  }
0x7d: {  	_ =	shalt  }
0x7e: {  	_ =	shalt  }
0x7f: {  	_ =	shalt  }
0x80: {  	_ =	shalt  }
0x81: {  	_ =	shalt  }
0x82: {  	_ =	shalt  }
0x83: {  	_ =	shalt  }
0x84: {  	_ =	shalt  }
0x85: {  	_ =	shalt  }
0x86: {  	_ =	shalt  }
0x87: {  	_ =	shalt  }
.Lfunc_end0:
.L_simem_size_0:
called_computation.1_lowered:
.L_overlay_start_0:
0x88: {  	s2 =	sld [smem:$0x3FD9]  }
0x89: {  	s3 =	sld [smem:$0x3FFE];
	_ =	sdelay $0x1  }
0x8a: {  	s1 =	srdreg.scid  }
0x8b: {  	s0 =	sand.u32 $0x1, s1  }
0x8c: {  	s16 =	sshll.u32 s0, $0xA;
	s2 =	sadd.s32 s3, s2  }
0x8d: {  	s2 =	sadd.s32 s2, s16  }
0x8e: {  	[smem:$0x3FB5] =	sst s2  }
0x8f: {  	_ = 	snop  }
0x90: {  	(tm) =	ssettm $0x1  }
0x91: {  	s17 =	sld [smem:$0x3FFB];
	_ =	sdelay $0x3  }
0x92: {  	_ =	strace s17  }
0x93: {  	s2 =	sld [smem:$0x3FFC];
	_ =	sdelay $0x3  }
0x94: {  	_ =	strace s2  }
0x95: {  	s2 =	sld [smem:$0x3FFD];
	_ =	sdelay $0x3  }
0x96: {  	_ =	strace s2  }
0x97: {  	_ =	strace $0x8FFFFFFF  }
0x98: {  	s18 =	sld [smem:$0x3FDB];
	_ =	sdelay $0x1  }
0x99: {  	s19 =	simm.s32 $_scs_section_size  }
0x9a: {  	s4 =	simm.s32 $_size__tile_overlayer_lowered;
	s5 =	simm.s32 $_tile_overlayer_lowered  }
0x9b: {  	s22 =	simm.s32 $0x1BFF;
	s21 =	sshll.u32 s5, $0x1;
	s2 =	sadd.s32 s19, s18  }
0x9c: {  	s6 =	simm.s32 $0x0;
	s20 =	sshll.u32 s4, $0x1;
	s4 =	sadd.s32 s21, s2  }
0x9d: {  	[timem:s6], [sflag:s22] =	dma.local [hbm:s4], s20  }
0x9e: {  	_ =	swait.ge [sflag:s22], s20  }
0x9f: {  	s3 =	ssub.s32 $0x0, s20;
	[sflag:s22] =	ssyncset.done $0x0  }
0xa0: {  	[sflag:s22] =	ssyncadd.s32 s3;
	_ =	sdelay $0x1  }
0xa1: {  	s23 =	simm.s32 $0x1B8B  }
0xa2: {  	_ =	swait.ge [sflag:s23], $0x1  }
0xa3: {  	[sflag:s23] =	ssyncset.done $0x0  }
0xa4: {  	s25 =	simm.s32 $0x1B8E;
	s24 =	sld [smem:$0x3FFE];
	[sflag:s23] =	ssyncadd.s32 $0xFFFFFFFF  }
0xa5: {  	s26 =	simm.s32 $execute0_lowered;
	[smem:$0x3FD2] =	sst s25  }
0xa6: {  	s4 =	sshll.u32 s26, $0x1;
	_ =	strace $0x80000046;
	[dreg:$0x1] =	wrdreg $0xFFFFFFFF  }
0xa7: {  	s28 =	simm.s32 $_size_execute0_lowered;
	s2 =	sadd.s32 s2, s4;
	[dreg:$0x0] =	wrdreg $0x0  }
0xa8: {  	s4 =	sshll.u32 s28, $0x1;
	[dreg:$0x2] =	wrdreg s2  }
0xa9: {  	[dreg:$0x3] =	wrdreg s4  }
0xaa: {  	[dreg:$0x4] =	wrdreg $0xC0  }
0xab: {  	_ =	task [dreg:s6], $0x5FFFF  }
0xac: {  	[dreg:$0x1] =	wrdreg $0xFFFFFFFF  }
0xad: {  	[dreg:$0x0] =	wrdreg $0x60  }
0xae: {  	[dreg:$0x2] =	wrdreg s24  }
0xaf: {  	[dreg:$0x3] =	wrdreg $0x50000  }
0xb0: {  	[dreg:$0x4] =	wrdreg $0xA  }
0xb1: {  	_ =	task.clear_ibuf [dreg:s6], $0x5FFFF;
	_ =	strace $0x90000046  }
0xb2: {  	s29 =	simm.s32 $0xA;
	_ =	strace $0x80000048  }
0xb3: {  	_ =	swait.ge [sflag:s29], $0x1  }
0xb4: {  	[sflag:s29] =	ssyncadd.s32 $0xFFFFFFFF  }
0xb5: {  	_ =	strace $0x90000048  }
0xb6: {  	_ =	sfence  }
0xb7: {  	s30 =	sld [smem:$0x0];
	_ =	sdelay $0x2  }
0xb8: {  	s31 =	sshll.u32 s1, $0xD;
	s1 =	sshrl.u32 s1, $0x2  }
0xb9: {  	s3 =	sand.u32 $0x4000, s31;
	s1 =	sadd.s32 s1, s30  }
0xba: {  	s0 =	sor.u32 s3, s0;
	s1 =	sshll.u32 s1, $0x11  }
0xbb: {  	s0 =	sor.u32 s1, s0  }
0xbc: {  	s0 =	sadd.s32 $0x8F2B, s0  }
0xbd: {  	[sflag:s0] =	ssyncadd.remote.s32 $0x1  }
0xbe: {  	_ =	sfence.sel $0xFFFF  }
0xbf: {  	[dreg:$0x0] =	wrdreg $0xFFFFFFFF;
	(pc) =	sbr.abs _section_cstart, $3  }
0xc0: {  	[dreg:$0x1] =	wrdreg $0xFFFFFFFF  }
0xc1: {  	_ =	task.clear_ibuf [dreg:s6], $0x2FFFF;
	_ =	strace $0x9FFFFFFF  }
0xc2: {  	(tm) =	ssettm $0x7FFFFFFF  }
0xc3: {  	_ =	shalt  }
tec
execute0_lowered:
.L_overlay_start_1:
0x0: {  	(tag) =	ssettag $0x1  }
0x1: {  	s0 =	rddreg [dreg:$0x0]  }
0x2: {  	s1 =	rddreg [dreg:$0x1]  }
0x3: {  	s2 =	simm.s32 $0x0;
	s3 =	srdreg.scid;
	s28 =	simm.s32 $0x3000  }
0x4: {  	s29 =	simm.s32 $0x2000;
	s30 =	simm.s32 $0x3800;
	s14 =	sadd.s32 $0x205C00, s0  }
0x5: {  	s15 =	stileid.u32;
	s16 =	sadd.s32 $0x1ED400, s0;
	s6 =	sadd.s32 $0x18B800, s0  }
0x6: {  	s31 =	simm.s32 $0x1;
	s7 =	sadd.s32 $0x143CC00, s0;
	s18 =	smul.u32 $0x61C00, s15  }
0x7: {  	[smem:$0x7FF] =	sst s2;
	s4 =	sadd.s32 $0x21E400, s0;
	s10 =	smul.u32 $0xC38, s15  }
0x8: {  	s3 =	sand.u32 $0x1, s3;
	s0 =	sadd.s32 $0x221600, s0;
	s5 =	smul.u32 $0xC400, s15  }
0x9: {  	s19 =	sshll.u32 s15, $0x6;
	s13 =	smul.u32 $0x62000, s15;
	p0 =	seq.s32 s15, $0xF  }
0xa: {  	_ =	strace $0x80000047;
	[dreg:$0x3] =	wrdreg s4;
	s12 =	smul.u32 $0xC350, s3  }
0xb: {  	s8 =	ssub.s32 $0x2, s3;
	s22 =	smul.u32 $0x186A00, s3;
	s9 =	smov.u32 s16  }
0xc: {  	s25 =	sshll.u32 s3, $0x5;
	s11 =	sshrl.u32 s8, $0x1;
	s4 =	sshrl.u32 s18, $0x2  }
0xd: {  	[dreg:$0x4] =	wrdreg s5;
	s20 =	sshrl.u32 s5, $0x3;
	s18 =	sor.u32 $0x1C05, s19  }
0xe: {  	s5 =	smov.u32 s14;
	s23 =	sadd.s32 s7, s13;
	s13 =	simm.s32 $0x0  }
0xf: {  	s8 =	ssub.s32 s8, s11;
	s17 =	sadd.s32 s4, s1;
	[dreg:$0x9] =	wrdreg s23  }
0x10: {  	s21 =	sadd.s32 s14, s20;
	s11 =	sadd.s32 s16, s20;
	[dreg:$0x6] =	wrdreg s18  }
0x11: {  	s10 =	sadd.s32 s10, s12;
	s4 =	sshrl.u32 s22, $0x3;
	[dreg:$0x7] =	wrdreg s21  }
0x12: {  	s16 =	smul.u32 $0x310000, s15;
	[dreg:$0x8] =	wrdreg s11;
	s11 =	sadd.s32 $0x200, s23  }
0x13: {  	s10 =	sshll.u32 s10, $0x2;
	s24 =	smax.u32 s8, $0x1;
	s21 =	sor.u32 $0x2100, s25  }
0x14: {  	[dreg:$0x5] =	wrdreg s17;
	s26 =	sshrl.u32 s17, $0x3;
	s23 =	simm.s32 $0x5  }
.Ltmp0:
0x15: {  	[dreg:$0xa] =	wrdreg s11;
	s10 =	sadd.s32 s0, s10;
	(pc) =	sbr.rel .LBB2_1-.Ltmp0, $4  }
0x16: {  	s0 =	sadd.s32 s0, s4;
	[dreg:$0xd] =	wrdreg s24;
	s11 =	sor.u32 $0x1100, s25  }
0x17: {  	[dreg:$0xe] =	wrdreg s26;
	s25 =	simm.s32 $0x1000;
	s26 =	simm.s32 $0x40  }
0x18: {  	s4 =	simm.s32 $0x2;
	[dreg:$0xb] =	wrdreg s10;
	s0 =	sadd.s32 $0x2DD20, s0  }
0x19: {  	v0 =	vmov s12;
	s24 =	simm.s32 $0x4800;
	[dreg:$0xc] =	wrdreg s0;
	s0 =	simm.s32 $0x4000  }
.LBB2_16:
0x1a: {  	s3 =	simm.s32 $0x3  }
0x1b: {  	_ =	swait.ge [sflag:s3], $0x800  }
0x1c: {  	[sflag:s3] =	ssyncset.done $0x0  }
0x1d: {  	s20 =	simm.s32 $0x4;
	[sflag:s3] =	ssyncadd.s32 $0xFFFFF800  }
0x1e: {  	_ =	swait.ge [sflag:s20], $0x800  }
0x1f: {  	[sflag:s20] =	ssyncset.done $0x0  }
0x20: {  	[sflag:s20] =	ssyncadd.s32 $0xFFFFF800  }
0x21: {  	[bflag:$0x0] =	sbarrier.arrive $0xFFFF  }
0x22: {  	s8 =	rddreg [dreg:$0x5]  }
0x23: {  	s18 =	rddreg [dreg:$0x6]  }
0x24: {  	s10 =	rddreg [dreg:$0xc];
	s3 =	sshrl.u32 @p0 s8, $0x3  }
0x25: {  	[hbm:s10], [sflag:s18] =	dma.local @p0 [spmem:s3], $0x3020  }
0x26: {  	s3 =	simm.s32 @p0 $0x5  }
0x27: {  	_ =	swait.ge @p0 [sflag:s3], $0x3020  }
0x28: {  	[sflag:s3] =	ssyncset.done @p0 $0x0  }
0x29: {  	[sflag:s3] =	ssyncadd.s32 @p0 $0xFFFFCFE0;
	s3 =	sshrl.u32 @!p0 s8, $0x3;
	s8 =	rddreg [dreg:$0xb]  }
0x2a: {  	[hbm:s8], [sflag:s18] =	dma.local @!p0 [spmem:s3], $0x30E0  }
0x2b: {  	s3 =	simm.s32 @!p0 $0x5  }
0x2c: {  	_ =	swait.ge @!p0 [sflag:s3], $0x30E0  }
0x2d: {  	s13 =	sadd.s32 $0x1, s13;
	s22 =	rddreg [dreg:$0xd]  }
0x2e: {  	p1 =	sne.s32 s13, s22  }
.Ltmp1:
0x2f: {  	_ = 	snop;
	(pc) =	sbr.rel @!p1 .LBB2_17-.Ltmp1, $3  }
0x30: {  	_ =	sdelay $0x1  }
0x31: {  	[sflag:s3] =	ssyncset.done @!p0 $0x0  }
0x32: {  	[sflag:s3] =	ssyncadd.s32 @!p0 $0xFFFFCF20  }
.LBB2_1:
0x33: {  	s3 =	rddreg [dreg:$0x3]  }
0x34: {  	s8 =	rddreg [dreg:$0xe]  }
0x35: {  	[spmem:s8], [sflag:s18] =	dma.local [hbm:s3], $0x30E0  }
0x36: {  	_ =	swait.ge [sflag:s23], $0x30E0  }
0x37: {  	[sflag:s23] =	ssyncset.done $0x0  }
0x38: {  	[sflag:s23] =	ssyncadd.s32 $0xFFFFCF20  }
0x39: {  	[bflag:$0x0] =	sbarrier.arrive $0xFFFF  }
0x3a: {  	s19 =	rddreg [dreg:$0x7]  }
0x3b: {  	[tilespmem:s2], [sflag:$0x5] =	stream.linear.gather [hbm4b:s19+s2], $0x400, $0x38;
	[tilespmem:$0x1D700] =	vst v63  }
0x3c: {  	_ =	swait.ge [sflag:s23], $0x400  }
0x3d: {  	[sflag:s23] =	ssyncset.done $0x0  }
0x3e: {  	s22 =	simm.s32 $0x800;
	s20 =	rddreg [dreg:$0x8];
	[sflag:s23] =	ssyncadd.s32 $0xFFFFFC00  }
0x3f: {  	[tilespmem:s22], [sflag:$0x5] =	stream.linear.gather [hbm4b:s20+s2], $0x400, $0x38;
	[tilespmem:$0x1D700] =	vst v63  }
0x40: {  	_ =	swait.ge [sflag:s23], $0x400  }
0x41: {  	[sflag:s23] =	ssyncset.done $0x0  }
0x42: {  	s3 =	simm.s32 $0x20;
	[sflag:s23] =	ssyncadd.s32 $0xFFFFFC00  }
0x43: {  	v3 =	vld [tilespmem:s3+$0xFFFFFFE0]  }
0x44: {  	v4 =	vld [tilespmem:s3+$0x0]  }
0x45: {  	v1 =	vld [tilespmem:s3+$0x10]  }
0x46: {  	v2 =	vld [tilespmem:s3+$0xFFFFFFF0];
	_ =	sdelay $0x1  }
0x47: {  	v3 =	vadd.s32 v0, v3  }
0x48: {  	s10 =	simm.s32 $0x60;
	s8 =	simm.s32 $0x0;
	[tilespmem:s3+$0xFFFFFFE0] =	vst v3;
	v3 =	vadd.s32 v0, v4  }
.LBB2_2:
0x49: {  	v4 =	vld [tilespmem:s10+$0xFFFFFFE0];
	[tilespmem:s3+$0x0] =	vst v3;
	v1 =	vadd.s32 v0, v1;
	s8 =	sadd.s32 $0x4, s8  }
0x4a: {  	v3 =	vld [tilespmem:s10+$0x0];
	v2 =	vadd.s32 v0, v2;
	[tilespmem:s3+$0x10] =	vst v1;
	p1 =	slt.u32 s8, $0x3C  }
.Ltmp2:
0x4b: {  	v1 =	vld [tilespmem:s10+$0x10];
	[tilespmem:s3+$0xFFFFFFF0] =	vst v2;
	s3 =	smov.u32 s10;
	(pc) =	sbr.rel @p1 .LBB2_2-.Ltmp2, $3  }
0x4c: {  	v2 =	vld [tilespmem:s10+$0xFFFFFFF0];
	_ =	sdelay $0x1  }
0x4d: {  	v4 =	vadd.s32 v0, v4  }
0x4e: {  	s10 =	sadd.s32 $0x40, s10;
	[tilespmem:s3+$0xFFFFFFE0] =	vst v4;
	v3 =	vadd.s32 v0, v3  }
0x4f: {  	[tilespmem:s3+$0x0] =	vst v3;
	v1 =	vadd.s32 v0, v1  }
0x50: {  	v2 =	vadd.s32 v0, v2;
	[tilespmem:s3+$0x10] =	vst v1  }
0x51: {  	s15 =	simm.s32 $0x0;
	s20 =	rddreg [dreg:$0x9];
	[tilespmem:s3+$0xFFFFFFF0] =	vst v2  }
0x52: {  	[tilespmem:s25], [sflag:$0x1] =	stream.linear.gather [hbm4b:s20+s15], $0x1000, $0x38;
	[tilespmem:$0x1D700] =	vst v63  }
0x53: {  	_ = 	snop  }
0x54: {  	[tilespmem:s28], [sflag:$0x1] =	stream.indirect.gather [hbm4b:s6+s26], $0x20, s15, s26, $0xb8;
	[tilespmem:$0x1D700] =	vst v63  }
0x55: {  	s22 =	rddreg [dreg:$0xa]  }
0x56: {  	[tilespmem:s29], [sflag:$0x2] =	stream.linear.gather [hbm4b:s22+s15], $0x1000, $0x38;
	[tilespmem:$0x1D700] =	vst v63  }
0x57: {  	s17 =	simm.s32 $0x80  }
0x58: {  	[tilespmem:s30], [sflag:$0x2] =	stream.indirect.gather [hbm4b:s6+s26], $0x20, s26, s26, $0xb8;
	[tilespmem:$0x1D700] =	vst v63  }
.LBB2_4:
0x59: {  	_ =	swait.ge [sflag:s31], $0x1000  }
0x5a: {  	[sflag:s31] =	ssyncset.done $0x0  }
0x5b: {  	[sflag:s31] =	ssyncadd.s32 $0xFFFFF000  }
0x5c: {  	_ =	swait.ge [sflag:s31], $0x800  }
0x5d: {  	p1 =	seq.s32 s15, $0x0;
	[sflag:s31] =	ssyncset.done $0x0  }
0x5e: {  	s3 =	simm.s32 @!p1 $0x3;
	[sflag:s31] =	ssyncadd.s32 $0xFFFFF800  }
0x5f: {  	_ =	swait.ge @!p1 [sflag:s3], $0x800  }
0x60: {  	[sflag:s3] =	ssyncset.done @!p1 $0x0  }
0x61: {  	s19 =	simm.s32 $0x3080;
	[sflag:s3] =	ssyncadd.s32 @!p1 $0xFFFFF800  }
0x62: {  	v1 =	vld [tilespmem:s19+$0xFFFFFF80]  }
0x63: {  	v2 =	vld [tilespmem:s11+$0xFFFFFF00];
	_ =	sdelay $0x4  }
0x64: {  	v1 =	vmul.f32 v2, v1  }
0x65: {  	s14 =	simm.s32 $0x4080  }
0x66: {  	[tilespmem:s14+$0xFFFFFF80] =	vst v1  }
0x67: {  	v1 =	vld [tilespmem:s11+$0xFFFFFF10]  }
0x68: {  	v2 =	vld [tilespmem:s19+$0xFFFFFF90];
	_ =	sdelay $0x4  }
0x69: {  	v1 =	vmul.f32 v1, v2;
	_ =	sdelay $0x1  }
0x6a: {  	[tilespmem:s14+$0xFFFFFF90] =	vst v1  }
0x6b: {  	v1 =	vld [tilespmem:s19+$0xFFFFFFA0]  }
0x6c: {  	v2 =	vld [tilespmem:s11+$0xFFFFFF40];
	_ =	sdelay $0x4  }
0x6d: {  	v1 =	vmul.f32 v2, v1;
	_ =	sdelay $0x1  }
0x6e: {  	[tilespmem:s14+$0xFFFFFFA0] =	vst v1  }
0x6f: {  	v1 =	vld [tilespmem:s19+$0xFFFFFFB0]  }
0x70: {  	v2 =	vld [tilespmem:s11+$0xFFFFFF50];
	_ =	sdelay $0x4  }
0x71: {  	v1 =	vmul.f32 v2, v1;
	_ =	sdelay $0x1  }
0x72: {  	[tilespmem:s14+$0xFFFFFFB0] =	vst v1  }
0x73: {  	v1 =	vld [tilespmem:s19+$0xFFFFFFC0]  }
0x74: {  	v2 =	vld [tilespmem:s11+$0xFFFFFF80];
	_ =	sdelay $0x4  }
0x75: {  	v1 =	vmul.f32 v2, v1;
	_ =	sdelay $0x1  }
0x76: {  	[tilespmem:s14+$0xFFFFFFC0] =	vst v1  }
0x77: {  	v1 =	vld [tilespmem:s19+$0xFFFFFFD0]  }
0x78: {  	v2 =	vld [tilespmem:s11+$0xFFFFFF90];
	_ =	sdelay $0x4  }
0x79: {  	v1 =	vmul.f32 v2, v1;
	_ =	sdelay $0x1  }
0x7a: {  	[tilespmem:s14+$0xFFFFFFD0] =	vst v1  }
0x7b: {  	v1 =	vld [tilespmem:s19+$0xFFFFFFE0]  }
0x7c: {  	v2 =	vld [tilespmem:s11+$0xFFFFFFC0];
	_ =	sdelay $0x4  }
0x7d: {  	v1 =	vmul.f32 v2, v1;
	_ =	sdelay $0x1  }
0x7e: {  	[tilespmem:s14+$0xFFFFFFE0] =	vst v1  }
0x7f: {  	v1 =	vld [tilespmem:s19+$0xFFFFFFF0]  }
0x80: {  	v2 =	vld [tilespmem:s11+$0xFFFFFFD0];
	_ =	sdelay $0x4  }
0x81: {  	v1 =	vmul.f32 v2, v1;
	_ =	sdelay $0x1  }
0x82: {  	[tilespmem:s14+$0xFFFFFFF0] =	vst v1  }
0x83: {  	v1 =	vld [tilespmem:s19+$0x0]  }
0x84: {  	v2 =	vld [tilespmem:s11+$0x0];
	_ =	sdelay $0x4  }
0x85: {  	v1 =	vmul.f32 v2, v1;
	_ =	sdelay $0x1  }
0x86: {  	[tilespmem:s14+$0x0] =	vst v1  }
0x87: {  	v1 =	vld [tilespmem:s19+$0x10]  }
0x88: {  	v2 =	vld [tilespmem:s11+$0x10];
	_ =	sdelay $0x4  }
0x89: {  	v1 =	vmul.f32 v2, v1;
	_ =	sdelay $0x1  }
0x8a: {  	[tilespmem:s14+$0x10] =	vst v1  }
0x8b: {  	v1 =	vld [tilespmem:s19+$0x20]  }
0x8c: {  	v2 =	vld [tilespmem:s11+$0x40];
	_ =	sdelay $0x4  }
0x8d: {  	v1 =	vmul.f32 v2, v1;
	_ =	sdelay $0x1  }
0x8e: {  	[tilespmem:s14+$0x20] =	vst v1  }
0x8f: {  	v1 =	vld [tilespmem:s19+$0x30]  }
0x90: {  	v2 =	vld [tilespmem:s11+$0x50];
	_ =	sdelay $0x4  }
0x91: {  	v1 =	vmul.f32 v2, v1;
	_ =	sdelay $0x1  }
0x92: {  	[tilespmem:s14+$0x30] =	vst v1  }
0x93: {  	v1 =	vld [tilespmem:s19+$0x40]  }
0x94: {  	v2 =	vld [tilespmem:s11+$0x80];
	_ =	sdelay $0x4  }
0x95: {  	v1 =	vmul.f32 v2, v1;
	_ =	sdelay $0x1  }
0x96: {  	[tilespmem:s14+$0x40] =	vst v1  }
0x97: {  	v1 =	vld [tilespmem:s19+$0x50]  }
0x98: {  	v2 =	vld [tilespmem:s11+$0x90];
	_ =	sdelay $0x4  }
0x99: {  	v1 =	vmul.f32 v2, v1;
	_ =	sdelay $0x1  }
0x9a: {  	s22 =	sand.u32 $0x400, s17;
	s18 =	sshll.u32 s15, $0x1;
	[tilespmem:s14+$0x50] =	vst v1  }
0x9b: {  	s12 =	simm.s32 $0x0;
	s8 =	simm.s32 $0x4080;
	s10 =	simm.s32 $0x3080;
	v1 =	vld [tilespmem:s19+$0x60]  }
0x9c: {  	s20 =	smov.u32 s11;
	s22 =	sor.u32 $0x20, s22;
	s3 =	sadd.s32 $0x200, s11;
	v2 =	vld [tilespmem:s11+$0xC0]  }
.LBB2_5:
0x9d: {  	s12 =	sadd.s32 $0x4, s12;
	s19 =	sadd.s32 $0x100, s19;
	s14 =	sadd.s32 $0x100, s14  }
0x9e: {  	p2 =	slt.u32 s12, $0x1C;
	_ =	sdelay $0x2  }
0x9f: {  	v1 =	vmul.f32 v2, v1;
	_ =	sdelay $0x1  }
0xa0: {  	[tilespmem:s8+$0x60] =	vst v1  }
0xa1: {  	v1 =	vld [tilespmem:s10+$0x70];
	s10 =	smov.u32 s19  }
0xa2: {  	v2 =	vld [tilespmem:s20+$0xD0];
	s20 =	smov.u32 s3;
	_ =	sdelay $0x4  }
0xa3: {  	v1 =	vmul.f32 v2, v1;
	_ =	sdelay $0x1  }
0xa4: {  	[tilespmem:s8+$0x70] =	vst v1;
	s8 =	smov.u32 s14  }
0xa5: {  	v1 =	vld [tilespmem:s19+$0xFFFFFF80]  }
0xa6: {  	v2 =	vld [tilespmem:s3+$0xFFFFFF00];
	_ =	sdelay $0x4  }
0xa7: {  	v1 =	vmul.f32 v2, v1;
	_ =	sdelay $0x1  }
0xa8: {  	[tilespmem:s14+$0xFFFFFF80] =	vst v1  }
0xa9: {  	v1 =	vld [tilespmem:s3+$0xFFFFFF10]  }
0xaa: {  	v2 =	vld [tilespmem:s19+$0xFFFFFF90];
	_ =	sdelay $0x4  }
0xab: {  	v1 =	vmul.f32 v1, v2;
	_ =	sdelay $0x1  }
0xac: {  	[tilespmem:s14+$0xFFFFFF90] =	vst v1  }
0xad: {  	v1 =	vld [tilespmem:s19+$0xFFFFFFA0]  }
0xae: {  	v2 =	vld [tilespmem:s3+$0xFFFFFF40];
	_ =	sdelay $0x4  }
0xaf: {  	v1 =	vmul.f32 v2, v1;
	_ =	sdelay $0x1  }
0xb0: {  	[tilespmem:s14+$0xFFFFFFA0] =	vst v1  }
0xb1: {  	v1 =	vld [tilespmem:s19+$0xFFFFFFB0]  }
0xb2: {  	v2 =	vld [tilespmem:s3+$0xFFFFFF50];
	_ =	sdelay $0x4  }
0xb3: {  	v1 =	vmul.f32 v2, v1;
	_ =	sdelay $0x1  }
0xb4: {  	[tilespmem:s14+$0xFFFFFFB0] =	vst v1  }
0xb5: {  	v1 =	vld [tilespmem:s19+$0xFFFFFFC0]  }
0xb6: {  	v2 =	vld [tilespmem:s3+$0xFFFFFF80];
	_ =	sdelay $0x4  }
0xb7: {  	v1 =	vmul.f32 v2, v1;
	_ =	sdelay $0x1  }
0xb8: {  	[tilespmem:s14+$0xFFFFFFC0] =	vst v1  }
0xb9: {  	v1 =	vld [tilespmem:s19+$0xFFFFFFD0]  }
0xba: {  	v2 =	vld [tilespmem:s3+$0xFFFFFF90];
	_ =	sdelay $0x4  }
0xbb: {  	v1 =	vmul.f32 v2, v1;
	_ =	sdelay $0x1  }
0xbc: {  	[tilespmem:s14+$0xFFFFFFD0] =	vst v1  }
0xbd: {  	v1 =	vld [tilespmem:s19+$0xFFFFFFE0]  }
0xbe: {  	v2 =	vld [tilespmem:s3+$0xFFFFFFC0];
	_ =	sdelay $0x4  }
0xbf: {  	v1 =	vmul.f32 v2, v1;
	_ =	sdelay $0x1  }
0xc0: {  	[tilespmem:s14+$0xFFFFFFE0] =	vst v1  }
0xc1: {  	v1 =	vld [tilespmem:s19+$0xFFFFFFF0]  }
0xc2: {  	v2 =	vld [tilespmem:s3+$0xFFFFFFD0];
	_ =	sdelay $0x4  }
0xc3: {  	v1 =	vmul.f32 v2, v1;
	_ =	sdelay $0x1  }
0xc4: {  	[tilespmem:s14+$0xFFFFFFF0] =	vst v1  }
0xc5: {  	v1 =	vld [tilespmem:s19+$0x0]  }
0xc6: {  	v2 =	vld [tilespmem:s3+$0x0];
	_ =	sdelay $0x4  }
0xc7: {  	v1 =	vmul.f32 v2, v1;
	_ =	sdelay $0x1  }
0xc8: {  	[tilespmem:s14+$0x0] =	vst v1  }
0xc9: {  	v1 =	vld [tilespmem:s19+$0x10]  }
0xca: {  	v2 =	vld [tilespmem:s3+$0x10];
	_ =	sdelay $0x4  }
0xcb: {  	v1 =	vmul.f32 v2, v1;
	_ =	sdelay $0x1  }
0xcc: {  	[tilespmem:s14+$0x10] =	vst v1  }
0xcd: {  	v1 =	vld [tilespmem:s19+$0x20]  }
0xce: {  	v2 =	vld [tilespmem:s3+$0x40];
	_ =	sdelay $0x4  }
0xcf: {  	v1 =	vmul.f32 v2, v1;
	_ =	sdelay $0x1  }
0xd0: {  	[tilespmem:s14+$0x20] =	vst v1  }
0xd1: {  	v1 =	vld [tilespmem:s19+$0x30]  }
0xd2: {  	v2 =	vld [tilespmem:s3+$0x50];
	_ =	sdelay $0x4  }
0xd3: {  	v1 =	vmul.f32 v2, v1;
	_ =	sdelay $0x1  }
0xd4: {  	[tilespmem:s14+$0x30] =	vst v1  }
0xd5: {  	v1 =	vld [tilespmem:s19+$0x40]  }
0xd6: {  	v2 =	vld [tilespmem:s3+$0x80];
	_ =	sdelay $0x4  }
0xd7: {  	v1 =	vmul.f32 v2, v1;
	_ =	sdelay $0x1  }
0xd8: {  	[tilespmem:s14+$0x40] =	vst v1  }
0xd9: {  	v1 =	vld [tilespmem:s19+$0x50]  }
0xda: {  	v2 =	vld [tilespmem:s3+$0x90];
	_ =	sdelay $0x4  }
.Ltmp3:
0xdb: {  	v1 =	vmul.f32 v2, v1;
	(pc) =	sbr.rel @p2 .LBB2_5-.Ltmp3, $4  }
0xdc: {  	_ = 	snop  }
0xdd: {  	[tilespmem:s14+$0x50] =	vst v1  }
0xde: {  	v1 =	vld [tilespmem:s19+$0x60]  }
0xdf: {  	s3 =	sadd.s32 $0x200, s3;
	v2 =	vld [tilespmem:s20+$0xC0]  }
0xe0: {  	_ =	sdelay $0x3  }
0xe1: {  	v1 =	vmul.f32 v2, v1;
	_ =	sdelay $0x1  }
0xe2: {  	[tilespmem:s8+$0x60] =	vst v1  }
0xe3: {  	v1 =	vld [tilespmem:s10+$0x70]  }
0xe4: {  	v2 =	vld [tilespmem:s20+$0xD0];
	_ =	sdelay $0x2  }
0xe5: {  	p2 =	seq.s32 s15, $0x187  }
.Ltmp4:
0xe6: {  	_ = 	snop;
	(pc) =	sbr.rel @p2 .LBB2_12-.Ltmp4, $4  }
0xe7: {  	s3 =	sshll.u32 s15, $0x7;
	v1 =	vmul.f32 v2, v1  }
0xe8: {  	s3 =	sand.u32 $0x780, s3  }
0xe9: {  	s19 =	sor.u32 $0x800, s3;
	[tilespmem:s8+$0x70] =	vst v1  }
0xea: {  	[spmem:s1] =	stream.indirect.scatter.add.f32 [tilespmem:s0], [sflag:$0x3], $0x20, s19, s26, $0xb8;
	[tilespmem:$0x1D700] =	vst v63  }
0xeb: {  	s10 =	sadd.s32 $0x2, s18  }
0xec: {  	s3 =	sand.u32 $0xE, s10  }
0xed: {  	p3 =	sne.s32 s3, $0x0  }
.Ltmp5:
0xee: {  	_ = 	snop;
	(pc) =	sbr.rel @p3 .LBB2_11-.Ltmp5, $3  }
0xef: {  	_ =	sdelay $0x1  }
0xf0: {  	s12 =	sshll.u32 s10, $0x6  }
0xf1: {  	s8 =	sand.u32 $0x400, s12  }
0xf2: {  	s14 =	rddreg [dreg:$0x4]  }
0xf3: {  	s12 =	sadd.s32 s14, s12  }
0xf4: {  	s12 =	sshrl.u32 s12, $0x3  }
0xf5: {  	s20 =	sadd.s32 s5, s12  }
0xf6: {  	[tilespmem:s8], [sflag:$0x5] =	stream.linear.gather [hbm4b:s20+s2], $0x400, $0x38;
	[tilespmem:$0x1D700] =	vst v63  }
0xf7: {  	_ =	swait.ge [sflag:s23], $0x400  }
0xf8: {  	[sflag:s23] =	ssyncset.done $0x0  }
0xf9: {  	s12 =	sadd.s32 s9, s12;
	s20 =	sor.u32 $0x800, s8;
	[sflag:s23] =	ssyncadd.s32 $0xFFFFFC00  }
0xfa: {  	[tilespmem:s20], [sflag:$0x5] =	stream.linear.gather [hbm4b:s12+s2], $0x400, $0x38;
	[tilespmem:$0x1D700] =	vst v63  }
0xfb: {  	_ =	swait.ge [sflag:s23], $0x400  }
0xfc: {  	[sflag:s23] =	ssyncset.done $0x0  }
0xfd: {  	[sflag:s23] =	ssyncadd.s32 $0xFFFFFC00  }
0xfe: {  	v3 =	vld [tilespmem:s22+$0xFFFFFFE0]  }
0xff: {  	v4 =	vld [tilespmem:s22+$0x0]  }
0x100: {  	v1 =	vld [tilespmem:s22+$0x10]  }
0x101: {  	v2 =	vld [tilespmem:s22+$0xFFFFFFF0];
	_ =	sdelay $0x1  }
0x102: {  	v3 =	vadd.s32 v0, v3  }
0x103: {  	s14 =	sadd.s32 $0x40, s22;
	s12 =	simm.s32 $0x0;
	[tilespmem:s22+$0xFFFFFFE0] =	vst v3;
	v3 =	vadd.s32 v0, v4  }
.LBB2_9:
0x104: {  	v4 =	vld [tilespmem:s14+$0xFFFFFFE0];
	[tilespmem:s22+$0x0] =	vst v3;
	v1 =	vadd.s32 v0, v1;
	s12 =	sadd.s32 $0x4, s12  }
0x105: {  	v3 =	vld [tilespmem:s14+$0x0];
	v2 =	vadd.s32 v0, v2;
	[tilespmem:s22+$0x10] =	vst v1;
	p3 =	slt.u32 s12, $0x3C  }
.Ltmp6:
0x106: {  	v1 =	vld [tilespmem:s14+$0x10];
	[tilespmem:s22+$0xFFFFFFF0] =	vst v2;
	s22 =	smov.u32 s14;
	(pc) =	sbr.rel @p3 .LBB2_9-.Ltmp6, $3  }
0x107: {  	v2 =	vld [tilespmem:s14+$0xFFFFFFF0];
	_ =	sdelay $0x1  }
0x108: {  	v4 =	vadd.s32 v0, v4  }
0x109: {  	s14 =	sadd.s32 $0x40, s14;
	[tilespmem:s22+$0xFFFFFFE0] =	vst v4;
	v3 =	vadd.s32 v0, v3  }
0x10a: {  	[tilespmem:s22+$0x0] =	vst v3;
	v1 =	vadd.s32 v0, v1  }
0x10b: {  	v2 =	vadd.s32 v0, v2;
	[tilespmem:s22+$0x10] =	vst v1  }
0x10c: {  	[tilespmem:s22+$0xFFFFFFF0] =	vst v2  }
.LBB2_11:
0x10d: {  	s10 =	sshll.u32 s10, $0xC  }
0x10e: {  	s10 =	sadd.s32 s16, s10  }
0x10f: {  	s10 =	sshrl.u32 s10, $0x3  }
0x110: {  	s3 =	sshll.u32 s3, $0x6;
	s10 =	sadd.s32 s7, s10  }
0x111: {  	[tilespmem:s25], [sflag:$0x1] =	stream.linear.gather [hbm4b:s10+s2], $0x1000, $0x38;
	[tilespmem:$0x1D700] =	vst v63  }
0x112: {  	s3 =	sor.u32 s3, s8  }
0x113: {  	[tilespmem:s28], [sflag:$0x1] =	stream.indirect.gather [hbm4b:s6+s26], $0x20, s3, s26, $0xb8;
	[tilespmem:$0x1D700] =	vst v63  }
.LBB2_12:
0x114: {  	_ =	swait.ge [sflag:s4], $0x1000  }
0x115: {  	[sflag:s4] =	ssyncset.done $0x0  }
0x116: {  	[sflag:s4] =	ssyncadd.s32 $0xFFFFF000  }
0x117: {  	_ =	swait.ge [sflag:s4], $0x800  }
0x118: {  	[sflag:s4] =	ssyncset.done $0x0  }
0x119: {  	s3 =	simm.s32 @!p1 $0x4;
	[sflag:s4] =	ssyncadd.s32 $0xFFFFF800  }
0x11a: {  	_ =	swait.ge @!p1 [sflag:s3], $0x800  }
0x11b: {  	[sflag:s3] =	ssyncset.done @!p1 $0x0  }
0x11c: {  	s22 =	simm.s32 $0x3880;
	[sflag:s3] =	ssyncadd.s32 @!p1 $0xFFFFF800  }
0x11d: {  	v1 =	vld [tilespmem:s22+$0xFFFFFF80]  }
0x11e: {  	v2 =	vld [tilespmem:s21+$0xFFFFFF00];
	_ =	sdelay $0x4  }
0x11f: {  	v1 =	vmul.f32 v2, v1  }
0x120: {  	s14 =	simm.s32 $0x4880  }
0x121: {  	[tilespmem:s14+$0xFFFFFF80] =	vst v1  }
0x122: {  	v1 =	vld [tilespmem:s21+$0xFFFFFF10]  }
0x123: {  	v2 =	vld [tilespmem:s22+$0xFFFFFF90];
	_ =	sdelay $0x4  }
0x124: {  	v1 =	vmul.f32 v1, v2;
	_ =	sdelay $0x1  }
0x125: {  	[tilespmem:s14+$0xFFFFFF90] =	vst v1  }
0x126: {  	v1 =	vld [tilespmem:s22+$0xFFFFFFA0]  }
0x127: {  	v2 =	vld [tilespmem:s21+$0xFFFFFF40];
	_ =	sdelay $0x4  }
0x128: {  	v1 =	vmul.f32 v2, v1;
	_ =	sdelay $0x1  }
0x129: {  	[tilespmem:s14+$0xFFFFFFA0] =	vst v1  }
0x12a: {  	v1 =	vld [tilespmem:s22+$0xFFFFFFB0]  }
0x12b: {  	v2 =	vld [tilespmem:s21+$0xFFFFFF50];
	_ =	sdelay $0x4  }
0x12c: {  	v1 =	vmul.f32 v2, v1;
	_ =	sdelay $0x1  }
0x12d: {  	[tilespmem:s14+$0xFFFFFFB0] =	vst v1  }
0x12e: {  	v1 =	vld [tilespmem:s22+$0xFFFFFFC0]  }
0x12f: {  	v2 =	vld [tilespmem:s21+$0xFFFFFF80];
	_ =	sdelay $0x4  }
0x130: {  	v1 =	vmul.f32 v2, v1;
	_ =	sdelay $0x1  }
0x131: {  	[tilespmem:s14+$0xFFFFFFC0] =	vst v1  }
0x132: {  	v1 =	vld [tilespmem:s22+$0xFFFFFFD0]  }
0x133: {  	v2 =	vld [tilespmem:s21+$0xFFFFFF90];
	_ =	sdelay $0x4  }
0x134: {  	v1 =	vmul.f32 v2, v1;
	_ =	sdelay $0x1  }
0x135: {  	[tilespmem:s14+$0xFFFFFFD0] =	vst v1  }
0x136: {  	v1 =	vld [tilespmem:s22+$0xFFFFFFE0]  }
0x137: {  	v2 =	vld [tilespmem:s21+$0xFFFFFFC0];
	_ =	sdelay $0x4  }
0x138: {  	v1 =	vmul.f32 v2, v1;
	_ =	sdelay $0x1  }
0x139: {  	[tilespmem:s14+$0xFFFFFFE0] =	vst v1  }
0x13a: {  	v1 =	vld [tilespmem:s22+$0xFFFFFFF0]  }
0x13b: {  	v2 =	vld [tilespmem:s21+$0xFFFFFFD0];
	_ =	sdelay $0x4  }
0x13c: {  	v1 =	vmul.f32 v2, v1;
	_ =	sdelay $0x1  }
0x13d: {  	[tilespmem:s14+$0xFFFFFFF0] =	vst v1  }
0x13e: {  	v1 =	vld [tilespmem:s22+$0x0]  }
0x13f: {  	v2 =	vld [tilespmem:s21+$0x0];
	_ =	sdelay $0x4  }
0x140: {  	v1 =	vmul.f32 v2, v1;
	_ =	sdelay $0x1  }
0x141: {  	[tilespmem:s14+$0x0] =	vst v1  }
0x142: {  	v1 =	vld [tilespmem:s22+$0x10]  }
0x143: {  	v2 =	vld [tilespmem:s21+$0x10];
	_ =	sdelay $0x4  }
0x144: {  	v1 =	vmul.f32 v2, v1;
	_ =	sdelay $0x1  }
0x145: {  	[tilespmem:s14+$0x10] =	vst v1  }
0x146: {  	v1 =	vld [tilespmem:s22+$0x20]  }
0x147: {  	v2 =	vld [tilespmem:s21+$0x40];
	_ =	sdelay $0x4  }
0x148: {  	v1 =	vmul.f32 v2, v1;
	_ =	sdelay $0x1  }
0x149: {  	[tilespmem:s14+$0x20] =	vst v1  }
0x14a: {  	v1 =	vld [tilespmem:s22+$0x30]  }
0x14b: {  	v2 =	vld [tilespmem:s21+$0x50];
	_ =	sdelay $0x4  }
0x14c: {  	v1 =	vmul.f32 v2, v1;
	_ =	sdelay $0x1  }
0x14d: {  	[tilespmem:s14+$0x30] =	vst v1  }
0x14e: {  	v1 =	vld [tilespmem:s22+$0x40]  }
0x14f: {  	v2 =	vld [tilespmem:s21+$0x80];
	_ =	sdelay $0x4  }
0x150: {  	v1 =	vmul.f32 v2, v1;
	_ =	sdelay $0x1  }
0x151: {  	[tilespmem:s14+$0x40] =	vst v1  }
0x152: {  	v1 =	vld [tilespmem:s22+$0x50]  }
0x153: {  	v2 =	vld [tilespmem:s21+$0x90];
	_ =	sdelay $0x4  }
0x154: {  	v1 =	vmul.f32 v2, v1;
	_ =	sdelay $0x1  }
0x155: {  	[tilespmem:s14+$0x50] =	vst v1  }
0x156: {  	s12 =	simm.s32 $0x0;
	s8 =	simm.s32 $0x4880;
	v1 =	vld [tilespmem:s22+$0x60]  }
0x157: {  	s10 =	simm.s32 $0x3880;
	s20 =	smov.u32 s21;
	s3 =	sadd.s32 $0x200, s21;
	v2 =	vld [tilespmem:s21+$0xC0]  }
.LBB2_13:
0x158: {  	s12 =	sadd.s32 $0x4, s12;
	s22 =	sadd.s32 $0x100, s22;
	s14 =	sadd.s32 $0x100, s14  }
0x159: {  	p1 =	slt.u32 s12, $0x1C;
	_ =	sdelay $0x2  }
0x15a: {  	v1 =	vmul.f32 v2, v1;
	_ =	sdelay $0x1  }
0x15b: {  	[tilespmem:s8+$0x60] =	vst v1  }
0x15c: {  	v1 =	vld [tilespmem:s10+$0x70];
	s10 =	smov.u32 s22  }
0x15d: {  	v2 =	vld [tilespmem:s20+$0xD0];
	s20 =	smov.u32 s3;
	_ =	sdelay $0x4  }
0x15e: {  	v1 =	vmul.f32 v2, v1;
	_ =	sdelay $0x1  }
0x15f: {  	[tilespmem:s8+$0x70] =	vst v1;
	s8 =	smov.u32 s14  }
0x160: {  	v1 =	vld [tilespmem:s22+$0xFFFFFF80]  }
0x161: {  	v2 =	vld [tilespmem:s3+$0xFFFFFF00];
	_ =	sdelay $0x4  }
0x162: {  	v1 =	vmul.f32 v2, v1;
	_ =	sdelay $0x1  }
0x163: {  	[tilespmem:s14+$0xFFFFFF80] =	vst v1  }
0x164: {  	v1 =	vld [tilespmem:s3+$0xFFFFFF10]  }
0x165: {  	v2 =	vld [tilespmem:s22+$0xFFFFFF90];
	_ =	sdelay $0x4  }
0x166: {  	v1 =	vmul.f32 v1, v2;
	_ =	sdelay $0x1  }
0x167: {  	[tilespmem:s14+$0xFFFFFF90] =	vst v1  }
0x168: {  	v1 =	vld [tilespmem:s22+$0xFFFFFFA0]  }
0x169: {  	v2 =	vld [tilespmem:s3+$0xFFFFFF40];
	_ =	sdelay $0x4  }
0x16a: {  	v1 =	vmul.f32 v2, v1;
	_ =	sdelay $0x1  }
0x16b: {  	[tilespmem:s14+$0xFFFFFFA0] =	vst v1  }
0x16c: {  	v1 =	vld [tilespmem:s22+$0xFFFFFFB0]  }
0x16d: {  	v2 =	vld [tilespmem:s3+$0xFFFFFF50];
	_ =	sdelay $0x4  }
0x16e: {  	v1 =	vmul.f32 v2, v1;
	_ =	sdelay $0x1  }
0x16f: {  	[tilespmem:s14+$0xFFFFFFB0] =	vst v1  }
0x170: {  	v1 =	vld [tilespmem:s22+$0xFFFFFFC0]  }
0x171: {  	v2 =	vld [tilespmem:s3+$0xFFFFFF80];
	_ =	sdelay $0x4  }
0x172: {  	v1 =	vmul.f32 v2, v1;
	_ =	sdelay $0x1  }
0x173: {  	[tilespmem:s14+$0xFFFFFFC0] =	vst v1  }
0x174: {  	v1 =	vld [tilespmem:s22+$0xFFFFFFD0]  }
0x175: {  	v2 =	vld [tilespmem:s3+$0xFFFFFF90];
	_ =	sdelay $0x4  }
0x176: {  	v1 =	vmul.f32 v2, v1;
	_ =	sdelay $0x1  }
0x177: {  	[tilespmem:s14+$0xFFFFFFD0] =	vst v1  }
0x178: {  	v1 =	vld [tilespmem:s22+$0xFFFFFFE0]  }
0x179: {  	v2 =	vld [tilespmem:s3+$0xFFFFFFC0];
	_ =	sdelay $0x4  }
0x17a: {  	v1 =	vmul.f32 v2, v1;
	_ =	sdelay $0x1  }
0x17b: {  	[tilespmem:s14+$0xFFFFFFE0] =	vst v1  }
0x17c: {  	v1 =	vld [tilespmem:s22+$0xFFFFFFF0]  }
0x17d: {  	v2 =	vld [tilespmem:s3+$0xFFFFFFD0];
	_ =	sdelay $0x4  }
0x17e: {  	v1 =	vmul.f32 v2, v1;
	_ =	sdelay $0x1  }
0x17f: {  	[tilespmem:s14+$0xFFFFFFF0] =	vst v1  }
0x180: {  	v1 =	vld [tilespmem:s22+$0x0]  }
0x181: {  	v2 =	vld [tilespmem:s3+$0x0];
	_ =	sdelay $0x4  }
0x182: {  	v1 =	vmul.f32 v2, v1;
	_ =	sdelay $0x1  }
0x183: {  	[tilespmem:s14+$0x0] =	vst v1  }
0x184: {  	v1 =	vld [tilespmem:s22+$0x10]  }
0x185: {  	v2 =	vld [tilespmem:s3+$0x10];
	_ =	sdelay $0x4  }
0x186: {  	v1 =	vmul.f32 v2, v1;
	_ =	sdelay $0x1  }
0x187: {  	[tilespmem:s14+$0x10] =	vst v1  }
0x188: {  	v1 =	vld [tilespmem:s22+$0x20]  }
0x189: {  	v2 =	vld [tilespmem:s3+$0x40];
	_ =	sdelay $0x4  }
0x18a: {  	v1 =	vmul.f32 v2, v1;
	_ =	sdelay $0x1  }
0x18b: {  	[tilespmem:s14+$0x20] =	vst v1  }
0x18c: {  	v1 =	vld [tilespmem:s22+$0x30]  }
0x18d: {  	v2 =	vld [tilespmem:s3+$0x50];
	_ =	sdelay $0x4  }
0x18e: {  	v1 =	vmul.f32 v2, v1;
	_ =	sdelay $0x1  }
0x18f: {  	[tilespmem:s14+$0x30] =	vst v1  }
0x190: {  	v1 =	vld [tilespmem:s22+$0x40]  }
0x191: {  	v2 =	vld [tilespmem:s3+$0x80];
	_ =	sdelay $0x4  }
0x192: {  	v1 =	vmul.f32 v2, v1;
	_ =	sdelay $0x1  }
0x193: {  	[tilespmem:s14+$0x40] =	vst v1  }
0x194: {  	v1 =	vld [tilespmem:s22+$0x50]  }
0x195: {  	v2 =	vld [tilespmem:s3+$0x90];
	_ =	sdelay $0x4  }
.Ltmp7:
0x196: {  	v1 =	vmul.f32 v2, v1;
	(pc) =	sbr.rel @p1 .LBB2_13-.Ltmp7, $4  }
0x197: {  	_ = 	snop  }
0x198: {  	[tilespmem:s14+$0x50] =	vst v1  }
0x199: {  	v1 =	vld [tilespmem:s22+$0x60]  }
0x19a: {  	s3 =	sadd.s32 $0x200, s3;
	v2 =	vld [tilespmem:s20+$0xC0]  }
0x19b: {  	_ =	sdelay $0x3  }
0x19c: {  	v1 =	vmul.f32 v2, v1;
	_ =	sdelay $0x1  }
0x19d: {  	[tilespmem:s8+$0x60] =	vst v1  }
0x19e: {  	v1 =	vld [tilespmem:s10+$0x70]  }
0x19f: {  	v2 =	vld [tilespmem:s20+$0xD0];
	_ =	sdelay $0x3  }
.Ltmp8:
0x1a0: {  	_ = 	snop;
	(pc) =	sbr.rel @p2 .LBB2_16-.Ltmp8, $3  }
0x1a1: {  	v1 =	vmul.f32 v2, v1;
	_ =	sdelay $0x1  }
0x1a2: {  	s3 =	sadd.s32 $0x40, s19;
	[tilespmem:s8+$0x70] =	vst v1  }
0x1a3: {  	[spmem:s1] =	stream.indirect.scatter.add.f32 [tilespmem:s24], [sflag:$0x4], $0x20, s3, s26, $0xb8;
	[tilespmem:$0x1D700] =	vst v63  }
0x1a4: {  	s3 =	sadd.s32 $0x3, s18  }
0x1a5: {  	s8 =	sshll.u32 s3, $0xC  }
0x1a6: {  	s8 =	sadd.s32 s16, s8  }
.Ltmp9:
0x1a7: {  	s8 =	sshrl.u32 s8, $0x3;
	(pc) =	sbr.rel .LBB2_4-.Ltmp9, $4  }
0x1a8: {  	s3 =	sshll.u32 s3, $0x6;
	s8 =	sadd.s32 s7, s8  }
0x1a9: {  	[tilespmem:s29], [sflag:$0x2] =	stream.linear.gather [hbm4b:s8+s2], $0x1000, $0x38;
	[tilespmem:$0x1D700] =	vst v63  }
0x1aa: {  	s15 =	sadd.s32 $0x1, s15;
	s17 =	sadd.s32 $0x80, s17;
	s3 =	sand.u32 $0x7C0, s3  }
0x1ab: {  	[tilespmem:s30], [sflag:$0x2] =	stream.indirect.gather [hbm4b:s6+s26], $0x20, s3, s26, $0xb8;
	[tilespmem:$0x1D700] =	vst v63  }
.LBB2_17:
0x1ac: {  	_ =	sfence.sel $0x180000  }
0x1ad: {  	[bflag:$0x0] =	sbarrier.arrive $0xFFFF  }
0x1ae: {  	_ =	strace $0x90000047  }
0x1af: {  	s0 =	stileid.u32;
	[bflag:$0x2] =	sbarrier.arrive $0xFFFF  }
0x1b0: {  	p0 =	sne.s32 s0, $0x0;
	s0 =	rddreg [dreg:$0x2]  }
0x1b1: {  	s0 =	sadd.s32 @!p0 $0x100000, s0  }
0x1b2: {  	[sflag:s0] =	ssyncadd.tile.s32 @!p0 $0x1;
	_ =	shalt  }
.Lfunc_end2:
_tile_overlayer_lowered:
.L_overlay_start_2:
0x1b3: {  	(tag) =	ssettag $0x2  }
0x1b4: {  	s0 =	rddreg [dreg:$0x0];
	s2 =	stileid.u32  }
0x1b5: {  	s1 =	rddreg [dreg:$0x1];
	p0 =	sne.s32 s2, $0x0  }
0x1b6: {  	s3 =	rddreg [dreg:$0x2];
	[bflag:$0x3] =	sbarrier.arrive $0xFFFF;
	s2 =	simm.s32 @!p0 $0x1C05  }
0x1b7: {  	[timem:s3], [sflag:s2] =	dma.local @!p0 [hbm:s0], s1  }
0x1b8: {  	s0 =	simm.s32 @!p0 $0x5  }
0x1b9: {  	_ =	swait.ge @!p0 [sflag:s0], s1  }
0x1ba: {  	s1 =	ssub.s32 @!p0 $0x0, s1;
	[sflag:s0] =	ssyncset.done @!p0 $0x0  }
0x1bb: {  	[sflag:s0] =	ssyncadd.s32 @!p0 s1  }
0x1bc: {  	[bflag:$0x3] =	sbarrier.arrive $0xFFFF  }
0x1bd: {  	_ =	shalt  }

// kernel: kernel.18.cloned.1.call-start
scs
__scs_entry_jumppad:
0x0: {  	(pc) =	sbr.rel $0x88, $3  }
0x1: {  	(tag) =	ssettag $0x0;
	lr =	simm.s32 $0x1  }
0x2: {  	[smem:$0x3F8E] =	sst lr;
	_ =	strace $0xD0000000  }
0x3: {  	_ = 	snop  }
0x4: {  	_ = 	snop  }
0x5: {  	_ = 	snop  }
0x6: {  	_ = 	snop  }
0x7: {  	_ = 	snop  }
__scs_overlays_trampoline_lowered:
0x8: {  	[smem:$0x3F9D] =	sst s0  }
0x9: {  	[smem:$0x3F9E] =	sst s1  }
0xa: {  	[smem:$0x3F9F] =	sst s2  }
0xb: {  	[smem:$0x3FA0] =	sst s3  }
0xc: {  	[smem:$0x3FA1] =	sst s4  }
0xd: {  	[smem:$0x3FA2] =	sst s5  }
0xe: {  	[smem:$0x3FA3] =	sst s6  }
0xf: {  	[smem:$0x3FA4] =	sst s7  }
0x10: {  	[smem:$0x3FA5] =	sst s8  }
0x11: {  	[smem:$0x3FA6] =	sst s9;
	s0 =	simm.s32 @!p0 $0x0  }
0x12: {  	s1 =	sld [smem:$0x3F8C];
	s0 =	simm.s32 @p0 $0x1  }
0x13: {  	[smem:$0x3FA7] =	sst s0;
	s0 =	simm.s32 @!p1 $0x0  }
0x14: {  	s2 =	sld [smem:$0x3F8B];
	s0 =	simm.s32 @p1 $0x1  }
0x15: {  	[smem:$0x3FA8] =	sst s0;
	s0 =	simm.s32 @!p2 $0x0  }
0x16: {  	s3 =	sld [smem:$0x3FDB];
	s0 =	simm.s32 @p2 $0x1  }
0x17: {  	s4 =	simm.s32 $0x1BF5;
	[smem:$0x3FAA] =	sst s0  }
0x18: {  	s0 =	sld [smem:$0x3F8D];
	_ =	swait.ge [sflag:s4], $0x0  }
0x19: {  	s7 =	sld [smem:$0x3F8E]  }
0x1a: {  	s8 =	sadd.s32 $0xFFFFE003, lr  }
0x1b: {  	s9 =	sadd.s32 $0xFFFFFEF7, lr;
	s5 =	simm.s32 $0xFFFFFFFF;
	p2 =	slt.u32 s8, $0xFFFFF086  }
0x1c: {  	p1 =	slt.u32 s9, $0xF7A;
	s5 =	simm.s32 @!p2 $0x0  }
0x1d: {  	s5 =	simm.s32 @p1 $0x1;
	p0 =	seq.s32 s7, s2  }
0x1e: {  	s7 =	smul.u32 @!p0 $0xF7A, s2;
	p2 =	seq.s32 @!p0 s5, $0x0  }
0x1f: {  	s9 =	smul.u32 $0xF7A, s1;
	s8 =	simm.s32 @!p0 $0x1BF5;
	p2 =	por !p2, p0  }
0x20: {  	[sflag:s8] =	ssyncset.s32 @!p0 $0xFFFFF086;
	s6 =	sadd.s32 @!p0 s3, s7;
	s7 =	simm.s32 @!p0 $0x108  }
0x21: {  	s3 =	sadd.s32 s3, s9;
	s6 =	sadd.s32 @!p0 $0x88, s6;
	s7 =	simm.s32 @p2 $0x1082  }
0x22: {  	[simem:s7], [sflag:s8] =	dma.local @!p0 [hbm:s6], $0xF7A  }
0x23: {  	s9 =	sor.u32 $0xD0000000, s2;
	s6 =	simm.s32 $0x108;
	_ =	swait.ge @!p0 [sflag:s8], $0x0  }
0x24: {  	s3 =	sadd.s32 $0x88, s3;
	s6 =	simm.s32 @!p1 $0x1082;
	[sflag:s4] =	ssyncset.s32 $0xFFFFF086  }
0x25: {  	[simem:s6], [sflag:s4] =	dma.local [hbm:s3], $0xF7A  }
0x26: {  	[smem:$0x3F8E] =	sst s1;
	(tag) =	ssettag s2;
	_ =	strace s9  }
0x27: {  	s1 =	sld [smem:$0x3F9E]  }
0x28: {  	s2 =	sld [smem:$0x3F9F]  }
0x29: {  	s4 =	sld [smem:$0x3FA1]  }
0x2a: {  	p0 =	seq.s32 s5, $0x0;
	s5 =	sld [smem:$0x3FA2]  }
0x2b: {  	s6 =	sld [smem:$0x3FA3]  }
0x2c: {  	s7 =	sld [smem:$0x3FA4]  }
0x2d: {  	s3 =	simm.s32 $0x108;
	s8 =	sld [smem:$0x3FA5]  }
0x2e: {  	s3 =	simm.s32 @!p0 $0x1082;
	s9 =	sld [smem:$0x3FA6]  }
0x2f: {  	lr =	sadd.s32 s0, s3;
	s0 =	sld [smem:$0x3F9D]  }
0x30: {  	s3 =	sld [smem:$0x3FA0]  }
0x31: {  	[smem:$0x3FA9] =	sst s10  }
0x32: {  	s10 =	sld [smem:$0x3FA7];
	_ =	sdelay $0x3  }
0x33: {  	p0 =	seq.s32 s10, $0x1;
	s10 =	sld [smem:$0x3FA9];
	_ =	sdelay $0x3  }
0x34: {  	[smem:$0x3FA9] =	sst s10  }
0x35: {  	s10 =	sld [smem:$0x3FA8];
	_ =	sdelay $0x3  }
0x36: {  	p1 =	seq.s32 s10, $0x1;
	s10 =	sld [smem:$0x3FA9];
	_ =	sdelay $0x3  }
0x37: {  	[smem:$0x3FA9] =	sst s10  }
0x38: {  	s10 =	sld [smem:$0x3FAA]  }
0x39: {  	_ = 	snop;
	(pc) =	sbr.ind lr, $3  }
0x3a: {  	_ = 	snop  }
0x3b: {  	_ = 	snop  }
0x3c: {  	p2 =	seq.s32 s10, $0x1;
	s10 =	sld [smem:$0x3FA9]  }
0x3d: {  	_ =	shalt  }
0x3e: {  	_ =	shalt  }
0x3f: {  	_ =	shalt  }
0x40: {  	_ =	shalt  }
0x41: {  	_ =	shalt  }
0x42: {  	_ =	shalt  }
0x43: {  	_ =	shalt  }
0x44: {  	_ =	shalt  }
0x45: {  	_ =	shalt  }
0x46: {  	_ =	shalt  }
0x47: {  	_ =	shalt  }
0x48: {  	_ =	shalt  }
0x49: {  	_ =	shalt  }
0x4a: {  	_ =	shalt  }
0x4b: {  	_ =	shalt  }
0x4c: {  	_ =	shalt  }
0x4d: {  	_ =	shalt  }
0x4e: {  	_ =	shalt  }
0x4f: {  	_ =	shalt  }
0x50: {  	_ =	shalt  }
0x51: {  	_ =	shalt  }
0x52: {  	_ =	shalt  }
0x53: {  	_ =	shalt  }
0x54: {  	_ =	shalt  }
0x55: {  	_ =	shalt  }
0x56: {  	_ =	shalt  }
0x57: {  	_ =	shalt  }
0x58: {  	_ =	shalt  }
0x59: {  	_ =	shalt  }
0x5a: {  	_ =	shalt  }
0x5b: {  	_ =	shalt  }
0x5c: {  	_ =	shalt  }
0x5d: {  	_ =	shalt  }
0x5e: {  	_ =	shalt  }
0x5f: {  	_ =	shalt  }
0x60: {  	_ =	shalt  }
0x61: {  	_ =	shalt  }
0x62: {  	_ =	shalt  }
0x63: {  	_ =	shalt  }
0x64: {  	_ =	shalt  }
0x65: {  	_ =	shalt  }
0x66: {  	_ =	shalt  }
0x67: {  	_ =	shalt  }
0x68: {  	_ =	shalt  }
0x69: {  	_ =	shalt  }
0x6a: {  	_ =	shalt  }
0x6b: {  	_ =	shalt  }
0x6c: {  	_ =	shalt  }
0x6d: {  	_ =	shalt  }
0x6e: {  	_ =	shalt  }
0x6f: {  	_ =	shalt  }
0x70: {  	_ =	shalt  }
0x71: {  	_ =	shalt  }
0x72: {  	_ =	shalt  }
0x73: {  	_ =	shalt  }
0x74: {  	_ =	shalt  }
0x75: {  	_ =	shalt  }
0x76: {  	_ =	shalt  }
0x77: {  	_ =	shalt  }
0x78: {  	_ =	shalt  }
0x79: {  	_ =	shalt  }
0x7a: {  	_ =	shalt  }
0x7b: {  	_ =	shalt  }
0x7c: {  	_ =	shalt  }
0x7d: {  	_ =	shalt  }
0x7e: {  	_ =	shalt  }
0x7f: {  	_ =	shalt  }
0x80: {  	_ =	shalt  }
0x81: {  	_ =	shalt  }
0x82: {  	_ =	shalt  }
0x83: {  	_ =	shalt  }
0x84: {  	_ =	shalt  }
0x85: {  	_ =	shalt  }
0x86: {  	_ =	shalt  }
0x87: {  	_ =	shalt  }
.Lfunc_end0:
.L_simem_size_0:
called_computation.2_lowered:
.L_overlay_start_0:
0x88: {  	s2 =	sld [smem:$0x3FD9]  }
0x89: {  	s3 =	sld [smem:$0x3FFE];
	_ =	sdelay $0x1  }
0x8a: {  	s1 =	srdreg.scid  }
0x8b: {  	s0 =	sand.u32 $0x1, s1  }
0x8c: {  	s16 =	sshll.u32 s0, $0xA;
	s2 =	sadd.s32 s3, s2  }
0x8d: {  	s2 =	sadd.s32 s2, s16  }
0x8e: {  	[smem:$0x3FB5] =	sst s2  }
0x8f: {  	_ = 	snop  }
0x90: {  	(tm) =	ssettm $0x1  }
0x91: {  	s17 =	sld [smem:$0x3FFB];
	_ =	sdelay $0x3  }
0x92: {  	_ =	strace s17  }
0x93: {  	s2 =	sld [smem:$0x3FFC];
	_ =	sdelay $0x3  }
0x94: {  	_ =	strace s2  }
0x95: {  	s2 =	sld [smem:$0x3FFD];
	_ =	sdelay $0x3  }
0x96: {  	_ =	strace s2  }
0x97: {  	_ =	strace $0x8FFFFFFF  }
0x98: {  	s18 =	sld [smem:$0x3FDB];
	_ =	sdelay $0x1  }
0x99: {  	s19 =	simm.s32 $_scs_section_size  }
0x9a: {  	s4 =	simm.s32 $_size__tile_overlayer_lowered;
	s5 =	simm.s32 $_tile_overlayer_lowered  }
0x9b: {  	s22 =	simm.s32 $0x1BFF;
	s21 =	sshll.u32 s5, $0x1;
	s2 =	sadd.s32 s19, s18  }
0x9c: {  	s6 =	simm.s32 $0x0;
	s20 =	sshll.u32 s4, $0x1;
	s4 =	sadd.s32 s21, s2  }
0x9d: {  	[timem:s6], [sflag:s22] =	dma.local [hbm:s4], s20  }
0x9e: {  	_ =	swait.ge [sflag:s22], s20  }
0x9f: {  	s3 =	ssub.s32 $0x0, s20;
	[sflag:s22] =	ssyncset.done $0x0  }
0xa0: {  	[sflag:s22] =	ssyncadd.s32 s3;
	_ =	sdelay $0x1  }
0xa1: {  	s23 =	simm.s32 $0x1B8B  }
0xa2: {  	_ =	swait.ge [sflag:s23], $0x1  }
0xa3: {  	[sflag:s23] =	ssyncset.done $0x0  }
0xa4: {  	s25 =	simm.s32 $0x1B8E;
	s24 =	sld [smem:$0x3FFE];
	[sflag:s23] =	ssyncadd.s32 $0xFFFFFFFF  }
0xa5: {  	s26 =	simm.s32 $execute0_lowered;
	[smem:$0x3FD2] =	sst s25  }
0xa6: {  	s4 =	sshll.u32 s26, $0x1;
	_ =	strace $0x8000004C;
	[dreg:$0x1] =	wrdreg $0xFFFFFFFF  }
0xa7: {  	s28 =	simm.s32 $_size_execute0_lowered;
	s2 =	sadd.s32 s2, s4;
	[dreg:$0x0] =	wrdreg $0x0  }
0xa8: {  	s4 =	sshll.u32 s28, $0x1;
	[dreg:$0x2] =	wrdreg s2  }
0xa9: {  	[dreg:$0x3] =	wrdreg s4  }
0xaa: {  	[dreg:$0x4] =	wrdreg $0xC0  }
0xab: {  	_ =	task [dreg:s6], $0x5FFFF  }
0xac: {  	[dreg:$0x1] =	wrdreg $0xFFFFFFFF  }
0xad: {  	[dreg:$0x0] =	wrdreg $0x60  }
0xae: {  	[dreg:$0x2] =	wrdreg s24  }
0xaf: {  	[dreg:$0x3] =	wrdreg $0x50000  }
0xb0: {  	[dreg:$0x4] =	wrdreg $0x9  }
0xb1: {  	_ =	task.clear_ibuf [dreg:s6], $0x5FFFF;
	_ =	strace $0x9000004C  }
0xb2: {  	s29 =	simm.s32 $0x9;
	_ =	strace $0x8000004E  }
0xb3: {  	_ =	swait.ge [sflag:s29], $0x1  }
0xb4: {  	[sflag:s29] =	ssyncadd.s32 $0xFFFFFFFF  }
0xb5: {  	_ =	strace $0x9000004E  }
0xb6: {  	_ =	sfence  }
0xb7: {  	s30 =	sld [smem:$0x0];
	_ =	sdelay $0x2  }
0xb8: {  	s31 =	sshll.u32 s1, $0xD;
	s1 =	sshrl.u32 s1, $0x2  }
0xb9: {  	s3 =	sand.u32 $0x4000, s31;
	s1 =	sadd.s32 s1, s30  }
0xba: {  	s0 =	sor.u32 s3, s0;
	s1 =	sshll.u32 s1, $0x11  }
0xbb: {  	s0 =	sor.u32 s1, s0  }
0xbc: {  	s0 =	sadd.s32 $0x8F2B, s0  }
0xbd: {  	[sflag:s0] =	ssyncadd.remote.s32 $0x1  }
0xbe: {  	_ =	sfence.sel $0xFFFF  }
0xbf: {  	[dreg:$0x0] =	wrdreg $0xFFFFFFFF;
	(pc) =	sbr.abs _section_cstart, $3  }
0xc0: {  	[dreg:$0x1] =	wrdreg $0xFFFFFFFF  }
0xc1: {  	_ =	task.clear_ibuf [dreg:s6], $0x2FFFF;
	_ =	strace $0x9FFFFFFF  }
0xc2: {  	(tm) =	ssettm $0x7FFFFFFF  }
0xc3: {  	_ =	shalt  }
tec
execute0_lowered:
.L_overlay_start_1:
0x0: {  	(tag) =	ssettag $0x1  }
0x1: {  	s0 =	rddreg [dreg:$0x0]  }
0x2: {  	s1 =	rddreg [dreg:$0x1];
	s2 =	simm.s32 $0x0;
	s7 =	srdreg.scid  }
0x3: {  	s15 =	stileid.u32;
	s28 =	simm.s32 $0x3800;
	s30 =	simm.s32 $0x4000  }
0x4: {  	s29 =	simm.s32 $0x1;
	s3 =	sadd.s32 $0x205C00, s0;
	s5 =	sadd.s32 $0x1ED400, s0  }
0x5: {  	s31 =	simm.s32 $0x2;
	s6 =	sadd.s32 $0x221600, s0;
	s16 =	smul.u32 $0x61C00, s15  }
0x6: {  	[smem:$0x7FF] =	sst s2;
	s4 =	sadd.s32 $0x143CC00, s0;
	s10 =	smul.u32 $0xC38, s15  }
0x7: {  	s8 =	sadd.s32 $0x21E400, s0;
	s7 =	sand.u32 $0x1, s7;
	s14 =	smul.u32 $0x62000, s15  }
0x8: {  	s0 =	sadd.s32 $0x283200, s0;
	s17 =	sshll.u32 s15, $0x6;
	s19 =	smul.u32 $0x310000, s15  }
0x9: {  	p0 =	seq.s32 s15, $0xF;
	_ =	strace $0x8000004D;
	[dreg:$0x3] =	wrdreg s8  }
0xa: {  	s9 =	ssub.s32 $0x2, s7;
	s8 =	smul.u32 $0xC400, s15;
	s17 =	sor.u32 $0x1C05, s17  }
0xb: {  	s21 =	smul.u32 $0x186A00, s7;
	s25 =	sshll.u32 s7, $0x5;
	s11 =	sshrl.u32 s9, $0x1  }
0xc: {  	s12 =	sshrl.u32 s16, $0x2;
	s20 =	sadd.s32 s4, s14;
	[dreg:$0x5] =	wrdreg s17  }
0xd: {  	s9 =	ssub.s32 s9, s11;
	s16 =	sadd.s32 s12, s1;
	s11 =	smul.u32 $0xC350, s7  }
0xe: {  	s13 =	sshrl.u32 s8, $0x3;
	s12 =	sshrl.u32 s19, $0x3;
	s22 =	sshrl.u32 s21, $0x3  }
0xf: {  	s19 =	sor.u32 $0x2100, s25;
	s21 =	simm.s32 $0x5;
	s7 =	simm.s32 $0x0  }
0x10: {  	s18 =	sadd.s32 s3, s13;
	s13 =	sadd.s32 s5, s13;
	s4 =	sadd.s32 s4, s12  }
0x11: {  	s24 =	smax.u32 s9, $0x1;
	s9 =	sor.u32 $0x1100, s25;
	[dreg:$0x4] =	wrdreg s16  }
0x12: {  	s26 =	sshrl.u32 s16, $0x3;
	s25 =	simm.s32 $0x3000;
	[dreg:$0x6] =	wrdreg s18  }
0x13: {  	[dreg:$0x7] =	wrdreg s13;
	s13 =	sadd.s32 $0x620000, s20;
	s10 =	sadd.s32 s10, s11  }
.Ltmp0:
0x14: {  	s4 =	sadd.s32 $0x620200, s4;
	[dreg:$0xb] =	wrdreg s24;
	(pc) =	sbr.rel .LBB2_1-.Ltmp0, $4  }
0x15: {  	[dreg:$0xc] =	wrdreg s26;
	s24 =	simm.s32 $0x40;
	s10 =	sshll.u32 s10, $0x2  }
0x16: {  	[dreg:$0x8] =	wrdreg s4;
	s23 =	sadd.s32 s0, s10;
	s0 =	sadd.s32 s0, s22  }
0x17: {  	s26 =	simm.s32 $0x2000;
	[dreg:$0x9] =	wrdreg s23;
	s0 =	sadd.s32 $0x2DD20, s0  }
0x18: {  	v0 =	vmov s11;
	s23 =	simm.s32 $0x1000;
	[dreg:$0xa] =	wrdreg s0;
	s0 =	simm.s32 $0x4800  }
.LBB2_16:
0x19: {  	s4 =	simm.s32 $0x3  }
0x1a: {  	_ =	swait.ge [sflag:s4], $0x800  }
0x1b: {  	[sflag:s4] =	ssyncset.done $0x0  }
0x1c: {  	s20 =	simm.s32 $0x4;
	[sflag:s4] =	ssyncadd.s32 $0xFFFFF800  }
0x1d: {  	_ =	swait.ge [sflag:s20], $0x800  }
0x1e: {  	[sflag:s20] =	ssyncset.done $0x0  }
0x1f: {  	[sflag:s20] =	ssyncadd.s32 $0xFFFFF800  }
0x20: {  	[bflag:$0x0] =	sbarrier.arrive $0xFFFF  }
0x21: {  	s10 =	rddreg [dreg:$0x4]  }
0x22: {  	s17 =	rddreg [dreg:$0x5]  }
0x23: {  	s11 =	rddreg [dreg:$0xa];
	s4 =	sshrl.u32 @p0 s10, $0x3  }
0x24: {  	[hbm:s11], [sflag:s17] =	dma.local @p0 [spmem:s4], $0x3020  }
0x25: {  	s4 =	simm.s32 @p0 $0x5  }
0x26: {  	_ =	swait.ge @p0 [sflag:s4], $0x3020  }
0x27: {  	[sflag:s4] =	ssyncset.done @p0 $0x0  }
0x28: {  	[sflag:s4] =	ssyncadd.s32 @p0 $0xFFFFCFE0;
	s4 =	sshrl.u32 @!p0 s10, $0x3;
	s10 =	rddreg [dreg:$0x9]  }
0x29: {  	[hbm:s10], [sflag:s17] =	dma.local @!p0 [spmem:s4], $0x30E0  }
0x2a: {  	s4 =	simm.s32 @!p0 $0x5  }
0x2b: {  	_ =	swait.ge @!p0 [sflag:s4], $0x30E0  }
0x2c: {  	s7 =	sadd.s32 $0x1, s7;
	s22 =	rddreg [dreg:$0xb]  }
0x2d: {  	p1 =	sne.s32 s7, s22  }
.Ltmp1:
0x2e: {  	_ = 	snop;
	(pc) =	sbr.rel @!p1 .LBB2_17-.Ltmp1, $3  }
0x2f: {  	_ =	sdelay $0x1  }
0x30: {  	[sflag:s4] =	ssyncset.done @!p0 $0x0  }
0x31: {  	[sflag:s4] =	ssyncadd.s32 @!p0 $0xFFFFCF20  }
.LBB2_1:
0x32: {  	s4 =	rddreg [dreg:$0x3]  }
0x33: {  	s10 =	rddreg [dreg:$0xc]  }
0x34: {  	[spmem:s10], [sflag:s17] =	dma.local [hbm:s4], $0x30E0  }
0x35: {  	_ =	swait.ge [sflag:s21], $0x30E0  }
0x36: {  	[sflag:s21] =	ssyncset.done $0x0  }
0x37: {  	[sflag:s21] =	ssyncadd.s32 $0xFFFFCF20  }
0x38: {  	[bflag:$0x0] =	sbarrier.arrive $0xFFFF  }
0x39: {  	s18 =	rddreg [dreg:$0x6]  }
0x3a: {  	[tilespmem:s2], [sflag:$0x5] =	stream.linear.gather [hbm4b:s18+s2], $0x400, $0x38;
	[tilespmem:$0x1D700] =	vst v63  }
0x3b: {  	_ =	swait.ge [sflag:s21], $0x400  }
0x3c: {  	[sflag:s21] =	ssyncset.done $0x0  }
0x3d: {  	s22 =	simm.s32 $0x800;
	s20 =	rddreg [dreg:$0x7];
	[sflag:s21] =	ssyncadd.s32 $0xFFFFFC00  }
0x3e: {  	[tilespmem:s22], [sflag:$0x5] =	stream.linear.gather [hbm4b:s20+s2], $0x400, $0x38;
	[tilespmem:$0x1D700] =	vst v63  }
0x3f: {  	_ =	swait.ge [sflag:s21], $0x400  }
0x40: {  	[sflag:s21] =	ssyncset.done $0x0  }
0x41: {  	s4 =	simm.s32 $0x20;
	[sflag:s21] =	ssyncadd.s32 $0xFFFFFC00  }
0x42: {  	v3 =	vld [tilespmem:s4+$0xFFFFFFE0]  }
0x43: {  	v4 =	vld [tilespmem:s4+$0x0]  }
0x44: {  	v1 =	vld [tilespmem:s4+$0x10]  }
0x45: {  	v2 =	vld [tilespmem:s4+$0xFFFFFFF0];
	_ =	sdelay $0x1  }
0x46: {  	v3 =	vadd.s32 v0, v3  }
0x47: {  	s11 =	simm.s32 $0x60;
	s10 =	simm.s32 $0x0;
	[tilespmem:s4+$0xFFFFFFE0] =	vst v3;
	v3 =	vadd.s32 v0, v4  }
.LBB2_2:
0x48: {  	v4 =	vld [tilespmem:s11+$0xFFFFFFE0];
	[tilespmem:s4+$0x0] =	vst v3;
	v1 =	vadd.s32 v0, v1;
	s10 =	sadd.s32 $0x4, s10  }
0x49: {  	v3 =	vld [tilespmem:s11+$0x0];
	v2 =	vadd.s32 v0, v2;
	[tilespmem:s4+$0x10] =	vst v1;
	p1 =	slt.u32 s10, $0x3C  }
.Ltmp2:
0x4a: {  	v1 =	vld [tilespmem:s11+$0x10];
	[tilespmem:s4+$0xFFFFFFF0] =	vst v2;
	s4 =	smov.u32 s11;
	(pc) =	sbr.rel @p1 .LBB2_2-.Ltmp2, $3  }
0x4b: {  	v2 =	vld [tilespmem:s11+$0xFFFFFFF0];
	_ =	sdelay $0x1  }
0x4c: {  	v4 =	vadd.s32 v0, v4  }
0x4d: {  	s11 =	sadd.s32 $0x40, s11;
	[tilespmem:s4+$0xFFFFFFE0] =	vst v4;
	v3 =	vadd.s32 v0, v3  }
0x4e: {  	[tilespmem:s4+$0x0] =	vst v3;
	v1 =	vadd.s32 v0, v1  }
0x4f: {  	v2 =	vadd.s32 v0, v2;
	[tilespmem:s4+$0x10] =	vst v1  }
0x50: {  	s11 =	simm.s32 $0x0;
	[tilespmem:s4+$0xFFFFFFF0] =	vst v2  }
0x51: {  	[tilespmem:s23], [sflag:$0x1] =	stream.linear.gather [hbm4b:s13+s11], $0x1000, $0x38;
	[tilespmem:$0x1D700] =	vst v63  }
0x52: {  	_ = 	snop  }
0x53: {  	[tilespmem:s25], [sflag:$0x1] =	stream.indirect.gather [hbm4b:s6+s24], $0x20, s11, s24, $0xb8;
	[tilespmem:$0x1D700] =	vst v63  }
0x54: {  	s22 =	rddreg [dreg:$0x8]  }
0x55: {  	[tilespmem:s26], [sflag:$0x2] =	stream.linear.gather [hbm4b:s22+s11], $0x1000, $0x38;
	[tilespmem:$0x1D700] =	vst v63  }
0x56: {  	s12 =	simm.s32 $0x80  }
0x57: {  	[tilespmem:s28], [sflag:$0x2] =	stream.indirect.gather [hbm4b:s6+s24], $0x20, s24, s24, $0xb8;
	[tilespmem:$0x1D700] =	vst v63  }
.LBB2_4:
0x58: {  	_ =	swait.ge [sflag:s29], $0x1000  }
0x59: {  	[sflag:s29] =	ssyncset.done $0x0  }
0x5a: {  	[sflag:s29] =	ssyncadd.s32 $0xFFFFF000  }
0x5b: {  	_ =	swait.ge [sflag:s29], $0x800  }
0x5c: {  	p1 =	seq.s32 s11, $0x0;
	[sflag:s29] =	ssyncset.done $0x0  }
0x5d: {  	s4 =	simm.s32 @!p1 $0x3;
	[sflag:s29] =	ssyncadd.s32 $0xFFFFF800  }
0x5e: {  	_ =	swait.ge @!p1 [sflag:s4], $0x800  }
0x5f: {  	[sflag:s4] =	ssyncset.done @!p1 $0x0  }
0x60: {  	s15 =	simm.s32 $0x3080;
	[sflag:s4] =	ssyncadd.s32 @!p1 $0xFFFFF800  }
0x61: {  	v1 =	vld [tilespmem:s15+$0xFFFFFF80]  }
0x62: {  	v2 =	vld [tilespmem:s9+$0xFFFFFF00];
	_ =	sdelay $0x4  }
0x63: {  	v1 =	vmul.f32 v2, v1  }
0x64: {  	s17 =	simm.s32 $0x4080  }
0x65: {  	[tilespmem:s17+$0xFFFFFF80] =	vst v1  }
0x66: {  	v1 =	vld [tilespmem:s9+$0xFFFFFF10]  }
0x67: {  	v2 =	vld [tilespmem:s15+$0xFFFFFF90];
	_ =	sdelay $0x4  }
0x68: {  	v1 =	vmul.f32 v1, v2;
	_ =	sdelay $0x1  }
0x69: {  	[tilespmem:s17+$0xFFFFFF90] =	vst v1  }
0x6a: {  	v1 =	vld [tilespmem:s15+$0xFFFFFFA0]  }
0x6b: {  	v2 =	vld [tilespmem:s9+$0xFFFFFF40];
	_ =	sdelay $0x4  }
0x6c: {  	v1 =	vmul.f32 v2, v1;
	_ =	sdelay $0x1  }
0x6d: {  	[tilespmem:s17+$0xFFFFFFA0] =	vst v1  }
0x6e: {  	v1 =	vld [tilespmem:s15+$0xFFFFFFB0]  }
0x6f: {  	v2 =	vld [tilespmem:s9+$0xFFFFFF50];
	_ =	sdelay $0x4  }
0x70: {  	v1 =	vmul.f32 v2, v1;
	_ =	sdelay $0x1  }
0x71: {  	[tilespmem:s17+$0xFFFFFFB0] =	vst v1  }
0x72: {  	v1 =	vld [tilespmem:s15+$0xFFFFFFC0]  }
0x73: {  	v2 =	vld [tilespmem:s9+$0xFFFFFF80];
	_ =	sdelay $0x4  }
0x74: {  	v1 =	vmul.f32 v2, v1;
	_ =	sdelay $0x1  }
0x75: {  	[tilespmem:s17+$0xFFFFFFC0] =	vst v1  }
0x76: {  	v1 =	vld [tilespmem:s15+$0xFFFFFFD0]  }
0x77: {  	v2 =	vld [tilespmem:s9+$0xFFFFFF90];
	_ =	sdelay $0x4  }
0x78: {  	v1 =	vmul.f32 v2, v1;
	_ =	sdelay $0x1  }
0x79: {  	[tilespmem:s17+$0xFFFFFFD0] =	vst v1  }
0x7a: {  	v1 =	vld [tilespmem:s15+$0xFFFFFFE0]  }
0x7b: {  	v2 =	vld [tilespmem:s9+$0xFFFFFFC0];
	_ =	sdelay $0x4  }
0x7c: {  	v1 =	vmul.f32 v2, v1;
	_ =	sdelay $0x1  }
0x7d: {  	[tilespmem:s17+$0xFFFFFFE0] =	vst v1  }
0x7e: {  	v1 =	vld [tilespmem:s15+$0xFFFFFFF0]  }
0x7f: {  	v2 =	vld [tilespmem:s9+$0xFFFFFFD0];
	_ =	sdelay $0x4  }
0x80: {  	v1 =	vmul.f32 v2, v1;
	_ =	sdelay $0x1  }
0x81: {  	[tilespmem:s17+$0xFFFFFFF0] =	vst v1  }
0x82: {  	v1 =	vld [tilespmem:s15+$0x0]  }
0x83: {  	v2 =	vld [tilespmem:s9+$0x0];
	_ =	sdelay $0x4  }
0x84: {  	v1 =	vmul.f32 v2, v1;
	_ =	sdelay $0x1  }
0x85: {  	[tilespmem:s17+$0x0] =	vst v1  }
0x86: {  	v1 =	vld [tilespmem:s15+$0x10]  }
0x87: {  	v2 =	vld [tilespmem:s9+$0x10];
	_ =	sdelay $0x4  }
0x88: {  	v1 =	vmul.f32 v2, v1;
	_ =	sdelay $0x1  }
0x89: {  	[tilespmem:s17+$0x10] =	vst v1  }
0x8a: {  	v1 =	vld [tilespmem:s15+$0x20]  }
0x8b: {  	v2 =	vld [tilespmem:s9+$0x40];
	_ =	sdelay $0x4  }
0x8c: {  	v1 =	vmul.f32 v2, v1;
	_ =	sdelay $0x1  }
0x8d: {  	[tilespmem:s17+$0x20] =	vst v1  }
0x8e: {  	v1 =	vld [tilespmem:s15+$0x30]  }
0x8f: {  	v2 =	vld [tilespmem:s9+$0x50];
	_ =	sdelay $0x4  }
0x90: {  	v1 =	vmul.f32 v2, v1;
	_ =	sdelay $0x1  }
0x91: {  	[tilespmem:s17+$0x30] =	vst v1  }
0x92: {  	v1 =	vld [tilespmem:s15+$0x40]  }
0x93: {  	v2 =	vld [tilespmem:s9+$0x80];
	_ =	sdelay $0x4  }
0x94: {  	v1 =	vmul.f32 v2, v1;
	_ =	sdelay $0x1  }
0x95: {  	[tilespmem:s17+$0x40] =	vst v1  }
0x96: {  	v1 =	vld [tilespmem:s15+$0x50]  }
0x97: {  	v2 =	vld [tilespmem:s9+$0x90];
	_ =	sdelay $0x4  }
0x98: {  	v1 =	vmul.f32 v2, v1;
	_ =	sdelay $0x1  }
0x99: {  	s22 =	sand.u32 $0x400, s12;
	s14 =	sshll.u32 s11, $0x1;
	[tilespmem:s17+$0x50] =	vst v1  }
0x9a: {  	s10 =	sadd.s32 $0x200, s9;
	s20 =	simm.s32 $0x4080;
	s18 =	smov.u32 s9;
	v1 =	vld [tilespmem:s15+$0x60]  }
0x9b: {  	s16 =	sor.u32 $0x20, s22;
	s22 =	simm.s32 $0x3080;
	s4 =	simm.s32 $0x0;
	v2 =	vld [tilespmem:s9+$0xC0]  }
.LBB2_5:
0x9c: {  	s4 =	sadd.s32 $0x4, s4;
	s15 =	sadd.s32 $0x100, s15;
	s17 =	sadd.s32 $0x100, s17  }
0x9d: {  	p2 =	slt.u32 s4, $0x1C;
	_ =	sdelay $0x2  }
0x9e: {  	v1 =	vmul.f32 v2, v1;
	_ =	sdelay $0x1  }
0x9f: {  	[tilespmem:s20+$0x60] =	vst v1  }
0xa0: {  	v1 =	vld [tilespmem:s22+$0x70];
	s22 =	smov.u32 s15  }
0xa1: {  	v2 =	vld [tilespmem:s18+$0xD0];
	s18 =	smov.u32 s10;
	_ =	sdelay $0x4  }
0xa2: {  	v1 =	vmul.f32 v2, v1;
	_ =	sdelay $0x1  }
0xa3: {  	[tilespmem:s20+$0x70] =	vst v1;
	s20 =	smov.u32 s17  }
0xa4: {  	v1 =	vld [tilespmem:s15+$0xFFFFFF80]  }
0xa5: {  	v2 =	vld [tilespmem:s10+$0xFFFFFF00];
	_ =	sdelay $0x4  }
0xa6: {  	v1 =	vmul.f32 v2, v1;
	_ =	sdelay $0x1  }
0xa7: {  	[tilespmem:s17+$0xFFFFFF80] =	vst v1  }
0xa8: {  	v1 =	vld [tilespmem:s10+$0xFFFFFF10]  }
0xa9: {  	v2 =	vld [tilespmem:s15+$0xFFFFFF90];
	_ =	sdelay $0x4  }
0xaa: {  	v1 =	vmul.f32 v1, v2;
	_ =	sdelay $0x1  }
0xab: {  	[tilespmem:s17+$0xFFFFFF90] =	vst v1  }
0xac: {  	v1 =	vld [tilespmem:s15+$0xFFFFFFA0]  }
0xad: {  	v2 =	vld [tilespmem:s10+$0xFFFFFF40];
	_ =	sdelay $0x4  }
0xae: {  	v1 =	vmul.f32 v2, v1;
	_ =	sdelay $0x1  }
0xaf: {  	[tilespmem:s17+$0xFFFFFFA0] =	vst v1  }
0xb0: {  	v1 =	vld [tilespmem:s15+$0xFFFFFFB0]  }
0xb1: {  	v2 =	vld [tilespmem:s10+$0xFFFFFF50];
	_ =	sdelay $0x4  }
0xb2: {  	v1 =	vmul.f32 v2, v1;
	_ =	sdelay $0x1  }
0xb3: {  	[tilespmem:s17+$0xFFFFFFB0] =	vst v1  }
0xb4: {  	v1 =	vld [tilespmem:s15+$0xFFFFFFC0]  }
0xb5: {  	v2 =	vld [tilespmem:s10+$0xFFFFFF80];
	_ =	sdelay $0x4  }
0xb6: {  	v1 =	vmul.f32 v2, v1;
	_ =	sdelay $0x1  }
0xb7: {  	[tilespmem:s17+$0xFFFFFFC0] =	vst v1  }
0xb8: {  	v1 =	vld [tilespmem:s15+$0xFFFFFFD0]  }
0xb9: {  	v2 =	vld [tilespmem:s10+$0xFFFFFF90];
	_ =	sdelay $0x4  }
0xba: {  	v1 =	vmul.f32 v2, v1;
	_ =	sdelay $0x1  }
0xbb: {  	[tilespmem:s17+$0xFFFFFFD0] =	vst v1  }
0xbc: {  	v1 =	vld [tilespmem:s15+$0xFFFFFFE0]  }
0xbd: {  	v2 =	vld [tilespmem:s10+$0xFFFFFFC0];
	_ =	sdelay $0x4  }
0xbe: {  	v1 =	vmul.f32 v2, v1;
	_ =	sdelay $0x1  }
0xbf: {  	[tilespmem:s17+$0xFFFFFFE0] =	vst v1  }
0xc0: {  	v1 =	vld [tilespmem:s15+$0xFFFFFFF0]  }
0xc1: {  	v2 =	vld [tilespmem:s10+$0xFFFFFFD0];
	_ =	sdelay $0x4  }
0xc2: {  	v1 =	vmul.f32 v2, v1;
	_ =	sdelay $0x1  }
0xc3: {  	[tilespmem:s17+$0xFFFFFFF0] =	vst v1  }
0xc4: {  	v1 =	vld [tilespmem:s15+$0x0]  }
0xc5: {  	v2 =	vld [tilespmem:s10+$0x0];
	_ =	sdelay $0x4  }
0xc6: {  	v1 =	vmul.f32 v2, v1;
	_ =	sdelay $0x1  }
0xc7: {  	[tilespmem:s17+$0x0] =	vst v1  }
0xc8: {  	v1 =	vld [tilespmem:s15+$0x10]  }
0xc9: {  	v2 =	vld [tilespmem:s10+$0x10];
	_ =	sdelay $0x4  }
0xca: {  	v1 =	vmul.f32 v2, v1;
	_ =	sdelay $0x1  }
0xcb: {  	[tilespmem:s17+$0x10] =	vst v1  }
0xcc: {  	v1 =	vld [tilespmem:s15+$0x20]  }
0xcd: {  	v2 =	vld [tilespmem:s10+$0x40];
	_ =	sdelay $0x4  }
0xce: {  	v1 =	vmul.f32 v2, v1;
	_ =	sdelay $0x1  }
0xcf: {  	[tilespmem:s17+$0x20] =	vst v1  }
0xd0: {  	v1 =	vld [tilespmem:s15+$0x30]  }
0xd1: {  	v2 =	vld [tilespmem:s10+$0x50];
	_ =	sdelay $0x4  }
0xd2: {  	v1 =	vmul.f32 v2, v1;
	_ =	sdelay $0x1  }
0xd3: {  	[tilespmem:s17+$0x30] =	vst v1  }
0xd4: {  	v1 =	vld [tilespmem:s15+$0x40]  }
0xd5: {  	v2 =	vld [tilespmem:s10+$0x80];
	_ =	sdelay $0x4  }
0xd6: {  	v1 =	vmul.f32 v2, v1;
	_ =	sdelay $0x1  }
0xd7: {  	[tilespmem:s17+$0x40] =	vst v1  }
0xd8: {  	v1 =	vld [tilespmem:s15+$0x50]  }
0xd9: {  	v2 =	vld [tilespmem:s10+$0x90];
	_ =	sdelay $0x4  }
.Ltmp3:
0xda: {  	v1 =	vmul.f32 v2, v1;
	(pc) =	sbr.rel @p2 .LBB2_5-.Ltmp3, $4  }
0xdb: {  	_ = 	snop  }
0xdc: {  	[tilespmem:s17+$0x50] =	vst v1  }
0xdd: {  	v1 =	vld [tilespmem:s15+$0x60]  }
0xde: {  	s10 =	sadd.s32 $0x200, s10;
	v2 =	vld [tilespmem:s18+$0xC0]  }
0xdf: {  	_ =	sdelay $0x3  }
0xe0: {  	v1 =	vmul.f32 v2, v1;
	_ =	sdelay $0x1  }
0xe1: {  	[tilespmem:s20+$0x60] =	vst v1  }
0xe2: {  	v1 =	vld [tilespmem:s22+$0x70]  }
0xe3: {  	v2 =	vld [tilespmem:s18+$0xD0];
	_ =	sdelay $0x2  }
0xe4: {  	p2 =	seq.s32 s11, $0x187  }
.Ltmp4:
0xe5: {  	_ = 	snop;
	(pc) =	sbr.rel @p2 .LBB2_12-.Ltmp4, $4  }
0xe6: {  	s4 =	sshll.u32 s11, $0x7;
	v1 =	vmul.f32 v2, v1  }
0xe7: {  	s4 =	sand.u32 $0x780, s4  }
0xe8: {  	s15 =	sor.u32 $0x800, s4;
	[tilespmem:s20+$0x70] =	vst v1  }
0xe9: {  	[spmem:s1] =	stream.indirect.scatter.add.f32 [tilespmem:s30], [sflag:$0x3], $0x20, s15, s24, $0xb8;
	[tilespmem:$0x1D700] =	vst v63  }
0xea: {  	s10 =	sadd.s32 $0x2, s14  }
0xeb: {  	s4 =	sand.u32 $0xE, s10  }
0xec: {  	p3 =	sne.s32 s4, $0x0  }
.Ltmp5:
0xed: {  	_ = 	snop;
	(pc) =	sbr.rel @p3 .LBB2_11-.Ltmp5, $3  }
0xee: {  	_ =	sdelay $0x1  }
0xef: {  	s18 =	sshll.u32 s10, $0x6  }
0xf0: {  	s17 =	sand.u32 $0x400, s18  }
0xf1: {  	s18 =	sadd.s32 s8, s18  }
0xf2: {  	s18 =	sshrl.u32 s18, $0x3  }
0xf3: {  	s20 =	sadd.s32 s3, s18  }
0xf4: {  	[tilespmem:s17], [sflag:$0x5] =	stream.linear.gather [hbm4b:s20+s2], $0x400, $0x38;
	[tilespmem:$0x1D700] =	vst v63  }
0xf5: {  	_ =	swait.ge [sflag:s21], $0x400  }
0xf6: {  	[sflag:s21] =	ssyncset.done $0x0  }
0xf7: {  	s22 =	sor.u32 $0x800, s17;
	s18 =	sadd.s32 s5, s18;
	[sflag:s21] =	ssyncadd.s32 $0xFFFFFC00  }
0xf8: {  	[tilespmem:s22], [sflag:$0x5] =	stream.linear.gather [hbm4b:s18+s2], $0x400, $0x38;
	[tilespmem:$0x1D700] =	vst v63  }
0xf9: {  	_ =	swait.ge [sflag:s21], $0x400  }
0xfa: {  	[sflag:s21] =	ssyncset.done $0x0  }
0xfb: {  	[sflag:s21] =	ssyncadd.s32 $0xFFFFFC00  }
0xfc: {  	v3 =	vld [tilespmem:s16+$0xFFFFFFE0]  }
0xfd: {  	v4 =	vld [tilespmem:s16+$0x0]  }
0xfe: {  	v1 =	vld [tilespmem:s16+$0x10]  }
0xff: {  	v2 =	vld [tilespmem:s16+$0xFFFFFFF0];
	_ =	sdelay $0x1  }
0x100: {  	v3 =	vadd.s32 v0, v3  }
0x101: {  	s20 =	sadd.s32 $0x40, s16;
	s18 =	simm.s32 $0x0;
	[tilespmem:s16+$0xFFFFFFE0] =	vst v3;
	v3 =	vadd.s32 v0, v4  }
.LBB2_9:
0x102: {  	v4 =	vld [tilespmem:s20+$0xFFFFFFE0];
	[tilespmem:s16+$0x0] =	vst v3;
	v1 =	vadd.s32 v0, v1;
	s18 =	sadd.s32 $0x4, s18  }
0x103: {  	v3 =	vld [tilespmem:s20+$0x0];
	v2 =	vadd.s32 v0, v2;
	[tilespmem:s16+$0x10] =	vst v1;
	p3 =	slt.u32 s18, $0x3C  }
.Ltmp6:
0x104: {  	v1 =	vld [tilespmem:s20+$0x10];
	[tilespmem:s16+$0xFFFFFFF0] =	vst v2;
	s16 =	smov.u32 s20;
	(pc) =	sbr.rel @p3 .LBB2_9-.Ltmp6, $3  }
0x105: {  	v2 =	vld [tilespmem:s20+$0xFFFFFFF0];
	_ =	sdelay $0x1  }
0x106: {  	v4 =	vadd.s32 v0, v4  }
0x107: {  	s20 =	sadd.s32 $0x40, s20;
	[tilespmem:s16+$0xFFFFFFE0] =	vst v4;
	v3 =	vadd.s32 v0, v3  }
0x108: {  	[tilespmem:s16+$0x0] =	vst v3;
	v1 =	vadd.s32 v0, v1  }
0x109: {  	v2 =	vadd.s32 v0, v2;
	[tilespmem:s16+$0x10] =	vst v1  }
0x10a: {  	[tilespmem:s16+$0xFFFFFFF0] =	vst v2  }
.LBB2_11:
0x10b: {  	s10 =	sshll.u32 s10, $0x9  }
0x10c: {  	s4 =	sshll.u32 s4, $0x6;
	s10 =	sadd.s32 s10, s13  }
0x10d: {  	[tilespmem:s23], [sflag:$0x1] =	stream.linear.gather [hbm4b:s10+s2], $0x1000, $0x38;
	[tilespmem:$0x1D700] =	vst v63  }
0x10e: {  	s4 =	sor.u32 s4, s17  }
0x10f: {  	[tilespmem:s25], [sflag:$0x1] =	stream.indirect.gather [hbm4b:s6+s24], $0x20, s4, s24, $0xb8;
	[tilespmem:$0x1D700] =	vst v63  }
.LBB2_12:
0x110: {  	_ =	swait.ge [sflag:s31], $0x1000  }
0x111: {  	[sflag:s31] =	ssyncset.done $0x0  }
0x112: {  	[sflag:s31] =	ssyncadd.s32 $0xFFFFF000  }
0x113: {  	_ =	swait.ge [sflag:s31], $0x800  }
0x114: {  	[sflag:s31] =	ssyncset.done $0x0  }
0x115: {  	s4 =	simm.s32 @!p1 $0x4;
	[sflag:s31] =	ssyncadd.s32 $0xFFFFF800  }
0x116: {  	_ =	swait.ge @!p1 [sflag:s4], $0x800  }
0x117: {  	[sflag:s4] =	ssyncset.done @!p1 $0x0  }
0x118: {  	s16 =	simm.s32 $0x3880;
	[sflag:s4] =	ssyncadd.s32 @!p1 $0xFFFFF800  }
0x119: {  	v1 =	vld [tilespmem:s16+$0xFFFFFF80]  }
0x11a: {  	v2 =	vld [tilespmem:s19+$0xFFFFFF00];
	_ =	sdelay $0x4  }
0x11b: {  	v1 =	vmul.f32 v2, v1  }
0x11c: {  	s17 =	simm.s32 $0x4880  }
0x11d: {  	[tilespmem:s17+$0xFFFFFF80] =	vst v1  }
0x11e: {  	v1 =	vld [tilespmem:s19+$0xFFFFFF10]  }
0x11f: {  	v2 =	vld [tilespmem:s16+$0xFFFFFF90];
	_ =	sdelay $0x4  }
0x120: {  	v1 =	vmul.f32 v1, v2;
	_ =	sdelay $0x1  }
0x121: {  	[tilespmem:s17+$0xFFFFFF90] =	vst v1  }
0x122: {  	v1 =	vld [tilespmem:s16+$0xFFFFFFA0]  }
0x123: {  	v2 =	vld [tilespmem:s19+$0xFFFFFF40];
	_ =	sdelay $0x4  }
0x124: {  	v1 =	vmul.f32 v2, v1;
	_ =	sdelay $0x1  }
0x125: {  	[tilespmem:s17+$0xFFFFFFA0] =	vst v1  }
0x126: {  	v1 =	vld [tilespmem:s16+$0xFFFFFFB0]  }
0x127: {  	v2 =	vld [tilespmem:s19+$0xFFFFFF50];
	_ =	sdelay $0x4  }
0x128: {  	v1 =	vmul.f32 v2, v1;
	_ =	sdelay $0x1  }
0x129: {  	[tilespmem:s17+$0xFFFFFFB0] =	vst v1  }
0x12a: {  	v1 =	vld [tilespmem:s16+$0xFFFFFFC0]  }
0x12b: {  	v2 =	vld [tilespmem:s19+$0xFFFFFF80];
	_ =	sdelay $0x4  }
0x12c: {  	v1 =	vmul.f32 v2, v1;
	_ =	sdelay $0x1  }
0x12d: {  	[tilespmem:s17+$0xFFFFFFC0] =	vst v1  }
0x12e: {  	v1 =	vld [tilespmem:s16+$0xFFFFFFD0]  }
0x12f: {  	v2 =	vld [tilespmem:s19+$0xFFFFFF90];
	_ =	sdelay $0x4  }
0x130: {  	v1 =	vmul.f32 v2, v1;
	_ =	sdelay $0x1  }
0x131: {  	[tilespmem:s17+$0xFFFFFFD0] =	vst v1  }
0x132: {  	v1 =	vld [tilespmem:s16+$0xFFFFFFE0]  }
0x133: {  	v2 =	vld [tilespmem:s19+$0xFFFFFFC0];
	_ =	sdelay $0x4  }
0x134: {  	v1 =	vmul.f32 v2, v1;
	_ =	sdelay $0x1  }
0x135: {  	[tilespmem:s17+$0xFFFFFFE0] =	vst v1  }
0x136: {  	v1 =	vld [tilespmem:s16+$0xFFFFFFF0]  }
0x137: {  	v2 =	vld [tilespmem:s19+$0xFFFFFFD0];
	_ =	sdelay $0x4  }
0x138: {  	v1 =	vmul.f32 v2, v1;
	_ =	sdelay $0x1  }
0x139: {  	[tilespmem:s17+$0xFFFFFFF0] =	vst v1  }
0x13a: {  	v1 =	vld [tilespmem:s16+$0x0]  }
0x13b: {  	v2 =	vld [tilespmem:s19+$0x0];
	_ =	sdelay $0x4  }
0x13c: {  	v1 =	vmul.f32 v2, v1;
	_ =	sdelay $0x1  }
0x13d: {  	[tilespmem:s17+$0x0] =	vst v1  }
0x13e: {  	v1 =	vld [tilespmem:s16+$0x10]  }
0x13f: {  	v2 =	vld [tilespmem:s19+$0x10];
	_ =	sdelay $0x4  }
0x140: {  	v1 =	vmul.f32 v2, v1;
	_ =	sdelay $0x1  }
0x141: {  	[tilespmem:s17+$0x10] =	vst v1  }
0x142: {  	v1 =	vld [tilespmem:s16+$0x20]  }
0x143: {  	v2 =	vld [tilespmem:s19+$0x40];
	_ =	sdelay $0x4  }
0x144: {  	v1 =	vmul.f32 v2, v1;
	_ =	sdelay $0x1  }
0x145: {  	[tilespmem:s17+$0x20] =	vst v1  }
0x146: {  	v1 =	vld [tilespmem:s16+$0x30]  }
0x147: {  	v2 =	vld [tilespmem:s19+$0x50];
	_ =	sdelay $0x4  }
0x148: {  	v1 =	vmul.f32 v2, v1;
	_ =	sdelay $0x1  }
0x149: {  	[tilespmem:s17+$0x30] =	vst v1  }
0x14a: {  	v1 =	vld [tilespmem:s16+$0x40]  }
0x14b: {  	v2 =	vld [tilespmem:s19+$0x80];
	_ =	sdelay $0x4  }
0x14c: {  	v1 =	vmul.f32 v2, v1;
	_ =	sdelay $0x1  }
0x14d: {  	[tilespmem:s17+$0x40] =	vst v1  }
0x14e: {  	v1 =	vld [tilespmem:s16+$0x50]  }
0x14f: {  	v2 =	vld [tilespmem:s19+$0x90];
	_ =	sdelay $0x4  }
0x150: {  	v1 =	vmul.f32 v2, v1;
	_ =	sdelay $0x1  }
0x151: {  	[tilespmem:s17+$0x50] =	vst v1  }
0x152: {  	s10 =	sadd.s32 $0x200, s19;
	s20 =	simm.s32 $0x4880;
	v1 =	vld [tilespmem:s16+$0x60]  }
0x153: {  	s18 =	simm.s32 $0x3880;
	s22 =	smov.u32 s19;
	s4 =	simm.s32 $0x0;
	v2 =	vld [tilespmem:s19+$0xC0]  }
.LBB2_13:
0x154: {  	s4 =	sadd.s32 $0x4, s4;
	s16 =	sadd.s32 $0x100, s16;
	s17 =	sadd.s32 $0x100, s17  }
0x155: {  	p1 =	slt.u32 s4, $0x1C;
	_ =	sdelay $0x2  }
0x156: {  	v1 =	vmul.f32 v2, v1;
	_ =	sdelay $0x1  }
0x157: {  	[tilespmem:s20+$0x60] =	vst v1  }
0x158: {  	v1 =	vld [tilespmem:s18+$0x70];
	s18 =	smov.u32 s16  }
0x159: {  	v2 =	vld [tilespmem:s22+$0xD0];
	s22 =	smov.u32 s10;
	_ =	sdelay $0x4  }
0x15a: {  	v1 =	vmul.f32 v2, v1;
	_ =	sdelay $0x1  }
0x15b: {  	[tilespmem:s20+$0x70] =	vst v1;
	s20 =	smov.u32 s17  }
0x15c: {  	v1 =	vld [tilespmem:s16+$0xFFFFFF80]  }
0x15d: {  	v2 =	vld [tilespmem:s10+$0xFFFFFF00];
	_ =	sdelay $0x4  }
0x15e: {  	v1 =	vmul.f32 v2, v1;
	_ =	sdelay $0x1  }
0x15f: {  	[tilespmem:s17+$0xFFFFFF80] =	vst v1  }
0x160: {  	v1 =	vld [tilespmem:s10+$0xFFFFFF10]  }
0x161: {  	v2 =	vld [tilespmem:s16+$0xFFFFFF90];
	_ =	sdelay $0x4  }
0x162: {  	v1 =	vmul.f32 v1, v2;
	_ =	sdelay $0x1  }
0x163: {  	[tilespmem:s17+$0xFFFFFF90] =	vst v1  }
0x164: {  	v1 =	vld [tilespmem:s16+$0xFFFFFFA0]  }
0x165: {  	v2 =	vld [tilespmem:s10+$0xFFFFFF40];
	_ =	sdelay $0x4  }
0x166: {  	v1 =	vmul.f32 v2, v1;
	_ =	sdelay $0x1  }
0x167: {  	[tilespmem:s17+$0xFFFFFFA0] =	vst v1  }
0x168: {  	v1 =	vld [tilespmem:s16+$0xFFFFFFB0]  }
0x169: {  	v2 =	vld [tilespmem:s10+$0xFFFFFF50];
	_ =	sdelay $0x4  }
0x16a: {  	v1 =	vmul.f32 v2, v1;
	_ =	sdelay $0x1  }
0x16b: {  	[tilespmem:s17+$0xFFFFFFB0] =	vst v1  }
0x16c: {  	v1 =	vld [tilespmem:s16+$0xFFFFFFC0]  }
0x16d: {  	v2 =	vld [tilespmem:s10+$0xFFFFFF80];
	_ =	sdelay $0x4  }
0x16e: {  	v1 =	vmul.f32 v2, v1;
	_ =	sdelay $0x1  }
0x16f: {  	[tilespmem:s17+$0xFFFFFFC0] =	vst v1  }
0x170: {  	v1 =	vld [tilespmem:s16+$0xFFFFFFD0]  }
0x171: {  	v2 =	vld [tilespmem:s10+$0xFFFFFF90];
	_ =	sdelay $0x4  }
0x172: {  	v1 =	vmul.f32 v2, v1;
	_ =	sdelay $0x1  }
0x173: {  	[tilespmem:s17+$0xFFFFFFD0] =	vst v1  }
0x174: {  	v1 =	vld [tilespmem:s16+$0xFFFFFFE0]  }
0x175: {  	v2 =	vld [tilespmem:s10+$0xFFFFFFC0];
	_ =	sdelay $0x4  }
0x176: {  	v1 =	vmul.f32 v2, v1;
	_ =	sdelay $0x1  }
0x177: {  	[tilespmem:s17+$0xFFFFFFE0] =	vst v1  }
0x178: {  	v1 =	vld [tilespmem:s16+$0xFFFFFFF0]  }
0x179: {  	v2 =	vld [tilespmem:s10+$0xFFFFFFD0];
	_ =	sdelay $0x4  }
0x17a: {  	v1 =	vmul.f32 v2, v1;
	_ =	sdelay $0x1  }
0x17b: {  	[tilespmem:s17+$0xFFFFFFF0] =	vst v1  }
0x17c: {  	v1 =	vld [tilespmem:s16+$0x0]  }
0x17d: {  	v2 =	vld [tilespmem:s10+$0x0];
	_ =	sdelay $0x4  }
0x17e: {  	v1 =	vmul.f32 v2, v1;
	_ =	sdelay $0x1  }
0x17f: {  	[tilespmem:s17+$0x0] =	vst v1  }
0x180: {  	v1 =	vld [tilespmem:s16+$0x10]  }
0x181: {  	v2 =	vld [tilespmem:s10+$0x10];
	_ =	sdelay $0x4  }
0x182: {  	v1 =	vmul.f32 v2, v1;
	_ =	sdelay $0x1  }
0x183: {  	[tilespmem:s17+$0x10] =	vst v1  }
0x184: {  	v1 =	vld [tilespmem:s16+$0x20]  }
0x185: {  	v2 =	vld [tilespmem:s10+$0x40];
	_ =	sdelay $0x4  }
0x186: {  	v1 =	vmul.f32 v2, v1;
	_ =	sdelay $0x1  }
0x187: {  	[tilespmem:s17+$0x20] =	vst v1  }
0x188: {  	v1 =	vld [tilespmem:s16+$0x30]  }
0x189: {  	v2 =	vld [tilespmem:s10+$0x50];
	_ =	sdelay $0x4  }
0x18a: {  	v1 =	vmul.f32 v2, v1;
	_ =	sdelay $0x1  }
0x18b: {  	[tilespmem:s17+$0x30] =	vst v1  }
0x18c: {  	v1 =	vld [tilespmem:s16+$0x40]  }
0x18d: {  	v2 =	vld [tilespmem:s10+$0x80];
	_ =	sdelay $0x4  }
0x18e: {  	v1 =	vmul.f32 v2, v1;
	_ =	sdelay $0x1  }
0x18f: {  	[tilespmem:s17+$0x40] =	vst v1  }
0x190: {  	v1 =	vld [tilespmem:s16+$0x50]  }
0x191: {  	v2 =	vld [tilespmem:s10+$0x90];
	_ =	sdelay $0x4  }
.Ltmp7:
0x192: {  	v1 =	vmul.f32 v2, v1;
	(pc) =	sbr.rel @p1 .LBB2_13-.Ltmp7, $4  }
0x193: {  	_ = 	snop  }
0x194: {  	[tilespmem:s17+$0x50] =	vst v1  }
0x195: {  	v1 =	vld [tilespmem:s16+$0x60]  }
0x196: {  	s10 =	sadd.s32 $0x200, s10;
	v2 =	vld [tilespmem:s22+$0xC0]  }
0x197: {  	_ =	sdelay $0x3  }
0x198: {  	v1 =	vmul.f32 v2, v1;
	_ =	sdelay $0x1  }
0x199: {  	[tilespmem:s20+$0x60] =	vst v1  }
0x19a: {  	v1 =	vld [tilespmem:s18+$0x70]  }
0x19b: {  	v2 =	vld [tilespmem:s22+$0xD0];
	_ =	sdelay $0x3  }
.Ltmp8:
0x19c: {  	_ = 	snop;
	(pc) =	sbr.rel @p2 .LBB2_16-.Ltmp8, $3  }
0x19d: {  	v1 =	vmul.f32 v2, v1;
	_ =	sdelay $0x1  }
0x19e: {  	s4 =	sadd.s32 $0x40, s15;
	[tilespmem:s20+$0x70] =	vst v1  }
0x19f: {  	[spmem:s1] =	stream.indirect.scatter.add.f32 [tilespmem:s0], [sflag:$0x4], $0x20, s4, s24, $0xb8;
	[tilespmem:$0x1D700] =	vst v63  }
0x1a0: {  	s4 =	sadd.s32 $0x3, s14  }
.Ltmp9:
0x1a1: {  	s10 =	sshll.u32 s4, $0x9;
	(pc) =	sbr.rel .LBB2_4-.Ltmp9, $4  }
0x1a2: {  	s4 =	sshll.u32 s4, $0x6;
	s10 =	sadd.s32 s10, s13  }
0x1a3: {  	[tilespmem:s26], [sflag:$0x2] =	stream.linear.gather [hbm4b:s10+s2], $0x1000, $0x38;
	[tilespmem:$0x1D700] =	vst v63  }
0x1a4: {  	s11 =	sadd.s32 $0x1, s11;
	s12 =	sadd.s32 $0x80, s12;
	s4 =	sand.u32 $0x7C0, s4  }
0x1a5: {  	[tilespmem:s28], [sflag:$0x2] =	stream.indirect.gather [hbm4b:s6+s24], $0x20, s4, s24, $0xb8;
	[tilespmem:$0x1D700] =	vst v63  }
.LBB2_17:
0x1a6: {  	_ =	sfence.sel $0x180000  }
0x1a7: {  	[bflag:$0x0] =	sbarrier.arrive $0xFFFF  }
0x1a8: {  	_ =	strace $0x9000004D  }
0x1a9: {  	s0 =	stileid.u32;
	[bflag:$0x2] =	sbarrier.arrive $0xFFFF  }
0x1aa: {  	p0 =	sne.s32 s0, $0x0;
	s0 =	rddreg [dreg:$0x2]  }
0x1ab: {  	s0 =	sadd.s32 @!p0 $0x100000, s0  }
0x1ac: {  	[sflag:s0] =	ssyncadd.tile.s32 @!p0 $0x1;
	_ =	shalt  }
.Lfunc_end2:
_tile_overlayer_lowered:
.L_overlay_start_2:
0x1ad: {  	(tag) =	ssettag $0x2  }
0x1ae: {  	s0 =	rddreg [dreg:$0x0];
	s2 =	stileid.u32  }
0x1af: {  	s1 =	rddreg [dreg:$0x1];
	p0 =	sne.s32 s2, $0x0  }
0x1b0: {  	s3 =	rddreg [dreg:$0x2];
	[bflag:$0x3] =	sbarrier.arrive $0xFFFF;
	s2 =	simm.s32 @!p0 $0x1C05  }
0x1b1: {  	[timem:s3], [sflag:s2] =	dma.local @!p0 [hbm:s0], s1  }
0x1b2: {  	s0 =	simm.s32 @!p0 $0x5  }
0x1b3: {  	_ =	swait.ge @!p0 [sflag:s0], s1  }
0x1b4: {  	s1 =	ssub.s32 @!p0 $0x0, s1;
	[sflag:s0] =	ssyncset.done @!p0 $0x0  }
0x1b5: {  	[sflag:s0] =	ssyncadd.s32 @!p0 s1  }
0x1b6: {  	[bflag:$0x3] =	sbarrier.arrive $0xFFFF  }
0x1b7: {  	_ =	shalt  }

// kernel: kernel.21.cloned.1.call-start
scs
__scs_entry_jumppad:
0x0: {  	(pc) =	sbr.rel $0x88, $3  }
0x1: {  	(tag) =	ssettag $0x0;
	lr =	simm.s32 $0x1  }
0x2: {  	[smem:$0x3F8E] =	sst lr;
	_ =	strace $0xD0000000  }
0x3: {  	_ = 	snop  }
0x4: {  	_ = 	snop  }
0x5: {  	_ = 	snop  }
0x6: {  	_ = 	snop  }
0x7: {  	_ = 	snop  }
__scs_overlays_trampoline_lowered:
0x8: {  	[smem:$0x3F9D] =	sst s0  }
0x9: {  	[smem:$0x3F9E] =	sst s1  }
0xa: {  	[smem:$0x3F9F] =	sst s2  }
0xb: {  	[smem:$0x3FA0] =	sst s3  }
0xc: {  	[smem:$0x3FA1] =	sst s4  }
0xd: {  	[smem:$0x3FA2] =	sst s5  }
0xe: {  	[smem:$0x3FA3] =	sst s6  }
0xf: {  	[smem:$0x3FA4] =	sst s7  }
0x10: {  	[smem:$0x3FA5] =	sst s8  }
0x11: {  	[smem:$0x3FA6] =	sst s9;
	s0 =	simm.s32 @!p0 $0x0  }
0x12: {  	s1 =	sld [smem:$0x3F8C];
	s0 =	simm.s32 @p0 $0x1  }
0x13: {  	[smem:$0x3FA7] =	sst s0;
	s0 =	simm.s32 @!p1 $0x0  }
0x14: {  	s2 =	sld [smem:$0x3F8B];
	s0 =	simm.s32 @p1 $0x1  }
0x15: {  	[smem:$0x3FA8] =	sst s0;
	s0 =	simm.s32 @!p2 $0x0  }
0x16: {  	s3 =	sld [smem:$0x3FDB];
	s0 =	simm.s32 @p2 $0x1  }
0x17: {  	s4 =	simm.s32 $0x1BF5;
	[smem:$0x3FAA] =	sst s0  }
0x18: {  	s0 =	sld [smem:$0x3F8D];
	_ =	swait.ge [sflag:s4], $0x0  }
0x19: {  	s7 =	sld [smem:$0x3F8E]  }
0x1a: {  	s8 =	sadd.s32 $0xFFFFE003, lr  }
0x1b: {  	s9 =	sadd.s32 $0xFFFFFEF7, lr;
	s5 =	simm.s32 $0xFFFFFFFF;
	p2 =	slt.u32 s8, $0xFFFFF086  }
0x1c: {  	p1 =	slt.u32 s9, $0xF7A;
	s5 =	simm.s32 @!p2 $0x0  }
0x1d: {  	s5 =	simm.s32 @p1 $0x1;
	p0 =	seq.s32 s7, s2  }
0x1e: {  	s7 =	smul.u32 @!p0 $0xF7A, s2;
	p2 =	seq.s32 @!p0 s5, $0x0  }
0x1f: {  	s9 =	smul.u32 $0xF7A, s1;
	s8 =	simm.s32 @!p0 $0x1BF5;
	p2 =	por !p2, p0  }
0x20: {  	[sflag:s8] =	ssyncset.s32 @!p0 $0xFFFFF086;
	s6 =	sadd.s32 @!p0 s3, s7;
	s7 =	simm.s32 @!p0 $0x108  }
0x21: {  	s3 =	sadd.s32 s3, s9;
	s6 =	sadd.s32 @!p0 $0x88, s6;
	s7 =	simm.s32 @p2 $0x1082  }
0x22: {  	[simem:s7], [sflag:s8] =	dma.local @!p0 [hbm:s6], $0xF7A  }
0x23: {  	s9 =	sor.u32 $0xD0000000, s2;
	s6 =	simm.s32 $0x108;
	_ =	swait.ge @!p0 [sflag:s8], $0x0  }
0x24: {  	s3 =	sadd.s32 $0x88, s3;
	s6 =	simm.s32 @!p1 $0x1082;
	[sflag:s4] =	ssyncset.s32 $0xFFFFF086  }
0x25: {  	[simem:s6], [sflag:s4] =	dma.local [hbm:s3], $0xF7A  }
0x26: {  	[smem:$0x3F8E] =	sst s1;
	(tag) =	ssettag s2;
	_ =	strace s9  }
0x27: {  	s1 =	sld [smem:$0x3F9E]  }
0x28: {  	s2 =	sld [smem:$0x3F9F]  }
0x29: {  	s4 =	sld [smem:$0x3FA1]  }
0x2a: {  	p0 =	seq.s32 s5, $0x0;
	s5 =	sld [smem:$0x3FA2]  }
0x2b: {  	s6 =	sld [smem:$0x3FA3]  }
0x2c: {  	s7 =	sld [smem:$0x3FA4]  }
0x2d: {  	s3 =	simm.s32 $0x108;
	s8 =	sld [smem:$0x3FA5]  }
0x2e: {  	s3 =	simm.s32 @!p0 $0x1082;
	s9 =	sld [smem:$0x3FA6]  }
0x2f: {  	lr =	sadd.s32 s0, s3;
	s0 =	sld [smem:$0x3F9D]  }
0x30: {  	s3 =	sld [smem:$0x3FA0]  }
0x31: {  	[smem:$0x3FA9] =	sst s10  }
0x32: {  	s10 =	sld [smem:$0x3FA7];
	_ =	sdelay $0x3  }
0x33: {  	p0 =	seq.s32 s10, $0x1;
	s10 =	sld [smem:$0x3FA9];
	_ =	sdelay $0x3  }
0x34: {  	[smem:$0x3FA9] =	sst s10  }
0x35: {  	s10 =	sld [smem:$0x3FA8];
	_ =	sdelay $0x3  }
0x36: {  	p1 =	seq.s32 s10, $0x1;
	s10 =	sld [smem:$0x3FA9];
	_ =	sdelay $0x3  }
0x37: {  	[smem:$0x3FA9] =	sst s10  }
0x38: {  	s10 =	sld [smem:$0x3FAA]  }
0x39: {  	_ = 	snop;
	(pc) =	sbr.ind lr, $3  }
0x3a: {  	_ = 	snop  }
0x3b: {  	_ = 	snop  }
0x3c: {  	p2 =	seq.s32 s10, $0x1;
	s10 =	sld [smem:$0x3FA9]  }
0x3d: {  	_ =	shalt  }
0x3e: {  	_ =	shalt  }
0x3f: {  	_ =	shalt  }
0x40: {  	_ =	shalt  }
0x41: {  	_ =	shalt  }
0x42: {  	_ =	shalt  }
0x43: {  	_ =	shalt  }
0x44: {  	_ =	shalt  }
0x45: {  	_ =	shalt  }
0x46: {  	_ =	shalt  }
0x47: {  	_ =	shalt  }
0x48: {  	_ =	shalt  }
0x49: {  	_ =	shalt  }
0x4a: {  	_ =	shalt  }
0x4b: {  	_ =	shalt  }
0x4c: {  	_ =	shalt  }
0x4d: {  	_ =	shalt  }
0x4e: {  	_ =	shalt  }
0x4f: {  	_ =	shalt  }
0x50: {  	_ =	shalt  }
0x51: {  	_ =	shalt  }
0x52: {  	_ =	shalt  }
0x53: {  	_ =	shalt  }
0x54: {  	_ =	shalt  }
0x55: {  	_ =	shalt  }
0x56: {  	_ =	shalt  }
0x57: {  	_ =	shalt  }
0x58: {  	_ =	shalt  }
0x59: {  	_ =	shalt  }
0x5a: {  	_ =	shalt  }
0x5b: {  	_ =	shalt  }
0x5c: {  	_ =	shalt  }
0x5d: {  	_ =	shalt  }
0x5e: {  	_ =	shalt  }
0x5f: {  	_ =	shalt  }
0x60: {  	_ =	shalt  }
0x61: {  	_ =	shalt  }
0x62: {  	_ =	shalt  }
0x63: {  	_ =	shalt  }
0x64: {  	_ =	shalt  }
0x65: {  	_ =	shalt  }
0x66: {  	_ =	shalt  }
0x67: {  	_ =	shalt  }
0x68: {  	_ =	shalt  }
0x69: {  	_ =	shalt  }
0x6a: {  	_ =	shalt  }
0x6b: {  	_ =	shalt  }
0x6c: {  	_ =	shalt  }
0x6d: {  	_ =	shalt  }
0x6e: {  	_ =	shalt  }
0x6f: {  	_ =	shalt  }
0x70: {  	_ =	shalt  }
0x71: {  	_ =	shalt  }
0x72: {  	_ =	shalt  }
0x73: {  	_ =	shalt  }
0x74: {  	_ =	shalt  }
0x75: {  	_ =	shalt  }
0x76: {  	_ =	shalt  }
0x77: {  	_ =	shalt  }
0x78: {  	_ =	shalt  }
0x79: {  	_ =	shalt  }
0x7a: {  	_ =	shalt  }
0x7b: {  	_ =	shalt  }
0x7c: {  	_ =	shalt  }
0x7d: {  	_ =	shalt  }
0x7e: {  	_ =	shalt  }
0x7f: {  	_ =	shalt  }
0x80: {  	_ =	shalt  }
0x81: {  	_ =	shalt  }
0x82: {  	_ =	shalt  }
0x83: {  	_ =	shalt  }
0x84: {  	_ =	shalt  }
0x85: {  	_ =	shalt  }
0x86: {  	_ =	shalt  }
0x87: {  	_ =	shalt  }
.Lfunc_end0:
.L_simem_size_0:
called_computation.3_lowered:
.L_overlay_start_0:
0x88: {  	s2 =	sld [smem:$0x3FD9]  }
0x89: {  	s3 =	sld [smem:$0x3FFE];
	_ =	sdelay $0x1  }
0x8a: {  	s1 =	srdreg.scid  }
0x8b: {  	s0 =	sand.u32 $0x1, s1  }
0x8c: {  	s16 =	sshll.u32 s0, $0xA;
	s2 =	sadd.s32 s3, s2  }
0x8d: {  	s2 =	sadd.s32 s2, s16  }
0x8e: {  	[smem:$0x3FB5] =	sst s2  }
0x8f: {  	_ = 	snop  }
0x90: {  	(tm) =	ssettm $0x1  }
0x91: {  	s17 =	sld [smem:$0x3FFB];
	_ =	sdelay $0x3  }
0x92: {  	_ =	strace s17  }
0x93: {  	s2 =	sld [smem:$0x3FFC];
	_ =	sdelay $0x3  }
0x94: {  	_ =	strace s2  }
0x95: {  	s2 =	sld [smem:$0x3FFD];
	_ =	sdelay $0x3  }
0x96: {  	_ =	strace s2  }
0x97: {  	_ =	strace $0x8FFFFFFF  }
0x98: {  	s18 =	sld [smem:$0x3FDB];
	_ =	sdelay $0x1  }
0x99: {  	s19 =	simm.s32 $_scs_section_size  }
0x9a: {  	s4 =	simm.s32 $_size__tile_overlayer_lowered;
	s5 =	simm.s32 $_tile_overlayer_lowered  }
0x9b: {  	s22 =	simm.s32 $0x1BFF;
	s21 =	sshll.u32 s5, $0x1;
	s2 =	sadd.s32 s19, s18  }
0x9c: {  	s6 =	simm.s32 $0x0;
	s20 =	sshll.u32 s4, $0x1;
	s4 =	sadd.s32 s21, s2  }
0x9d: {  	[timem:s6], [sflag:s22] =	dma.local [hbm:s4], s20  }
0x9e: {  	_ =	swait.ge [sflag:s22], s20  }
0x9f: {  	s3 =	ssub.s32 $0x0, s20;
	[sflag:s22] =	ssyncset.done $0x0  }
0xa0: {  	[sflag:s22] =	ssyncadd.s32 s3;
	_ =	sdelay $0x1  }
0xa1: {  	s23 =	simm.s32 $0x1B8B  }
0xa2: {  	_ =	swait.ge [sflag:s23], $0x1  }
0xa3: {  	[sflag:s23] =	ssyncset.done $0x0  }
0xa4: {  	s25 =	simm.s32 $0x1B8E;
	s24 =	sld [smem:$0x3FFE];
	[sflag:s23] =	ssyncadd.s32 $0xFFFFFFFF  }
0xa5: {  	s26 =	simm.s32 $execute0_lowered;
	[smem:$0x3FD2] =	sst s25  }
0xa6: {  	s4 =	sshll.u32 s26, $0x1;
	_ =	strace $0x8000004F;
	[dreg:$0x1] =	wrdreg $0xFFFFFFFF  }
0xa7: {  	s28 =	simm.s32 $_size_execute0_lowered;
	s2 =	sadd.s32 s2, s4;
	[dreg:$0x0] =	wrdreg $0x0  }
0xa8: {  	s4 =	sshll.u32 s28, $0x1;
	[dreg:$0x2] =	wrdreg s2  }
0xa9: {  	[dreg:$0x3] =	wrdreg s4  }
0xaa: {  	[dreg:$0x4] =	wrdreg $0xC0  }
0xab: {  	_ =	task [dreg:s6], $0x5FFFF  }
0xac: {  	[dreg:$0x1] =	wrdreg $0xFFFFFFFF  }
0xad: {  	[dreg:$0x0] =	wrdreg $0x60  }
0xae: {  	[dreg:$0x2] =	wrdreg s24  }
0xaf: {  	[dreg:$0x3] =	wrdreg $0x50000  }
0xb0: {  	[dreg:$0x4] =	wrdreg $0x9  }
0xb1: {  	_ =	task.clear_ibuf [dreg:s6], $0x5FFFF;
	_ =	strace $0x9000004F  }
0xb2: {  	s29 =	simm.s32 $0x9;
	_ =	strace $0x80000051  }
0xb3: {  	_ =	swait.ge [sflag:s29], $0x1  }
0xb4: {  	[sflag:s29] =	ssyncadd.s32 $0xFFFFFFFF  }
0xb5: {  	_ =	strace $0x90000051  }
0xb6: {  	_ =	sfence  }
0xb7: {  	s30 =	sld [smem:$0x0];
	_ =	sdelay $0x2  }
0xb8: {  	s31 =	sshll.u32 s1, $0xD;
	s1 =	sshrl.u32 s1, $0x2  }
0xb9: {  	s3 =	sand.u32 $0x4000, s31;
	s1 =	sadd.s32 s1, s30  }
0xba: {  	s0 =	sor.u32 s3, s0;
	s1 =	sshll.u32 s1, $0x11  }
0xbb: {  	s0 =	sor.u32 s1, s0  }
0xbc: {  	s0 =	sadd.s32 $0x8F2B, s0  }
0xbd: {  	[sflag:s0] =	ssyncadd.remote.s32 $0x1  }
0xbe: {  	_ =	sfence.sel $0xFFFF  }
0xbf: {  	[dreg:$0x0] =	wrdreg $0xFFFFFFFF;
	(pc) =	sbr.abs _section_cstart, $3  }
0xc0: {  	[dreg:$0x1] =	wrdreg $0xFFFFFFFF  }
0xc1: {  	_ =	task.clear_ibuf [dreg:s6], $0x2FFFF;
	_ =	strace $0x9FFFFFFF  }
0xc2: {  	(tm) =	ssettm $0x7FFFFFFF  }
0xc3: {  	_ =	shalt  }
tec
execute0_lowered:
.L_overlay_start_1:
0x0: {  	(tag) =	ssettag $0x1  }
0x1: {  	s0 =	rddreg [dreg:$0x0]  }
0x2: {  	s1 =	rddreg [dreg:$0x1];
	s2 =	simm.s32 $0x0;
	s7 =	srdreg.scid  }
0x3: {  	s15 =	stileid.u32;
	s28 =	simm.s32 $0x3800;
	s30 =	simm.s32 $0x4000  }
0x4: {  	s29 =	simm.s32 $0x1;
	s3 =	sadd.s32 $0x205C00, s0;
	s5 =	sadd.s32 $0x1ED400, s0  }
0x5: {  	s31 =	simm.s32 $0x2;
	s6 =	sadd.s32 $0x18B800, s0;
	s16 =	smul.u32 $0x61C00, s15  }
0x6: {  	[smem:$0x7FF] =	sst s2;
	s4 =	sadd.s32 $0x143CC00, s0;
	s10 =	smul.u32 $0xC38, s15  }
0x7: {  	s8 =	sadd.s32 $0x21E400, s0;
	s7 =	sand.u32 $0x1, s7;
	s14 =	smul.u32 $0x62000, s15  }
0x8: {  	s0 =	sadd.s32 $0x221600, s0;
	s17 =	sshll.u32 s15, $0x6;
	s19 =	smul.u32 $0x310000, s15  }
0x9: {  	p0 =	seq.s32 s15, $0xF;
	_ =	strace $0x80000050;
	[dreg:$0x3] =	wrdreg s8  }
0xa: {  	s9 =	ssub.s32 $0x2, s7;
	s8 =	smul.u32 $0xC400, s15;
	s17 =	sor.u32 $0x1C05, s17  }
0xb: {  	s21 =	smul.u32 $0x186A00, s7;
	s25 =	sshll.u32 s7, $0x5;
	s11 =	sshrl.u32 s9, $0x1  }
0xc: {  	s12 =	sshrl.u32 s16, $0x2;
	s20 =	sadd.s32 s4, s14;
	[dreg:$0x5] =	wrdreg s17  }
0xd: {  	s9 =	ssub.s32 s9, s11;
	s16 =	sadd.s32 s12, s1;
	s11 =	smul.u32 $0xC350, s7  }
0xe: {  	s13 =	sshrl.u32 s8, $0x3;
	s12 =	sshrl.u32 s19, $0x3;
	s22 =	sshrl.u32 s21, $0x3  }
0xf: {  	s19 =	sor.u32 $0x2100, s25;
	s21 =	simm.s32 $0x5;
	s7 =	simm.s32 $0x0  }
0x10: {  	s18 =	sadd.s32 s3, s13;
	s13 =	sadd.s32 s5, s13;
	s4 =	sadd.s32 s4, s12  }
0x11: {  	s24 =	smax.u32 s9, $0x1;
	s9 =	sor.u32 $0x1100, s25;
	[dreg:$0x4] =	wrdreg s16  }
0x12: {  	s26 =	sshrl.u32 s16, $0x3;
	s25 =	simm.s32 $0x3000;
	[dreg:$0x6] =	wrdreg s18  }
0x13: {  	[dreg:$0x7] =	wrdreg s13;
	s13 =	sadd.s32 $0xC40000, s20;
	s10 =	sadd.s32 s10, s11  }
.Ltmp0:
0x14: {  	s4 =	sadd.s32 $0xC40200, s4;
	[dreg:$0xb] =	wrdreg s24;
	(pc) =	sbr.rel .LBB2_1-.Ltmp0, $4  }
0x15: {  	[dreg:$0xc] =	wrdreg s26;
	s24 =	simm.s32 $0x40;
	s10 =	sshll.u32 s10, $0x2  }
0x16: {  	[dreg:$0x8] =	wrdreg s4;
	s23 =	sadd.s32 s0, s10;
	s0 =	sadd.s32 s0, s22  }
0x17: {  	s26 =	simm.s32 $0x2000;
	[dreg:$0x9] =	wrdreg s23;
	s0 =	sadd.s32 $0x2DD20, s0  }
0x18: {  	v0 =	vmov s11;
	s23 =	simm.s32 $0x1000;
	[dreg:$0xa] =	wrdreg s0;
	s0 =	simm.s32 $0x4800  }
.LBB2_16:
0x19: {  	s4 =	simm.s32 $0x3  }
0x1a: {  	_ =	swait.ge [sflag:s4], $0x800  }
0x1b: {  	[sflag:s4] =	ssyncset.done $0x0  }
0x1c: {  	s20 =	simm.s32 $0x4;
	[sflag:s4] =	ssyncadd.s32 $0xFFFFF800  }
0x1d: {  	_ =	swait.ge [sflag:s20], $0x800  }
0x1e: {  	[sflag:s20] =	ssyncset.done $0x0  }
0x1f: {  	[sflag:s20] =	ssyncadd.s32 $0xFFFFF800  }
0x20: {  	[bflag:$0x0] =	sbarrier.arrive $0xFFFF  }
0x21: {  	s10 =	rddreg [dreg:$0x4]  }
0x22: {  	s17 =	rddreg [dreg:$0x5]  }
0x23: {  	s11 =	rddreg [dreg:$0xa];
	s4 =	sshrl.u32 @p0 s10, $0x3  }
0x24: {  	[hbm:s11], [sflag:s17] =	dma.local @p0 [spmem:s4], $0x3020  }
0x25: {  	s4 =	simm.s32 @p0 $0x5  }
0x26: {  	_ =	swait.ge @p0 [sflag:s4], $0x3020  }
0x27: {  	[sflag:s4] =	ssyncset.done @p0 $0x0  }
0x28: {  	[sflag:s4] =	ssyncadd.s32 @p0 $0xFFFFCFE0;
	s4 =	sshrl.u32 @!p0 s10, $0x3;
	s10 =	rddreg [dreg:$0x9]  }
0x29: {  	[hbm:s10], [sflag:s17] =	dma.local @!p0 [spmem:s4], $0x30E0  }
0x2a: {  	s4 =	simm.s32 @!p0 $0x5  }
0x2b: {  	_ =	swait.ge @!p0 [sflag:s4], $0x30E0  }
0x2c: {  	s7 =	sadd.s32 $0x1, s7;
	s22 =	rddreg [dreg:$0xb]  }
0x2d: {  	p1 =	sne.s32 s7, s22  }
.Ltmp1:
0x2e: {  	_ = 	snop;
	(pc) =	sbr.rel @!p1 .LBB2_17-.Ltmp1, $3  }
0x2f: {  	_ =	sdelay $0x1  }
0x30: {  	[sflag:s4] =	ssyncset.done @!p0 $0x0  }
0x31: {  	[sflag:s4] =	ssyncadd.s32 @!p0 $0xFFFFCF20  }
.LBB2_1:
0x32: {  	s4 =	rddreg [dreg:$0x3]  }
0x33: {  	s10 =	rddreg [dreg:$0xc]  }
0x34: {  	[spmem:s10], [sflag:s17] =	dma.local [hbm:s4], $0x30E0  }
0x35: {  	_ =	swait.ge [sflag:s21], $0x30E0  }
0x36: {  	[sflag:s21] =	ssyncset.done $0x0  }
0x37: {  	[sflag:s21] =	ssyncadd.s32 $0xFFFFCF20  }
0x38: {  	[bflag:$0x0] =	sbarrier.arrive $0xFFFF  }
0x39: {  	s18 =	rddreg [dreg:$0x6]  }
0x3a: {  	[tilespmem:s2], [sflag:$0x5] =	stream.linear.gather [hbm4b:s18+s2], $0x400, $0x38;
	[tilespmem:$0x1D700] =	vst v63  }
0x3b: {  	_ =	swait.ge [sflag:s21], $0x400  }
0x3c: {  	[sflag:s21] =	ssyncset.done $0x0  }
0x3d: {  	s22 =	simm.s32 $0x800;
	s20 =	rddreg [dreg:$0x7];
	[sflag:s21] =	ssyncadd.s32 $0xFFFFFC00  }
0x3e: {  	[tilespmem:s22], [sflag:$0x5] =	stream.linear.gather [hbm4b:s20+s2], $0x400, $0x38;
	[tilespmem:$0x1D700] =	vst v63  }
0x3f: {  	_ =	swait.ge [sflag:s21], $0x400  }
0x40: {  	[sflag:s21] =	ssyncset.done $0x0  }
0x41: {  	s4 =	simm.s32 $0x20;
	[sflag:s21] =	ssyncadd.s32 $0xFFFFFC00  }
0x42: {  	v3 =	vld [tilespmem:s4+$0xFFFFFFE0]  }
0x43: {  	v4 =	vld [tilespmem:s4+$0x0]  }
0x44: {  	v1 =	vld [tilespmem:s4+$0x10]  }
0x45: {  	v2 =	vld [tilespmem:s4+$0xFFFFFFF0];
	_ =	sdelay $0x1  }
0x46: {  	v3 =	vadd.s32 v0, v3  }
0x47: {  	s11 =	simm.s32 $0x60;
	s10 =	simm.s32 $0x0;
	[tilespmem:s4+$0xFFFFFFE0] =	vst v3;
	v3 =	vadd.s32 v0, v4  }
.LBB2_2:
0x48: {  	v4 =	vld [tilespmem:s11+$0xFFFFFFE0];
	[tilespmem:s4+$0x0] =	vst v3;
	v1 =	vadd.s32 v0, v1;
	s10 =	sadd.s32 $0x4, s10  }
0x49: {  	v3 =	vld [tilespmem:s11+$0x0];
	v2 =	vadd.s32 v0, v2;
	[tilespmem:s4+$0x10] =	vst v1;
	p1 =	slt.u32 s10, $0x3C  }
.Ltmp2:
0x4a: {  	v1 =	vld [tilespmem:s11+$0x10];
	[tilespmem:s4+$0xFFFFFFF0] =	vst v2;
	s4 =	smov.u32 s11;
	(pc) =	sbr.rel @p1 .LBB2_2-.Ltmp2, $3  }
0x4b: {  	v2 =	vld [tilespmem:s11+$0xFFFFFFF0];
	_ =	sdelay $0x1  }
0x4c: {  	v4 =	vadd.s32 v0, v4  }
0x4d: {  	s11 =	sadd.s32 $0x40, s11;
	[tilespmem:s4+$0xFFFFFFE0] =	vst v4;
	v3 =	vadd.s32 v0, v3  }
0x4e: {  	[tilespmem:s4+$0x0] =	vst v3;
	v1 =	vadd.s32 v0, v1  }
0x4f: {  	v2 =	vadd.s32 v0, v2;
	[tilespmem:s4+$0x10] =	vst v1  }
0x50: {  	s11 =	simm.s32 $0x0;
	[tilespmem:s4+$0xFFFFFFF0] =	vst v2  }
0x51: {  	[tilespmem:s23], [sflag:$0x1] =	stream.linear.gather [hbm4b:s13+s11], $0x1000, $0x38;
	[tilespmem:$0x1D700] =	vst v63  }
0x52: {  	_ = 	snop  }
0x53: {  	[tilespmem:s25], [sflag:$0x1] =	stream.indirect.gather [hbm4b:s6+s24], $0x20, s11, s24, $0xb8;
	[tilespmem:$0x1D700] =	vst v63  }
0x54: {  	s22 =	rddreg [dreg:$0x8]  }
0x55: {  	[tilespmem:s26], [sflag:$0x2] =	stream.linear.gather [hbm4b:s22+s11], $0x1000, $0x38;
	[tilespmem:$0x1D700] =	vst v63  }
0x56: {  	s12 =	simm.s32 $0x80  }
0x57: {  	[tilespmem:s28], [sflag:$0x2] =	stream.indirect.gather [hbm4b:s6+s24], $0x20, s24, s24, $0xb8;
	[tilespmem:$0x1D700] =	vst v63  }
.LBB2_4:
0x58: {  	_ =	swait.ge [sflag:s29], $0x1000  }
0x59: {  	[sflag:s29] =	ssyncset.done $0x0  }
0x5a: {  	[sflag:s29] =	ssyncadd.s32 $0xFFFFF000  }
0x5b: {  	_ =	swait.ge [sflag:s29], $0x800  }
0x5c: {  	p1 =	seq.s32 s11, $0x0;
	[sflag:s29] =	ssyncset.done $0x0  }
0x5d: {  	s4 =	simm.s32 @!p1 $0x3;
	[sflag:s29] =	ssyncadd.s32 $0xFFFFF800  }
0x5e: {  	_ =	swait.ge @!p1 [sflag:s4], $0x800  }
0x5f: {  	[sflag:s4] =	ssyncset.done @!p1 $0x0  }
0x60: {  	s15 =	simm.s32 $0x3080;
	[sflag:s4] =	ssyncadd.s32 @!p1 $0xFFFFF800  }
0x61: {  	v1 =	vld [tilespmem:s15+$0xFFFFFF80]  }
0x62: {  	v2 =	vld [tilespmem:s9+$0xFFFFFF00];
	_ =	sdelay $0x4  }
0x63: {  	v1 =	vmul.f32 v2, v1  }
0x64: {  	s17 =	simm.s32 $0x4080  }
0x65: {  	[tilespmem:s17+$0xFFFFFF80] =	vst v1  }
0x66: {  	v1 =	vld [tilespmem:s9+$0xFFFFFF10]  }
0x67: {  	v2 =	vld [tilespmem:s15+$0xFFFFFF90];
	_ =	sdelay $0x4  }
0x68: {  	v1 =	vmul.f32 v1, v2;
	_ =	sdelay $0x1  }
0x69: {  	[tilespmem:s17+$0xFFFFFF90] =	vst v1  }
0x6a: {  	v1 =	vld [tilespmem:s15+$0xFFFFFFA0]  }
0x6b: {  	v2 =	vld [tilespmem:s9+$0xFFFFFF40];
	_ =	sdelay $0x4  }
0x6c: {  	v1 =	vmul.f32 v2, v1;
	_ =	sdelay $0x1  }
0x6d: {  	[tilespmem:s17+$0xFFFFFFA0] =	vst v1  }
0x6e: {  	v1 =	vld [tilespmem:s15+$0xFFFFFFB0]  }
0x6f: {  	v2 =	vld [tilespmem:s9+$0xFFFFFF50];
	_ =	sdelay $0x4  }
0x70: {  	v1 =	vmul.f32 v2, v1;
	_ =	sdelay $0x1  }
0x71: {  	[tilespmem:s17+$0xFFFFFFB0] =	vst v1  }
0x72: {  	v1 =	vld [tilespmem:s15+$0xFFFFFFC0]  }
0x73: {  	v2 =	vld [tilespmem:s9+$0xFFFFFF80];
	_ =	sdelay $0x4  }
0x74: {  	v1 =	vmul.f32 v2, v1;
	_ =	sdelay $0x1  }
0x75: {  	[tilespmem:s17+$0xFFFFFFC0] =	vst v1  }
0x76: {  	v1 =	vld [tilespmem:s15+$0xFFFFFFD0]  }
0x77: {  	v2 =	vld [tilespmem:s9+$0xFFFFFF90];
	_ =	sdelay $0x4  }
0x78: {  	v1 =	vmul.f32 v2, v1;
	_ =	sdelay $0x1  }
0x79: {  	[tilespmem:s17+$0xFFFFFFD0] =	vst v1  }
0x7a: {  	v1 =	vld [tilespmem:s15+$0xFFFFFFE0]  }
0x7b: {  	v2 =	vld [tilespmem:s9+$0xFFFFFFC0];
	_ =	sdelay $0x4  }
0x7c: {  	v1 =	vmul.f32 v2, v1;
	_ =	sdelay $0x1  }
0x7d: {  	[tilespmem:s17+$0xFFFFFFE0] =	vst v1  }
0x7e: {  	v1 =	vld [tilespmem:s15+$0xFFFFFFF0]  }
0x7f: {  	v2 =	vld [tilespmem:s9+$0xFFFFFFD0];
	_ =	sdelay $0x4  }
0x80: {  	v1 =	vmul.f32 v2, v1;
	_ =	sdelay $0x1  }
0x81: {  	[tilespmem:s17+$0xFFFFFFF0] =	vst v1  }
0x82: {  	v1 =	vld [tilespmem:s15+$0x0]  }
0x83: {  	v2 =	vld [tilespmem:s9+$0x0];
	_ =	sdelay $0x4  }
0x84: {  	v1 =	vmul.f32 v2, v1;
	_ =	sdelay $0x1  }
0x85: {  	[tilespmem:s17+$0x0] =	vst v1  }
0x86: {  	v1 =	vld [tilespmem:s15+$0x10]  }
0x87: {  	v2 =	vld [tilespmem:s9+$0x10];
	_ =	sdelay $0x4  }
0x88: {  	v1 =	vmul.f32 v2, v1;
	_ =	sdelay $0x1  }
0x89: {  	[tilespmem:s17+$0x10] =	vst v1  }
0x8a: {  	v1 =	vld [tilespmem:s15+$0x20]  }
0x8b: {  	v2 =	vld [tilespmem:s9+$0x40];
	_ =	sdelay $0x4  }
0x8c: {  	v1 =	vmul.f32 v2, v1;
	_ =	sdelay $0x1  }
0x8d: {  	[tilespmem:s17+$0x20] =	vst v1  }
0x8e: {  	v1 =	vld [tilespmem:s15+$0x30]  }
0x8f: {  	v2 =	vld [tilespmem:s9+$0x50];
	_ =	sdelay $0x4  }
0x90: {  	v1 =	vmul.f32 v2, v1;
	_ =	sdelay $0x1  }
0x91: {  	[tilespmem:s17+$0x30] =	vst v1  }
0x92: {  	v1 =	vld [tilespmem:s15+$0x40]  }
0x93: {  	v2 =	vld [tilespmem:s9+$0x80];
	_ =	sdelay $0x4  }
0x94: {  	v1 =	vmul.f32 v2, v1;
	_ =	sdelay $0x1  }
0x95: {  	[tilespmem:s17+$0x40] =	vst v1  }
0x96: {  	v1 =	vld [tilespmem:s15+$0x50]  }
0x97: {  	v2 =	vld [tilespmem:s9+$0x90];
	_ =	sdelay $0x4  }
0x98: {  	v1 =	vmul.f32 v2, v1;
	_ =	sdelay $0x1  }
0x99: {  	s22 =	sand.u32 $0x400, s12;
	s14 =	sshll.u32 s11, $0x1;
	[tilespmem:s17+$0x50] =	vst v1  }
0x9a: {  	s10 =	sadd.s32 $0x200, s9;
	s20 =	simm.s32 $0x4080;
	s18 =	smov.u32 s9;
	v1 =	vld [tilespmem:s15+$0x60]  }
0x9b: {  	s16 =	sor.u32 $0x20, s22;
	s22 =	simm.s32 $0x3080;
	s4 =	simm.s32 $0x0;
	v2 =	vld [tilespmem:s9+$0xC0]  }
.LBB2_5:
0x9c: {  	s4 =	sadd.s32 $0x4, s4;
	s15 =	sadd.s32 $0x100, s15;
	s17 =	sadd.s32 $0x100, s17  }
0x9d: {  	p2 =	slt.u32 s4, $0x1C;
	_ =	sdelay $0x2  }
0x9e: {  	v1 =	vmul.f32 v2, v1;
	_ =	sdelay $0x1  }
0x9f: {  	[tilespmem:s20+$0x60] =	vst v1  }
0xa0: {  	v1 =	vld [tilespmem:s22+$0x70];
	s22 =	smov.u32 s15  }
0xa1: {  	v2 =	vld [tilespmem:s18+$0xD0];
	s18 =	smov.u32 s10;
	_ =	sdelay $0x4  }
0xa2: {  	v1 =	vmul.f32 v2, v1;
	_ =	sdelay $0x1  }
0xa3: {  	[tilespmem:s20+$0x70] =	vst v1;
	s20 =	smov.u32 s17  }
0xa4: {  	v1 =	vld [tilespmem:s15+$0xFFFFFF80]  }
0xa5: {  	v2 =	vld [tilespmem:s10+$0xFFFFFF00];
	_ =	sdelay $0x4  }
0xa6: {  	v1 =	vmul.f32 v2, v1;
	_ =	sdelay $0x1  }
0xa7: {  	[tilespmem:s17+$0xFFFFFF80] =	vst v1  }
0xa8: {  	v1 =	vld [tilespmem:s10+$0xFFFFFF10]  }
0xa9: {  	v2 =	vld [tilespmem:s15+$0xFFFFFF90];
	_ =	sdelay $0x4  }
0xaa: {  	v1 =	vmul.f32 v1, v2;
	_ =	sdelay $0x1  }
0xab: {  	[tilespmem:s17+$0xFFFFFF90] =	vst v1  }
0xac: {  	v1 =	vld [tilespmem:s15+$0xFFFFFFA0]  }
0xad: {  	v2 =	vld [tilespmem:s10+$0xFFFFFF40];
	_ =	sdelay $0x4  }
0xae: {  	v1 =	vmul.f32 v2, v1;
	_ =	sdelay $0x1  }
0xaf: {  	[tilespmem:s17+$0xFFFFFFA0] =	vst v1  }
0xb0: {  	v1 =	vld [tilespmem:s15+$0xFFFFFFB0]  }
0xb1: {  	v2 =	vld [tilespmem:s10+$0xFFFFFF50];
	_ =	sdelay $0x4  }
0xb2: {  	v1 =	vmul.f32 v2, v1;
	_ =	sdelay $0x1  }
0xb3: {  	[tilespmem:s17+$0xFFFFFFB0] =	vst v1  }
0xb4: {  	v1 =	vld [tilespmem:s15+$0xFFFFFFC0]  }
0xb5: {  	v2 =	vld [tilespmem:s10+$0xFFFFFF80];
	_ =	sdelay $0x4  }
0xb6: {  	v1 =	vmul.f32 v2, v1;
	_ =	sdelay $0x1  }
0xb7: {  	[tilespmem:s17+$0xFFFFFFC0] =	vst v1  }
0xb8: {  	v1 =	vld [tilespmem:s15+$0xFFFFFFD0]  }
0xb9: {  	v2 =	vld [tilespmem:s10+$0xFFFFFF90];
	_ =	sdelay $0x4  }
0xba: {  	v1 =	vmul.f32 v2, v1;
	_ =	sdelay $0x1  }
0xbb: {  	[tilespmem:s17+$0xFFFFFFD0] =	vst v1  }
0xbc: {  	v1 =	vld [tilespmem:s15+$0xFFFFFFE0]  }
0xbd: {  	v2 =	vld [tilespmem:s10+$0xFFFFFFC0];
	_ =	sdelay $0x4  }
0xbe: {  	v1 =	vmul.f32 v2, v1;
	_ =	sdelay $0x1  }
0xbf: {  	[tilespmem:s17+$0xFFFFFFE0] =	vst v1  }
0xc0: {  	v1 =	vld [tilespmem:s15+$0xFFFFFFF0]  }
0xc1: {  	v2 =	vld [tilespmem:s10+$0xFFFFFFD0];
	_ =	sdelay $0x4  }
0xc2: {  	v1 =	vmul.f32 v2, v1;
	_ =	sdelay $0x1  }
0xc3: {  	[tilespmem:s17+$0xFFFFFFF0] =	vst v1  }
0xc4: {  	v1 =	vld [tilespmem:s15+$0x0]  }
0xc5: {  	v2 =	vld [tilespmem:s10+$0x0];
	_ =	sdelay $0x4  }
0xc6: {  	v1 =	vmul.f32 v2, v1;
	_ =	sdelay $0x1  }
0xc7: {  	[tilespmem:s17+$0x0] =	vst v1  }
0xc8: {  	v1 =	vld [tilespmem:s15+$0x10]  }
0xc9: {  	v2 =	vld [tilespmem:s10+$0x10];
	_ =	sdelay $0x4  }
0xca: {  	v1 =	vmul.f32 v2, v1;
	_ =	sdelay $0x1  }
0xcb: {  	[tilespmem:s17+$0x10] =	vst v1  }
0xcc: {  	v1 =	vld [tilespmem:s15+$0x20]  }
0xcd: {  	v2 =	vld [tilespmem:s10+$0x40];
	_ =	sdelay $0x4  }
0xce: {  	v1 =	vmul.f32 v2, v1;
	_ =	sdelay $0x1  }
0xcf: {  	[tilespmem:s17+$0x20] =	vst v1  }
0xd0: {  	v1 =	vld [tilespmem:s15+$0x30]  }
0xd1: {  	v2 =	vld [tilespmem:s10+$0x50];
	_ =	sdelay $0x4  }
0xd2: {  	v1 =	vmul.f32 v2, v1;
	_ =	sdelay $0x1  }
0xd3: {  	[tilespmem:s17+$0x30] =	vst v1  }
0xd4: {  	v1 =	vld [tilespmem:s15+$0x40]  }
0xd5: {  	v2 =	vld [tilespmem:s10+$0x80];
	_ =	sdelay $0x4  }
0xd6: {  	v1 =	vmul.f32 v2, v1;
	_ =	sdelay $0x1  }
0xd7: {  	[tilespmem:s17+$0x40] =	vst v1  }
0xd8: {  	v1 =	vld [tilespmem:s15+$0x50]  }
0xd9: {  	v2 =	vld [tilespmem:s10+$0x90];
	_ =	sdelay $0x4  }
.Ltmp3:
0xda: {  	v1 =	vmul.f32 v2, v1;
	(pc) =	sbr.rel @p2 .LBB2_5-.Ltmp3, $4  }
0xdb: {  	_ = 	snop  }
0xdc: {  	[tilespmem:s17+$0x50] =	vst v1  }
0xdd: {  	v1 =	vld [tilespmem:s15+$0x60]  }
0xde: {  	s10 =	sadd.s32 $0x200, s10;
	v2 =	vld [tilespmem:s18+$0xC0]  }
0xdf: {  	_ =	sdelay $0x3  }
0xe0: {  	v1 =	vmul.f32 v2, v1;
	_ =	sdelay $0x1  }
0xe1: {  	[tilespmem:s20+$0x60] =	vst v1  }
0xe2: {  	v1 =	vld [tilespmem:s22+$0x70]  }
0xe3: {  	v2 =	vld [tilespmem:s18+$0xD0];
	_ =	sdelay $0x2  }
0xe4: {  	p2 =	seq.s32 s11, $0x187  }
.Ltmp4:
0xe5: {  	_ = 	snop;
	(pc) =	sbr.rel @p2 .LBB2_12-.Ltmp4, $4  }
0xe6: {  	s4 =	sshll.u32 s11, $0x7;
	v1 =	vmul.f32 v2, v1  }
0xe7: {  	s4 =	sand.u32 $0x780, s4  }
0xe8: {  	s15 =	sor.u32 $0x800, s4;
	[tilespmem:s20+$0x70] =	vst v1  }
0xe9: {  	[spmem:s1] =	stream.indirect.scatter.add.f32 [tilespmem:s30], [sflag:$0x3], $0x20, s15, s24, $0xb8;
	[tilespmem:$0x1D700] =	vst v63  }
0xea: {  	s10 =	sadd.s32 $0x2, s14  }
0xeb: {  	s4 =	sand.u32 $0xE, s10  }
0xec: {  	p3 =	sne.s32 s4, $0x0  }
.Ltmp5:
0xed: {  	_ = 	snop;
	(pc) =	sbr.rel @p3 .LBB2_11-.Ltmp5, $3  }
0xee: {  	_ =	sdelay $0x1  }
0xef: {  	s18 =	sshll.u32 s10, $0x6  }
0xf0: {  	s17 =	sand.u32 $0x400, s18  }
0xf1: {  	s18 =	sadd.s32 s8, s18  }
0xf2: {  	s18 =	sshrl.u32 s18, $0x3  }
0xf3: {  	s20 =	sadd.s32 s3, s18  }
0xf4: {  	[tilespmem:s17], [sflag:$0x5] =	stream.linear.gather [hbm4b:s20+s2], $0x400, $0x38;
	[tilespmem:$0x1D700] =	vst v63  }
0xf5: {  	_ =	swait.ge [sflag:s21], $0x400  }
0xf6: {  	[sflag:s21] =	ssyncset.done $0x0  }
0xf7: {  	s22 =	sor.u32 $0x800, s17;
	s18 =	sadd.s32 s5, s18;
	[sflag:s21] =	ssyncadd.s32 $0xFFFFFC00  }
0xf8: {  	[tilespmem:s22], [sflag:$0x5] =	stream.linear.gather [hbm4b:s18+s2], $0x400, $0x38;
	[tilespmem:$0x1D700] =	vst v63  }
0xf9: {  	_ =	swait.ge [sflag:s21], $0x400  }
0xfa: {  	[sflag:s21] =	ssyncset.done $0x0  }
0xfb: {  	[sflag:s21] =	ssyncadd.s32 $0xFFFFFC00  }
0xfc: {  	v3 =	vld [tilespmem:s16+$0xFFFFFFE0]  }
0xfd: {  	v4 =	vld [tilespmem:s16+$0x0]  }
0xfe: {  	v1 =	vld [tilespmem:s16+$0x10]  }
0xff: {  	v2 =	vld [tilespmem:s16+$0xFFFFFFF0];
	_ =	sdelay $0x1  }
0x100: {  	v3 =	vadd.s32 v0, v3  }
0x101: {  	s20 =	sadd.s32 $0x40, s16;
	s18 =	simm.s32 $0x0;
	[tilespmem:s16+$0xFFFFFFE0] =	vst v3;
	v3 =	vadd.s32 v0, v4  }
.LBB2_9:
0x102: {  	v4 =	vld [tilespmem:s20+$0xFFFFFFE0];
	[tilespmem:s16+$0x0] =	vst v3;
	v1 =	vadd.s32 v0, v1;
	s18 =	sadd.s32 $0x4, s18  }
0x103: {  	v3 =	vld [tilespmem:s20+$0x0];
	v2 =	vadd.s32 v0, v2;
	[tilespmem:s16+$0x10] =	vst v1;
	p3 =	slt.u32 s18, $0x3C  }
.Ltmp6:
0x104: {  	v1 =	vld [tilespmem:s20+$0x10];
	[tilespmem:s16+$0xFFFFFFF0] =	vst v2;
	s16 =	smov.u32 s20;
	(pc) =	sbr.rel @p3 .LBB2_9-.Ltmp6, $3  }
0x105: {  	v2 =	vld [tilespmem:s20+$0xFFFFFFF0];
	_ =	sdelay $0x1  }
0x106: {  	v4 =	vadd.s32 v0, v4  }
0x107: {  	s20 =	sadd.s32 $0x40, s20;
	[tilespmem:s16+$0xFFFFFFE0] =	vst v4;
	v3 =	vadd.s32 v0, v3  }
0x108: {  	[tilespmem:s16+$0x0] =	vst v3;
	v1 =	vadd.s32 v0, v1  }
0x109: {  	v2 =	vadd.s32 v0, v2;
	[tilespmem:s16+$0x10] =	vst v1  }
0x10a: {  	[tilespmem:s16+$0xFFFFFFF0] =	vst v2  }
.LBB2_11:
0x10b: {  	s10 =	sshll.u32 s10, $0x9  }
0x10c: {  	s4 =	sshll.u32 s4, $0x6;
	s10 =	sadd.s32 s10, s13  }
0x10d: {  	[tilespmem:s23], [sflag:$0x1] =	stream.linear.gather [hbm4b:s10+s2], $0x1000, $0x38;
	[tilespmem:$0x1D700] =	vst v63  }
0x10e: {  	s4 =	sor.u32 s4, s17  }
0x10f: {  	[tilespmem:s25], [sflag:$0x1] =	stream.indirect.gather [hbm4b:s6+s24], $0x20, s4, s24, $0xb8;
	[tilespmem:$0x1D700] =	vst v63  }
.LBB2_12:
0x110: {  	_ =	swait.ge [sflag:s31], $0x1000  }
0x111: {  	[sflag:s31] =	ssyncset.done $0x0  }
0x112: {  	[sflag:s31] =	ssyncadd.s32 $0xFFFFF000  }
0x113: {  	_ =	swait.ge [sflag:s31], $0x800  }
0x114: {  	[sflag:s31] =	ssyncset.done $0x0  }
0x115: {  	s4 =	simm.s32 @!p1 $0x4;
	[sflag:s31] =	ssyncadd.s32 $0xFFFFF800  }
0x116: {  	_ =	swait.ge @!p1 [sflag:s4], $0x800  }
0x117: {  	[sflag:s4] =	ssyncset.done @!p1 $0x0  }
0x118: {  	s16 =	simm.s32 $0x3880;
	[sflag:s4] =	ssyncadd.s32 @!p1 $0xFFFFF800  }
0x119: {  	v1 =	vld [tilespmem:s16+$0xFFFFFF80]  }
0x11a: {  	v2 =	vld [tilespmem:s19+$0xFFFFFF00];
	_ =	sdelay $0x4  }
0x11b: {  	v1 =	vmul.f32 v2, v1  }
0x11c: {  	s17 =	simm.s32 $0x4880  }
0x11d: {  	[tilespmem:s17+$0xFFFFFF80] =	vst v1  }
0x11e: {  	v1 =	vld [tilespmem:s19+$0xFFFFFF10]  }
0x11f: {  	v2 =	vld [tilespmem:s16+$0xFFFFFF90];
	_ =	sdelay $0x4  }
0x120: {  	v1 =	vmul.f32 v1, v2;
	_ =	sdelay $0x1  }
0x121: {  	[tilespmem:s17+$0xFFFFFF90] =	vst v1  }
0x122: {  	v1 =	vld [tilespmem:s16+$0xFFFFFFA0]  }
0x123: {  	v2 =	vld [tilespmem:s19+$0xFFFFFF40];
	_ =	sdelay $0x4  }
0x124: {  	v1 =	vmul.f32 v2, v1;
	_ =	sdelay $0x1  }
0x125: {  	[tilespmem:s17+$0xFFFFFFA0] =	vst v1  }
0x126: {  	v1 =	vld [tilespmem:s16+$0xFFFFFFB0]  }
0x127: {  	v2 =	vld [tilespmem:s19+$0xFFFFFF50];
	_ =	sdelay $0x4  }
0x128: {  	v1 =	vmul.f32 v2, v1;
	_ =	sdelay $0x1  }
0x129: {  	[tilespmem:s17+$0xFFFFFFB0] =	vst v1  }
0x12a: {  	v1 =	vld [tilespmem:s16+$0xFFFFFFC0]  }
0x12b: {  	v2 =	vld [tilespmem:s19+$0xFFFFFF80];
	_ =	sdelay $0x4  }
0x12c: {  	v1 =	vmul.f32 v2, v1;
	_ =	sdelay $0x1  }
0x12d: {  	[tilespmem:s17+$0xFFFFFFC0] =	vst v1  }
0x12e: {  	v1 =	vld [tilespmem:s16+$0xFFFFFFD0]  }
0x12f: {  	v2 =	vld [tilespmem:s19+$0xFFFFFF90];
	_ =	sdelay $0x4  }
0x130: {  	v1 =	vmul.f32 v2, v1;
	_ =	sdelay $0x1  }
0x131: {  	[tilespmem:s17+$0xFFFFFFD0] =	vst v1  }
0x132: {  	v1 =	vld [tilespmem:s16+$0xFFFFFFE0]  }
0x133: {  	v2 =	vld [tilespmem:s19+$0xFFFFFFC0];
	_ =	sdelay $0x4  }
0x134: {  	v1 =	vmul.f32 v2, v1;
	_ =	sdelay $0x1  }
0x135: {  	[tilespmem:s17+$0xFFFFFFE0] =	vst v1  }
0x136: {  	v1 =	vld [tilespmem:s16+$0xFFFFFFF0]  }
0x137: {  	v2 =	vld [tilespmem:s19+$0xFFFFFFD0];
	_ =	sdelay $0x4  }
0x138: {  	v1 =	vmul.f32 v2, v1;
	_ =	sdelay $0x1  }
0x139: {  	[tilespmem:s17+$0xFFFFFFF0] =	vst v1  }
0x13a: {  	v1 =	vld [tilespmem:s16+$0x0]  }
0x13b: {  	v2 =	vld [tilespmem:s19+$0x0];
	_ =	sdelay $0x4  }
0x13c: {  	v1 =	vmul.f32 v2, v1;
	_ =	sdelay $0x1  }
0x13d: {  	[tilespmem:s17+$0x0] =	vst v1  }
0x13e: {  	v1 =	vld [tilespmem:s16+$0x10]  }
0x13f: {  	v2 =	vld [tilespmem:s19+$0x10];
	_ =	sdelay $0x4  }
0x140: {  	v1 =	vmul.f32 v2, v1;
	_ =	sdelay $0x1  }
0x141: {  	[tilespmem:s17+$0x10] =	vst v1  }
0x142: {  	v1 =	vld [tilespmem:s16+$0x20]  }
0x143: {  	v2 =	vld [tilespmem:s19+$0x40];
	_ =	sdelay $0x4  }
0x144: {  	v1 =	vmul.f32 v2, v1;
	_ =	sdelay $0x1  }
0x145: {  	[tilespmem:s17+$0x20] =	vst v1  }
0x146: {  	v1 =	vld [tilespmem:s16+$0x30]  }
0x147: {  	v2 =	vld [tilespmem:s19+$0x50];
	_ =	sdelay $0x4  }
0x148: {  	v1 =	vmul.f32 v2, v1;
	_ =	sdelay $0x1  }
0x149: {  	[tilespmem:s17+$0x30] =	vst v1  }
0x14a: {  	v1 =	vld [tilespmem:s16+$0x40]  }
0x14b: {  	v2 =	vld [tilespmem:s19+$0x80];
	_ =	sdelay $0x4  }
0x14c: {  	v1 =	vmul.f32 v2, v1;
	_ =	sdelay $0x1  }
0x14d: {  	[tilespmem:s17+$0x40] =	vst v1  }
0x14e: {  	v1 =	vld [tilespmem:s16+$0x50]  }
0x14f: {  	v2 =	vld [tilespmem:s19+$0x90];
	_ =	sdelay $0x4  }
0x150: {  	v1 =	vmul.f32 v2, v1;
	_ =	sdelay $0x1  }
0x151: {  	[tilespmem:s17+$0x50] =	vst v1  }
0x152: {  	s10 =	sadd.s32 $0x200, s19;
	s20 =	simm.s32 $0x4880;
	v1 =	vld [tilespmem:s16+$0x60]  }
0x153: {  	s18 =	simm.s32 $0x3880;
	s22 =	smov.u32 s19;
	s4 =	simm.s32 $0x0;
	v2 =	vld [tilespmem:s19+$0xC0]  }
.LBB2_13:
0x154: {  	s4 =	sadd.s32 $0x4, s4;
	s16 =	sadd.s32 $0x100, s16;
	s17 =	sadd.s32 $0x100, s17  }
0x155: {  	p1 =	slt.u32 s4, $0x1C;
	_ =	sdelay $0x2  }
0x156: {  	v1 =	vmul.f32 v2, v1;
	_ =	sdelay $0x1  }
0x157: {  	[tilespmem:s20+$0x60] =	vst v1  }
0x158: {  	v1 =	vld [tilespmem:s18+$0x70];
	s18 =	smov.u32 s16  }
0x159: {  	v2 =	vld [tilespmem:s22+$0xD0];
	s22 =	smov.u32 s10;
	_ =	sdelay $0x4  }
0x15a: {  	v1 =	vmul.f32 v2, v1;
	_ =	sdelay $0x1  }
0x15b: {  	[tilespmem:s20+$0x70] =	vst v1;
	s20 =	smov.u32 s17  }
0x15c: {  	v1 =	vld [tilespmem:s16+$0xFFFFFF80]  }
0x15d: {  	v2 =	vld [tilespmem:s10+$0xFFFFFF00];
	_ =	sdelay $0x4  }
0x15e: {  	v1 =	vmul.f32 v2, v1;
	_ =	sdelay $0x1  }
0x15f: {  	[tilespmem:s17+$0xFFFFFF80] =	vst v1  }
0x160: {  	v1 =	vld [tilespmem:s10+$0xFFFFFF10]  }
0x161: {  	v2 =	vld [tilespmem:s16+$0xFFFFFF90];
	_ =	sdelay $0x4  }
0x162: {  	v1 =	vmul.f32 v1, v2;
	_ =	sdelay $0x1  }
0x163: {  	[tilespmem:s17+$0xFFFFFF90] =	vst v1  }
0x164: {  	v1 =	vld [tilespmem:s16+$0xFFFFFFA0]  }
0x165: {  	v2 =	vld [tilespmem:s10+$0xFFFFFF40];
	_ =	sdelay $0x4  }
0x166: {  	v1 =	vmul.f32 v2, v1;
	_ =	sdelay $0x1  }
0x167: {  	[tilespmem:s17+$0xFFFFFFA0] =	vst v1  }
0x168: {  	v1 =	vld [tilespmem:s16+$0xFFFFFFB0]  }
0x169: {  	v2 =	vld [tilespmem:s10+$0xFFFFFF50];
	_ =	sdelay $0x4  }
0x16a: {  	v1 =	vmul.f32 v2, v1;
	_ =	sdelay $0x1  }
0x16b: {  	[tilespmem:s17+$0xFFFFFFB0] =	vst v1  }
0x16c: {  	v1 =	vld [tilespmem:s16+$0xFFFFFFC0]  }
0x16d: {  	v2 =	vld [tilespmem:s10+$0xFFFFFF80];
	_ =	sdelay $0x4  }
0x16e: {  	v1 =	vmul.f32 v2, v1;
	_ =	sdelay $0x1  }
0x16f: {  	[tilespmem:s17+$0xFFFFFFC0] =	vst v1  }
0x170: {  	v1 =	vld [tilespmem:s16+$0xFFFFFFD0]  }
0x171: {  	v2 =	vld [tilespmem:s10+$0xFFFFFF90];
	_ =	sdelay $0x4  }
0x172: {  	v1 =	vmul.f32 v2, v1;
	_ =	sdelay $0x1  }
0x173: {  	[tilespmem:s17+$0xFFFFFFD0] =	vst v1  }
0x174: {  	v1 =	vld [tilespmem:s16+$0xFFFFFFE0]  }
0x175: {  	v2 =	vld [tilespmem:s10+$0xFFFFFFC0];
	_ =	sdelay $0x4  }
0x176: {  	v1 =	vmul.f32 v2, v1;
	_ =	sdelay $0x1  }
0x177: {  	[tilespmem:s17+$0xFFFFFFE0] =	vst v1  }
0x178: {  	v1 =	vld [tilespmem:s16+$0xFFFFFFF0]  }
0x179: {  	v2 =	vld [tilespmem:s10+$0xFFFFFFD0];
	_ =	sdelay $0x4  }
0x17a: {  	v1 =	vmul.f32 v2, v1;
	_ =	sdelay $0x1  }
0x17b: {  	[tilespmem:s17+$0xFFFFFFF0] =	vst v1  }
0x17c: {  	v1 =	vld [tilespmem:s16+$0x0]  }
0x17d: {  	v2 =	vld [tilespmem:s10+$0x0];
	_ =	sdelay $0x4  }
0x17e: {  	v1 =	vmul.f32 v2, v1;
	_ =	sdelay $0x1  }
0x17f: {  	[tilespmem:s17+$0x0] =	vst v1  }
0x180: {  	v1 =	vld [tilespmem:s16+$0x10]  }
0x181: {  	v2 =	vld [tilespmem:s10+$0x10];
	_ =	sdelay $0x4  }
0x182: {  	v1 =	vmul.f32 v2, v1;
	_ =	sdelay $0x1  }
0x183: {  	[tilespmem:s17+$0x10] =	vst v1  }
0x184: {  	v1 =	vld [tilespmem:s16+$0x20]  }
0x185: {  	v2 =	vld [tilespmem:s10+$0x40];
	_ =	sdelay $0x4  }
0x186: {  	v1 =	vmul.f32 v2, v1;
	_ =	sdelay $0x1  }
0x187: {  	[tilespmem:s17+$0x20] =	vst v1  }
0x188: {  	v1 =	vld [tilespmem:s16+$0x30]  }
0x189: {  	v2 =	vld [tilespmem:s10+$0x50];
	_ =	sdelay $0x4  }
0x18a: {  	v1 =	vmul.f32 v2, v1;
	_ =	sdelay $0x1  }
0x18b: {  	[tilespmem:s17+$0x30] =	vst v1  }
0x18c: {  	v1 =	vld [tilespmem:s16+$0x40]  }
0x18d: {  	v2 =	vld [tilespmem:s10+$0x80];
	_ =	sdelay $0x4  }
0x18e: {  	v1 =	vmul.f32 v2, v1;
	_ =	sdelay $0x1  }
0x18f: {  	[tilespmem:s17+$0x40] =	vst v1  }
0x190: {  	v1 =	vld [tilespmem:s16+$0x50]  }
0x191: {  	v2 =	vld [tilespmem:s10+$0x90];
	_ =	sdelay $0x4  }
.Ltmp7:
0x192: {  	v1 =	vmul.f32 v2, v1;
	(pc) =	sbr.rel @p1 .LBB2_13-.Ltmp7, $4  }
0x193: {  	_ = 	snop  }
0x194: {  	[tilespmem:s17+$0x50] =	vst v1  }
0x195: {  	v1 =	vld [tilespmem:s16+$0x60]  }
0x196: {  	s10 =	sadd.s32 $0x200, s10;
	v2 =	vld [tilespmem:s22+$0xC0]  }
0x197: {  	_ =	sdelay $0x3  }
0x198: {  	v1 =	vmul.f32 v2, v1;
	_ =	sdelay $0x1  }
0x199: {  	[tilespmem:s20+$0x60] =	vst v1  }
0x19a: {  	v1 =	vld [tilespmem:s18+$0x70]  }
0x19b: {  	v2 =	vld [tilespmem:s22+$0xD0];
	_ =	sdelay $0x3  }
.Ltmp8:
0x19c: {  	_ = 	snop;
	(pc) =	sbr.rel @p2 .LBB2_16-.Ltmp8, $3  }
0x19d: {  	v1 =	vmul.f32 v2, v1;
	_ =	sdelay $0x1  }
0x19e: {  	s4 =	sadd.s32 $0x40, s15;
	[tilespmem:s20+$0x70] =	vst v1  }
0x19f: {  	[spmem:s1] =	stream.indirect.scatter.add.f32 [tilespmem:s0], [sflag:$0x4], $0x20, s4, s24, $0xb8;
	[tilespmem:$0x1D700] =	vst v63  }
0x1a0: {  	s4 =	sadd.s32 $0x3, s14  }
.Ltmp9:
0x1a1: {  	s10 =	sshll.u32 s4, $0x9;
	(pc) =	sbr.rel .LBB2_4-.Ltmp9, $4  }
0x1a2: {  	s4 =	sshll.u32 s4, $0x6;
	s10 =	sadd.s32 s10, s13  }
0x1a3: {  	[tilespmem:s26], [sflag:$0x2] =	stream.linear.gather [hbm4b:s10+s2], $0x1000, $0x38;
	[tilespmem:$0x1D700] =	vst v63  }
0x1a4: {  	s11 =	sadd.s32 $0x1, s11;
	s12 =	sadd.s32 $0x80, s12;
	s4 =	sand.u32 $0x7C0, s4  }
0x1a5: {  	[tilespmem:s28], [sflag:$0x2] =	stream.indirect.gather [hbm4b:s6+s24], $0x20, s4, s24, $0xb8;
	[tilespmem:$0x1D700] =	vst v63  }
.LBB2_17:
0x1a6: {  	_ =	sfence.sel $0x180000  }
0x1a7: {  	[bflag:$0x0] =	sbarrier.arrive $0xFFFF  }
0x1a8: {  	_ =	strace $0x90000050  }
0x1a9: {  	s0 =	stileid.u32;
	[bflag:$0x2] =	sbarrier.arrive $0xFFFF  }
0x1aa: {  	p0 =	sne.s32 s0, $0x0;
	s0 =	rddreg [dreg:$0x2]  }
0x1ab: {  	s0 =	sadd.s32 @!p0 $0x100000, s0  }
0x1ac: {  	[sflag:s0] =	ssyncadd.tile.s32 @!p0 $0x1;
	_ =	shalt  }
.Lfunc_end2:
_tile_overlayer_lowered:
.L_overlay_start_2:
0x1ad: {  	(tag) =	ssettag $0x2  }
0x1ae: {  	s0 =	rddreg [dreg:$0x0];
	s2 =	stileid.u32  }
0x1af: {  	s1 =	rddreg [dreg:$0x1];
	p0 =	sne.s32 s2, $0x0  }
0x1b0: {  	s3 =	rddreg [dreg:$0x2];
	[bflag:$0x3] =	sbarrier.arrive $0xFFFF;
	s2 =	simm.s32 @!p0 $0x1C05  }
0x1b1: {  	[timem:s3], [sflag:s2] =	dma.local @!p0 [hbm:s0], s1  }
0x1b2: {  	s0 =	simm.s32 @!p0 $0x5  }
0x1b3: {  	_ =	swait.ge @!p0 [sflag:s0], s1  }
0x1b4: {  	s1 =	ssub.s32 @!p0 $0x0, s1;
	[sflag:s0] =	ssyncset.done @!p0 $0x0  }
0x1b5: {  	[sflag:s0] =	ssyncadd.s32 @!p0 s1  }
0x1b6: {  	[bflag:$0x3] =	sbarrier.arrive $0xFFFF  }
0x1b7: {  	_ =	shalt  }

</sc_bundles>
